<compile_context>
chip_gen: v7x
topology: tpu7x:2x2x1
jax: 0.10.2.dev20260603
libtpu: 0.0.44.dev20260713+nightly
codegen_flags: <defaults>
</compile_context>

<pallas_src>
import functools

import jax
import jax.numpy as jnp
from jax import lax
from jax.experimental import pallas as pl
from jax.experimental.pallas import tpu as pltpu
from jax.experimental.pallas import tpu_sc as plsc

N = 10000
E = 320000
F = 128
NP = 10240
NC = 2
NS = 16
NW = NC * NS
C = 128
BCH = 8
NB = 10
CH = NB * BCH
E_PAD = NW * CH * C
RPT = NP // NS
ZR = 64

_mesh = plsc.VectorSubcoreMesh(core_axis_name="c", subcore_axis_name="s")


@functools.partial(
    pl.kernel,
    out_type=jax.ShapeDtypeStruct((NC, NP), jnp.float32),
    mesh=_mesh,
    scratch_types=[
        pltpu.VMEM((CH, C), jnp.int32),
        pltpu.VMEM((C,), jnp.float32),
        pltpu.VMEM((RPT,), jnp.float32),
        pltpu.VMEM_SHARED((NP,), jnp.float32),
        pltpu.SemaphoreType.DMA,
    ],
)
def _deg_kernel(colp_hbm, out_hbm, idx_v, ones_v, zer_v, deg_sh, semd):
    cid = lax.axis_index("c")
    sid = lax.axis_index("s")
    wid = sid * NC + cid

    for k in range(C // 16):
        ones_v[pl.ds(16 * k, 16)] = jnp.ones((16,), jnp.float32)

    def _zfill(i, carry):
        zer_v[pl.ds(i * 16, 16)] = jnp.zeros((16,), jnp.float32)
        return carry

    lax.fori_loop(0, RPT // 16, _zfill, 0)
    pltpu.sync_copy(zer_v, deg_sh.at[pl.ds(sid * RPT, RPT)])
    pltpu.sync_copy(colp_hbm.at[wid], idx_v)
    plsc.subcore_barrier()

    def _acc(r, carry):
        for t in range(8):
            pltpu.async_copy(ones_v, deg_sh.at[idx_v.at[r * 8 + t]], semd,
                             add=True)
        for t in range(8):
            pltpu.make_async_copy(
                ones_v, deg_sh.at[idx_v.at[r * 8 + t]], semd).wait()
        return carry

    lax.fori_loop(0, CH // 8, _acc, 0)
    plsc.subcore_barrier()
    pltpu.sync_copy(
        deg_sh.at[pl.ds(sid * RPT, RPT)],
        out_hbm.at[cid, pl.ds(sid * RPT, RPT)],
    )


@functools.partial(
    pl.kernel,
    out_type=jax.ShapeDtypeStruct((NC, NP, F), jnp.float32),
    mesh=_mesh,
    scratch_types=[
        pltpu.VMEM((2, BCH, C), jnp.int32),
        pltpu.VMEM((CH, C), jnp.int32),
        pltpu.VMEM((2, C, F), jnp.float32),
        pltpu.VMEM((16, F), jnp.float32),
        pltpu.VMEM_SHARED((NP, F), jnp.float32),
        pltpu.SemaphoreType.DMA,
        pltpu.SemaphoreType.DMA,
        pltpu.SemaphoreType.DMA,
        pltpu.SemaphoreType.DMA,
    ],
)
def _edge_kernel(rowp_hbm, colp_hbm, h2_hbm, out_hbm,
                 ring_v, cidx_v, gbuf, zbuf, acc_sh, semg0, semg1, semi, semz):
    cid = lax.axis_index("c")
    sid = lax.axis_index("s")
    wid = sid * NC + cid
    semg = (semg0, semg1)

    pltpu.sync_copy(colp_hbm.at[wid], cidx_v)
    pltpu.sync_copy(rowp_hbm.at[wid, 0], ring_v.at[0])
    pltpu.async_copy(rowp_hbm.at[wid, 1], ring_v.at[1], semi)
    pltpu.async_copy(h2_hbm.at[ring_v.at[0, 0]], gbuf.at[0], semg0)
    pltpu.async_copy(h2_hbm.at[ring_v.at[0, 1]], gbuf.at[1], semg1)

    for i in range(16):
        for k in range(F // 16):
            zbuf[i, pl.ds(16 * k, 16)] = jnp.zeros((16,), jnp.float32)

    def _zacc(r, carry):
        for t in range(8):
            pltpu.async_copy(
                zbuf, acc_sh.at[pl.ds(sid * RPT + (r * 8 + t) * 16, 16)], semz)
        for t in range(8):
            pltpu.make_async_copy(
                zbuf, acc_sh.at[pl.ds(sid * RPT + (r * 8 + t) * 16, 16)],
                semz).wait()
        return carry

    lax.fori_loop(0, RPT // 128, _zacc, 0)
    plsc.subcore_barrier()

    def _body(bi, carry):
        for k in range(BCH):
            j = bi * BCH + k
            b = k % 2
            slot_j = bi % 2
            slot_j2 = (bi + (k + 2) // BCH) % 2
            pltpu.make_async_copy(
                h2_hbm.at[ring_v.at[slot_j, k]], gbuf.at[b], semg[b]
            ).wait()
            pltpu.sync_copy(gbuf.at[b], acc_sh.at[cidx_v.at[j]], add=True)

            if k == BCH - 2:
                @pl.when(bi < NB - 1)
                def _():
                    pltpu.make_async_copy(
                        rowp_hbm.at[wid, bi + 1], ring_v.at[(bi + 1) % 2], semi
                    ).wait()

            @pl.when(j + 2 < CH)
            def _():
                pltpu.async_copy(
                    h2_hbm.at[ring_v.at[slot_j2, (k + 2) % BCH]],
                    gbuf.at[b], semg[b],
                )

            if k == BCH - 1:
                @pl.when(bi < NB - 2)
                def _():
                    pltpu.async_copy(
                        rowp_hbm.at[wid, bi + 2], ring_v.at[bi % 2], semi
                    )
        return carry

    lax.fori_loop(0, NB, _body, 0)
    plsc.subcore_barrier()
    pltpu.sync_copy(
        acc_sh.at[pl.ds(sid * RPT, RPT)],
        out_hbm.at[cid, pl.ds(sid * RPT, RPT)],
    )


BM = 1000
BO = 1000


def _h2_body(x_ref, w_ref, dpt_ref, o_ref):
    dp = dpt_ref[...]
    dinv = lax.rsqrt(dp[:, 0:1] + dp[:, 1:2] + 1.0)
    h = jnp.dot(x_ref[...], w_ref[...], preferred_element_type=jnp.float32)
    o_ref[...] = h * dinv


_h2_matmul = pl.pallas_call(
    _h2_body,
    grid=(N // BM,),
    in_specs=[
        pl.BlockSpec((BM, F), lambda i: (i, 0)),
        pl.BlockSpec((F, F), lambda i: (0, 0)),
        pl.BlockSpec((BM, NC), lambda i: (i, 0)),
    ],
    out_specs=pl.BlockSpec((BM, F), lambda i: (i, 0)),
    out_shape=jax.ShapeDtypeStruct((N, F), jnp.float32),
)


def _comb_body(p_ref, h2_ref, dpt_ref, b_ref, o_ref):
    dp = dpt_ref[...]
    dinv = lax.rsqrt(dp[:, 0:1] + dp[:, 1:2] + 1.0)
    o_ref[...] = dinv * (p_ref[0] + p_ref[1] + h2_ref[...]) + b_ref[...]


_combine = pl.pallas_call(
    _comb_body,
    grid=(N // BO,),
    in_specs=[
        pl.BlockSpec((NC, BO, F), lambda i: (0, i, 0)),
        pl.BlockSpec((BO, F), lambda i: (i, 0)),
        pl.BlockSpec((BO, NC), lambda i: (i, 0)),
        pl.BlockSpec((1, F), lambda i: (0, 0)),
    ],
    out_specs=pl.BlockSpec((BO, F), lambda i: (i, 0)),
    out_shape=jax.ShapeDtypeStruct((N, F), jnp.float32),
)


@jax.jit
def kernel(x, edge_index, W, b):
    row = edge_index[0].astype(jnp.int32)
    col = edge_index[1].astype(jnp.int32)
    npad = E_PAD - E
    padg = jnp.arange(npad, dtype=jnp.int32) % (NP - N)
    pads = N + padg
    rowp = jnp.concatenate([row, padg]).reshape(NW, NB, BCH, C)
    colp = jnp.concatenate([col, pads]).reshape(NW, CH, C)

    degp = _deg_kernel(colp)
    degp_t = degp.T[:N]
    h2 = _h2_matmul(x, W, degp_t)
    parts = _edge_kernel(rowp, colp, h2)
    return _combine(parts, h2, degp_t, b.reshape(1, F))

# --- scband reference (transcript-rebuilt; emitter-appended) ---
"""Pipeline reference for scband-gcnconv-with-dropout-57097295233738 (READ-ONLY COPY).

The authoritative reference and input builder live on the scoring server;
editing this copy changes nothing except your own understanding.
"""

import jax, jax.numpy as jnp
import numpy as np

N_NODES = 10000
N_EDGES = 320000
IN_FEATS = 128
OUT_FEATS = 128


def setup_inputs(seed: int = 0) -> dict:
    key = jax.random.key(seed)
    k1, k2, k3, k4 = jax.random.split(key, 4)
    x = jax.random.normal(k1, (N_NODES, IN_FEATS), dtype=jnp.float32)
    edge_index = jax.random.randint(k2, (2, N_EDGES), 0, N_NODES, dtype=jnp.int64)
    # GCNConv weight (glorot init) and bias, sized per init_kwargs
    W = jax.random.normal(k3, (IN_FEATS, OUT_FEATS), dtype=jnp.float32) * (1.0 / np.sqrt(IN_FEATS))
    b = jnp.zeros((OUT_FEATS,), dtype=jnp.float32)
    return {"x": x, "edge_index": edge_index, "W": W, "b": b}


def reference(x, edge_index, W, b):
    # Dropout is identity in eval mode (deterministic reference).
    N = x.shape[0]
    # GCNConv with normalize=True: add self-loops, symmetric normalization
    loop = jnp.arange(N, dtype=edge_index.dtype)
    row = jnp.concatenate([edge_index[0], loop])  # source
    col = jnp.concatenate([edge_index[1], loop])  # target
    ones = jnp.ones(row.shape[0], dtype=jnp.float32)
    deg = jnp.zeros((N,), dtype=jnp.float32).at[col].add(ones)
    deg_inv_sqrt = jnp.where(deg > 0, jax.lax.rsqrt(deg), 0.0)
    norm = deg_inv_sqrt[row] * deg_inv_sqrt[col]
    # linear transform, then gather source features, scale, scatter-add at targets
    h = x @ W
    msg = h[row] * norm[:, None]
    out = jnp.zeros((N, W.shape[1]), dtype=jnp.float32).at[col].add(msg)
    out = out + b
    return out

if __name__ == "__main__":
    import jax
    _d = setup_inputs()
    print(jax.jit(kernel)(*tuple(_d.values())))

</pallas_src>

<mosaic_0001>
#map = affine_map<(d0, d1) -> (0, 0, 0)>
#map1 = affine_map<(d0, d1) -> (0, 0)>
module attributes {stable_mosaic.version = 14 : i64} {
  func.func @_deg_kernel(%arg0: i32, %arg1: i32, %arg2: memref<32x80x128xi32, #tpu.memory_space<hbm>>, %arg3: memref<2x10240xf32, #tpu.memory_space<hbm>>, %arg4: memref<80x128xi32, #tpu.memory_space<vmem>>, %arg5: memref<128xf32, #tpu.memory_space<vmem>>, %arg6: memref<640xf32, #tpu.memory_space<vmem>>, %arg7: memref<10240xf32, #tpu.memory_space<vmem_shared>>, %arg8: memref<!tpu.dma_semaphore, #tpu.memory_space<semaphore_mem>>) attributes {dimension_semantics = [#tpu.dimension_semantics<core_parallel>, #tpu.dimension_semantics<subcore_parallel>], iteration_bounds = array<i64: 2, 16>, scalar_prefetch = 0 : i64, scratch_operands = 5 : i64, tpu.core_type = #tpu.core_type<sc_vector_subcore>, window_params = [{transform_indices = #map}, {transform_indices = #map1}]} {
    %mul3A = arith.constant 2 : i32
    %mul3A_0 = arith.muli %arg1, %mul3A : i32
    %add3A = arith.addi %mul3A_0, %arg0 : i32
    %broadcast_in_dim3A = arith.constant 1.000000e+00 : f32
    %broadcast_in_dim3A_1 = vector.broadcast %broadcast_in_dim3A : f32 to vector<16xf32>
    %swap3A = arith.constant 0 : index
    %swap3A_2 = tpu.vector_load %arg5[%swap3A] {strides = array<i32>} : memref<128xf32, #tpu.memory_space<vmem>>, vector<16xf32>,
    %swap3A_3 = vector.shape_cast %swap3A_2 : vector<16xf32> to vector<16xf32>
    %swap3A_4 = vector.shape_cast %broadcast_in_dim3A_1 : vector<16xf32> to vector<16xf32>
    tpu.vector_store %arg5[%swap3A], %swap3A_4 {strides = array<i32>} : memref<128xf32, #tpu.memory_space<vmem>>, vector<16xf32>,
    %broadcast_in_dim3A_5 = arith.constant 1.000000e+00 : f32
    %broadcast_in_dim3A_6 = vector.broadcast %broadcast_in_dim3A_5 : f32 to vector<16xf32>
    %swap3A_7 = arith.constant 16 : index
    %swap3A_8 = tpu.vector_load %arg5[%swap3A_7] {strides = array<i32>} : memref<128xf32, #tpu.memory_space<vmem>>, vector<16xf32>,
    %swap3A_9 = vector.shape_cast %swap3A_8 : vector<16xf32> to vector<16xf32>
    %swap3A_10 = vector.shape_cast %broadcast_in_dim3A_6 : vector<16xf32> to vector<16xf32>
    tpu.vector_store %arg5[%swap3A_7], %swap3A_10 {strides = array<i32>} : memref<128xf32, #tpu.memory_space<vmem>>, vector<16xf32>,
    %broadcast_in_dim3A_11 = arith.constant 1.000000e+00 : f32
    %broadcast_in_dim3A_12 = vector.broadcast %broadcast_in_dim3A_11 : f32 to vector<16xf32>
    %swap3A_13 = arith.constant 32 : index
    %swap3A_14 = tpu.vector_load %arg5[%swap3A_13] {strides = array<i32>} : memref<128xf32, #tpu.memory_space<vmem>>, vector<16xf32>,
    %swap3A_15 = vector.shape_cast %swap3A_14 : vector<16xf32> to vector<16xf32>
    %swap3A_16 = vector.shape_cast %broadcast_in_dim3A_12 : vector<16xf32> to vector<16xf32>
    tpu.vector_store %arg5[%swap3A_13], %swap3A_16 {strides = array<i32>} : memref<128xf32, #tpu.memory_space<vmem>>, vector<16xf32>,
    %broadcast_in_dim3A_17 = arith.constant 1.000000e+00 : f32
    %broadcast_in_dim3A_18 = vector.broadcast %broadcast_in_dim3A_17 : f32 to vector<16xf32>
    %swap3A_19 = arith.constant 48 : index
    %swap3A_20 = tpu.vector_load %arg5[%swap3A_19] {strides = array<i32>} : memref<128xf32, #tpu.memory_space<vmem>>, vector<16xf32>,
    %swap3A_21 = vector.shape_cast %swap3A_20 : vector<16xf32> to vector<16xf32>
    %swap3A_22 = vector.shape_cast %broadcast_in_dim3A_18 : vector<16xf32> to vector<16xf32>
    tpu.vector_store %arg5[%swap3A_19], %swap3A_22 {strides = array<i32>} : memref<128xf32, #tpu.memory_space<vmem>>, vector<16xf32>,
    %broadcast_in_dim3A_23 = arith.constant 1.000000e+00 : f32
    %broadcast_in_dim3A_24 = vector.broadcast %broadcast_in_dim3A_23 : f32 to vector<16xf32>
    %swap3A_25 = arith.constant 64 : index
    %swap3A_26 = tpu.vector_load %arg5[%swap3A_25] {strides = array<i32>} : memref<128xf32, #tpu.memory_space<vmem>>, vector<16xf32>,
    %swap3A_27 = vector.shape_cast %swap3A_26 : vector<16xf32> to vector<16xf32>
    %swap3A_28 = vector.shape_cast %broadcast_in_dim3A_24 : vector<16xf32> to vector<16xf32>
    tpu.vector_store %arg5[%swap3A_25], %swap3A_28 {strides = array<i32>} : memref<128xf32, #tpu.memory_space<vmem>>, vector<16xf32>,
    %broadcast_in_dim3A_29 = arith.constant 1.000000e+00 : f32
    %broadcast_in_dim3A_30 = vector.broadcast %broadcast_in_dim3A_29 : f32 to vector<16xf32>
    %swap3A_31 = arith.constant 80 : index
    %swap3A_32 = tpu.vector_load %arg5[%swap3A_31] {strides = array<i32>} : memref<128xf32, #tpu.memory_space<vmem>>, vector<16xf32>,
    %swap3A_33 = vector.shape_cast %swap3A_32 : vector<16xf32> to vector<16xf32>
    %swap3A_34 = vector.shape_cast %broadcast_in_dim3A_30 : vector<16xf32> to vector<16xf32>
    tpu.vector_store %arg5[%swap3A_31], %swap3A_34 {strides = array<i32>} : memref<128xf32, #tpu.memory_space<vmem>>, vector<16xf32>,
    %broadcast_in_dim3A_35 = arith.constant 1.000000e+00 : f32
    %broadcast_in_dim3A_36 = vector.broadcast %broadcast_in_dim3A_35 : f32 to vector<16xf32>
    %swap3A_37 = arith.constant 96 : index
    %swap3A_38 = tpu.vector_load %arg5[%swap3A_37] {strides = array<i32>} : memref<128xf32, #tpu.memory_space<vmem>>, vector<16xf32>,
    %swap3A_39 = vector.shape_cast %swap3A_38 : vector<16xf32> to vector<16xf32>
    %swap3A_40 = vector.shape_cast %broadcast_in_dim3A_36 : vector<16xf32> to vector<16xf32>
    tpu.vector_store %arg5[%swap3A_37], %swap3A_40 {strides = array<i32>} : memref<128xf32, #tpu.memory_space<vmem>>, vector<16xf32>,
    %broadcast_in_dim3A_41 = arith.constant 1.000000e+00 : f32
    %broadcast_in_dim3A_42 = vector.broadcast %broadcast_in_dim3A_41 : f32 to vector<16xf32>
    %swap3A_43 = arith.constant 112 : index
    %swap3A_44 = tpu.vector_load %arg5[%swap3A_43] {strides = array<i32>} : memref<128xf32, #tpu.memory_space<vmem>>, vector<16xf32>,
    %swap3A_45 = vector.shape_cast %swap3A_44 : vector<16xf32> to vector<16xf32>
    %swap3A_46 = vector.shape_cast %broadcast_in_dim3A_42 : vector<16xf32> to vector<16xf32>
    tpu.vector_store %arg5[%swap3A_43], %swap3A_46 {strides = array<i32>} : memref<128xf32, #tpu.memory_space<vmem>>, vector<16xf32>,
    %scan3A = arith.constant 0 : i32
    %scan3A_47 = arith.constant 0 : i32
    %scan3A_48 = arith.constant 40 : i32
    %scan3A_49 = arith.addi %scan3A_47, %scan3A_48 : i32
    %scan3A_50 = arith.constant 1 : i32
    scf.for %scan3A_65 = %scan3A_47 to %scan3A_49 step %scan3A_50  : i32 {
      %broadcast_in_dim3A_66 = arith.constant 0.000000e+00 : f32
      %broadcast_in_dim3A_67 = vector.broadcast %broadcast_in_dim3A_66 : f32 to vector<16xf32>
      %mul3A_68 = arith.constant 16 : i32
      %mul3A_69 = arith.muli %scan3A_65, %mul3A_68 : i32
      %swap3A_70 = arith.index_cast %mul3A_69 : i32 to index
      %swap3A_71 = tpu.vector_load %arg6[%swap3A_70] {strides = array<i32>} : memref<640xf32, #tpu.memory_space<vmem>>, vector<16xf32>,
      %swap3A_72 = vector.shape_cast %swap3A_71 : vector<16xf32> to vector<16xf32>
      %swap3A_73 = vector.shape_cast %broadcast_in_dim3A_67 : vector<16xf32> to vector<16xf32>
      tpu.vector_store %arg6[%swap3A_70], %swap3A_73 {strides = array<i32>} : memref<640xf32, #tpu.memory_space<vmem>>, vector<16xf32>,
    }
    %scan3A_51 = arith.constant 40 : i32
    %mul3A_52 = arith.constant 640 : i32
    %mul3A_53 = arith.muli %arg1, %mul3A_52 : i32
    "tpu.region"() ({
      %run_scoped3A = tpu.sem_alloc : memref<!tpu.dma_semaphore, #tpu.memory_space<semaphore_mem>>
      %dma_start3A = tpu.memref_slice %arg7[%mul3A_53] : memref<10240xf32, #tpu.memory_space<vmem_shared>> -> memref<640xf32, #tpu.memory_space<vmem_shared>>
      %dma_start3A_65 = tpu.memref_slice %arg7[%mul3A_53] : memref<10240xf32, #tpu.memory_space<vmem_shared>> -> memref<640xf32, #tpu.memory_space<vmem_shared>>
      tpu.enqueue_dma source(%arg6 : memref<640xf32, #tpu.memory_space<vmem>>) target(%dma_start3A_65 : memref<640xf32, #tpu.memory_space<vmem_shared>>) target_semaphore(%run_scoped3A : memref<!tpu.dma_semaphore, #tpu.memory_space<semaphore_mem>>)
      %dma_wait3A = tpu.memref_slice %arg7[%mul3A_53] : memref<10240xf32, #tpu.memory_space<vmem_shared>> -> memref<640xf32, #tpu.memory_space<vmem_shared>>
      %dma_wait3A_66 = tpu.memref_slice %arg7[%mul3A_53] : memref<10240xf32, #tpu.memory_space<vmem_shared>> -> memref<640xf32, #tpu.memory_space<vmem_shared>>
      tpu.wait_dma2 semaphore(%run_scoped3A : memref<!tpu.dma_semaphore, #tpu.memory_space<semaphore_mem>>) src(%arg6 : memref<640xf32, #tpu.memory_space<vmem>>) dst(%dma_wait3A_66 : memref<640xf32, #tpu.memory_space<vmem_shared>>)
      tpu.yield
    }) : () -> ()
    "tpu.region"() ({
      %run_scoped3A = tpu.sem_alloc : memref<!tpu.dma_semaphore, #tpu.memory_space<semaphore_mem>>
      %dma_start3A = arith.constant 0 : i32
      %dma_start3A_65 = arith.constant 0 : i32
      %dma_start3A_66 = tpu.memref_slice %arg2[%add3A, %dma_start3A, %dma_start3A_65] : memref<32x80x128xi32, #tpu.memory_space<hbm>> -> memref<1x80x128xi32, #tpu.memory_space<hbm>>
      %dma_start3A_67 = tpu.memref_squeeze %dma_start3A_66 : memref<1x80x128xi32, #tpu.memory_space<hbm>> -> memref<80x128xi32, #tpu.memory_space<hbm>>
      %dma_start3A_68 = arith.constant 0 : i32
      %dma_start3A_69 = arith.constant 0 : i32
      %dma_start3A_70 = tpu.memref_slice %arg2[%add3A, %dma_start3A_68, %dma_start3A_69] : memref<32x80x128xi32, #tpu.memory_space<hbm>> -> memref<1x80x128xi32, #tpu.memory_space<hbm>>
      %dma_start3A_71 = tpu.memref_squeeze %dma_start3A_70 : memref<1x80x128xi32, #tpu.memory_space<hbm>> -> memref<80x128xi32, #tpu.memory_space<hbm>>
      tpu.enqueue_dma source(%dma_start3A_71 : memref<80x128xi32, #tpu.memory_space<hbm>>) target(%arg4 : memref<80x128xi32, #tpu.memory_space<vmem>>) target_semaphore(%run_scoped3A : memref<!tpu.dma_semaphore, #tpu.memory_space<semaphore_mem>>)
      %dma_wait3A = arith.constant 0 : i32
      %dma_wait3A_72 = arith.constant 0 : i32
      %dma_wait3A_73 = tpu.memref_slice %arg2[%add3A, %dma_wait3A, %dma_wait3A_72] : memref<32x80x128xi32, #tpu.memory_space<hbm>> -> memref<1x80x128xi32, #tpu.memory_space<hbm>>
      %dma_wait3A_74 = tpu.memref_squeeze %dma_wait3A_73 : memref<1x80x128xi32, #tpu.memory_space<hbm>> -> memref<80x128xi32, #tpu.memory_space<hbm>>
      %dma_wait3A_75 = arith.constant 0 : i32
      %dma_wait3A_76 = arith.constant 0 : i32
      %dma_wait3A_77 = tpu.memref_slice %arg2[%add3A, %dma_wait3A_75, %dma_wait3A_76] : memref<32x80x128xi32, #tpu.memory_space<hbm>> -> memref<1x80x128xi32, #tpu.memory_space<hbm>>
      %dma_wait3A_78 = tpu.memref_squeeze %dma_wait3A_77 : memref<1x80x128xi32, #tpu.memory_space<hbm>> -> memref<80x128xi32, #tpu.memory_space<hbm>>
      tpu.wait_dma2 semaphore(%run_scoped3A : memref<!tpu.dma_semaphore, #tpu.memory_space<semaphore_mem>>) src(%dma_wait3A_78 : memref<80x128xi32, #tpu.memory_space<hbm>>) dst(%arg4 : memref<80x128xi32, #tpu.memory_space<vmem>>)
      tpu.yield
    }) : () -> ()
    %barrier3A = arith.constant 0 : index
    tpu.barrier barrier_id(%barrier3A)
    %scan3A_54 = arith.constant 0 : i32
    %scan3A_55 = arith.constant 0 : i32
    %scan3A_56 = arith.constant 10 : i32
    %scan3A_57 = arith.addi %scan3A_55, %scan3A_56 : i32
    %scan3A_58 = arith.constant 1 : i32
    scf.for %scan3A_65 = %scan3A_55 to %scan3A_57 step %scan3A_58  : i32 {
      %mul3A_66 = arith.constant 8 : i32
      %mul3A_67 = arith.muli %scan3A_65, %mul3A_66 : i32
      %add3A_68 = arith.constant 0 : i32
      %add3A_69 = arith.addi %mul3A_67, %add3A_68 : i32
      %dma_start3A = arith.constant 0 : i32
      %dma_start3A_70 = tpu.memref_slice %arg4[%add3A_69, %dma_start3A] : memref<80x128xi32, #tpu.memory_space<vmem>> -> memref<1x128xi32, #tpu.memory_space<vmem>>
      %dma_start3A_71 = tpu.memref_squeeze %dma_start3A_70 : memref<1x128xi32, #tpu.memory_space<vmem>> -> memref<128xi32, #tpu.memory_space<vmem>>
      %dma_start3A_72 = arith.constant 0 : i32
      %dma_start3A_73 = tpu.memref_slice %arg7[%dma_start3A_72] : memref<10240xf32, #tpu.memory_space<vmem_shared>> -> memref<10240xf32, #tpu.memory_space<vmem_shared>>
      tpu.enqueue_indirect_dma source(%arg5 : memref<128xf32, #tpu.memory_space<vmem>>) target(%dma_start3A_73 : memref<10240xf32, #tpu.memory_space<vmem_shared>>) offsets(%dma_start3A_71 : memref<128xi32, #tpu.memory_space<vmem>>) semaphore(%arg8 : memref<!tpu.dma_semaphore, #tpu.memory_space<semaphore_mem>>) {add = true}
      %mul3A_74 = arith.constant 8 : i32
      %mul3A_75 = arith.muli %scan3A_65, %mul3A_74 : i32
      %add3A_76 = arith.constant 1 : i32
      %add3A_77 = arith.addi %mul3A_75, %add3A_76 : i32
      %dma_start3A_78 = arith.constant 0 : i32
      %dma_start3A_79 = tpu.memref_slice %arg4[%add3A_77, %dma_start3A_78] : memref<80x128xi32, #tpu.memory_space<vmem>> -> memref<1x128xi32, #tpu.memory_space<vmem>>
      %dma_start3A_80 = tpu.memref_squeeze %dma_start3A_79 : memref<1x128xi32, #tpu.memory_space<vmem>> -> memref<128xi32, #tpu.memory_space<vmem>>
      %dma_start3A_81 = arith.constant 0 : i32
      %dma_start3A_82 = tpu.memref_slice %arg7[%dma_start3A_81] : memref<10240xf32, #tpu.memory_space<vmem_shared>> -> memref<10240xf32, #tpu.memory_space<vmem_shared>>
      tpu.enqueue_indirect_dma source(%arg5 : memref<128xf32, #tpu.memory_space<vmem>>) target(%dma_start3A_82 : memref<10240xf32, #tpu.memory_space<vmem_shared>>) offsets(%dma_start3A_80 : memref<128xi32, #tpu.memory_space<vmem>>) semaphore(%arg8 : memref<!tpu.dma_semaphore, #tpu.memory_space<semaphore_mem>>) {add = true}
      %mul3A_83 = arith.constant 8 : i32
      %mul3A_84 = arith.muli %scan3A_65, %mul3A_83 : i32
      %add3A_85 = arith.constant 2 : i32
      %add3A_86 = arith.addi %mul3A_84, %add3A_85 : i32
      %dma_start3A_87 = arith.constant 0 : i32
      %dma_start3A_88 = tpu.memref_slice %arg4[%add3A_86, %dma_start3A_87] : memref<80x128xi32, #tpu.memory_space<vmem>> -> memref<1x128xi32, #tpu.memory_space<vmem>>
      %dma_start3A_89 = tpu.memref_squeeze %dma_start3A_88 : memref<1x128xi32, #tpu.memory_space<vmem>> -> memref<128xi32, #tpu.memory_space<vmem>>
      %dma_start3A_90 = arith.constant 0 : i32
      %dma_start3A_91 = tpu.memref_slice %arg7[%dma_start3A_90] : memref<10240xf32, #tpu.memory_space<vmem_shared>> -> memref<10240xf32, #tpu.memory_space<vmem_shared>>
      tpu.enqueue_indirect_dma source(%arg5 : memref<128xf32, #tpu.memory_space<vmem>>) target(%dma_start3A_91 : memref<10240xf32, #tpu.memory_space<vmem_shared>>) offsets(%dma_start3A_89 : memref<128xi32, #tpu.memory_space<vmem>>) semaphore(%arg8 : memref<!tpu.dma_semaphore, #tpu.memory_space<semaphore_mem>>) {add = true}
      %mul3A_92 = arith.constant 8 : i32
      %mul3A_93 = arith.muli %scan3A_65, %mul3A_92 : i32
      %add3A_94 = arith.constant 3 : i32
      %add3A_95 = arith.addi %mul3A_93, %add3A_94 : i32
      %dma_start3A_96 = arith.constant 0 : i32
      %dma_start3A_97 = tpu.memref_slice %arg4[%add3A_95, %dma_start3A_96] : memref<80x128xi32, #tpu.memory_space<vmem>> -> memref<1x128xi32, #tpu.memory_space<vmem>>
      %dma_start3A_98 = tpu.memref_squeeze %dma_start3A_97 : memref<1x128xi32, #tpu.memory_space<vmem>> -> memref<128xi32, #tpu.memory_space<vmem>>
      %dma_start3A_99 = arith.constant 0 : i32
      %dma_start3A_100 = tpu.memref_slice %arg7[%dma_start3A_99] : memref<10240xf32, #tpu.memory_space<vmem_shared>> -> memref<10240xf32, #tpu.memory_space<vmem_shared>>
      tpu.enqueue_indirect_dma source(%arg5 : memref<128xf32, #tpu.memory_space<vmem>>) target(%dma_start3A_100 : memref<10240xf32, #tpu.memory_space<vmem_shared>>) offsets(%dma_start3A_98 : memref<128xi32, #tpu.memory_space<vmem>>) semaphore(%arg8 : memref<!tpu.dma_semaphore, #tpu.memory_space<semaphore_mem>>) {add = true}
      %mul3A_101 = arith.constant 8 : i32
      %mul3A_102 = arith.muli %scan3A_65, %mul3A_101 : i32
      %add3A_103 = arith.constant 4 : i32
      %add3A_104 = arith.addi %mul3A_102, %add3A_103 : i32
      %dma_start3A_105 = arith.constant 0 : i32
      %dma_start3A_106 = tpu.memref_slice %arg4[%add3A_104, %dma_start3A_105] : memref<80x128xi32, #tpu.memory_space<vmem>> -> memref<1x128xi32, #tpu.memory_space<vmem>>
      %dma_start3A_107 = tpu.memref_squeeze %dma_start3A_106 : memref<1x128xi32, #tpu.memory_space<vmem>> -> memref<128xi32, #tpu.memory_space<vmem>>
      %dma_start3A_108 = arith.constant 0 : i32
      %dma_start3A_109 = tpu.memref_slice %arg7[%dma_start3A_108] : memref<10240xf32, #tpu.memory_space<vmem_shared>> -> memref<10240xf32, #tpu.memory_space<vmem_shared>>
      tpu.enqueue_indirect_dma source(%arg5 : memref<128xf32, #tpu.memory_space<vmem>>) target(%dma_start3A_109 : memref<10240xf32, #tpu.memory_space<vmem_shared>>) offsets(%dma_start3A_107 : memref<128xi32, #tpu.memory_space<vmem>>) semaphore(%arg8 : memref<!tpu.dma_semaphore, #tpu.memory_space<semaphore_mem>>) {add = true}
      %mul3A_110 = arith.constant 8 : i32
      %mul3A_111 = arith.muli %scan3A_65, %mul3A_110 : i32
      %add3A_112 = arith.constant 5 : i32
      %add3A_113 = arith.addi %mul3A_111, %add3A_112 : i32
      %dma_start3A_114 = arith.constant 0 : i32
      %dma_start3A_115 = tpu.memref_slice %arg4[%add3A_113, %dma_start3A_114] : memref<80x128xi32, #tpu.memory_space<vmem>> -> memref<1x128xi32, #tpu.memory_space<vmem>>
      %dma_start3A_116 = tpu.memref_squeeze %dma_start3A_115 : memref<1x128xi32, #tpu.memory_space<vmem>> -> memref<128xi32, #tpu.memory_space<vmem>>
      %dma_start3A_117 = arith.constant 0 : i32
      %dma_start3A_118 = tpu.memref_slice %arg7[%dma_start3A_117] : memref<10240xf32, #tpu.memory_space<vmem_shared>> -> memref<10240xf32, #tpu.memory_space<vmem_shared>>
      tpu.enqueue_indirect_dma source(%arg5 : memref<128xf32, #tpu.memory_space<vmem>>) target(%dma_start3A_118 : memref<10240xf32, #tpu.memory_space<vmem_shared>>) offsets(%dma_start3A_116 : memref<128xi32, #tpu.memory_space<vmem>>) semaphore(%arg8 : memref<!tpu.dma_semaphore, #tpu.memory_space<semaphore_mem>>) {add = true}
      %mul3A_119 = arith.constant 8 : i32
      %mul3A_120 = arith.muli %scan3A_65, %mul3A_119 : i32
      %add3A_121 = arith.constant 6 : i32
      %add3A_122 = arith.addi %mul3A_120, %add3A_121 : i32
      %dma_start3A_123 = arith.constant 0 : i32
      %dma_start3A_124 = tpu.memref_slice %arg4[%add3A_122, %dma_start3A_123] : memref<80x128xi32, #tpu.memory_space<vmem>> -> memref<1x128xi32, #tpu.memory_space<vmem>>
      %dma_start3A_125 = tpu.memref_squeeze %dma_start3A_124 : memref<1x128xi32, #tpu.memory_space<vmem>> -> memref<128xi32, #tpu.memory_space<vmem>>
      %dma_start3A_126 = arith.constant 0 : i32
      %dma_start3A_127 = tpu.memref_slice %arg7[%dma_start3A_126] : memref<10240xf32, #tpu.memory_space<vmem_shared>> -> memref<10240xf32, #tpu.memory_space<vmem_shared>>
      tpu.enqueue_indirect_dma source(%arg5 : memref<128xf32, #tpu.memory_space<vmem>>) target(%dma_start3A_127 : memref<10240xf32, #tpu.memory_space<vmem_shared>>) offsets(%dma_start3A_125 : memref<128xi32, #tpu.memory_space<vmem>>) semaphore(%arg8 : memref<!tpu.dma_semaphore, #tpu.memory_space<semaphore_mem>>) {add = true}
      %mul3A_128 = arith.constant 8 : i32
      %mul3A_129 = arith.muli %scan3A_65, %mul3A_128 : i32
      %add3A_130 = arith.constant 7 : i32
      %add3A_131 = arith.addi %mul3A_129, %add3A_130 : i32
      %dma_start3A_132 = arith.constant 0 : i32
      %dma_start3A_133 = tpu.memref_slice %arg4[%add3A_131, %dma_start3A_132] : memref<80x128xi32, #tpu.memory_space<vmem>> -> memref<1x128xi32, #tpu.memory_space<vmem>>
      %dma_start3A_134 = tpu.memref_squeeze %dma_start3A_133 : memref<1x128xi32, #tpu.memory_space<vmem>> -> memref<128xi32, #tpu.memory_space<vmem>>
      %dma_start3A_135 = arith.constant 0 : i32
      %dma_start3A_136 = tpu.memref_slice %arg7[%dma_start3A_135] : memref<10240xf32, #tpu.memory_space<vmem_shared>> -> memref<10240xf32, #tpu.memory_space<vmem_shared>>
      tpu.enqueue_indirect_dma source(%arg5 : memref<128xf32, #tpu.memory_space<vmem>>) target(%dma_start3A_136 : memref<10240xf32, #tpu.memory_space<vmem_shared>>) offsets(%dma_start3A_134 : memref<128xi32, #tpu.memory_space<vmem>>) semaphore(%arg8 : memref<!tpu.dma_semaphore, #tpu.memory_space<semaphore_mem>>) {add = true}
      %mul3A_137 = arith.constant 8 : i32
      %mul3A_138 = arith.muli %scan3A_65, %mul3A_137 : i32
      %add3A_139 = arith.constant 0 : i32
      %add3A_140 = arith.addi %mul3A_138, %add3A_139 : i32
      %dma_wait3A = arith.constant 0 : i32
      %dma_wait3A_141 = tpu.memref_slice %arg4[%add3A_140, %dma_wait3A] : memref<80x128xi32, #tpu.memory_space<vmem>> -> memref<1x128xi32, #tpu.memory_space<vmem>>
      %dma_wait3A_142 = tpu.memref_squeeze %dma_wait3A_141 : memref<1x128xi32, #tpu.memory_space<vmem>> -> memref<128xi32, #tpu.memory_space<vmem>>
      %dma_wait3A_143 = arith.constant 0 : i32
      %dma_wait3A_144 = tpu.memref_slice %arg7[%dma_wait3A_143] : memref<10240xf32, #tpu.memory_space<vmem_shared>> -> memref<10240xf32, #tpu.memory_space<vmem_shared>>
      tpu.wait_indirect_dma semaphore(%arg8 : memref<!tpu.dma_semaphore, #tpu.memory_space<semaphore_mem>>) src(%arg5 : memref<128xf32, #tpu.memory_space<vmem>>) dst(%dma_wait3A_144 : memref<10240xf32, #tpu.memory_space<vmem_shared>>)
      %mul3A_145 = arith.constant 8 : i32
      %mul3A_146 = arith.muli %scan3A_65, %mul3A_145 : i32
      %add3A_147 = arith.constant 1 : i32
      %add3A_148 = arith.addi %mul3A_146, %add3A_147 : i32
      %dma_wait3A_149 = arith.constant 0 : i32
      %dma_wait3A_150 = tpu.memref_slice %arg4[%add3A_148, %dma_wait3A_149] : memref<80x128xi32, #tpu.memory_space<vmem>> -> memref<1x128xi32, #tpu.memory_space<vmem>>
      %dma_wait3A_151 = tpu.memref_squeeze %dma_wait3A_150 : memref<1x128xi32, #tpu.memory_space<vmem>> -> memref<128xi32, #tpu.memory_space<vmem>>
      %dma_wait3A_152 = arith.constant 0 : i32
      %dma_wait3A_153 = tpu.memref_slice %arg7[%dma_wait3A_152] : memref<10240xf32, #tpu.memory_space<vmem_shared>> -> memref<10240xf32, #tpu.memory_space<vmem_shared>>
      tpu.wait_indirect_dma semaphore(%arg8 : memref<!tpu.dma_semaphore, #tpu.memory_space<semaphore_mem>>) src(%arg5 : memref<128xf32, #tpu.memory_space<vmem>>) dst(%dma_wait3A_153 : memref<10240xf32, #tpu.memory_space<vmem_shared>>)
      %mul3A_154 = arith.constant 8 : i32
      %mul3A_155 = arith.muli %scan3A_65, %mul3A_154 : i32
      %add3A_156 = arith.constant 2 : i32
      %add3A_157 = arith.addi %mul3A_155, %add3A_156 : i32
      %dma_wait3A_158 = arith.constant 0 : i32
      %dma_wait3A_159 = tpu.memref_slice %arg4[%add3A_157, %dma_wait3A_158] : memref<80x128xi32, #tpu.memory_space<vmem>> -> memref<1x128xi32, #tpu.memory_space<vmem>>
      %dma_wait3A_160 = tpu.memref_squeeze %dma_wait3A_159 : memref<1x128xi32, #tpu.memory_space<vmem>> -> memref<128xi32, #tpu.memory_space<vmem>>
      %dma_wait3A_161 = arith.constant 0 : i32
      %dma_wait3A_162 = tpu.memref_slice %arg7[%dma_wait3A_161] : memref<10240xf32, #tpu.memory_space<vmem_shared>> -> memref<10240xf32, #tpu.memory_space<vmem_shared>>
      tpu.wait_indirect_dma semaphore(%arg8 : memref<!tpu.dma_semaphore, #tpu.memory_space<semaphore_mem>>) src(%arg5 : memref<128xf32, #tpu.memory_space<vmem>>) dst(%dma_wait3A_162 : memref<10240xf32, #tpu.memory_space<vmem_shared>>)
      %mul3A_163 = arith.constant 8 : i32
      %mul3A_164 = arith.muli %scan3A_65, %mul3A_163 : i32
      %add3A_165 = arith.constant 3 : i32
      %add3A_166 = arith.addi %mul3A_164, %add3A_165 : i32
      %dma_wait3A_167 = arith.constant 0 : i32
      %dma_wait3A_168 = tpu.memref_slice %arg4[%add3A_166, %dma_wait3A_167] : memref<80x128xi32, #tpu.memory_space<vmem>> -> memref<1x128xi32, #tpu.memory_space<vmem>>
      %dma_wait3A_169 = tpu.memref_squeeze %dma_wait3A_168 : memref<1x128xi32, #tpu.memory_space<vmem>> -> memref<128xi32, #tpu.memory_space<vmem>>
      %dma_wait3A_170 = arith.constant 0 : i32
      %dma_wait3A_171 = tpu.memref_slice %arg7[%dma_wait3A_170] : memref<10240xf32, #tpu.memory_space<vmem_shared>> -> memref<10240xf32, #tpu.memory_space<vmem_shared>>
      tpu.wait_indirect_dma semaphore(%arg8 : memref<!tpu.dma_semaphore, #tpu.memory_space<semaphore_mem>>) src(%arg5 : memref<128xf32, #tpu.memory_space<vmem>>) dst(%dma_wait3A_171 : memref<10240xf32, #tpu.memory_space<vmem_shared>>)
      %mul3A_172 = arith.constant 8 : i32
      %mul3A_173 = arith.muli %scan3A_65, %mul3A_172 : i32
      %add3A_174 = arith.constant 4 : i32
      %add3A_175 = arith.addi %mul3A_173, %add3A_174 : i32
      %dma_wait3A_176 = arith.constant 0 : i32
      %dma_wait3A_177 = tpu.memref_slice %arg4[%add3A_175, %dma_wait3A_176] : memref<80x128xi32, #tpu.memory_space<vmem>> -> memref<1x128xi32, #tpu.memory_space<vmem>>
      %dma_wait3A_178 = tpu.memref_squeeze %dma_wait3A_177 : memref<1x128xi32, #tpu.memory_space<vmem>> -> memref<128xi32, #tpu.memory_space<vmem>>
      %dma_wait3A_179 = arith.constant 0 : i32
      %dma_wait3A_180 = tpu.memref_slice %arg7[%dma_wait3A_179] : memref<10240xf32, #tpu.memory_space<vmem_shared>> -> memref<10240xf32, #tpu.memory_space<vmem_shared>>
      tpu.wait_indirect_dma semaphore(%arg8 : memref<!tpu.dma_semaphore, #tpu.memory_space<semaphore_mem>>) src(%arg5 : memref<128xf32, #tpu.memory_space<vmem>>) dst(%dma_wait3A_180 : memref<10240xf32, #tpu.memory_space<vmem_shared>>)
      %mul3A_181 = arith.constant 8 : i32
      %mul3A_182 = arith.muli %scan3A_65, %mul3A_181 : i32
      %add3A_183 = arith.constant 5 : i32
      %add3A_184 = arith.addi %mul3A_182, %add3A_183 : i32
      %dma_wait3A_185 = arith.constant 0 : i32
      %dma_wait3A_186 = tpu.memref_slice %arg4[%add3A_184, %dma_wait3A_185] : memref<80x128xi32, #tpu.memory_space<vmem>> -> memref<1x128xi32, #tpu.memory_space<vmem>>
      %dma_wait3A_187 = tpu.memref_squeeze %dma_wait3A_186 : memref<1x128xi32, #tpu.memory_space<vmem>> -> memref<128xi32, #tpu.memory_space<vmem>>
      %dma_wait3A_188 = arith.constant 0 : i32
      %dma_wait3A_189 = tpu.memref_slice %arg7[%dma_wait3A_188] : memref<10240xf32, #tpu.memory_space<vmem_shared>> -> memref<10240xf32, #tpu.memory_space<vmem_shared>>
      tpu.wait_indirect_dma semaphore(%arg8 : memref<!tpu.dma_semaphore, #tpu.memory_space<semaphore_mem>>) src(%arg5 : memref<128xf32, #tpu.memory_space<vmem>>) dst(%dma_wait3A_189 : memref<10240xf32, #tpu.memory_space<vmem_shared>>)
      %mul3A_190 = arith.constant 8 : i32
      %mul3A_191 = arith.muli %scan3A_65, %mul3A_190 : i32
      %add3A_192 = arith.constant 6 : i32
      %add3A_193 = arith.addi %mul3A_191, %add3A_192 : i32
      %dma_wait3A_194 = arith.constant 0 : i32
      %dma_wait3A_195 = tpu.memref_slice %arg4[%add3A_193, %dma_wait3A_194] : memref<80x128xi32, #tpu.memory_space<vmem>> -> memref<1x128xi32, #tpu.memory_space<vmem>>
      %dma_wait3A_196 = tpu.memref_squeeze %dma_wait3A_195 : memref<1x128xi32, #tpu.memory_space<vmem>> -> memref<128xi32, #tpu.memory_space<vmem>>
      %dma_wait3A_197 = arith.constant 0 : i32
      %dma_wait3A_198 = tpu.memref_slice %arg7[%dma_wait3A_197] : memref<10240xf32, #tpu.memory_space<vmem_shared>> -> memref<10240xf32, #tpu.memory_space<vmem_shared>>
      tpu.wait_indirect_dma semaphore(%arg8 : memref<!tpu.dma_semaphore, #tpu.memory_space<semaphore_mem>>) src(%arg5 : memref<128xf32, #tpu.memory_space<vmem>>) dst(%dma_wait3A_198 : memref<10240xf32, #tpu.memory_space<vmem_shared>>)
      %mul3A_199 = arith.constant 8 : i32
      %mul3A_200 = arith.muli %scan3A_65, %mul3A_199 : i32
      %add3A_201 = arith.constant 7 : i32
      %add3A_202 = arith.addi %mul3A_200, %add3A_201 : i32
      %dma_wait3A_203 = arith.constant 0 : i32
      %dma_wait3A_204 = tpu.memref_slice %arg4[%add3A_202, %dma_wait3A_203] : memref<80x128xi32, #tpu.memory_space<vmem>> -> memref<1x128xi32, #tpu.memory_space<vmem>>
      %dma_wait3A_205 = tpu.memref_squeeze %dma_wait3A_204 : memref<1x128xi32, #tpu.memory_space<vmem>> -> memref<128xi32, #tpu.memory_space<vmem>>
      %dma_wait3A_206 = arith.constant 0 : i32
      %dma_wait3A_207 = tpu.memref_slice %arg7[%dma_wait3A_206] : memref<10240xf32, #tpu.memory_space<vmem_shared>> -> memref<10240xf32, #tpu.memory_space<vmem_shared>>
      tpu.wait_indirect_dma semaphore(%arg8 : memref<!tpu.dma_semaphore, #tpu.memory_space<semaphore_mem>>) src(%arg5 : memref<128xf32, #tpu.memory_space<vmem>>) dst(%dma_wait3A_207 : memref<10240xf32, #tpu.memory_space<vmem_shared>>)
    }
    %scan3A_59 = arith.constant 10 : i32
    %barrier3A_60 = arith.constant 0 : index
    tpu.barrier barrier_id(%barrier3A_60)
    %mul3A_61 = arith.constant 640 : i32
    %mul3A_62 = arith.muli %arg1, %mul3A_61 : i32
    %mul3A_63 = arith.constant 640 : i32
    %mul3A_64 = arith.muli %arg1, %mul3A_63 : i32
    "tpu.region"() ({
      %run_scoped3A = tpu.sem_alloc : memref<!tpu.dma_semaphore, #tpu.memory_space<semaphore_mem>>
      %dma_start3A = tpu.memref_slice %arg3[%arg0, %mul3A_64] : memref<2x10240xf32, #tpu.memory_space<hbm>> -> memref<1x640xf32, #tpu.memory_space<hbm>>
      %dma_start3A_65 = tpu.memref_squeeze %dma_start3A : memref<1x640xf32, #tpu.memory_space<hbm>> -> memref<640xf32, #tpu.memory_space<hbm>>
      %dma_start3A_66 = tpu.memref_slice %arg7[%mul3A_62] : memref<10240xf32, #tpu.memory_space<vmem_shared>> -> memref<640xf32, #tpu.memory_space<vmem_shared>>
      tpu.enqueue_dma source(%dma_start3A_66 : memref<640xf32, #tpu.memory_space<vmem_shared>>) target(%dma_start3A_65 : memref<640xf32, #tpu.memory_space<hbm>>) target_semaphore(%run_scoped3A : memref<!tpu.dma_semaphore, #tpu.memory_space<semaphore_mem>>)
      %dma_wait3A = tpu.memref_slice %arg3[%arg0, %mul3A_64] : memref<2x10240xf32, #tpu.memory_space<hbm>> -> memref<1x640xf32, #tpu.memory_space<hbm>>
      %dma_wait3A_67 = tpu.memref_squeeze %dma_wait3A : memref<1x640xf32, #tpu.memory_space<hbm>> -> memref<640xf32, #tpu.memory_space<hbm>>
      %dma_wait3A_68 = tpu.memref_slice %arg7[%mul3A_62] : memref<10240xf32, #tpu.memory_space<vmem_shared>> -> memref<640xf32, #tpu.memory_space<vmem_shared>>
      tpu.wait_dma2 semaphore(%run_scoped3A : memref<!tpu.dma_semaphore, #tpu.memory_space<semaphore_mem>>) src(%dma_wait3A_68 : memref<640xf32, #tpu.memory_space<vmem_shared>>) dst(%dma_wait3A_67 : memref<640xf32, #tpu.memory_space<hbm>>)
      tpu.yield
    }) : () -> ()
    return
  }
}

#map = affine_map<(d0, d1) -> (0, 0, 0, 0)>
#map1 = affine_map<(d0, d1) -> (0, 0, 0)>
#map2 = affine_map<(d0, d1) -> (0, 0)>
module attributes {stable_mosaic.version = 14 : i64} {
  func.func @_edge_kernel(%arg0: i32, %arg1: i32, %arg2: memref<32x10x8x128xi32, #tpu.memory_space<hbm>>, %arg3: memref<32x80x128xi32, #tpu.memory_space<hbm>>, %arg4: memref<10000x128xf32, #tpu.memory_space<hbm>>, %arg5: memref<2x10240x128xf32, #tpu.memory_space<hbm>>, %arg6: memref<2x8x128xi32, #tpu.memory_space<vmem>>, %arg7: memref<80x128xi32, #tpu.memory_space<vmem>>, %arg8: memref<2x128x128xf32, #tpu.memory_space<vmem>>, %arg9: memref<16x128xf32, #tpu.memory_space<vmem>>, %arg10: memref<10240x128xf32, #tpu.memory_space<vmem_shared>>, %arg11: memref<!tpu.dma_semaphore, #tpu.memory_space<semaphore_mem>>, %arg12: memref<!tpu.dma_semaphore, #tpu.memory_space<semaphore_mem>>, %arg13: memref<!tpu.dma_semaphore, #tpu.memory_space<semaphore_mem>>, %arg14: memref<!tpu.dma_semaphore, #tpu.memory_space<semaphore_mem>>) attributes {dimension_semantics = [#tpu.dimension_semantics<core_parallel>, #tpu.dimension_semantics<subcore_parallel>], iteration_bounds = array<i64: 2, 16>, scalar_prefetch = 0 : i64, scratch_operands = 9 : i64, tpu.core_type = #tpu.core_type<sc_vector_subcore>, window_params = [{transform_indices = #map}, {transform_indices = #map1}, {transform_indices = #map2}, {transform_indices = #map1}]} {
    %mul3A = arith.constant 2 : i32
    %mul3A_0 = arith.muli %arg1, %mul3A : i32
    %add3A = arith.addi %mul3A_0, %arg0 : i32
    "tpu.region"() ({
      %run_scoped3A_1083 = tpu.sem_alloc : memref<!tpu.dma_semaphore, #tpu.memory_space<semaphore_mem>>
      %dma_start3A_1084 = arith.constant 0 : i32
      %dma_start3A_1085 = arith.constant 0 : i32
      %dma_start3A_1086 = tpu.memref_slice %arg3[%add3A, %dma_start3A_1084, %dma_start3A_1085] : memref<32x80x128xi32, #tpu.memory_space<hbm>> -> memref<1x80x128xi32, #tpu.memory_space<hbm>>
      %dma_start3A_1087 = tpu.memref_squeeze %dma_start3A_1086 : memref<1x80x128xi32, #tpu.memory_space<hbm>> -> memref<80x128xi32, #tpu.memory_space<hbm>>
      %dma_start3A_1088 = arith.constant 0 : i32
      %dma_start3A_1089 = arith.constant 0 : i32
      %dma_start3A_1090 = tpu.memref_slice %arg3[%add3A, %dma_start3A_1088, %dma_start3A_1089] : memref<32x80x128xi32, #tpu.memory_space<hbm>> -> memref<1x80x128xi32, #tpu.memory_space<hbm>>
      %dma_start3A_1091 = tpu.memref_squeeze %dma_start3A_1090 : memref<1x80x128xi32, #tpu.memory_space<hbm>> -> memref<80x128xi32, #tpu.memory_space<hbm>>
      tpu.enqueue_dma source(%dma_start3A_1091 : memref<80x128xi32, #tpu.memory_space<hbm>>) target(%arg7 : memref<80x128xi32, #tpu.memory_space<vmem>>) target_semaphore(%run_scoped3A_1083 : memref<!tpu.dma_semaphore, #tpu.memory_space<semaphore_mem>>)
      %dma_wait3A = arith.constant 0 : i32
      %dma_wait3A_1092 = arith.constant 0 : i32
      %dma_wait3A_1093 = tpu.memref_slice %arg3[%add3A, %dma_wait3A, %dma_wait3A_1092] : memref<32x80x128xi32, #tpu.memory_space<hbm>> -> memref<1x80x128xi32, #tpu.memory_space<hbm>>
      %dma_wait3A_1094 = tpu.memref_squeeze %dma_wait3A_1093 : memref<1x80x128xi32, #tpu.memory_space<hbm>> -> memref<80x128xi32, #tpu.memory_space<hbm>>
      %dma_wait3A_1095 = arith.constant 0 : i32
      %dma_wait3A_1096 = arith.constant 0 : i32
      %dma_wait3A_1097 = tpu.memref_slice %arg3[%add3A, %dma_wait3A_1095, %dma_wait3A_1096] : memref<32x80x128xi32, #tpu.memory_space<hbm>> -> memref<1x80x128xi32, #tpu.memory_space<hbm>>
      %dma_wait3A_1098 = tpu.memref_squeeze %dma_wait3A_1097 : memref<1x80x128xi32, #tpu.memory_space<hbm>> -> memref<80x128xi32, #tpu.memory_space<hbm>>
      tpu.wait_dma2 semaphore(%run_scoped3A_1083 : memref<!tpu.dma_semaphore, #tpu.memory_space<semaphore_mem>>) src(%dma_wait3A_1098 : memref<80x128xi32, #tpu.memory_space<hbm>>) dst(%arg7 : memref<80x128xi32, #tpu.memory_space<vmem>>)
      tpu.yield
    }) : () -> ()
    %run_scoped3A = arith.constant 0 : i32
    %run_scoped3A_1 = arith.constant 0 : i32
    "tpu.region"() ({
      %run_scoped3A_1083 = tpu.sem_alloc : memref<!tpu.dma_semaphore, #tpu.memory_space<semaphore_mem>>
      %dma_start3A_1084 = arith.constant 0 : i32
      %dma_start3A_1085 = arith.constant 0 : i32
      %dma_start3A_1086 = tpu.memref_slice %arg6[%run_scoped3A_1, %dma_start3A_1084, %dma_start3A_1085] : memref<2x8x128xi32, #tpu.memory_space<vmem>> -> memref<1x8x128xi32, #tpu.memory_space<vmem>>
      %dma_start3A_1087 = tpu.memref_squeeze %dma_start3A_1086 : memref<1x8x128xi32, #tpu.memory_space<vmem>> -> memref<8x128xi32, #tpu.memory_space<vmem>>
      %dma_start3A_1088 = arith.constant 0 : i32
      %dma_start3A_1089 = arith.constant 0 : i32
      %dma_start3A_1090 = tpu.memref_slice %arg2[%add3A, %run_scoped3A, %dma_start3A_1088, %dma_start3A_1089] : memref<32x10x8x128xi32, #tpu.memory_space<hbm>> -> memref<1x1x8x128xi32, #tpu.memory_space<hbm>>
      %dma_start3A_1091 = tpu.memref_squeeze %dma_start3A_1090 : memref<1x1x8x128xi32, #tpu.memory_space<hbm>> -> memref<8x128xi32, #tpu.memory_space<hbm>>
      %dma_start3A_1092 = arith.constant 0 : i32
      %dma_start3A_1093 = arith.constant 0 : i32
      %dma_start3A_1094 = tpu.memref_slice %arg6[%run_scoped3A_1, %dma_start3A_1092, %dma_start3A_1093] : memref<2x8x128xi32, #tpu.memory_space<vmem>> -> memref<1x8x128xi32, #tpu.memory_space<vmem>>
      %dma_start3A_1095 = tpu.memref_squeeze %dma_start3A_1094 : memref<1x8x128xi32, #tpu.memory_space<vmem>> -> memref<8x128xi32, #tpu.memory_space<vmem>>
      %dma_start3A_1096 = arith.constant 0 : i32
      %dma_start3A_1097 = arith.constant 0 : i32
      %dma_start3A_1098 = tpu.memref_slice %arg2[%add3A, %run_scoped3A, %dma_start3A_1096, %dma_start3A_1097] : memref<32x10x8x128xi32, #tpu.memory_space<hbm>> -> memref<1x1x8x128xi32, #tpu.memory_space<hbm>>
      %dma_start3A_1099 = tpu.memref_squeeze %dma_start3A_1098 : memref<1x1x8x128xi32, #tpu.memory_space<hbm>> -> memref<8x128xi32, #tpu.memory_space<hbm>>
      tpu.enqueue_dma source(%dma_start3A_1099 : memref<8x128xi32, #tpu.memory_space<hbm>>) target(%dma_start3A_1095 : memref<8x128xi32, #tpu.memory_space<vmem>>) target_semaphore(%run_scoped3A_1083 : memref<!tpu.dma_semaphore, #tpu.memory_space<semaphore_mem>>)
      %dma_wait3A = arith.constant 0 : i32
      %dma_wait3A_1100 = arith.constant 0 : i32
      %dma_wait3A_1101 = tpu.memref_slice %arg6[%run_scoped3A_1, %dma_wait3A, %dma_wait3A_1100] : memref<2x8x128xi32, #tpu.memory_space<vmem>> -> memref<1x8x128xi32, #tpu.memory_space<vmem>>
      %dma_wait3A_1102 = tpu.memref_squeeze %dma_wait3A_1101 : memref<1x8x128xi32, #tpu.memory_space<vmem>> -> memref<8x128xi32, #tpu.memory_space<vmem>>
      %dma_wait3A_1103 = arith.constant 0 : i32
      %dma_wait3A_1104 = arith.constant 0 : i32
      %dma_wait3A_1105 = tpu.memref_slice %arg2[%add3A, %run_scoped3A, %dma_wait3A_1103, %dma_wait3A_1104] : memref<32x10x8x128xi32, #tpu.memory_space<hbm>> -> memref<1x1x8x128xi32, #tpu.memory_space<hbm>>
      %dma_wait3A_1106 = tpu.memref_squeeze %dma_wait3A_1105 : memref<1x1x8x128xi32, #tpu.memory_space<hbm>> -> memref<8x128xi32, #tpu.memory_space<hbm>>
      %dma_wait3A_1107 = arith.constant 0 : i32
      %dma_wait3A_1108 = arith.constant 0 : i32
      %dma_wait3A_1109 = tpu.memref_slice %arg6[%run_scoped3A_1, %dma_wait3A_1107, %dma_wait3A_1108] : memref<2x8x128xi32, #tpu.memory_space<vmem>> -> memref<1x8x128xi32, #tpu.memory_space<vmem>>
      %dma_wait3A_1110 = tpu.memref_squeeze %dma_wait3A_1109 : memref<1x8x128xi32, #tpu.memory_space<vmem>> -> memref<8x128xi32, #tpu.memory_space<vmem>>
      %dma_wait3A_1111 = arith.constant 0 : i32
      %dma_wait3A_1112 = arith.constant 0 : i32
      %dma_wait3A_1113 = tpu.memref_slice %arg2[%add3A, %run_scoped3A, %dma_wait3A_1111, %dma_wait3A_1112] : memref<32x10x8x128xi32, #tpu.memory_space<hbm>> -> memref<1x1x8x128xi32, #tpu.memory_space<hbm>>
      %dma_wait3A_1114 = tpu.memref_squeeze %dma_wait3A_1113 : memref<1x1x8x128xi32, #tpu.memory_space<hbm>> -> memref<8x128xi32, #tpu.memory_space<hbm>>
      tpu.wait_dma2 semaphore(%run_scoped3A_1083 : memref<!tpu.dma_semaphore, #tpu.memory_space<semaphore_mem>>) src(%dma_wait3A_1114 : memref<8x128xi32, #tpu.memory_space<hbm>>) dst(%dma_wait3A_1110 : memref<8x128xi32, #tpu.memory_space<vmem>>)
      tpu.yield
    }) : () -> ()
    %dma_start3A = arith.constant 1 : i32
    %dma_start3A_2 = arith.constant 1 : i32
    %dma_start3A_3 = arith.constant 0 : i32
    %dma_start3A_4 = arith.constant 0 : i32
    %dma_start3A_5 = tpu.memref_slice %arg6[%dma_start3A_2, %dma_start3A_3, %dma_start3A_4] : memref<2x8x128xi32, #tpu.memory_space<vmem>> -> memref<1x8x128xi32, #tpu.memory_space<vmem>>
    %dma_start3A_6 = tpu.memref_squeeze %dma_start3A_5 : memref<1x8x128xi32, #tpu.memory_space<vmem>> -> memref<8x128xi32, #tpu.memory_space<vmem>>
    %dma_start3A_7 = arith.constant 0 : i32
    %dma_start3A_8 = arith.constant 0 : i32
    %dma_start3A_9 = tpu.memref_slice %arg2[%add3A, %dma_start3A, %dma_start3A_7, %dma_start3A_8] : memref<32x10x8x128xi32, #tpu.memory_space<hbm>> -> memref<1x1x8x128xi32, #tpu.memory_space<hbm>>
    %dma_start3A_10 = tpu.memref_squeeze %dma_start3A_9 : memref<1x1x8x128xi32, #tpu.memory_space<hbm>> -> memref<8x128xi32, #tpu.memory_space<hbm>>
    %dma_start3A_11 = arith.constant 0 : i32
    %dma_start3A_12 = arith.constant 0 : i32
    %dma_start3A_13 = tpu.memref_slice %arg6[%dma_start3A_2, %dma_start3A_11, %dma_start3A_12] : memref<2x8x128xi32, #tpu.memory_space<vmem>> -> memref<1x8x128xi32, #tpu.memory_space<vmem>>
    %dma_start3A_14 = tpu.memref_squeeze %dma_start3A_13 : memref<1x8x128xi32, #tpu.memory_space<vmem>> -> memref<8x128xi32, #tpu.memory_space<vmem>>
    %dma_start3A_15 = arith.constant 0 : i32
    %dma_start3A_16 = arith.constant 0 : i32
    %dma_start3A_17 = tpu.memref_slice %arg2[%add3A, %dma_start3A, %dma_start3A_15, %dma_start3A_16] : memref<32x10x8x128xi32, #tpu.memory_space<hbm>> -> memref<1x1x8x128xi32, #tpu.memory_space<hbm>>
    %dma_start3A_18 = tpu.memref_squeeze %dma_start3A_17 : memref<1x1x8x128xi32, #tpu.memory_space<hbm>> -> memref<8x128xi32, #tpu.memory_space<hbm>>
    tpu.enqueue_dma source(%dma_start3A_18 : memref<8x128xi32, #tpu.memory_space<hbm>>) target(%dma_start3A_14 : memref<8x128xi32, #tpu.memory_space<vmem>>) target_semaphore(%arg13 : memref<!tpu.dma_semaphore, #tpu.memory_space<semaphore_mem>>)
    %dma_start3A_19 = arith.constant 0 : i32
    %dma_start3A_20 = arith.constant 0 : i32
    %dma_start3A_21 = arith.constant 0 : i32
    %dma_start3A_22 = arith.constant 0 : i32
    %dma_start3A_23 = arith.constant 0 : i32
    %dma_start3A_24 = tpu.memref_slice %arg8[%dma_start3A_21, %dma_start3A_22, %dma_start3A_23] : memref<2x128x128xf32, #tpu.memory_space<vmem>> -> memref<1x128x128xf32, #tpu.memory_space<vmem>>
    %dma_start3A_25 = tpu.memref_squeeze %dma_start3A_24 : memref<1x128x128xf32, #tpu.memory_space<vmem>> -> memref<128x128xf32, #tpu.memory_space<vmem>>
    %dma_start3A_26 = arith.constant 0 : i32
    %dma_start3A_27 = tpu.memref_slice %arg6[%dma_start3A_19, %dma_start3A_20, %dma_start3A_26] : memref<2x8x128xi32, #tpu.memory_space<vmem>> -> memref<1x1x128xi32, #tpu.memory_space<vmem>>
    %dma_start3A_28 = tpu.memref_squeeze %dma_start3A_27 : memref<1x1x128xi32, #tpu.memory_space<vmem>> -> memref<128xi32, #tpu.memory_space<vmem>>
    %dma_start3A_29 = arith.constant 0 : i32
    %dma_start3A_30 = arith.constant 0 : i32
    %dma_start3A_31 = tpu.memref_slice %arg4[%dma_start3A_29, %dma_start3A_30] : memref<10000x128xf32, #tpu.memory_space<hbm>> -> memref<10000x128xf32, #tpu.memory_space<hbm>>
    tpu.enqueue_indirect_dma source(%dma_start3A_31 : memref<10000x128xf32, #tpu.memory_space<hbm>>) target(%dma_start3A_25 : memref<128x128xf32, #tpu.memory_space<vmem>>) offsets(%dma_start3A_28 : memref<128xi32, #tpu.memory_space<vmem>>) semaphore(%arg11 : memref<!tpu.dma_semaphore, #tpu.memory_space<semaphore_mem>>)
    %dma_start3A_32 = arith.constant 0 : i32
    %dma_start3A_33 = arith.constant 1 : i32
    %dma_start3A_34 = arith.constant 1 : i32
    %dma_start3A_35 = arith.constant 0 : i32
    %dma_start3A_36 = arith.constant 0 : i32
    %dma_start3A_37 = tpu.memref_slice %arg8[%dma_start3A_34, %dma_start3A_35, %dma_start3A_36] : memref<2x128x128xf32, #tpu.memory_space<vmem>> -> memref<1x128x128xf32, #tpu.memory_space<vmem>>
    %dma_start3A_38 = tpu.memref_squeeze %dma_start3A_37 : memref<1x128x128xf32, #tpu.memory_space<vmem>> -> memref<128x128xf32, #tpu.memory_space<vmem>>
    %dma_start3A_39 = arith.constant 0 : i32
    %dma_start3A_40 = tpu.memref_slice %arg6[%dma_start3A_32, %dma_start3A_33, %dma_start3A_39] : memref<2x8x128xi32, #tpu.memory_space<vmem>> -> memref<1x1x128xi32, #tpu.memory_space<vmem>>
    %dma_start3A_41 = tpu.memref_squeeze %dma_start3A_40 : memref<1x1x128xi32, #tpu.memory_space<vmem>> -> memref<128xi32, #tpu.memory_space<vmem>>
    %dma_start3A_42 = arith.constant 0 : i32
    %dma_start3A_43 = arith.constant 0 : i32
    %dma_start3A_44 = tpu.memref_slice %arg4[%dma_start3A_42, %dma_start3A_43] : memref<10000x128xf32, #tpu.memory_space<hbm>> -> memref<10000x128xf32, #tpu.memory_space<hbm>>
    tpu.enqueue_indirect_dma source(%dma_start3A_44 : memref<10000x128xf32, #tpu.memory_space<hbm>>) target(%dma_start3A_38 : memref<128x128xf32, #tpu.memory_space<vmem>>) offsets(%dma_start3A_41 : memref<128xi32, #tpu.memory_space<vmem>>) semaphore(%arg12 : memref<!tpu.dma_semaphore, #tpu.memory_space<semaphore_mem>>)
    %broadcast_in_dim3A = arith.constant 0.000000e+00 : f32
    %broadcast_in_dim3A_45 = vector.broadcast %broadcast_in_dim3A : f32 to vector<16xf32>
    %swap3A = arith.constant 0 : i32
    %swap3A_46 = arith.index_cast %swap3A : i32 to index
    %swap3A_47 = arith.constant 0 : index
    %swap3A_48 = tpu.vector_load %arg9[%swap3A_46, %swap3A_47] {strides = array<i32>} : memref<16x128xf32, #tpu.memory_space<vmem>>, vector<1x16xf32>,
    %swap3A_49 = vector.shape_cast %swap3A_48 : vector<1x16xf32> to vector<16xf32>
    %swap3A_50 = vector.shape_cast %broadcast_in_dim3A_45 : vector<16xf32> to vector<1x16xf32>
    tpu.vector_store %arg9[%swap3A_46, %swap3A_47], %swap3A_50 {strides = array<i32>} : memref<16x128xf32, #tpu.memory_space<vmem>>, vector<1x16xf32>,
    %broadcast_in_dim3A_51 = arith.constant 0.000000e+00 : f32
    %broadcast_in_dim3A_52 = vector.broadcast %broadcast_in_dim3A_51 : f32 to vector<16xf32>
    %swap3A_53 = arith.constant 0 : i32
    %swap3A_54 = arith.index_cast %swap3A_53 : i32 to index
    %swap3A_55 = arith.constant 16 : index
    %swap3A_56 = tpu.vector_load %arg9[%swap3A_54, %swap3A_55] {strides = array<i32>} : memref<16x128xf32, #tpu.memory_space<vmem>>, vector<1x16xf32>,
    %swap3A_57 = vector.shape_cast %swap3A_56 : vector<1x16xf32> to vector<16xf32>
    %swap3A_58 = vector.shape_cast %broadcast_in_dim3A_52 : vector<16xf32> to vector<1x16xf32>
    tpu.vector_store %arg9[%swap3A_54, %swap3A_55], %swap3A_58 {strides = array<i32>} : memref<16x128xf32, #tpu.memory_space<vmem>>, vector<1x16xf32>,
    %broadcast_in_dim3A_59 = arith.constant 0.000000e+00 : f32
    %broadcast_in_dim3A_60 = vector.broadcast %broadcast_in_dim3A_59 : f32 to vector<16xf32>
    %swap3A_61 = arith.constant 0 : i32
    %swap3A_62 = arith.index_cast %swap3A_61 : i32 to index
    %swap3A_63 = arith.constant 32 : index
    %swap3A_64 = tpu.vector_load %arg9[%swap3A_62, %swap3A_63] {strides = array<i32>} : memref<16x128xf32, #tpu.memory_space<vmem>>, vector<1x16xf32>,
    %swap3A_65 = vector.shape_cast %swap3A_64 : vector<1x16xf32> to vector<16xf32>
    %swap3A_66 = vector.shape_cast %broadcast_in_dim3A_60 : vector<16xf32> to vector<1x16xf32>
    tpu.vector_store %arg9[%swap3A_62, %swap3A_63], %swap3A_66 {strides = array<i32>} : memref<16x128xf32, #tpu.memory_space<vmem>>, vector<1x16xf32>,
    %broadcast_in_dim3A_67 = arith.constant 0.000000e+00 : f32
    %broadcast_in_dim3A_68 = vector.broadcast %broadcast_in_dim3A_67 : f32 to vector<16xf32>
    %swap3A_69 = arith.constant 0 : i32
    %swap3A_70 = arith.index_cast %swap3A_69 : i32 to index
    %swap3A_71 = arith.constant 48 : index
    %swap3A_72 = tpu.vector_load %arg9[%swap3A_70, %swap3A_71] {strides = array<i32>} : memref<16x128xf32, #tpu.memory_space<vmem>>, vector<1x16xf32>,
    %swap3A_73 = vector.shape_cast %swap3A_72 : vector<1x16xf32> to vector<16xf32>
    %swap3A_74 = vector.shape_cast %broadcast_in_dim3A_68 : vector<16xf32> to vector<1x16xf32>
    tpu.vector_store %arg9[%swap3A_70, %swap3A_71], %swap3A_74 {strides = array<i32>} : memref<16x128xf32, #tpu.memory_space<vmem>>, vector<1x16xf32>,
    %broadcast_in_dim3A_75 = arith.constant 0.000000e+00 : f32
    %broadcast_in_dim3A_76 = vector.broadcast %broadcast_in_dim3A_75 : f32 to vector<16xf32>
    %swap3A_77 = arith.constant 0 : i32
    %swap3A_78 = arith.index_cast %swap3A_77 : i32 to index
    %swap3A_79 = arith.constant 64 : index
    %swap3A_80 = tpu.vector_load %arg9[%swap3A_78, %swap3A_79] {strides = array<i32>} : memref<16x128xf32, #tpu.memory_space<vmem>>, vector<1x16xf32>,
    %swap3A_81 = vector.shape_cast %swap3A_80 : vector<1x16xf32> to vector<16xf32>
    %swap3A_82 = vector.shape_cast %broadcast_in_dim3A_76 : vector<16xf32> to vector<1x16xf32>
    tpu.vector_store %arg9[%swap3A_78, %swap3A_79], %swap3A_82 {strides = array<i32>} : memref<16x128xf32, #tpu.memory_space<vmem>>, vector<1x16xf32>,
    %broadcast_in_dim3A_83 = arith.constant 0.000000e+00 : f32
    %broadcast_in_dim3A_84 = vector.broadcast %broadcast_in_dim3A_83 : f32 to vector<16xf32>
    %swap3A_85 = arith.constant 0 : i32
    %swap3A_86 = arith.index_cast %swap3A_85 : i32 to index
    %swap3A_87 = arith.constant 80 : index
    %swap3A_88 = tpu.vector_load %arg9[%swap3A_86, %swap3A_87] {strides = array<i32>} : memref<16x128xf32, #tpu.memory_space<vmem>>, vector<1x16xf32>,
    %swap3A_89 = vector.shape_cast %swap3A_88 : vector<1x16xf32> to vector<16xf32>
    %swap3A_90 = vector.shape_cast %broadcast_in_dim3A_84 : vector<16xf32> to vector<1x16xf32>
    tpu.vector_store %arg9[%swap3A_86, %swap3A_87], %swap3A_90 {strides = array<i32>} : memref<16x128xf32, #tpu.memory_space<vmem>>, vector<1x16xf32>,
    %broadcast_in_dim3A_91 = arith.constant 0.000000e+00 : f32
    %broadcast_in_dim3A_92 = vector.broadcast %broadcast_in_dim3A_91 : f32 to vector<16xf32>
    %swap3A_93 = arith.constant 0 : i32
    %swap3A_94 = arith.index_cast %swap3A_93 : i32 to index
    %swap3A_95 = arith.constant 96 : index
    %swap3A_96 = tpu.vector_load %arg9[%swap3A_94, %swap3A_95] {strides = array<i32>} : memref<16x128xf32, #tpu.memory_space<vmem>>, vector<1x16xf32>,
    %swap3A_97 = vector.shape_cast %swap3A_96 : vector<1x16xf32> to vector<16xf32>
    %swap3A_98 = vector.shape_cast %broadcast_in_dim3A_92 : vector<16xf32> to vector<1x16xf32>
    tpu.vector_store %arg9[%swap3A_94, %swap3A_95], %swap3A_98 {strides = array<i32>} : memref<16x128xf32, #tpu.memory_space<vmem>>, vector<1x16xf32>,
    %broadcast_in_dim3A_99 = arith.constant 0.000000e+00 : f32
    %broadcast_in_dim3A_100 = vector.broadcast %broadcast_in_dim3A_99 : f32 to vector<16xf32>
    %swap3A_101 = arith.constant 0 : i32
    %swap3A_102 = arith.index_cast %swap3A_101 : i32 to index
    %swap3A_103 = arith.constant 112 : index
    %swap3A_104 = tpu.vector_load %arg9[%swap3A_102, %swap3A_103] {strides = array<i32>} : memref<16x128xf32, #tpu.memory_space<vmem>>, vector<1x16xf32>,
    %swap3A_105 = vector.shape_cast %swap3A_104 : vector<1x16xf32> to vector<16xf32>
    %swap3A_106 = vector.shape_cast %broadcast_in_dim3A_100 : vector<16xf32> to vector<1x16xf32>
    tpu.vector_store %arg9[%swap3A_102, %swap3A_103], %swap3A_106 {strides = array<i32>} : memref<16x128xf32, #tpu.memory_space<vmem>>, vector<1x16xf32>,
    %broadcast_in_dim3A_107 = arith.constant 0.000000e+00 : f32
    %broadcast_in_dim3A_108 = vector.broadcast %broadcast_in_dim3A_107 : f32 to vector<16xf32>
    %swap3A_109 = arith.constant 1 : i32
    %swap3A_110 = arith.index_cast %swap3A_109 : i32 to index
    %swap3A_111 = arith.constant 0 : index
    %swap3A_112 = tpu.vector_load %arg9[%swap3A_110, %swap3A_111] {strides = array<i32>} : memref<16x128xf32, #tpu.memory_space<vmem>>, vector<1x16xf32>,
    %swap3A_113 = vector.shape_cast %swap3A_112 : vector<1x16xf32> to vector<16xf32>
    %swap3A_114 = vector.shape_cast %broadcast_in_dim3A_108 : vector<16xf32> to vector<1x16xf32>
    tpu.vector_store %arg9[%swap3A_110, %swap3A_111], %swap3A_114 {strides = array<i32>} : memref<16x128xf32, #tpu.memory_space<vmem>>, vector<1x16xf32>,
    %broadcast_in_dim3A_115 = arith.constant 0.000000e+00 : f32
    %broadcast_in_dim3A_116 = vector.broadcast %broadcast_in_dim3A_115 : f32 to vector<16xf32>
    %swap3A_117 = arith.constant 1 : i32
    %swap3A_118 = arith.index_cast %swap3A_117 : i32 to index
    %swap3A_119 = arith.constant 16 : index
    %swap3A_120 = tpu.vector_load %arg9[%swap3A_118, %swap3A_119] {strides = array<i32>} : memref<16x128xf32, #tpu.memory_space<vmem>>, vector<1x16xf32>,
    %swap3A_121 = vector.shape_cast %swap3A_120 : vector<1x16xf32> to vector<16xf32>
    %swap3A_122 = vector.shape_cast %broadcast_in_dim3A_116 : vector<16xf32> to vector<1x16xf32>
    tpu.vector_store %arg9[%swap3A_118, %swap3A_119], %swap3A_122 {strides = array<i32>} : memref<16x128xf32, #tpu.memory_space<vmem>>, vector<1x16xf32>,
    %broadcast_in_dim3A_123 = arith.constant 0.000000e+00 : f32
    %broadcast_in_dim3A_124 = vector.broadcast %broadcast_in_dim3A_123 : f32 to vector<16xf32>
    %swap3A_125 = arith.constant 1 : i32
    %swap3A_126 = arith.index_cast %swap3A_125 : i32 to index
    %swap3A_127 = arith.constant 32 : index
    %swap3A_128 = tpu.vector_load %arg9[%swap3A_126, %swap3A_127] {strides = array<i32>} : memref<16x128xf32, #tpu.memory_space<vmem>>, vector<1x16xf32>,
    %swap3A_129 = vector.shape_cast %swap3A_128 : vector<1x16xf32> to vector<16xf32>
    %swap3A_130 = vector.shape_cast %broadcast_in_dim3A_124 : vector<16xf32> to vector<1x16xf32>
    tpu.vector_store %arg9[%swap3A_126, %swap3A_127], %swap3A_130 {strides = array<i32>} : memref<16x128xf32, #tpu.memory_space<vmem>>, vector<1x16xf32>,
    %broadcast_in_dim3A_131 = arith.constant 0.000000e+00 : f32
    %broadcast_in_dim3A_132 = vector.broadcast %broadcast_in_dim3A_131 : f32 to vector<16xf32>
    %swap3A_133 = arith.constant 1 : i32
    %swap3A_134 = arith.index_cast %swap3A_133 : i32 to index
    %swap3A_135 = arith.constant 48 : index
    %swap3A_136 = tpu.vector_load %arg9[%swap3A_134, %swap3A_135] {strides = array<i32>} : memref<16x128xf32, #tpu.memory_space<vmem>>, vector<1x16xf32>,
    %swap3A_137 = vector.shape_cast %swap3A_136 : vector<1x16xf32> to vector<16xf32>
    %swap3A_138 = vector.shape_cast %broadcast_in_dim3A_132 : vector<16xf32> to vector<1x16xf32>
    tpu.vector_store %arg9[%swap3A_134, %swap3A_135], %swap3A_138 {strides = array<i32>} : memref<16x128xf32, #tpu.memory_space<vmem>>, vector<1x16xf32>,
    %broadcast_in_dim3A_139 = arith.constant 0.000000e+00 : f32
    %broadcast_in_dim3A_140 = vector.broadcast %broadcast_in_dim3A_139 : f32 to vector<16xf32>
    %swap3A_141 = arith.constant 1 : i32
    %swap3A_142 = arith.index_cast %swap3A_141 : i32 to index
    %swap3A_143 = arith.constant 64 : index
    %swap3A_144 = tpu.vector_load %arg9[%swap3A_142, %swap3A_143] {strides = array<i32>} : memref<16x128xf32, #tpu.memory_space<vmem>>, vector<1x16xf32>,
    %swap3A_145 = vector.shape_cast %swap3A_144 : vector<1x16xf32> to vector<16xf32>
    %swap3A_146 = vector.shape_cast %broadcast_in_dim3A_140 : vector<16xf32> to vector<1x16xf32>
    tpu.vector_store %arg9[%swap3A_142, %swap3A_143], %swap3A_146 {strides = array<i32>} : memref<16x128xf32, #tpu.memory_space<vmem>>, vector<1x16xf32>,
    %broadcast_in_dim3A_147 = arith.constant 0.000000e+00 : f32
    %broadcast_in_dim3A_148 = vector.broadcast %broadcast_in_dim3A_147 : f32 to vector<16xf32>
    %swap3A_149 = arith.constant 1 : i32
    %swap3A_150 = arith.index_cast %swap3A_149 : i32 to index
    %swap3A_151 = arith.constant 80 : index
    %swap3A_152 = tpu.vector_load %arg9[%swap3A_150, %swap3A_151] {strides = array<i32>} : memref<16x128xf32, #tpu.memory_space<vmem>>, vector<1x16xf32>,
    %swap3A_153 = vector.shape_cast %swap3A_152 : vector<1x16xf32> to vector<16xf32>
    %swap3A_154 = vector.shape_cast %broadcast_in_dim3A_148 : vector<16xf32> to vector<1x16xf32>
    tpu.vector_store %arg9[%swap3A_150, %swap3A_151], %swap3A_154 {strides = array<i32>} : memref<16x128xf32, #tpu.memory_space<vmem>>, vector<1x16xf32>,
    %broadcast_in_dim3A_155 = arith.constant 0.000000e+00 : f32
    %broadcast_in_dim3A_156 = vector.broadcast %broadcast_in_dim3A_155 : f32 to vector<16xf32>
    %swap3A_157 = arith.constant 1 : i32
    %swap3A_158 = arith.index_cast %swap3A_157 : i32 to index
    %swap3A_159 = arith.constant 96 : index
    %swap3A_160 = tpu.vector_load %arg9[%swap3A_158, %swap3A_159] {strides = array<i32>} : memref<16x128xf32, #tpu.memory_space<vmem>>, vector<1x16xf32>,
    %swap3A_161 = vector.shape_cast %swap3A_160 : vector<1x16xf32> to vector<16xf32>
    %swap3A_162 = vector.shape_cast %broadcast_in_dim3A_156 : vector<16xf32> to vector<1x16xf32>
    tpu.vector_store %arg9[%swap3A_158, %swap3A_159], %swap3A_162 {strides = array<i32>} : memref<16x128xf32, #tpu.memory_space<vmem>>, vector<1x16xf32>,
    %broadcast_in_dim3A_163 = arith.constant 0.000000e+00 : f32
    %broadcast_in_dim3A_164 = vector.broadcast %broadcast_in_dim3A_163 : f32 to vector<16xf32>
    %swap3A_165 = arith.constant 1 : i32
    %swap3A_166 = arith.index_cast %swap3A_165 : i32 to index
    %swap3A_167 = arith.constant 112 : index
    %swap3A_168 = tpu.vector_load %arg9[%swap3A_166, %swap3A_167] {strides = array<i32>} : memref<16x128xf32, #tpu.memory_space<vmem>>, vector<1x16xf32>,
    %swap3A_169 = vector.shape_cast %swap3A_168 : vector<1x16xf32> to vector<16xf32>
    %swap3A_170 = vector.shape_cast %broadcast_in_dim3A_164 : vector<16xf32> to vector<1x16xf32>
    tpu.vector_store %arg9[%swap3A_166, %swap3A_167], %swap3A_170 {strides = array<i32>} : memref<16x128xf32, #tpu.memory_space<vmem>>, vector<1x16xf32>,
    %broadcast_in_dim3A_171 = arith.constant 0.000000e+00 : f32
    %broadcast_in_dim3A_172 = vector.broadcast %broadcast_in_dim3A_171 : f32 to vector<16xf32>
    %swap3A_173 = arith.constant 2 : i32
    %swap3A_174 = arith.index_cast %swap3A_173 : i32 to index
    %swap3A_175 = arith.constant 0 : index
    %swap3A_176 = tpu.vector_load %arg9[%swap3A_174, %swap3A_175] {strides = array<i32>} : memref<16x128xf32, #tpu.memory_space<vmem>>, vector<1x16xf32>,
    %swap3A_177 = vector.shape_cast %swap3A_176 : vector<1x16xf32> to vector<16xf32>
    %swap3A_178 = vector.shape_cast %broadcast_in_dim3A_172 : vector<16xf32> to vector<1x16xf32>
    tpu.vector_store %arg9[%swap3A_174, %swap3A_175], %swap3A_178 {strides = array<i32>} : memref<16x128xf32, #tpu.memory_space<vmem>>, vector<1x16xf32>,
    %broadcast_in_dim3A_179 = arith.constant 0.000000e+00 : f32
    %broadcast_in_dim3A_180 = vector.broadcast %broadcast_in_dim3A_179 : f32 to vector<16xf32>
    %swap3A_181 = arith.constant 2 : i32
    %swap3A_182 = arith.index_cast %swap3A_181 : i32 to index
    %swap3A_183 = arith.constant 16 : index
    %swap3A_184 = tpu.vector_load %arg9[%swap3A_182, %swap3A_183] {strides = array<i32>} : memref<16x128xf32, #tpu.memory_space<vmem>>, vector<1x16xf32>,
    %swap3A_185 = vector.shape_cast %swap3A_184 : vector<1x16xf32> to vector<16xf32>
    %swap3A_186 = vector.shape_cast %broadcast_in_dim3A_180 : vector<16xf32> to vector<1x16xf32>
    tpu.vector_store %arg9[%swap3A_182, %swap3A_183], %swap3A_186 {strides = array<i32>} : memref<16x128xf32, #tpu.memory_space<vmem>>, vector<1x16xf32>,
    %broadcast_in_dim3A_187 = arith.constant 0.000000e+00 : f32
    %broadcast_in_dim3A_188 = vector.broadcast %broadcast_in_dim3A_187 : f32 to vector<16xf32>
    %swap3A_189 = arith.constant 2 : i32
    %swap3A_190 = arith.index_cast %swap3A_189 : i32 to index
    %swap3A_191 = arith.constant 32 : index
    %swap3A_192 = tpu.vector_load %arg9[%swap3A_190, %swap3A_191] {strides = array<i32>} : memref<16x128xf32, #tpu.memory_space<vmem>>, vector<1x16xf32>,
    %swap3A_193 = vector.shape_cast %swap3A_192 : vector<1x16xf32> to vector<16xf32>
    %swap3A_194 = vector.shape_cast %broadcast_in_dim3A_188 : vector<16xf32> to vector<1x16xf32>
    tpu.vector_store %arg9[%swap3A_190, %swap3A_191], %swap3A_194 {strides = array<i32>} : memref<16x128xf32, #tpu.memory_space<vmem>>, vector<1x16xf32>,
    %broadcast_in_dim3A_195 = arith.constant 0.000000e+00 : f32
    %broadcast_in_dim3A_196 = vector.broadcast %broadcast_in_dim3A_195 : f32 to vector<16xf32>
    %swap3A_197 = arith.constant 2 : i32
    %swap3A_198 = arith.index_cast %swap3A_197 : i32 to index
    %swap3A_199 = arith.constant 48 : index
    %swap3A_200 = tpu.vector_load %arg9[%swap3A_198, %swap3A_199] {strides = array<i32>} : memref<16x128xf32, #tpu.memory_space<vmem>>, vector<1x16xf32>,
    %swap3A_201 = vector.shape_cast %swap3A_200 : vector<1x16xf32> to vector<16xf32>
    %swap3A_202 = vector.shape_cast %broadcast_in_dim3A_196 : vector<16xf32> to vector<1x16xf32>
    tpu.vector_store %arg9[%swap3A_198, %swap3A_199], %swap3A_202 {strides = array<i32>} : memref<16x128xf32, #tpu.memory_space<vmem>>, vector<1x16xf32>,
    %broadcast_in_dim3A_203 = arith.constant 0.000000e+00 : f32
    %broadcast_in_dim3A_204 = vector.broadcast %broadcast_in_dim3A_203 : f32 to vector<16xf32>
    %swap3A_205 = arith.constant 2 : i32
    %swap3A_206 = arith.index_cast %swap3A_205 : i32 to index
    %swap3A_207 = arith.constant 64 : index
    %swap3A_208 = tpu.vector_load %arg9[%swap3A_206, %swap3A_207] {strides = array<i32>} : memref<16x128xf32, #tpu.memory_space<vmem>>, vector<1x16xf32>,
    %swap3A_209 = vector.shape_cast %swap3A_208 : vector<1x16xf32> to vector<16xf32>
    %swap3A_210 = vector.shape_cast %broadcast_in_dim3A_204 : vector<16xf32> to vector<1x16xf32>
    tpu.vector_store %arg9[%swap3A_206, %swap3A_207], %swap3A_210 {strides = array<i32>} : memref<16x128xf32, #tpu.memory_space<vmem>>, vector<1x16xf32>,
    %broadcast_in_dim3A_211 = arith.constant 0.000000e+00 : f32
    %broadcast_in_dim3A_212 = vector.broadcast %broadcast_in_dim3A_211 : f32 to vector<16xf32>
    %swap3A_213 = arith.constant 2 : i32
    %swap3A_214 = arith.index_cast %swap3A_213 : i32 to index
    %swap3A_215 = arith.constant 80 : index
    %swap3A_216 = tpu.vector_load %arg9[%swap3A_214, %swap3A_215] {strides = array<i32>} : memref<16x128xf32, #tpu.memory_space<vmem>>, vector<1x16xf32>,
    %swap3A_217 = vector.shape_cast %swap3A_216 : vector<1x16xf32> to vector<16xf32>
    %swap3A_218 = vector.shape_cast %broadcast_in_dim3A_212 : vector<16xf32> to vector<1x16xf32>
    tpu.vector_store %arg9[%swap3A_214, %swap3A_215], %swap3A_218 {strides = array<i32>} : memref<16x128xf32, #tpu.memory_space<vmem>>, vector<1x16xf32>,
    %broadcast_in_dim3A_219 = arith.constant 0.000000e+00 : f32
    %broadcast_in_dim3A_220 = vector.broadcast %broadcast_in_dim3A_219 : f32 to vector<16xf32>
    %swap3A_221 = arith.constant 2 : i32
    %swap3A_222 = arith.index_cast %swap3A_221 : i32 to index
    %swap3A_223 = arith.constant 96 : index
    %swap3A_224 = tpu.vector_load %arg9[%swap3A_222, %swap3A_223] {strides = array<i32>} : memref<16x128xf32, #tpu.memory_space<vmem>>, vector<1x16xf32>,
    %swap3A_225 = vector.shape_cast %swap3A_224 : vector<1x16xf32> to vector<16xf32>
    %swap3A_226 = vector.shape_cast %broadcast_in_dim3A_220 : vector<16xf32> to vector<1x16xf32>
    tpu.vector_store %arg9[%swap3A_222, %swap3A_223], %swap3A_226 {strides = array<i32>} : memref<16x128xf32, #tpu.memory_space<vmem>>, vector<1x16xf32>,
    %broadcast_in_dim3A_227 = arith.constant 0.000000e+00 : f32
    %broadcast_in_dim3A_228 = vector.broadcast %broadcast_in_dim3A_227 : f32 to vector<16xf32>
    %swap3A_229 = arith.constant 2 : i32
    %swap3A_230 = arith.index_cast %swap3A_229 : i32 to index
    %swap3A_231 = arith.constant 112 : index
    %swap3A_232 = tpu.vector_load %arg9[%swap3A_230, %swap3A_231] {strides = array<i32>} : memref<16x128xf32, #tpu.memory_space<vmem>>, vector<1x16xf32>,
    %swap3A_233 = vector.shape_cast %swap3A_232 : vector<1x16xf32> to vector<16xf32>
    %swap3A_234 = vector.shape_cast %broadcast_in_dim3A_228 : vector<16xf32> to vector<1x16xf32>
    tpu.vector_store %arg9[%swap3A_230, %swap3A_231], %swap3A_234 {strides = array<i32>} : memref<16x128xf32, #tpu.memory_space<vmem>>, vector<1x16xf32>,
    %broadcast_in_dim3A_235 = arith.constant 0.000000e+00 : f32
    %broadcast_in_dim3A_236 = vector.broadcast %broadcast_in_dim3A_235 : f32 to vector<16xf32>
    %swap3A_237 = arith.constant 3 : i32
    %swap3A_238 = arith.index_cast %swap3A_237 : i32 to index
    %swap3A_239 = arith.constant 0 : index
    %swap3A_240 = tpu.vector_load %arg9[%swap3A_238, %swap3A_239] {strides = array<i32>} : memref<16x128xf32, #tpu.memory_space<vmem>>, vector<1x16xf32>,
    %swap3A_241 = vector.shape_cast %swap3A_240 : vector<1x16xf32> to vector<16xf32>
    %swap3A_242 = vector.shape_cast %broadcast_in_dim3A_236 : vector<16xf32> to vector<1x16xf32>
    tpu.vector_store %arg9[%swap3A_238, %swap3A_239], %swap3A_242 {strides = array<i32>} : memref<16x128xf32, #tpu.memory_space<vmem>>, vector<1x16xf32>,
    %broadcast_in_dim3A_243 = arith.constant 0.000000e+00 : f32
    %broadcast_in_dim3A_244 = vector.broadcast %broadcast_in_dim3A_243 : f32 to vector<16xf32>
    %swap3A_245 = arith.constant 3 : i32
    %swap3A_246 = arith.index_cast %swap3A_245 : i32 to index
    %swap3A_247 = arith.constant 16 : index
    %swap3A_248 = tpu.vector_load %arg9[%swap3A_246, %swap3A_247] {strides = array<i32>} : memref<16x128xf32, #tpu.memory_space<vmem>>, vector<1x16xf32>,
    %swap3A_249 = vector.shape_cast %swap3A_248 : vector<1x16xf32> to vector<16xf32>
    %swap3A_250 = vector.shape_cast %broadcast_in_dim3A_244 : vector<16xf32> to vector<1x16xf32>
    tpu.vector_store %arg9[%swap3A_246, %swap3A_247], %swap3A_250 {strides = array<i32>} : memref<16x128xf32, #tpu.memory_space<vmem>>, vector<1x16xf32>,
    %broadcast_in_dim3A_251 = arith.constant 0.000000e+00 : f32
    %broadcast_in_dim3A_252 = vector.broadcast %broadcast_in_dim3A_251 : f32 to vector<16xf32>
    %swap3A_253 = arith.constant 3 : i32
    %swap3A_254 = arith.index_cast %swap3A_253 : i32 to index
    %swap3A_255 = arith.constant 32 : index
    %swap3A_256 = tpu.vector_load %arg9[%swap3A_254, %swap3A_255] {strides = array<i32>} : memref<16x128xf32, #tpu.memory_space<vmem>>, vector<1x16xf32>,
    %swap3A_257 = vector.shape_cast %swap3A_256 : vector<1x16xf32> to vector<16xf32>
    %swap3A_258 = vector.shape_cast %broadcast_in_dim3A_252 : vector<16xf32> to vector<1x16xf32>
    tpu.vector_store %arg9[%swap3A_254, %swap3A_255], %swap3A_258 {strides = array<i32>} : memref<16x128xf32, #tpu.memory_space<vmem>>, vector<1x16xf32>,
    %broadcast_in_dim3A_259 = arith.constant 0.000000e+00 : f32
    %broadcast_in_dim3A_260 = vector.broadcast %broadcast_in_dim3A_259 : f32 to vector<16xf32>
    %swap3A_261 = arith.constant 3 : i32
    %swap3A_262 = arith.index_cast %swap3A_261 : i32 to index
    %swap3A_263 = arith.constant 48 : index
    %swap3A_264 = tpu.vector_load %arg9[%swap3A_262, %swap3A_263] {strides = array<i32>} : memref<16x128xf32, #tpu.memory_space<vmem>>, vector<1x16xf32>,
    %swap3A_265 = vector.shape_cast %swap3A_264 : vector<1x16xf32> to vector<16xf32>
    %swap3A_266 = vector.shape_cast %broadcast_in_dim3A_260 : vector<16xf32> to vector<1x16xf32>
    tpu.vector_store %arg9[%swap3A_262, %swap3A_263], %swap3A_266 {strides = array<i32>} : memref<16x128xf32, #tpu.memory_space<vmem>>, vector<1x16xf32>,
    %broadcast_in_dim3A_267 = arith.constant 0.000000e+00 : f32
    %broadcast_in_dim3A_268 = vector.broadcast %broadcast_in_dim3A_267 : f32 to vector<16xf32>
    %swap3A_269 = arith.constant 3 : i32
    %swap3A_270 = arith.index_cast %swap3A_269 : i32 to index
    %swap3A_271 = arith.constant 64 : index
    %swap3A_272 = tpu.vector_load %arg9[%swap3A_270, %swap3A_271] {strides = array<i32>} : memref<16x128xf32, #tpu.memory_space<vmem>>, vector<1x16xf32>,
    %swap3A_273 = vector.shape_cast %swap3A_272 : vector<1x16xf32> to vector<16xf32>
    %swap3A_274 = vector.shape_cast %broadcast_in_dim3A_268 : vector<16xf32> to vector<1x16xf32>
    tpu.vector_store %arg9[%swap3A_270, %swap3A_271], %swap3A_274 {strides = array<i32>} : memref<16x128xf32, #tpu.memory_space<vmem>>, vector<1x16xf32>,
    %broadcast_in_dim3A_275 = arith.constant 0.000000e+00 : f32
    %broadcast_in_dim3A_276 = vector.broadcast %broadcast_in_dim3A_275 : f32 to vector<16xf32>
    %swap3A_277 = arith.constant 3 : i32
    %swap3A_278 = arith.index_cast %swap3A_277 : i32 to index
    %swap3A_279 = arith.constant 80 : index
    %swap3A_280 = tpu.vector_load %arg9[%swap3A_278, %swap3A_279] {strides = array<i32>} : memref<16x128xf32, #tpu.memory_space<vmem>>, vector<1x16xf32>,
    %swap3A_281 = vector.shape_cast %swap3A_280 : vector<1x16xf32> to vector<16xf32>
    %swap3A_282 = vector.shape_cast %broadcast_in_dim3A_276 : vector<16xf32> to vector<1x16xf32>
    tpu.vector_store %arg9[%swap3A_278, %swap3A_279], %swap3A_282 {strides = array<i32>} : memref<16x128xf32, #tpu.memory_space<vmem>>, vector<1x16xf32>,
    %broadcast_in_dim3A_283 = arith.constant 0.000000e+00 : f32
    %broadcast_in_dim3A_284 = vector.broadcast %broadcast_in_dim3A_283 : f32 to vector<16xf32>
    %swap3A_285 = arith.constant 3 : i32
    %swap3A_286 = arith.index_cast %swap3A_285 : i32 to index
    %swap3A_287 = arith.constant 96 : index
    %swap3A_288 = tpu.vector_load %arg9[%swap3A_286, %swap3A_287] {strides = array<i32>} : memref<16x128xf32, #tpu.memory_space<vmem>>, vector<1x16xf32>,
    %swap3A_289 = vector.shape_cast %swap3A_288 : vector<1x16xf32> to vector<16xf32>
    %swap3A_290 = vector.shape_cast %broadcast_in_dim3A_284 : vector<16xf32> to vector<1x16xf32>
    tpu.vector_store %arg9[%swap3A_286, %swap3A_287], %swap3A_290 {strides = array<i32>} : memref<16x128xf32, #tpu.memory_space<vmem>>, vector<1x16xf32>,
    %broadcast_in_dim3A_291 = arith.constant 0.000000e+00 : f32
    %broadcast_in_dim3A_292 = vector.broadcast %broadcast_in_dim3A_291 : f32 to vector<16xf32>
    %swap3A_293 = arith.constant 3 : i32
    %swap3A_294 = arith.index_cast %swap3A_293 : i32 to index
    %swap3A_295 = arith.constant 112 : index
    %swap3A_296 = tpu.vector_load %arg9[%swap3A_294, %swap3A_295] {strides = array<i32>} : memref<16x128xf32, #tpu.memory_space<vmem>>, vector<1x16xf32>,
    %swap3A_297 = vector.shape_cast %swap3A_296 : vector<1x16xf32> to vector<16xf32>
    %swap3A_298 = vector.shape_cast %broadcast_in_dim3A_292 : vector<16xf32> to vector<1x16xf32>
    tpu.vector_store %arg9[%swap3A_294, %swap3A_295], %swap3A_298 {strides = array<i32>} : memref<16x128xf32, #tpu.memory_space<vmem>>, vector<1x16xf32>,
    %broadcast_in_dim3A_299 = arith.constant 0.000000e+00 : f32
    %broadcast_in_dim3A_300 = vector.broadcast %broadcast_in_dim3A_299 : f32 to vector<16xf32>
    %swap3A_301 = arith.constant 4 : i32
    %swap3A_302 = arith.index_cast %swap3A_301 : i32 to index
    %swap3A_303 = arith.constant 0 : index
    %swap3A_304 = tpu.vector_load %arg9[%swap3A_302, %swap3A_303] {strides = array<i32>} : memref<16x128xf32, #tpu.memory_space<vmem>>, vector<1x16xf32>,
    %swap3A_305 = vector.shape_cast %swap3A_304 : vector<1x16xf32> to vector<16xf32>
    %swap3A_306 = vector.shape_cast %broadcast_in_dim3A_300 : vector<16xf32> to vector<1x16xf32>
    tpu.vector_store %arg9[%swap3A_302, %swap3A_303], %swap3A_306 {strides = array<i32>} : memref<16x128xf32, #tpu.memory_space<vmem>>, vector<1x16xf32>,
    %broadcast_in_dim3A_307 = arith.constant 0.000000e+00 : f32
    %broadcast_in_dim3A_308 = vector.broadcast %broadcast_in_dim3A_307 : f32 to vector<16xf32>
    %swap3A_309 = arith.constant 4 : i32
    %swap3A_310 = arith.index_cast %swap3A_309 : i32 to index
    %swap3A_311 = arith.constant 16 : index
    %swap3A_312 = tpu.vector_load %arg9[%swap3A_310, %swap3A_311] {strides = array<i32>} : memref<16x128xf32, #tpu.memory_space<vmem>>, vector<1x16xf32>,
    %swap3A_313 = vector.shape_cast %swap3A_312 : vector<1x16xf32> to vector<16xf32>
    %swap3A_314 = vector.shape_cast %broadcast_in_dim3A_308 : vector<16xf32> to vector<1x16xf32>
    tpu.vector_store %arg9[%swap3A_310, %swap3A_311], %swap3A_314 {strides = array<i32>} : memref<16x128xf32, #tpu.memory_space<vmem>>, vector<1x16xf32>,
    %broadcast_in_dim3A_315 = arith.constant 0.000000e+00 : f32
    %broadcast_in_dim3A_316 = vector.broadcast %broadcast_in_dim3A_315 : f32 to vector<16xf32>
    %swap3A_317 = arith.constant 4 : i32
    %swap3A_318 = arith.index_cast %swap3A_317 : i32 to index
    %swap3A_319 = arith.constant 32 : index
    %swap3A_320 = tpu.vector_load %arg9[%swap3A_318, %swap3A_319] {strides = array<i32>} : memref<16x128xf32, #tpu.memory_space<vmem>>, vector<1x16xf32>,
    %swap3A_321 = vector.shape_cast %swap3A_320 : vector<1x16xf32> to vector<16xf32>
    %swap3A_322 = vector.shape_cast %broadcast_in_dim3A_316 : vector<16xf32> to vector<1x16xf32>
    tpu.vector_store %arg9[%swap3A_318, %swap3A_319], %swap3A_322 {strides = array<i32>} : memref<16x128xf32, #tpu.memory_space<vmem>>, vector<1x16xf32>,
    %broadcast_in_dim3A_323 = arith.constant 0.000000e+00 : f32
    %broadcast_in_dim3A_324 = vector.broadcast %broadcast_in_dim3A_323 : f32 to vector<16xf32>
    %swap3A_325 = arith.constant 4 : i32
    %swap3A_326 = arith.index_cast %swap3A_325 : i32 to index
    %swap3A_327 = arith.constant 48 : index
    %swap3A_328 = tpu.vector_load %arg9[%swap3A_326, %swap3A_327] {strides = array<i32>} : memref<16x128xf32, #tpu.memory_space<vmem>>, vector<1x16xf32>,
    %swap3A_329 = vector.shape_cast %swap3A_328 : vector<1x16xf32> to vector<16xf32>
    %swap3A_330 = vector.shape_cast %broadcast_in_dim3A_324 : vector<16xf32> to vector<1x16xf32>
    tpu.vector_store %arg9[%swap3A_326, %swap3A_327], %swap3A_330 {strides = array<i32>} : memref<16x128xf32, #tpu.memory_space<vmem>>, vector<1x16xf32>,
    %broadcast_in_dim3A_331 = arith.constant 0.000000e+00 : f32
    %broadcast_in_dim3A_332 = vector.broadcast %broadcast_in_dim3A_331 : f32 to vector<16xf32>
    %swap3A_333 = arith.constant 4 : i32
    %swap3A_334 = arith.index_cast %swap3A_333 : i32 to index
    %swap3A_335 = arith.constant 64 : index
    %swap3A_336 = tpu.vector_load %arg9[%swap3A_334, %swap3A_335] {strides = array<i32>} : memref<16x128xf32, #tpu.memory_space<vmem>>, vector<1x16xf32>,
    %swap3A_337 = vector.shape_cast %swap3A_336 : vector<1x16xf32> to vector<16xf32>
    %swap3A_338 = vector.shape_cast %broadcast_in_dim3A_332 : vector<16xf32> to vector<1x16xf32>
    tpu.vector_store %arg9[%swap3A_334, %swap3A_335], %swap3A_338 {strides = array<i32>} : memref<16x128xf32, #tpu.memory_space<vmem>>, vector<1x16xf32>,
    %broadcast_in_dim3A_339 = arith.constant 0.000000e+00 : f32
    %broadcast_in_dim3A_340 = vector.broadcast %broadcast_in_dim3A_339 : f32 to vector<16xf32>
    %swap3A_341 = arith.constant 4 : i32
    %swap3A_342 = arith.index_cast %swap3A_341 : i32 to index
    %swap3A_343 = arith.constant 80 : index
    %swap3A_344 = tpu.vector_load %arg9[%swap3A_342, %swap3A_343] {strides = array<i32>} : memref<16x128xf32, #tpu.memory_space<vmem>>, vector<1x16xf32>,
    %swap3A_345 = vector.shape_cast %swap3A_344 : vector<1x16xf32> to vector<16xf32>
    %swap3A_346 = vector.shape_cast %broadcast_in_dim3A_340 : vector<16xf32> to vector<1x16xf32>
    tpu.vector_store %arg9[%swap3A_342, %swap3A_343], %swap3A_346 {strides = array<i32>} : memref<16x128xf32, #tpu.memory_space<vmem>>, vector<1x16xf32>,
    %broadcast_in_dim3A_347 = arith.constant 0.000000e+00 : f32
    %broadcast_in_dim3A_348 = vector.broadcast %broadcast_in_dim3A_347 : f32 to vector<16xf32>
    %swap3A_349 = arith.constant 4 : i32
    %swap3A_350 = arith.index_cast %swap3A_349 : i32 to index
    %swap3A_351 = arith.constant 96 : index
    %swap3A_352 = tpu.vector_load %arg9[%swap3A_350, %swap3A_351] {strides = array<i32>} : memref<16x128xf32, #tpu.memory_space<vmem>>, vector<1x16xf32>,
    %swap3A_353 = vector.shape_cast %swap3A_352 : vector<1x16xf32> to vector<16xf32>
    %swap3A_354 = vector.shape_cast %broadcast_in_dim3A_348 : vector<16xf32> to vector<1x16xf32>
    tpu.vector_store %arg9[%swap3A_350, %swap3A_351], %swap3A_354 {strides = array<i32>} : memref<16x128xf32, #tpu.memory_space<vmem>>, vector<1x16xf32>,
    %broadcast_in_dim3A_355 = arith.constant 0.000000e+00 : f32
    %broadcast_in_dim3A_356 = vector.broadcast %broadcast_in_dim3A_355 : f32 to vector<16xf32>
    %swap3A_357 = arith.constant 4 : i32
    %swap3A_358 = arith.index_cast %swap3A_357 : i32 to index
    %swap3A_359 = arith.constant 112 : index
    %swap3A_360 = tpu.vector_load %arg9[%swap3A_358, %swap3A_359] {strides = array<i32>} : memref<16x128xf32, #tpu.memory_space<vmem>>, vector<1x16xf32>,
    %swap3A_361 = vector.shape_cast %swap3A_360 : vector<1x16xf32> to vector<16xf32>
    %swap3A_362 = vector.shape_cast %broadcast_in_dim3A_356 : vector<16xf32> to vector<1x16xf32>
    tpu.vector_store %arg9[%swap3A_358, %swap3A_359], %swap3A_362 {strides = array<i32>} : memref<16x128xf32, #tpu.memory_space<vmem>>, vector<1x16xf32>,
    %broadcast_in_dim3A_363 = arith.constant 0.000000e+00 : f32
    %broadcast_in_dim3A_364 = vector.broadcast %broadcast_in_dim3A_363 : f32 to vector<16xf32>
    %swap3A_365 = arith.constant 5 : i32
    %swap3A_366 = arith.index_cast %swap3A_365 : i32 to index
    %swap3A_367 = arith.constant 0 : index
    %swap3A_368 = tpu.vector_load %arg9[%swap3A_366, %swap3A_367] {strides = array<i32>} : memref<16x128xf32, #tpu.memory_space<vmem>>, vector<1x16xf32>,
    %swap3A_369 = vector.shape_cast %swap3A_368 : vector<1x16xf32> to vector<16xf32>
    %swap3A_370 = vector.shape_cast %broadcast_in_dim3A_364 : vector<16xf32> to vector<1x16xf32>
    tpu.vector_store %arg9[%swap3A_366, %swap3A_367], %swap3A_370 {strides = array<i32>} : memref<16x128xf32, #tpu.memory_space<vmem>>, vector<1x16xf32>,
    %broadcast_in_dim3A_371 = arith.constant 0.000000e+00 : f32
    %broadcast_in_dim3A_372 = vector.broadcast %broadcast_in_dim3A_371 : f32 to vector<16xf32>
    %swap3A_373 = arith.constant 5 : i32
    %swap3A_374 = arith.index_cast %swap3A_373 : i32 to index
    %swap3A_375 = arith.constant 16 : index
    %swap3A_376 = tpu.vector_load %arg9[%swap3A_374, %swap3A_375] {strides = array<i32>} : memref<16x128xf32, #tpu.memory_space<vmem>>, vector<1x16xf32>,
    %swap3A_377 = vector.shape_cast %swap3A_376 : vector<1x16xf32> to vector<16xf32>
    %swap3A_378 = vector.shape_cast %broadcast_in_dim3A_372 : vector<16xf32> to vector<1x16xf32>
    tpu.vector_store %arg9[%swap3A_374, %swap3A_375], %swap3A_378 {strides = array<i32>} : memref<16x128xf32, #tpu.memory_space<vmem>>, vector<1x16xf32>,
    %broadcast_in_dim3A_379 = arith.constant 0.000000e+00 : f32
    %broadcast_in_dim3A_380 = vector.broadcast %broadcast_in_dim3A_379 : f32 to vector<16xf32>
    %swap3A_381 = arith.constant 5 : i32
    %swap3A_382 = arith.index_cast %swap3A_381 : i32 to index
    %swap3A_383 = arith.constant 32 : index
    %swap3A_384 = tpu.vector_load %arg9[%swap3A_382, %swap3A_383] {strides = array<i32>} : memref<16x128xf32, #tpu.memory_space<vmem>>, vector<1x16xf32>,
    %swap3A_385 = vector.shape_cast %swap3A_384 : vector<1x16xf32> to vector<16xf32>
    %swap3A_386 = vector.shape_cast %broadcast_in_dim3A_380 : vector<16xf32> to vector<1x16xf32>
    tpu.vector_store %arg9[%swap3A_382, %swap3A_383], %swap3A_386 {strides = array<i32>} : memref<16x128xf32, #tpu.memory_space<vmem>>, vector<1x16xf32>,
    %broadcast_in_dim3A_387 = arith.constant 0.000000e+00 : f32
    %broadcast_in_dim3A_388 = vector.broadcast %broadcast_in_dim3A_387 : f32 to vector<16xf32>
    %swap3A_389 = arith.constant 5 : i32
    %swap3A_390 = arith.index_cast %swap3A_389 : i32 to index
    %swap3A_391 = arith.constant 48 : index
    %swap3A_392 = tpu.vector_load %arg9[%swap3A_390, %swap3A_391] {strides = array<i32>} : memref<16x128xf32, #tpu.memory_space<vmem>>, vector<1x16xf32>,
    %swap3A_393 = vector.shape_cast %swap3A_392 : vector<1x16xf32> to vector<16xf32>
    %swap3A_394 = vector.shape_cast %broadcast_in_dim3A_388 : vector<16xf32> to vector<1x16xf32>
    tpu.vector_store %arg9[%swap3A_390, %swap3A_391], %swap3A_394 {strides = array<i32>} : memref<16x128xf32, #tpu.memory_space<vmem>>, vector<1x16xf32>,
    %broadcast_in_dim3A_395 = arith.constant 0.000000e+00 : f32
    %broadcast_in_dim3A_396 = vector.broadcast %broadcast_in_dim3A_395 : f32 to vector<16xf32>
    %swap3A_397 = arith.constant 5 : i32
    %swap3A_398 = arith.index_cast %swap3A_397 : i32 to index
    %swap3A_399 = arith.constant 64 : index
    %swap3A_400 = tpu.vector_load %arg9[%swap3A_398, %swap3A_399] {strides = array<i32>} : memref<16x128xf32, #tpu.memory_space<vmem>>, vector<1x16xf32>,
    %swap3A_401 = vector.shape_cast %swap3A_400 : vector<1x16xf32> to vector<16xf32>
    %swap3A_402 = vector.shape_cast %broadcast_in_dim3A_396 : vector<16xf32> to vector<1x16xf32>
    tpu.vector_store %arg9[%swap3A_398, %swap3A_399], %swap3A_402 {strides = array<i32>} : memref<16x128xf32, #tpu.memory_space<vmem>>, vector<1x16xf32>,
    %broadcast_in_dim3A_403 = arith.constant 0.000000e+00 : f32
    %broadcast_in_dim3A_404 = vector.broadcast %broadcast_in_dim3A_403 : f32 to vector<16xf32>
    %swap3A_405 = arith.constant 5 : i32
    %swap3A_406 = arith.index_cast %swap3A_405 : i32 to index
    %swap3A_407 = arith.constant 80 : index
    %swap3A_408 = tpu.vector_load %arg9[%swap3A_406, %swap3A_407] {strides = array<i32>} : memref<16x128xf32, #tpu.memory_space<vmem>>, vector<1x16xf32>,
    %swap3A_409 = vector.shape_cast %swap3A_408 : vector<1x16xf32> to vector<16xf32>
    %swap3A_410 = vector.shape_cast %broadcast_in_dim3A_404 : vector<16xf32> to vector<1x16xf32>
    tpu.vector_store %arg9[%swap3A_406, %swap3A_407], %swap3A_410 {strides = array<i32>} : memref<16x128xf32, #tpu.memory_space<vmem>>, vector<1x16xf32>,
    %broadcast_in_dim3A_411 = arith.constant 0.000000e+00 : f32
    %broadcast_in_dim3A_412 = vector.broadcast %broadcast_in_dim3A_411 : f32 to vector<16xf32>
    %swap3A_413 = arith.constant 5 : i32
    %swap3A_414 = arith.index_cast %swap3A_413 : i32 to index
    %swap3A_415 = arith.constant 96 : index
    %swap3A_416 = tpu.vector_load %arg9[%swap3A_414, %swap3A_415] {strides = array<i32>} : memref<16x128xf32, #tpu.memory_space<vmem>>, vector<1x16xf32>,
    %swap3A_417 = vector.shape_cast %swap3A_416 : vector<1x16xf32> to vector<16xf32>
    %swap3A_418 = vector.shape_cast %broadcast_in_dim3A_412 : vector<16xf32> to vector<1x16xf32>
    tpu.vector_store %arg9[%swap3A_414, %swap3A_415], %swap3A_418 {strides = array<i32>} : memref<16x128xf32, #tpu.memory_space<vmem>>, vector<1x16xf32>,
    %broadcast_in_dim3A_419 = arith.constant 0.000000e+00 : f32
    %broadcast_in_dim3A_420 = vector.broadcast %broadcast_in_dim3A_419 : f32 to vector<16xf32>
    %swap3A_421 = arith.constant 5 : i32
    %swap3A_422 = arith.index_cast %swap3A_421 : i32 to index
    %swap3A_423 = arith.constant 112 : index
    %swap3A_424 = tpu.vector_load %arg9[%swap3A_422, %swap3A_423] {strides = array<i32>} : memref<16x128xf32, #tpu.memory_space<vmem>>, vector<1x16xf32>,
    %swap3A_425 = vector.shape_cast %swap3A_424 : vector<1x16xf32> to vector<16xf32>
    %swap3A_426 = vector.shape_cast %broadcast_in_dim3A_420 : vector<16xf32> to vector<1x16xf32>
    tpu.vector_store %arg9[%swap3A_422, %swap3A_423], %swap3A_426 {strides = array<i32>} : memref<16x128xf32, #tpu.memory_space<vmem>>, vector<1x16xf32>,
    %broadcast_in_dim3A_427 = arith.constant 0.000000e+00 : f32
    %broadcast_in_dim3A_428 = vector.broadcast %broadcast_in_dim3A_427 : f32 to vector<16xf32>
    %swap3A_429 = arith.constant 6 : i32
    %swap3A_430 = arith.index_cast %swap3A_429 : i32 to index
    %swap3A_431 = arith.constant 0 : index
    %swap3A_432 = tpu.vector_load %arg9[%swap3A_430, %swap3A_431] {strides = array<i32>} : memref<16x128xf32, #tpu.memory_space<vmem>>, vector<1x16xf32>,
    %swap3A_433 = vector.shape_cast %swap3A_432 : vector<1x16xf32> to vector<16xf32>
    %swap3A_434 = vector.shape_cast %broadcast_in_dim3A_428 : vector<16xf32> to vector<1x16xf32>
    tpu.vector_store %arg9[%swap3A_430, %swap3A_431], %swap3A_434 {strides = array<i32>} : memref<16x128xf32, #tpu.memory_space<vmem>>, vector<1x16xf32>,
    %broadcast_in_dim3A_435 = arith.constant 0.000000e+00 : f32
    %broadcast_in_dim3A_436 = vector.broadcast %broadcast_in_dim3A_435 : f32 to vector<16xf32>
    %swap3A_437 = arith.constant 6 : i32
    %swap3A_438 = arith.index_cast %swap3A_437 : i32 to index
    %swap3A_439 = arith.constant 16 : index
    %swap3A_440 = tpu.vector_load %arg9[%swap3A_438, %swap3A_439] {strides = array<i32>} : memref<16x128xf32, #tpu.memory_space<vmem>>, vector<1x16xf32>,
    %swap3A_441 = vector.shape_cast %swap3A_440 : vector<1x16xf32> to vector<16xf32>
    %swap3A_442 = vector.shape_cast %broadcast_in_dim3A_436 : vector<16xf32> to vector<1x16xf32>
    tpu.vector_store %arg9[%swap3A_438, %swap3A_439], %swap3A_442 {strides = array<i32>} : memref<16x128xf32, #tpu.memory_space<vmem>>, vector<1x16xf32>,
    %broadcast_in_dim3A_443 = arith.constant 0.000000e+00 : f32
    %broadcast_in_dim3A_444 = vector.broadcast %broadcast_in_dim3A_443 : f32 to vector<16xf32>
    %swap3A_445 = arith.constant 6 : i32
    %swap3A_446 = arith.index_cast %swap3A_445 : i32 to index
    %swap3A_447 = arith.constant 32 : index
    %swap3A_448 = tpu.vector_load %arg9[%swap3A_446, %swap3A_447] {strides = array<i32>} : memref<16x128xf32, #tpu.memory_space<vmem>>, vector<1x16xf32>,
    %swap3A_449 = vector.shape_cast %swap3A_448 : vector<1x16xf32> to vector<16xf32>
    %swap3A_450 = vector.shape_cast %broadcast_in_dim3A_444 : vector<16xf32> to vector<1x16xf32>
    tpu.vector_store %arg9[%swap3A_446, %swap3A_447], %swap3A_450 {strides = array<i32>} : memref<16x128xf32, #tpu.memory_space<vmem>>, vector<1x16xf32>,
    %broadcast_in_dim3A_451 = arith.constant 0.000000e+00 : f32
    %broadcast_in_dim3A_452 = vector.broadcast %broadcast_in_dim3A_451 : f32 to vector<16xf32>
    %swap3A_453 = arith.constant 6 : i32
    %swap3A_454 = arith.index_cast %swap3A_453 : i32 to index
    %swap3A_455 = arith.constant 48 : index
    %swap3A_456 = tpu.vector_load %arg9[%swap3A_454, %swap3A_455] {strides = array<i32>} : memref<16x128xf32, #tpu.memory_space<vmem>>, vector<1x16xf32>,
    %swap3A_457 = vector.shape_cast %swap3A_456 : vector<1x16xf32> to vector<16xf32>
    %swap3A_458 = vector.shape_cast %broadcast_in_dim3A_452 : vector<16xf32> to vector<1x16xf32>
    tpu.vector_store %arg9[%swap3A_454, %swap3A_455], %swap3A_458 {strides = array<i32>} : memref<16x128xf32, #tpu.memory_space<vmem>>, vector<1x16xf32>,
    %broadcast_in_dim3A_459 = arith.constant 0.000000e+00 : f32
    %broadcast_in_dim3A_460 = vector.broadcast %broadcast_in_dim3A_459 : f32 to vector<16xf32>
    %swap3A_461 = arith.constant 6 : i32
    %swap3A_462 = arith.index_cast %swap3A_461 : i32 to index
    %swap3A_463 = arith.constant 64 : index
    %swap3A_464 = tpu.vector_load %arg9[%swap3A_462, %swap3A_463] {strides = array<i32>} : memref<16x128xf32, #tpu.memory_space<vmem>>, vector<1x16xf32>,
    %swap3A_465 = vector.shape_cast %swap3A_464 : vector<1x16xf32> to vector<16xf32>
    %swap3A_466 = vector.shape_cast %broadcast_in_dim3A_460 : vector<16xf32> to vector<1x16xf32>
    tpu.vector_store %arg9[%swap3A_462, %swap3A_463], %swap3A_466 {strides = array<i32>} : memref<16x128xf32, #tpu.memory_space<vmem>>, vector<1x16xf32>,
    %broadcast_in_dim3A_467 = arith.constant 0.000000e+00 : f32
    %broadcast_in_dim3A_468 = vector.broadcast %broadcast_in_dim3A_467 : f32 to vector<16xf32>
    %swap3A_469 = arith.constant 6 : i32
    %swap3A_470 = arith.index_cast %swap3A_469 : i32 to index
    %swap3A_471 = arith.constant 80 : index
    %swap3A_472 = tpu.vector_load %arg9[%swap3A_470, %swap3A_471] {strides = array<i32>} : memref<16x128xf32, #tpu.memory_space<vmem>>, vector<1x16xf32>,
    %swap3A_473 = vector.shape_cast %swap3A_472 : vector<1x16xf32> to vector<16xf32>
    %swap3A_474 = vector.shape_cast %broadcast_in_dim3A_468 : vector<16xf32> to vector<1x16xf32>
    tpu.vector_store %arg9[%swap3A_470, %swap3A_471], %swap3A_474 {strides = array<i32>} : memref<16x128xf32, #tpu.memory_space<vmem>>, vector<1x16xf32>,
    %broadcast_in_dim3A_475 = arith.constant 0.000000e+00 : f32
    %broadcast_in_dim3A_476 = vector.broadcast %broadcast_in_dim3A_475 : f32 to vector<16xf32>
    %swap3A_477 = arith.constant 6 : i32
    %swap3A_478 = arith.index_cast %swap3A_477 : i32 to index
    %swap3A_479 = arith.constant 96 : index
    %swap3A_480 = tpu.vector_load %arg9[%swap3A_478, %swap3A_479] {strides = array<i32>} : memref<16x128xf32, #tpu.memory_space<vmem>>, vector<1x16xf32>,
    %swap3A_481 = vector.shape_cast %swap3A_480 : vector<1x16xf32> to vector<16xf32>
    %swap3A_482 = vector.shape_cast %broadcast_in_dim3A_476 : vector<16xf32> to vector<1x16xf32>
    tpu.vector_store %arg9[%swap3A_478, %swap3A_479], %swap3A_482 {strides = array<i32>} : memref<16x128xf32, #tpu.memory_space<vmem>>, vector<1x16xf32>,
    %broadcast_in_dim3A_483 = arith.constant 0.000000e+00 : f32
    %broadcast_in_dim3A_484 = vector.broadcast %broadcast_in_dim3A_483 : f32 to vector<16xf32>
    %swap3A_485 = arith.constant 6 : i32
    %swap3A_486 = arith.index_cast %swap3A_485 : i32 to index
    %swap3A_487 = arith.constant 112 : index
    %swap3A_488 = tpu.vector_load %arg9[%swap3A_486, %swap3A_487] {strides = array<i32>} : memref<16x128xf32, #tpu.memory_space<vmem>>, vector<1x16xf32>,
    %swap3A_489 = vector.shape_cast %swap3A_488 : vector<1x16xf32> to vector<16xf32>
    %swap3A_490 = vector.shape_cast %broadcast_in_dim3A_484 : vector<16xf32> to vector<1x16xf32>
    tpu.vector_store %arg9[%swap3A_486, %swap3A_487], %swap3A_490 {strides = array<i32>} : memref<16x128xf32, #tpu.memory_space<vmem>>, vector<1x16xf32>,
    %broadcast_in_dim3A_491 = arith.constant 0.000000e+00 : f32
    %broadcast_in_dim3A_492 = vector.broadcast %broadcast_in_dim3A_491 : f32 to vector<16xf32>
    %swap3A_493 = arith.constant 7 : i32
    %swap3A_494 = arith.index_cast %swap3A_493 : i32 to index
    %swap3A_495 = arith.constant 0 : index
    %swap3A_496 = tpu.vector_load %arg9[%swap3A_494, %swap3A_495] {strides = array<i32>} : memref<16x128xf32, #tpu.memory_space<vmem>>, vector<1x16xf32>,
    %swap3A_497 = vector.shape_cast %swap3A_496 : vector<1x16xf32> to vector<16xf32>
    %swap3A_498 = vector.shape_cast %broadcast_in_dim3A_492 : vector<16xf32> to vector<1x16xf32>
    tpu.vector_store %arg9[%swap3A_494, %swap3A_495], %swap3A_498 {strides = array<i32>} : memref<16x128xf32, #tpu.memory_space<vmem>>, vector<1x16xf32>,
    %broadcast_in_dim3A_499 = arith.constant 0.000000e+00 : f32
    %broadcast_in_dim3A_500 = vector.broadcast %broadcast_in_dim3A_499 : f32 to vector<16xf32>
    %swap3A_501 = arith.constant 7 : i32
    %swap3A_502 = arith.index_cast %swap3A_501 : i32 to index
    %swap3A_503 = arith.constant 16 : index
    %swap3A_504 = tpu.vector_load %arg9[%swap3A_502, %swap3A_503] {strides = array<i32>} : memref<16x128xf32, #tpu.memory_space<vmem>>, vector<1x16xf32>,
    %swap3A_505 = vector.shape_cast %swap3A_504 : vector<1x16xf32> to vector<16xf32>
    %swap3A_506 = vector.shape_cast %broadcast_in_dim3A_500 : vector<16xf32> to vector<1x16xf32>
    tpu.vector_store %arg9[%swap3A_502, %swap3A_503], %swap3A_506 {strides = array<i32>} : memref<16x128xf32, #tpu.memory_space<vmem>>, vector<1x16xf32>,
    %broadcast_in_dim3A_507 = arith.constant 0.000000e+00 : f32
    %broadcast_in_dim3A_508 = vector.broadcast %broadcast_in_dim3A_507 : f32 to vector<16xf32>
    %swap3A_509 = arith.constant 7 : i32
    %swap3A_510 = arith.index_cast %swap3A_509 : i32 to index
    %swap3A_511 = arith.constant 32 : index
    %swap3A_512 = tpu.vector_load %arg9[%swap3A_510, %swap3A_511] {strides = array<i32>} : memref<16x128xf32, #tpu.memory_space<vmem>>, vector<1x16xf32>,
    %swap3A_513 = vector.shape_cast %swap3A_512 : vector<1x16xf32> to vector<16xf32>
    %swap3A_514 = vector.shape_cast %broadcast_in_dim3A_508 : vector<16xf32> to vector<1x16xf32>
    tpu.vector_store %arg9[%swap3A_510, %swap3A_511], %swap3A_514 {strides = array<i32>} : memref<16x128xf32, #tpu.memory_space<vmem>>, vector<1x16xf32>,
    %broadcast_in_dim3A_515 = arith.constant 0.000000e+00 : f32
    %broadcast_in_dim3A_516 = vector.broadcast %broadcast_in_dim3A_515 : f32 to vector<16xf32>
    %swap3A_517 = arith.constant 7 : i32
    %swap3A_518 = arith.index_cast %swap3A_517 : i32 to index
    %swap3A_519 = arith.constant 48 : index
    %swap3A_520 = tpu.vector_load %arg9[%swap3A_518, %swap3A_519] {strides = array<i32>} : memref<16x128xf32, #tpu.memory_space<vmem>>, vector<1x16xf32>,
    %swap3A_521 = vector.shape_cast %swap3A_520 : vector<1x16xf32> to vector<16xf32>
    %swap3A_522 = vector.shape_cast %broadcast_in_dim3A_516 : vector<16xf32> to vector<1x16xf32>
    tpu.vector_store %arg9[%swap3A_518, %swap3A_519], %swap3A_522 {strides = array<i32>} : memref<16x128xf32, #tpu.memory_space<vmem>>, vector<1x16xf32>,
    %broadcast_in_dim3A_523 = arith.constant 0.000000e+00 : f32
    %broadcast_in_dim3A_524 = vector.broadcast %broadcast_in_dim3A_523 : f32 to vector<16xf32>
    %swap3A_525 = arith.constant 7 : i32
    %swap3A_526 = arith.index_cast %swap3A_525 : i32 to index
    %swap3A_527 = arith.constant 64 : index
    %swap3A_528 = tpu.vector_load %arg9[%swap3A_526, %swap3A_527] {strides = array<i32>} : memref<16x128xf32, #tpu.memory_space<vmem>>, vector<1x16xf32>,
    %swap3A_529 = vector.shape_cast %swap3A_528 : vector<1x16xf32> to vector<16xf32>
    %swap3A_530 = vector.shape_cast %broadcast_in_dim3A_524 : vector<16xf32> to vector<1x16xf32>
    tpu.vector_store %arg9[%swap3A_526, %swap3A_527], %swap3A_530 {strides = array<i32>} : memref<16x128xf32, #tpu.memory_space<vmem>>, vector<1x16xf32>,
    %broadcast_in_dim3A_531 = arith.constant 0.000000e+00 : f32
    %broadcast_in_dim3A_532 = vector.broadcast %broadcast_in_dim3A_531 : f32 to vector<16xf32>
    %swap3A_533 = arith.constant 7 : i32
    %swap3A_534 = arith.index_cast %swap3A_533 : i32 to index
    %swap3A_535 = arith.constant 80 : index
    %swap3A_536 = tpu.vector_load %arg9[%swap3A_534, %swap3A_535] {strides = array<i32>} : memref<16x128xf32, #tpu.memory_space<vmem>>, vector<1x16xf32>,
    %swap3A_537 = vector.shape_cast %swap3A_536 : vector<1x16xf32> to vector<16xf32>
    %swap3A_538 = vector.shape_cast %broadcast_in_dim3A_532 : vector<16xf32> to vector<1x16xf32>
    tpu.vector_store %arg9[%swap3A_534, %swap3A_535], %swap3A_538 {strides = array<i32>} : memref<16x128xf32, #tpu.memory_space<vmem>>, vector<1x16xf32>,
    %broadcast_in_dim3A_539 = arith.constant 0.000000e+00 : f32
    %broadcast_in_dim3A_540 = vector.broadcast %broadcast_in_dim3A_539 : f32 to vector<16xf32>
    %swap3A_541 = arith.constant 7 : i32
    %swap3A_542 = arith.index_cast %swap3A_541 : i32 to index
    %swap3A_543 = arith.constant 96 : index
    %swap3A_544 = tpu.vector_load %arg9[%swap3A_542, %swap3A_543] {strides = array<i32>} : memref<16x128xf32, #tpu.memory_space<vmem>>, vector<1x16xf32>,
    %swap3A_545 = vector.shape_cast %swap3A_544 : vector<1x16xf32> to vector<16xf32>
    %swap3A_546 = vector.shape_cast %broadcast_in_dim3A_540 : vector<16xf32> to vector<1x16xf32>
    tpu.vector_store %arg9[%swap3A_542, %swap3A_543], %swap3A_546 {strides = array<i32>} : memref<16x128xf32, #tpu.memory_space<vmem>>, vector<1x16xf32>,
    %broadcast_in_dim3A_547 = arith.constant 0.000000e+00 : f32
    %broadcast_in_dim3A_548 = vector.broadcast %broadcast_in_dim3A_547 : f32 to vector<16xf32>
    %swap3A_549 = arith.constant 7 : i32
    %swap3A_550 = arith.index_cast %swap3A_549 : i32 to index
    %swap3A_551 = arith.constant 112 : index
    %swap3A_552 = tpu.vector_load %arg9[%swap3A_550, %swap3A_551] {strides = array<i32>} : memref<16x128xf32, #tpu.memory_space<vmem>>, vector<1x16xf32>,
    %swap3A_553 = vector.shape_cast %swap3A_552 : vector<1x16xf32> to vector<16xf32>
    %swap3A_554 = vector.shape_cast %broadcast_in_dim3A_548 : vector<16xf32> to vector<1x16xf32>
    tpu.vector_store %arg9[%swap3A_550, %swap3A_551], %swap3A_554 {strides = array<i32>} : memref<16x128xf32, #tpu.memory_space<vmem>>, vector<1x16xf32>,
    %broadcast_in_dim3A_555 = arith.constant 0.000000e+00 : f32
    %broadcast_in_dim3A_556 = vector.broadcast %broadcast_in_dim3A_555 : f32 to vector<16xf32>
    %swap3A_557 = arith.constant 8 : i32
    %swap3A_558 = arith.index_cast %swap3A_557 : i32 to index
    %swap3A_559 = arith.constant 0 : index
    %swap3A_560 = tpu.vector_load %arg9[%swap3A_558, %swap3A_559] {strides = array<i32>} : memref<16x128xf32, #tpu.memory_space<vmem>>, vector<1x16xf32>,
    %swap3A_561 = vector.shape_cast %swap3A_560 : vector<1x16xf32> to vector<16xf32>
    %swap3A_562 = vector.shape_cast %broadcast_in_dim3A_556 : vector<16xf32> to vector<1x16xf32>
    tpu.vector_store %arg9[%swap3A_558, %swap3A_559], %swap3A_562 {strides = array<i32>} : memref<16x128xf32, #tpu.memory_space<vmem>>, vector<1x16xf32>,
    %broadcast_in_dim3A_563 = arith.constant 0.000000e+00 : f32
    %broadcast_in_dim3A_564 = vector.broadcast %broadcast_in_dim3A_563 : f32 to vector<16xf32>
    %swap3A_565 = arith.constant 8 : i32
    %swap3A_566 = arith.index_cast %swap3A_565 : i32 to index
    %swap3A_567 = arith.constant 16 : index
    %swap3A_568 = tpu.vector_load %arg9[%swap3A_566, %swap3A_567] {strides = array<i32>} : memref<16x128xf32, #tpu.memory_space<vmem>>, vector<1x16xf32>,
    %swap3A_569 = vector.shape_cast %swap3A_568 : vector<1x16xf32> to vector<16xf32>
    %swap3A_570 = vector.shape_cast %broadcast_in_dim3A_564 : vector<16xf32> to vector<1x16xf32>
    tpu.vector_store %arg9[%swap3A_566, %swap3A_567], %swap3A_570 {strides = array<i32>} : memref<16x128xf32, #tpu.memory_space<vmem>>, vector<1x16xf32>,
    %broadcast_in_dim3A_571 = arith.constant 0.000000e+00 : f32
    %broadcast_in_dim3A_572 = vector.broadcast %broadcast_in_dim3A_571 : f32 to vector<16xf32>
    %swap3A_573 = arith.constant 8 : i32
    %swap3A_574 = arith.index_cast %swap3A_573 : i32 to index
    %swap3A_575 = arith.constant 32 : index
    %swap3A_576 = tpu.vector_load %arg9[%swap3A_574, %swap3A_575] {strides = array<i32>} : memref<16x128xf32, #tpu.memory_space<vmem>>, vector<1x16xf32>,
    %swap3A_577 = vector.shape_cast %swap3A_576 : vector<1x16xf32> to vector<16xf32>
    %swap3A_578 = vector.shape_cast %broadcast_in_dim3A_572 : vector<16xf32> to vector<1x16xf32>
    tpu.vector_store %arg9[%swap3A_574, %swap3A_575], %swap3A_578 {strides = array<i32>} : memref<16x128xf32, #tpu.memory_space<vmem>>, vector<1x16xf32>,
    %broadcast_in_dim3A_579 = arith.constant 0.000000e+00 : f32
    %broadcast_in_dim3A_580 = vector.broadcast %broadcast_in_dim3A_579 : f32 to vector<16xf32>
    %swap3A_581 = arith.constant 8 : i32
    %swap3A_582 = arith.index_cast %swap3A_581 : i32 to index
    %swap3A_583 = arith.constant 48 : index
    %swap3A_584 = tpu.vector_load %arg9[%swap3A_582, %swap3A_583] {strides = array<i32>} : memref<16x128xf32, #tpu.memory_space<vmem>>, vector<1x16xf32>,
    %swap3A_585 = vector.shape_cast %swap3A_584 : vector<1x16xf32> to vector<16xf32>
    %swap3A_586 = vector.shape_cast %broadcast_in_dim3A_580 : vector<16xf32> to vector<1x16xf32>
    tpu.vector_store %arg9[%swap3A_582, %swap3A_583], %swap3A_586 {strides = array<i32>} : memref<16x128xf32, #tpu.memory_space<vmem>>, vector<1x16xf32>,
    %broadcast_in_dim3A_587 = arith.constant 0.000000e+00 : f32
    %broadcast_in_dim3A_588 = vector.broadcast %broadcast_in_dim3A_587 : f32 to vector<16xf32>
    %swap3A_589 = arith.constant 8 : i32
    %swap3A_590 = arith.index_cast %swap3A_589 : i32 to index
    %swap3A_591 = arith.constant 64 : index
    %swap3A_592 = tpu.vector_load %arg9[%swap3A_590, %swap3A_591] {strides = array<i32>} : memref<16x128xf32, #tpu.memory_space<vmem>>, vector<1x16xf32>,
    %swap3A_593 = vector.shape_cast %swap3A_592 : vector<1x16xf32> to vector<16xf32>
    %swap3A_594 = vector.shape_cast %broadcast_in_dim3A_588 : vector<16xf32> to vector<1x16xf32>
    tpu.vector_store %arg9[%swap3A_590, %swap3A_591], %swap3A_594 {strides = array<i32>} : memref<16x128xf32, #tpu.memory_space<vmem>>, vector<1x16xf32>,
    %broadcast_in_dim3A_595 = arith.constant 0.000000e+00 : f32
    %broadcast_in_dim3A_596 = vector.broadcast %broadcast_in_dim3A_595 : f32 to vector<16xf32>
    %swap3A_597 = arith.constant 8 : i32
    %swap3A_598 = arith.index_cast %swap3A_597 : i32 to index
    %swap3A_599 = arith.constant 80 : index
    %swap3A_600 = tpu.vector_load %arg9[%swap3A_598, %swap3A_599] {strides = array<i32>} : memref<16x128xf32, #tpu.memory_space<vmem>>, vector<1x16xf32>,
    %swap3A_601 = vector.shape_cast %swap3A_600 : vector<1x16xf32> to vector<16xf32>
    %swap3A_602 = vector.shape_cast %broadcast_in_dim3A_596 : vector<16xf32> to vector<1x16xf32>
    tpu.vector_store %arg9[%swap3A_598, %swap3A_599], %swap3A_602 {strides = array<i32>} : memref<16x128xf32, #tpu.memory_space<vmem>>, vector<1x16xf32>,
    %broadcast_in_dim3A_603 = arith.constant 0.000000e+00 : f32
    %broadcast_in_dim3A_604 = vector.broadcast %broadcast_in_dim3A_603 : f32 to vector<16xf32>
    %swap3A_605 = arith.constant 8 : i32
    %swap3A_606 = arith.index_cast %swap3A_605 : i32 to index
    %swap3A_607 = arith.constant 96 : index
    %swap3A_608 = tpu.vector_load %arg9[%swap3A_606, %swap3A_607] {strides = array<i32>} : memref<16x128xf32, #tpu.memory_space<vmem>>, vector<1x16xf32>,
    %swap3A_609 = vector.shape_cast %swap3A_608 : vector<1x16xf32> to vector<16xf32>
    %swap3A_610 = vector.shape_cast %broadcast_in_dim3A_604 : vector<16xf32> to vector<1x16xf32>
    tpu.vector_store %arg9[%swap3A_606, %swap3A_607], %swap3A_610 {strides = array<i32>} : memref<16x128xf32, #tpu.memory_space<vmem>>, vector<1x16xf32>,
    %broadcast_in_dim3A_611 = arith.constant 0.000000e+00 : f32
    %broadcast_in_dim3A_612 = vector.broadcast %broadcast_in_dim3A_611 : f32 to vector<16xf32>
    %swap3A_613 = arith.constant 8 : i32
    %swap3A_614 = arith.index_cast %swap3A_613 : i32 to index
    %swap3A_615 = arith.constant 112 : index
    %swap3A_616 = tpu.vector_load %arg9[%swap3A_614, %swap3A_615] {strides = array<i32>} : memref<16x128xf32, #tpu.memory_space<vmem>>, vector<1x16xf32>,
    %swap3A_617 = vector.shape_cast %swap3A_616 : vector<1x16xf32> to vector<16xf32>
    %swap3A_618 = vector.shape_cast %broadcast_in_dim3A_612 : vector<16xf32> to vector<1x16xf32>
    tpu.vector_store %arg9[%swap3A_614, %swap3A_615], %swap3A_618 {strides = array<i32>} : memref<16x128xf32, #tpu.memory_space<vmem>>, vector<1x16xf32>,
    %broadcast_in_dim3A_619 = arith.constant 0.000000e+00 : f32
    %broadcast_in_dim3A_620 = vector.broadcast %broadcast_in_dim3A_619 : f32 to vector<16xf32>
    %swap3A_621 = arith.constant 9 : i32
    %swap3A_622 = arith.index_cast %swap3A_621 : i32 to index
    %swap3A_623 = arith.constant 0 : index
    %swap3A_624 = tpu.vector_load %arg9[%swap3A_622, %swap3A_623] {strides = array<i32>} : memref<16x128xf32, #tpu.memory_space<vmem>>, vector<1x16xf32>,
    %swap3A_625 = vector.shape_cast %swap3A_624 : vector<1x16xf32> to vector<16xf32>
    %swap3A_626 = vector.shape_cast %broadcast_in_dim3A_620 : vector<16xf32> to vector<1x16xf32>
    tpu.vector_store %arg9[%swap3A_622, %swap3A_623], %swap3A_626 {strides = array<i32>} : memref<16x128xf32, #tpu.memory_space<vmem>>, vector<1x16xf32>,
    %broadcast_in_dim3A_627 = arith.constant 0.000000e+00 : f32
    %broadcast_in_dim3A_628 = vector.broadcast %broadcast_in_dim3A_627 : f32 to vector<16xf32>
    %swap3A_629 = arith.constant 9 : i32
    %swap3A_630 = arith.index_cast %swap3A_629 : i32 to index
    %swap3A_631 = arith.constant 16 : index
    %swap3A_632 = tpu.vector_load %arg9[%swap3A_630, %swap3A_631] {strides = array<i32>} : memref<16x128xf32, #tpu.memory_space<vmem>>, vector<1x16xf32>,
    %swap3A_633 = vector.shape_cast %swap3A_632 : vector<1x16xf32> to vector<16xf32>
    %swap3A_634 = vector.shape_cast %broadcast_in_dim3A_628 : vector<16xf32> to vector<1x16xf32>
    tpu.vector_store %arg9[%swap3A_630, %swap3A_631], %swap3A_634 {strides = array<i32>} : memref<16x128xf32, #tpu.memory_space<vmem>>, vector<1x16xf32>,
    %broadcast_in_dim3A_635 = arith.constant 0.000000e+00 : f32
    %broadcast_in_dim3A_636 = vector.broadcast %broadcast_in_dim3A_635 : f32 to vector<16xf32>
    %swap3A_637 = arith.constant 9 : i32
    %swap3A_638 = arith.index_cast %swap3A_637 : i32 to index
    %swap3A_639 = arith.constant 32 : index
    %swap3A_640 = tpu.vector_load %arg9[%swap3A_638, %swap3A_639] {strides = array<i32>} : memref<16x128xf32, #tpu.memory_space<vmem>>, vector<1x16xf32>,
    %swap3A_641 = vector.shape_cast %swap3A_640 : vector<1x16xf32> to vector<16xf32>
    %swap3A_642 = vector.shape_cast %broadcast_in_dim3A_636 : vector<16xf32> to vector<1x16xf32>
    tpu.vector_store %arg9[%swap3A_638, %swap3A_639], %swap3A_642 {strides = array<i32>} : memref<16x128xf32, #tpu.memory_space<vmem>>, vector<1x16xf32>,
    %broadcast_in_dim3A_643 = arith.constant 0.000000e+00 : f32
    %broadcast_in_dim3A_644 = vector.broadcast %broadcast_in_dim3A_643 : f32 to vector<16xf32>
    %swap3A_645 = arith.constant 9 : i32
    %swap3A_646 = arith.index_cast %swap3A_645 : i32 to index
    %swap3A_647 = arith.constant 48 : index
    %swap3A_648 = tpu.vector_load %arg9[%swap3A_646, %swap3A_647] {strides = array<i32>} : memref<16x128xf32, #tpu.memory_space<vmem>>, vector<1x16xf32>,
    %swap3A_649 = vector.shape_cast %swap3A_648 : vector<1x16xf32> to vector<16xf32>
    %swap3A_650 = vector.shape_cast %broadcast_in_dim3A_644 : vector<16xf32> to vector<1x16xf32>
    tpu.vector_store %arg9[%swap3A_646, %swap3A_647], %swap3A_650 {strides = array<i32>} : memref<16x128xf32, #tpu.memory_space<vmem>>, vector<1x16xf32>,
    %broadcast_in_dim3A_651 = arith.constant 0.000000e+00 : f32
    %broadcast_in_dim3A_652 = vector.broadcast %broadcast_in_dim3A_651 : f32 to vector<16xf32>
    %swap3A_653 = arith.constant 9 : i32
    %swap3A_654 = arith.index_cast %swap3A_653 : i32 to index
    %swap3A_655 = arith.constant 64 : index
    %swap3A_656 = tpu.vector_load %arg9[%swap3A_654, %swap3A_655] {strides = array<i32>} : memref<16x128xf32, #tpu.memory_space<vmem>>, vector<1x16xf32>,
    %swap3A_657 = vector.shape_cast %swap3A_656 : vector<1x16xf32> to vector<16xf32>
    %swap3A_658 = vector.shape_cast %broadcast_in_dim3A_652 : vector<16xf32> to vector<1x16xf32>
    tpu.vector_store %arg9[%swap3A_654, %swap3A_655], %swap3A_658 {strides = array<i32>} : memref<16x128xf32, #tpu.memory_space<vmem>>, vector<1x16xf32>,
    %broadcast_in_dim3A_659 = arith.constant 0.000000e+00 : f32
    %broadcast_in_dim3A_660 = vector.broadcast %broadcast_in_dim3A_659 : f32 to vector<16xf32>
    %swap3A_661 = arith.constant 9 : i32
    %swap3A_662 = arith.index_cast %swap3A_661 : i32 to index
    %swap3A_663 = arith.constant 80 : index
    %swap3A_664 = tpu.vector_load %arg9[%swap3A_662, %swap3A_663] {strides = array<i32>} : memref<16x128xf32, #tpu.memory_space<vmem>>, vector<1x16xf32>,
    %swap3A_665 = vector.shape_cast %swap3A_664 : vector<1x16xf32> to vector<16xf32>
    %swap3A_666 = vector.shape_cast %broadcast_in_dim3A_660 : vector<16xf32> to vector<1x16xf32>
    tpu.vector_store %arg9[%swap3A_662, %swap3A_663], %swap3A_666 {strides = array<i32>} : memref<16x128xf32, #tpu.memory_space<vmem>>, vector<1x16xf32>,
    %broadcast_in_dim3A_667 = arith.constant 0.000000e+00 : f32
    %broadcast_in_dim3A_668 = vector.broadcast %broadcast_in_dim3A_667 : f32 to vector<16xf32>
    %swap3A_669 = arith.constant 9 : i32
    %swap3A_670 = arith.index_cast %swap3A_669 : i32 to index
    %swap3A_671 = arith.constant 96 : index
    %swap3A_672 = tpu.vector_load %arg9[%swap3A_670, %swap3A_671] {strides = array<i32>} : memref<16x128xf32, #tpu.memory_space<vmem>>, vector<1x16xf32>,
    %swap3A_673 = vector.shape_cast %swap3A_672 : vector<1x16xf32> to vector<16xf32>
    %swap3A_674 = vector.shape_cast %broadcast_in_dim3A_668 : vector<16xf32> to vector<1x16xf32>
    tpu.vector_store %arg9[%swap3A_670, %swap3A_671], %swap3A_674 {strides = array<i32>} : memref<16x128xf32, #tpu.memory_space<vmem>>, vector<1x16xf32>,
    %broadcast_in_dim3A_675 = arith.constant 0.000000e+00 : f32
    %broadcast_in_dim3A_676 = vector.broadcast %broadcast_in_dim3A_675 : f32 to vector<16xf32>
    %swap3A_677 = arith.constant 9 : i32
    %swap3A_678 = arith.index_cast %swap3A_677 : i32 to index
    %swap3A_679 = arith.constant 112 : index
    %swap3A_680 = tpu.vector_load %arg9[%swap3A_678, %swap3A_679] {strides = array<i32>} : memref<16x128xf32, #tpu.memory_space<vmem>>, vector<1x16xf32>,
    %swap3A_681 = vector.shape_cast %swap3A_680 : vector<1x16xf32> to vector<16xf32>
    %swap3A_682 = vector.shape_cast %broadcast_in_dim3A_676 : vector<16xf32> to vector<1x16xf32>
    tpu.vector_store %arg9[%swap3A_678, %swap3A_679], %swap3A_682 {strides = array<i32>} : memref<16x128xf32, #tpu.memory_space<vmem>>, vector<1x16xf32>,
    %broadcast_in_dim3A_683 = arith.constant 0.000000e+00 : f32
    %broadcast_in_dim3A_684 = vector.broadcast %broadcast_in_dim3A_683 : f32 to vector<16xf32>
    %swap3A_685 = arith.constant 10 : i32
    %swap3A_686 = arith.index_cast %swap3A_685 : i32 to index
    %swap3A_687 = arith.constant 0 : index
    %swap3A_688 = tpu.vector_load %arg9[%swap3A_686, %swap3A_687] {strides = array<i32>} : memref<16x128xf32, #tpu.memory_space<vmem>>, vector<1x16xf32>,
    %swap3A_689 = vector.shape_cast %swap3A_688 : vector<1x16xf32> to vector<16xf32>
    %swap3A_690 = vector.shape_cast %broadcast_in_dim3A_684 : vector<16xf32> to vector<1x16xf32>
    tpu.vector_store %arg9[%swap3A_686, %swap3A_687], %swap3A_690 {strides = array<i32>} : memref<16x128xf32, #tpu.memory_space<vmem>>, vector<1x16xf32>,
    %broadcast_in_dim3A_691 = arith.constant 0.000000e+00 : f32
    %broadcast_in_dim3A_692 = vector.broadcast %broadcast_in_dim3A_691 : f32 to vector<16xf32>
    %swap3A_693 = arith.constant 10 : i32
    %swap3A_694 = arith.index_cast %swap3A_693 : i32 to index
    %swap3A_695 = arith.constant 16 : index
    %swap3A_696 = tpu.vector_load %arg9[%swap3A_694, %swap3A_695] {strides = array<i32>} : memref<16x128xf32, #tpu.memory_space<vmem>>, vector<1x16xf32>,
    %swap3A_697 = vector.shape_cast %swap3A_696 : vector<1x16xf32> to vector<16xf32>
    %swap3A_698 = vector.shape_cast %broadcast_in_dim3A_692 : vector<16xf32> to vector<1x16xf32>
    tpu.vector_store %arg9[%swap3A_694, %swap3A_695], %swap3A_698 {strides = array<i32>} : memref<16x128xf32, #tpu.memory_space<vmem>>, vector<1x16xf32>,
    %broadcast_in_dim3A_699 = arith.constant 0.000000e+00 : f32
    %broadcast_in_dim3A_700 = vector.broadcast %broadcast_in_dim3A_699 : f32 to vector<16xf32>
    %swap3A_701 = arith.constant 10 : i32
    %swap3A_702 = arith.index_cast %swap3A_701 : i32 to index
    %swap3A_703 = arith.constant 32 : index
    %swap3A_704 = tpu.vector_load %arg9[%swap3A_702, %swap3A_703] {strides = array<i32>} : memref<16x128xf32, #tpu.memory_space<vmem>>, vector<1x16xf32>,
    %swap3A_705 = vector.shape_cast %swap3A_704 : vector<1x16xf32> to vector<16xf32>
    %swap3A_706 = vector.shape_cast %broadcast_in_dim3A_700 : vector<16xf32> to vector<1x16xf32>
    tpu.vector_store %arg9[%swap3A_702, %swap3A_703], %swap3A_706 {strides = array<i32>} : memref<16x128xf32, #tpu.memory_space<vmem>>, vector<1x16xf32>,
    %broadcast_in_dim3A_707 = arith.constant 0.000000e+00 : f32
    %broadcast_in_dim3A_708 = vector.broadcast %broadcast_in_dim3A_707 : f32 to vector<16xf32>
    %swap3A_709 = arith.constant 10 : i32
    %swap3A_710 = arith.index_cast %swap3A_709 : i32 to index
    %swap3A_711 = arith.constant 48 : index
    %swap3A_712 = tpu.vector_load %arg9[%swap3A_710, %swap3A_711] {strides = array<i32>} : memref<16x128xf32, #tpu.memory_space<vmem>>, vector<1x16xf32>,
    %swap3A_713 = vector.shape_cast %swap3A_712 : vector<1x16xf32> to vector<16xf32>
    %swap3A_714 = vector.shape_cast %broadcast_in_dim3A_708 : vector<16xf32> to vector<1x16xf32>
    tpu.vector_store %arg9[%swap3A_710, %swap3A_711], %swap3A_714 {strides = array<i32>} : memref<16x128xf32, #tpu.memory_space<vmem>>, vector<1x16xf32>,
    %broadcast_in_dim3A_715 = arith.constant 0.000000e+00 : f32
    %broadcast_in_dim3A_716 = vector.broadcast %broadcast_in_dim3A_715 : f32 to vector<16xf32>
    %swap3A_717 = arith.constant 10 : i32
    %swap3A_718 = arith.index_cast %swap3A_717 : i32 to index
    %swap3A_719 = arith.constant 64 : index
    %swap3A_720 = tpu.vector_load %arg9[%swap3A_718, %swap3A_719] {strides = array<i32>} : memref<16x128xf32, #tpu.memory_space<vmem>>, vector<1x16xf32>,
    %swap3A_721 = vector.shape_cast %swap3A_720 : vector<1x16xf32> to vector<16xf32>
    %swap3A_722 = vector.shape_cast %broadcast_in_dim3A_716 : vector<16xf32> to vector<1x16xf32>
    tpu.vector_store %arg9[%swap3A_718, %swap3A_719], %swap3A_722 {strides = array<i32>} : memref<16x128xf32, #tpu.memory_space<vmem>>, vector<1x16xf32>,
    %broadcast_in_dim3A_723 = arith.constant 0.000000e+00 : f32
    %broadcast_in_dim3A_724 = vector.broadcast %broadcast_in_dim3A_723 : f32 to vector<16xf32>
    %swap3A_725 = arith.constant 10 : i32
    %swap3A_726 = arith.index_cast %swap3A_725 : i32 to index
    %swap3A_727 = arith.constant 80 : index
    %swap3A_728 = tpu.vector_load %arg9[%swap3A_726, %swap3A_727] {strides = array<i32>} : memref<16x128xf32, #tpu.memory_space<vmem>>, vector<1x16xf32>,
    %swap3A_729 = vector.shape_cast %swap3A_728 : vector<1x16xf32> to vector<16xf32>
    %swap3A_730 = vector.shape_cast %broadcast_in_dim3A_724 : vector<16xf32> to vector<1x16xf32>
    tpu.vector_store %arg9[%swap3A_726, %swap3A_727], %swap3A_730 {strides = array<i32>} : memref<16x128xf32, #tpu.memory_space<vmem>>, vector<1x16xf32>,
    %broadcast_in_dim3A_731 = arith.constant 0.000000e+00 : f32
    %broadcast_in_dim3A_732 = vector.broadcast %broadcast_in_dim3A_731 : f32 to vector<16xf32>
    %swap3A_733 = arith.constant 10 : i32
    %swap3A_734 = arith.index_cast %swap3A_733 : i32 to index
    %swap3A_735 = arith.constant 96 : index
    %swap3A_736 = tpu.vector_load %arg9[%swap3A_734, %swap3A_735] {strides = array<i32>} : memref<16x128xf32, #tpu.memory_space<vmem>>, vector<1x16xf32>,
    %swap3A_737 = vector.shape_cast %swap3A_736 : vector<1x16xf32> to vector<16xf32>
    %swap3A_738 = vector.shape_cast %broadcast_in_dim3A_732 : vector<16xf32> to vector<1x16xf32>
    tpu.vector_store %arg9[%swap3A_734, %swap3A_735], %swap3A_738 {strides = array<i32>} : memref<16x128xf32, #tpu.memory_space<vmem>>, vector<1x16xf32>,
    %broadcast_in_dim3A_739 = arith.constant 0.000000e+00 : f32
    %broadcast_in_dim3A_740 = vector.broadcast %broadcast_in_dim3A_739 : f32 to vector<16xf32>
    %swap3A_741 = arith.constant 10 : i32
    %swap3A_742 = arith.index_cast %swap3A_741 : i32 to index
    %swap3A_743 = arith.constant 112 : index
    %swap3A_744 = tpu.vector_load %arg9[%swap3A_742, %swap3A_743] {strides = array<i32>} : memref<16x128xf32, #tpu.memory_space<vmem>>, vector<1x16xf32>,
    %swap3A_745 = vector.shape_cast %swap3A_744 : vector<1x16xf32> to vector<16xf32>
    %swap3A_746 = vector.shape_cast %broadcast_in_dim3A_740 : vector<16xf32> to vector<1x16xf32>
    tpu.vector_store %arg9[%swap3A_742, %swap3A_743], %swap3A_746 {strides = array<i32>} : memref<16x128xf32, #tpu.memory_space<vmem>>, vector<1x16xf32>,
    %broadcast_in_dim3A_747 = arith.constant 0.000000e+00 : f32
    %broadcast_in_dim3A_748 = vector.broadcast %broadcast_in_dim3A_747 : f32 to vector<16xf32>
    %swap3A_749 = arith.constant 11 : i32
    %swap3A_750 = arith.index_cast %swap3A_749 : i32 to index
    %swap3A_751 = arith.constant 0 : index
    %swap3A_752 = tpu.vector_load %arg9[%swap3A_750, %swap3A_751] {strides = array<i32>} : memref<16x128xf32, #tpu.memory_space<vmem>>, vector<1x16xf32>,
    %swap3A_753 = vector.shape_cast %swap3A_752 : vector<1x16xf32> to vector<16xf32>
    %swap3A_754 = vector.shape_cast %broadcast_in_dim3A_748 : vector<16xf32> to vector<1x16xf32>
    tpu.vector_store %arg9[%swap3A_750, %swap3A_751], %swap3A_754 {strides = array<i32>} : memref<16x128xf32, #tpu.memory_space<vmem>>, vector<1x16xf32>,
    %broadcast_in_dim3A_755 = arith.constant 0.000000e+00 : f32
    %broadcast_in_dim3A_756 = vector.broadcast %broadcast_in_dim3A_755 : f32 to vector<16xf32>
    %swap3A_757 = arith.constant 11 : i32
    %swap3A_758 = arith.index_cast %swap3A_757 : i32 to index
    %swap3A_759 = arith.constant 16 : index
    %swap3A_760 = tpu.vector_load %arg9[%swap3A_758, %swap3A_759] {strides = array<i32>} : memref<16x128xf32, #tpu.memory_space<vmem>>, vector<1x16xf32>,
    %swap3A_761 = vector.shape_cast %swap3A_760 : vector<1x16xf32> to vector<16xf32>
    %swap3A_762 = vector.shape_cast %broadcast_in_dim3A_756 : vector<16xf32> to vector<1x16xf32>
    tpu.vector_store %arg9[%swap3A_758, %swap3A_759], %swap3A_762 {strides = array<i32>} : memref<16x128xf32, #tpu.memory_space<vmem>>, vector<1x16xf32>,
    %broadcast_in_dim3A_763 = arith.constant 0.000000e+00 : f32
    %broadcast_in_dim3A_764 = vector.broadcast %broadcast_in_dim3A_763 : f32 to vector<16xf32>
    %swap3A_765 = arith.constant 11 : i32
    %swap3A_766 = arith.index_cast %swap3A_765 : i32 to index
    %swap3A_767 = arith.constant 32 : index
    %swap3A_768 = tpu.vector_load %arg9[%swap3A_766, %swap3A_767] {strides = array<i32>} : memref<16x128xf32, #tpu.memory_space<vmem>>, vector<1x16xf32>,
    %swap3A_769 = vector.shape_cast %swap3A_768 : vector<1x16xf32> to vector<16xf32>
    %swap3A_770 = vector.shape_cast %broadcast_in_dim3A_764 : vector<16xf32> to vector<1x16xf32>
    tpu.vector_store %arg9[%swap3A_766, %swap3A_767], %swap3A_770 {strides = array<i32>} : memref<16x128xf32, #tpu.memory_space<vmem>>, vector<1x16xf32>,
    %broadcast_in_dim3A_771 = arith.constant 0.000000e+00 : f32
    %broadcast_in_dim3A_772 = vector.broadcast %broadcast_in_dim3A_771 : f32 to vector<16xf32>
    %swap3A_773 = arith.constant 11 : i32
    %swap3A_774 = arith.index_cast %swap3A_773 : i32 to index
    %swap3A_775 = arith.constant 48 : index
    %swap3A_776 = tpu.vector_load %arg9[%swap3A_774, %swap3A_775] {strides = array<i32>} : memref<16x128xf32, #tpu.memory_space<vmem>>, vector<1x16xf32>,
    %swap3A_777 = vector.shape_cast %swap3A_776 : vector<1x16xf32> to vector<16xf32>
    %swap3A_778 = vector.shape_cast %broadcast_in_dim3A_772 : vector<16xf32> to vector<1x16xf32>
    tpu.vector_store %arg9[%swap3A_774, %swap3A_775], %swap3A_778 {strides = array<i32>} : memref<16x128xf32, #tpu.memory_space<vmem>>, vector<1x16xf32>,
    %broadcast_in_dim3A_779 = arith.constant 0.000000e+00 : f32
    %broadcast_in_dim3A_780 = vector.broadcast %broadcast_in_dim3A_779 : f32 to vector<16xf32>
    %swap3A_781 = arith.constant 11 : i32
    %swap3A_782 = arith.index_cast %swap3A_781 : i32 to index
    %swap3A_783 = arith.constant 64 : index
    %swap3A_784 = tpu.vector_load %arg9[%swap3A_782, %swap3A_783] {strides = array<i32>} : memref<16x128xf32, #tpu.memory_space<vmem>>, vector<1x16xf32>,
    %swap3A_785 = vector.shape_cast %swap3A_784 : vector<1x16xf32> to vector<16xf32>
    %swap3A_786 = vector.shape_cast %broadcast_in_dim3A_780 : vector<16xf32> to vector<1x16xf32>
    tpu.vector_store %arg9[%swap3A_782, %swap3A_783], %swap3A_786 {strides = array<i32>} : memref<16x128xf32, #tpu.memory_space<vmem>>, vector<1x16xf32>,
    %broadcast_in_dim3A_787 = arith.constant 0.000000e+00 : f32
    %broadcast_in_dim3A_788 = vector.broadcast %broadcast_in_dim3A_787 : f32 to vector<16xf32>
    %swap3A_789 = arith.constant 11 : i32
    %swap3A_790 = arith.index_cast %swap3A_789 : i32 to index
    %swap3A_791 = arith.constant 80 : index
    %swap3A_792 = tpu.vector_load %arg9[%swap3A_790, %swap3A_791] {strides = array<i32>} : memref<16x128xf32, #tpu.memory_space<vmem>>, vector<1x16xf32>,
    %swap3A_793 = vector.shape_cast %swap3A_792 : vector<1x16xf32> to vector<16xf32>
    %swap3A_794 = vector.shape_cast %broadcast_in_dim3A_788 : vector<16xf32> to vector<1x16xf32>
    tpu.vector_store %arg9[%swap3A_790, %swap3A_791], %swap3A_794 {strides = array<i32>} : memref<16x128xf32, #tpu.memory_space<vmem>>, vector<1x16xf32>,
    %broadcast_in_dim3A_795 = arith.constant 0.000000e+00 : f32
    %broadcast_in_dim3A_796 = vector.broadcast %broadcast_in_dim3A_795 : f32 to vector<16xf32>
    %swap3A_797 = arith.constant 11 : i32
    %swap3A_798 = arith.index_cast %swap3A_797 : i32 to index
    %swap3A_799 = arith.constant 96 : index
    %swap3A_800 = tpu.vector_load %arg9[%swap3A_798, %swap3A_799] {strides = array<i32>} : memref<16x128xf32, #tpu.memory_space<vmem>>, vector<1x16xf32>,
    %swap3A_801 = vector.shape_cast %swap3A_800 : vector<1x16xf32> to vector<16xf32>
    %swap3A_802 = vector.shape_cast %broadcast_in_dim3A_796 : vector<16xf32> to vector<1x16xf32>
    tpu.vector_store %arg9[%swap3A_798, %swap3A_799], %swap3A_802 {strides = array<i32>} : memref<16x128xf32, #tpu.memory_space<vmem>>, vector<1x16xf32>,
    %broadcast_in_dim3A_803 = arith.constant 0.000000e+00 : f32
    %broadcast_in_dim3A_804 = vector.broadcast %broadcast_in_dim3A_803 : f32 to vector<16xf32>
    %swap3A_805 = arith.constant 11 : i32
    %swap3A_806 = arith.index_cast %swap3A_805 : i32 to index
    %swap3A_807 = arith.constant 112 : index
    %swap3A_808 = tpu.vector_load %arg9[%swap3A_806, %swap3A_807] {strides = array<i32>} : memref<16x128xf32, #tpu.memory_space<vmem>>, vector<1x16xf32>,
    %swap3A_809 = vector.shape_cast %swap3A_808 : vector<1x16xf32> to vector<16xf32>
    %swap3A_810 = vector.shape_cast %broadcast_in_dim3A_804 : vector<16xf32> to vector<1x16xf32>
    tpu.vector_store %arg9[%swap3A_806, %swap3A_807], %swap3A_810 {strides = array<i32>} : memref<16x128xf32, #tpu.memory_space<vmem>>, vector<1x16xf32>,
    %broadcast_in_dim3A_811 = arith.constant 0.000000e+00 : f32
    %broadcast_in_dim3A_812 = vector.broadcast %broadcast_in_dim3A_811 : f32 to vector<16xf32>
    %swap3A_813 = arith.constant 12 : i32
    %swap3A_814 = arith.index_cast %swap3A_813 : i32 to index
    %swap3A_815 = arith.constant 0 : index
    %swap3A_816 = tpu.vector_load %arg9[%swap3A_814, %swap3A_815] {strides = array<i32>} : memref<16x128xf32, #tpu.memory_space<vmem>>, vector<1x16xf32>,
    %swap3A_817 = vector.shape_cast %swap3A_816 : vector<1x16xf32> to vector<16xf32>
    %swap3A_818 = vector.shape_cast %broadcast_in_dim3A_812 : vector<16xf32> to vector<1x16xf32>
    tpu.vector_store %arg9[%swap3A_814, %swap3A_815], %swap3A_818 {strides = array<i32>} : memref<16x128xf32, #tpu.memory_space<vmem>>, vector<1x16xf32>,
    %broadcast_in_dim3A_819 = arith.constant 0.000000e+00 : f32
    %broadcast_in_dim3A_820 = vector.broadcast %broadcast_in_dim3A_819 : f32 to vector<16xf32>
    %swap3A_821 = arith.constant 12 : i32
    %swap3A_822 = arith.index_cast %swap3A_821 : i32 to index
    %swap3A_823 = arith.constant 16 : index
    %swap3A_824 = tpu.vector_load %arg9[%swap3A_822, %swap3A_823] {strides = array<i32>} : memref<16x128xf32, #tpu.memory_space<vmem>>, vector<1x16xf32>,
    %swap3A_825 = vector.shape_cast %swap3A_824 : vector<1x16xf32> to vector<16xf32>
    %swap3A_826 = vector.shape_cast %broadcast_in_dim3A_820 : vector<16xf32> to vector<1x16xf32>
    tpu.vector_store %arg9[%swap3A_822, %swap3A_823], %swap3A_826 {strides = array<i32>} : memref<16x128xf32, #tpu.memory_space<vmem>>, vector<1x16xf32>,
    %broadcast_in_dim3A_827 = arith.constant 0.000000e+00 : f32
    %broadcast_in_dim3A_828 = vector.broadcast %broadcast_in_dim3A_827 : f32 to vector<16xf32>
    %swap3A_829 = arith.constant 12 : i32
    %swap3A_830 = arith.index_cast %swap3A_829 : i32 to index
    %swap3A_831 = arith.constant 32 : index
    %swap3A_832 = tpu.vector_load %arg9[%swap3A_830, %swap3A_831] {strides = array<i32>} : memref<16x128xf32, #tpu.memory_space<vmem>>, vector<1x16xf32>,
    %swap3A_833 = vector.shape_cast %swap3A_832 : vector<1x16xf32> to vector<16xf32>
    %swap3A_834 = vector.shape_cast %broadcast_in_dim3A_828 : vector<16xf32> to vector<1x16xf32>
    tpu.vector_store %arg9[%swap3A_830, %swap3A_831], %swap3A_834 {strides = array<i32>} : memref<16x128xf32, #tpu.memory_space<vmem>>, vector<1x16xf32>,
    %broadcast_in_dim3A_835 = arith.constant 0.000000e+00 : f32
    %broadcast_in_dim3A_836 = vector.broadcast %broadcast_in_dim3A_835 : f32 to vector<16xf32>
    %swap3A_837 = arith.constant 12 : i32
    %swap3A_838 = arith.index_cast %swap3A_837 : i32 to index
    %swap3A_839 = arith.constant 48 : index
    %swap3A_840 = tpu.vector_load %arg9[%swap3A_838, %swap3A_839] {strides = array<i32>} : memref<16x128xf32, #tpu.memory_space<vmem>>, vector<1x16xf32>,
    %swap3A_841 = vector.shape_cast %swap3A_840 : vector<1x16xf32> to vector<16xf32>
    %swap3A_842 = vector.shape_cast %broadcast_in_dim3A_836 : vector<16xf32> to vector<1x16xf32>
    tpu.vector_store %arg9[%swap3A_838, %swap3A_839], %swap3A_842 {strides = array<i32>} : memref<16x128xf32, #tpu.memory_space<vmem>>, vector<1x16xf32>,
    %broadcast_in_dim3A_843 = arith.constant 0.000000e+00 : f32
    %broadcast_in_dim3A_844 = vector.broadcast %broadcast_in_dim3A_843 : f32 to vector<16xf32>
    %swap3A_845 = arith.constant 12 : i32
    %swap3A_846 = arith.index_cast %swap3A_845 : i32 to index
    %swap3A_847 = arith.constant 64 : index
    %swap3A_848 = tpu.vector_load %arg9[%swap3A_846, %swap3A_847] {strides = array<i32>} : memref<16x128xf32, #tpu.memory_space<vmem>>, vector<1x16xf32>,
    %swap3A_849 = vector.shape_cast %swap3A_848 : vector<1x16xf32> to vector<16xf32>
    %swap3A_850 = vector.shape_cast %broadcast_in_dim3A_844 : vector<16xf32> to vector<1x16xf32>
    tpu.vector_store %arg9[%swap3A_846, %swap3A_847], %swap3A_850 {strides = array<i32>} : memref<16x128xf32, #tpu.memory_space<vmem>>, vector<1x16xf32>,
    %broadcast_in_dim3A_851 = arith.constant 0.000000e+00 : f32
    %broadcast_in_dim3A_852 = vector.broadcast %broadcast_in_dim3A_851 : f32 to vector<16xf32>
    %swap3A_853 = arith.constant 12 : i32
    %swap3A_854 = arith.index_cast %swap3A_853 : i32 to index
    %swap3A_855 = arith.constant 80 : index
    %swap3A_856 = tpu.vector_load %arg9[%swap3A_854, %swap3A_855] {strides = array<i32>} : memref<16x128xf32, #tpu.memory_space<vmem>>, vector<1x16xf32>,
    %swap3A_857 = vector.shape_cast %swap3A_856 : vector<1x16xf32> to vector<16xf32>
    %swap3A_858 = vector.shape_cast %broadcast_in_dim3A_852 : vector<16xf32> to vector<1x16xf32>
    tpu.vector_store %arg9[%swap3A_854, %swap3A_855], %swap3A_858 {strides = array<i32>} : memref<16x128xf32, #tpu.memory_space<vmem>>, vector<1x16xf32>,
    %broadcast_in_dim3A_859 = arith.constant 0.000000e+00 : f32
    %broadcast_in_dim3A_860 = vector.broadcast %broadcast_in_dim3A_859 : f32 to vector<16xf32>
    %swap3A_861 = arith.constant 12 : i32
    %swap3A_862 = arith.index_cast %swap3A_861 : i32 to index
    %swap3A_863 = arith.constant 96 : index
    %swap3A_864 = tpu.vector_load %arg9[%swap3A_862, %swap3A_863] {strides = array<i32>} : memref<16x128xf32, #tpu.memory_space<vmem>>, vector<1x16xf32>,
    %swap3A_865 = vector.shape_cast %swap3A_864 : vector<1x16xf32> to vector<16xf32>
    %swap3A_866 = vector.shape_cast %broadcast_in_dim3A_860 : vector<16xf32> to vector<1x16xf32>
    tpu.vector_store %arg9[%swap3A_862, %swap3A_863], %swap3A_866 {strides = array<i32>} : memref<16x128xf32, #tpu.memory_space<vmem>>, vector<1x16xf32>,
    %broadcast_in_dim3A_867 = arith.constant 0.000000e+00 : f32
    %broadcast_in_dim3A_868 = vector.broadcast %broadcast_in_dim3A_867 : f32 to vector<16xf32>
    %swap3A_869 = arith.constant 12 : i32
    %swap3A_870 = arith.index_cast %swap3A_869 : i32 to index
    %swap3A_871 = arith.constant 112 : index
    %swap3A_872 = tpu.vector_load %arg9[%swap3A_870, %swap3A_871] {strides = array<i32>} : memref<16x128xf32, #tpu.memory_space<vmem>>, vector<1x16xf32>,
    %swap3A_873 = vector.shape_cast %swap3A_872 : vector<1x16xf32> to vector<16xf32>
    %swap3A_874 = vector.shape_cast %broadcast_in_dim3A_868 : vector<16xf32> to vector<1x16xf32>
    tpu.vector_store %arg9[%swap3A_870, %swap3A_871], %swap3A_874 {strides = array<i32>} : memref<16x128xf32, #tpu.memory_space<vmem>>, vector<1x16xf32>,
    %broadcast_in_dim3A_875 = arith.constant 0.000000e+00 : f32
    %broadcast_in_dim3A_876 = vector.broadcast %broadcast_in_dim3A_875 : f32 to vector<16xf32>
    %swap3A_877 = arith.constant 13 : i32
    %swap3A_878 = arith.index_cast %swap3A_877 : i32 to index
    %swap3A_879 = arith.constant 0 : index
    %swap3A_880 = tpu.vector_load %arg9[%swap3A_878, %swap3A_879] {strides = array<i32>} : memref<16x128xf32, #tpu.memory_space<vmem>>, vector<1x16xf32>,
    %swap3A_881 = vector.shape_cast %swap3A_880 : vector<1x16xf32> to vector<16xf32>
    %swap3A_882 = vector.shape_cast %broadcast_in_dim3A_876 : vector<16xf32> to vector<1x16xf32>
    tpu.vector_store %arg9[%swap3A_878, %swap3A_879], %swap3A_882 {strides = array<i32>} : memref<16x128xf32, #tpu.memory_space<vmem>>, vector<1x16xf32>,
    %broadcast_in_dim3A_883 = arith.constant 0.000000e+00 : f32
    %broadcast_in_dim3A_884 = vector.broadcast %broadcast_in_dim3A_883 : f32 to vector<16xf32>
    %swap3A_885 = arith.constant 13 : i32
    %swap3A_886 = arith.index_cast %swap3A_885 : i32 to index
    %swap3A_887 = arith.constant 16 : index
    %swap3A_888 = tpu.vector_load %arg9[%swap3A_886, %swap3A_887] {strides = array<i32>} : memref<16x128xf32, #tpu.memory_space<vmem>>, vector<1x16xf32>,
    %swap3A_889 = vector.shape_cast %swap3A_888 : vector<1x16xf32> to vector<16xf32>
    %swap3A_890 = vector.shape_cast %broadcast_in_dim3A_884 : vector<16xf32> to vector<1x16xf32>
    tpu.vector_store %arg9[%swap3A_886, %swap3A_887], %swap3A_890 {strides = array<i32>} : memref<16x128xf32, #tpu.memory_space<vmem>>, vector<1x16xf32>,
    %broadcast_in_dim3A_891 = arith.constant 0.000000e+00 : f32
    %broadcast_in_dim3A_892 = vector.broadcast %broadcast_in_dim3A_891 : f32 to vector<16xf32>
    %swap3A_893 = arith.constant 13 : i32
    %swap3A_894 = arith.index_cast %swap3A_893 : i32 to index
    %swap3A_895 = arith.constant 32 : index
    %swap3A_896 = tpu.vector_load %arg9[%swap3A_894, %swap3A_895] {strides = array<i32>} : memref<16x128xf32, #tpu.memory_space<vmem>>, vector<1x16xf32>,
    %swap3A_897 = vector.shape_cast %swap3A_896 : vector<1x16xf32> to vector<16xf32>
    %swap3A_898 = vector.shape_cast %broadcast_in_dim3A_892 : vector<16xf32> to vector<1x16xf32>
    tpu.vector_store %arg9[%swap3A_894, %swap3A_895], %swap3A_898 {strides = array<i32>} : memref<16x128xf32, #tpu.memory_space<vmem>>, vector<1x16xf32>,
    %broadcast_in_dim3A_899 = arith.constant 0.000000e+00 : f32
    %broadcast_in_dim3A_900 = vector.broadcast %broadcast_in_dim3A_899 : f32 to vector<16xf32>
    %swap3A_901 = arith.constant 13 : i32
    %swap3A_902 = arith.index_cast %swap3A_901 : i32 to index
    %swap3A_903 = arith.constant 48 : index
    %swap3A_904 = tpu.vector_load %arg9[%swap3A_902, %swap3A_903] {strides = array<i32>} : memref<16x128xf32, #tpu.memory_space<vmem>>, vector<1x16xf32>,
    %swap3A_905 = vector.shape_cast %swap3A_904 : vector<1x16xf32> to vector<16xf32>
    %swap3A_906 = vector.shape_cast %broadcast_in_dim3A_900 : vector<16xf32> to vector<1x16xf32>
    tpu.vector_store %arg9[%swap3A_902, %swap3A_903], %swap3A_906 {strides = array<i32>} : memref<16x128xf32, #tpu.memory_space<vmem>>, vector<1x16xf32>,
    %broadcast_in_dim3A_907 = arith.constant 0.000000e+00 : f32
    %broadcast_in_dim3A_908 = vector.broadcast %broadcast_in_dim3A_907 : f32 to vector<16xf32>
    %swap3A_909 = arith.constant 13 : i32
    %swap3A_910 = arith.index_cast %swap3A_909 : i32 to index
    %swap3A_911 = arith.constant 64 : index
    %swap3A_912 = tpu.vector_load %arg9[%swap3A_910, %swap3A_911] {strides = array<i32>} : memref<16x128xf32, #tpu.memory_space<vmem>>, vector<1x16xf32>,
    %swap3A_913 = vector.shape_cast %swap3A_912 : vector<1x16xf32> to vector<16xf32>
    %swap3A_914 = vector.shape_cast %broadcast_in_dim3A_908 : vector<16xf32> to vector<1x16xf32>
    tpu.vector_store %arg9[%swap3A_910, %swap3A_911], %swap3A_914 {strides = array<i32>} : memref<16x128xf32, #tpu.memory_space<vmem>>, vector<1x16xf32>,
    %broadcast_in_dim3A_915 = arith.constant 0.000000e+00 : f32
    %broadcast_in_dim3A_916 = vector.broadcast %broadcast_in_dim3A_915 : f32 to vector<16xf32>
    %swap3A_917 = arith.constant 13 : i32
    %swap3A_918 = arith.index_cast %swap3A_917 : i32 to index
    %swap3A_919 = arith.constant 80 : index
    %swap3A_920 = tpu.vector_load %arg9[%swap3A_918, %swap3A_919] {strides = array<i32>} : memref<16x128xf32, #tpu.memory_space<vmem>>, vector<1x16xf32>,
    %swap3A_921 = vector.shape_cast %swap3A_920 : vector<1x16xf32> to vector<16xf32>
    %swap3A_922 = vector.shape_cast %broadcast_in_dim3A_916 : vector<16xf32> to vector<1x16xf32>
    tpu.vector_store %arg9[%swap3A_918, %swap3A_919], %swap3A_922 {strides = array<i32>} : memref<16x128xf32, #tpu.memory_space<vmem>>, vector<1x16xf32>,
    %broadcast_in_dim3A_923 = arith.constant 0.000000e+00 : f32
    %broadcast_in_dim3A_924 = vector.broadcast %broadcast_in_dim3A_923 : f32 to vector<16xf32>
    %swap3A_925 = arith.constant 13 : i32
    %swap3A_926 = arith.index_cast %swap3A_925 : i32 to index
    %swap3A_927 = arith.constant 96 : index
    %swap3A_928 = tpu.vector_load %arg9[%swap3A_926, %swap3A_927] {strides = array<i32>} : memref<16x128xf32, #tpu.memory_space<vmem>>, vector<1x16xf32>,
    %swap3A_929 = vector.shape_cast %swap3A_928 : vector<1x16xf32> to vector<16xf32>
    %swap3A_930 = vector.shape_cast %broadcast_in_dim3A_924 : vector<16xf32> to vector<1x16xf32>
    tpu.vector_store %arg9[%swap3A_926, %swap3A_927], %swap3A_930 {strides = array<i32>} : memref<16x128xf32, #tpu.memory_space<vmem>>, vector<1x16xf32>,
    %broadcast_in_dim3A_931 = arith.constant 0.000000e+00 : f32
    %broadcast_in_dim3A_932 = vector.broadcast %broadcast_in_dim3A_931 : f32 to vector<16xf32>
    %swap3A_933 = arith.constant 13 : i32
    %swap3A_934 = arith.index_cast %swap3A_933 : i32 to index
    %swap3A_935 = arith.constant 112 : index
    %swap3A_936 = tpu.vector_load %arg9[%swap3A_934, %swap3A_935] {strides = array<i32>} : memref<16x128xf32, #tpu.memory_space<vmem>>, vector<1x16xf32>,
    %swap3A_937 = vector.shape_cast %swap3A_936 : vector<1x16xf32> to vector<16xf32>
    %swap3A_938 = vector.shape_cast %broadcast_in_dim3A_932 : vector<16xf32> to vector<1x16xf32>
    tpu.vector_store %arg9[%swap3A_934, %swap3A_935], %swap3A_938 {strides = array<i32>} : memref<16x128xf32, #tpu.memory_space<vmem>>, vector<1x16xf32>,
    %broadcast_in_dim3A_939 = arith.constant 0.000000e+00 : f32
    %broadcast_in_dim3A_940 = vector.broadcast %broadcast_in_dim3A_939 : f32 to vector<16xf32>
    %swap3A_941 = arith.constant 14 : i32
    %swap3A_942 = arith.index_cast %swap3A_941 : i32 to index
    %swap3A_943 = arith.constant 0 : index
    %swap3A_944 = tpu.vector_load %arg9[%swap3A_942, %swap3A_943] {strides = array<i32>} : memref<16x128xf32, #tpu.memory_space<vmem>>, vector<1x16xf32>,
    %swap3A_945 = vector.shape_cast %swap3A_944 : vector<1x16xf32> to vector<16xf32>
    %swap3A_946 = vector.shape_cast %broadcast_in_dim3A_940 : vector<16xf32> to vector<1x16xf32>
    tpu.vector_store %arg9[%swap3A_942, %swap3A_943], %swap3A_946 {strides = array<i32>} : memref<16x128xf32, #tpu.memory_space<vmem>>, vector<1x16xf32>,
    %broadcast_in_dim3A_947 = arith.constant 0.000000e+00 : f32
    %broadcast_in_dim3A_948 = vector.broadcast %broadcast_in_dim3A_947 : f32 to vector<16xf32>
    %swap3A_949 = arith.constant 14 : i32
    %swap3A_950 = arith.index_cast %swap3A_949 : i32 to index
    %swap3A_951 = arith.constant 16 : index
    %swap3A_952 = tpu.vector_load %arg9[%swap3A_950, %swap3A_951] {strides = array<i32>} : memref<16x128xf32, #tpu.memory_space<vmem>>, vector<1x16xf32>,
    %swap3A_953 = vector.shape_cast %swap3A_952 : vector<1x16xf32> to vector<16xf32>
    %swap3A_954 = vector.shape_cast %broadcast_in_dim3A_948 : vector<16xf32> to vector<1x16xf32>
    tpu.vector_store %arg9[%swap3A_950, %swap3A_951], %swap3A_954 {strides = array<i32>} : memref<16x128xf32, #tpu.memory_space<vmem>>, vector<1x16xf32>,
    %broadcast_in_dim3A_955 = arith.constant 0.000000e+00 : f32
    %broadcast_in_dim3A_956 = vector.broadcast %broadcast_in_dim3A_955 : f32 to vector<16xf32>
    %swap3A_957 = arith.constant 14 : i32
    %swap3A_958 = arith.index_cast %swap3A_957 : i32 to index
    %swap3A_959 = arith.constant 32 : index
    %swap3A_960 = tpu.vector_load %arg9[%swap3A_958, %swap3A_959] {strides = array<i32>} : memref<16x128xf32, #tpu.memory_space<vmem>>, vector<1x16xf32>,
    %swap3A_961 = vector.shape_cast %swap3A_960 : vector<1x16xf32> to vector<16xf32>
    %swap3A_962 = vector.shape_cast %broadcast_in_dim3A_956 : vector<16xf32> to vector<1x16xf32>
    tpu.vector_store %arg9[%swap3A_958, %swap3A_959], %swap3A_962 {strides = array<i32>} : memref<16x128xf32, #tpu.memory_space<vmem>>, vector<1x16xf32>,
    %broadcast_in_dim3A_963 = arith.constant 0.000000e+00 : f32
    %broadcast_in_dim3A_964 = vector.broadcast %broadcast_in_dim3A_963 : f32 to vector<16xf32>
    %swap3A_965 = arith.constant 14 : i32
    %swap3A_966 = arith.index_cast %swap3A_965 : i32 to index
    %swap3A_967 = arith.constant 48 : index
    %swap3A_968 = tpu.vector_load %arg9[%swap3A_966, %swap3A_967] {strides = array<i32>} : memref<16x128xf32, #tpu.memory_space<vmem>>, vector<1x16xf32>,
    %swap3A_969 = vector.shape_cast %swap3A_968 : vector<1x16xf32> to vector<16xf32>
    %swap3A_970 = vector.shape_cast %broadcast_in_dim3A_964 : vector<16xf32> to vector<1x16xf32>
    tpu.vector_store %arg9[%swap3A_966, %swap3A_967], %swap3A_970 {strides = array<i32>} : memref<16x128xf32, #tpu.memory_space<vmem>>, vector<1x16xf32>,
    %broadcast_in_dim3A_971 = arith.constant 0.000000e+00 : f32
    %broadcast_in_dim3A_972 = vector.broadcast %broadcast_in_dim3A_971 : f32 to vector<16xf32>
    %swap3A_973 = arith.constant 14 : i32
    %swap3A_974 = arith.index_cast %swap3A_973 : i32 to index
    %swap3A_975 = arith.constant 64 : index
    %swap3A_976 = tpu.vector_load %arg9[%swap3A_974, %swap3A_975] {strides = array<i32>} : memref<16x128xf32, #tpu.memory_space<vmem>>, vector<1x16xf32>,
    %swap3A_977 = vector.shape_cast %swap3A_976 : vector<1x16xf32> to vector<16xf32>
    %swap3A_978 = vector.shape_cast %broadcast_in_dim3A_972 : vector<16xf32> to vector<1x16xf32>
    tpu.vector_store %arg9[%swap3A_974, %swap3A_975], %swap3A_978 {strides = array<i32>} : memref<16x128xf32, #tpu.memory_space<vmem>>, vector<1x16xf32>,
    %broadcast_in_dim3A_979 = arith.constant 0.000000e+00 : f32
    %broadcast_in_dim3A_980 = vector.broadcast %broadcast_in_dim3A_979 : f32 to vector<16xf32>
    %swap3A_981 = arith.constant 14 : i32
    %swap3A_982 = arith.index_cast %swap3A_981 : i32 to index
    %swap3A_983 = arith.constant 80 : index
    %swap3A_984 = tpu.vector_load %arg9[%swap3A_982, %swap3A_983] {strides = array<i32>} : memref<16x128xf32, #tpu.memory_space<vmem>>, vector<1x16xf32>,
    %swap3A_985 = vector.shape_cast %swap3A_984 : vector<1x16xf32> to vector<16xf32>
    %swap3A_986 = vector.shape_cast %broadcast_in_dim3A_980 : vector<16xf32> to vector<1x16xf32>
    tpu.vector_store %arg9[%swap3A_982, %swap3A_983], %swap3A_986 {strides = array<i32>} : memref<16x128xf32, #tpu.memory_space<vmem>>, vector<1x16xf32>,
    %broadcast_in_dim3A_987 = arith.constant 0.000000e+00 : f32
    %broadcast_in_dim3A_988 = vector.broadcast %broadcast_in_dim3A_987 : f32 to vector<16xf32>
    %swap3A_989 = arith.constant 14 : i32
    %swap3A_990 = arith.index_cast %swap3A_989 : i32 to index
    %swap3A_991 = arith.constant 96 : index
    %swap3A_992 = tpu.vector_load %arg9[%swap3A_990, %swap3A_991] {strides = array<i32>} : memref<16x128xf32, #tpu.memory_space<vmem>>, vector<1x16xf32>,
    %swap3A_993 = vector.shape_cast %swap3A_992 : vector<1x16xf32> to vector<16xf32>
    %swap3A_994 = vector.shape_cast %broadcast_in_dim3A_988 : vector<16xf32> to vector<1x16xf32>
    tpu.vector_store %arg9[%swap3A_990, %swap3A_991], %swap3A_994 {strides = array<i32>} : memref<16x128xf32, #tpu.memory_space<vmem>>, vector<1x16xf32>,
    %broadcast_in_dim3A_995 = arith.constant 0.000000e+00 : f32
    %broadcast_in_dim3A_996 = vector.broadcast %broadcast_in_dim3A_995 : f32 to vector<16xf32>
    %swap3A_997 = arith.constant 14 : i32
    %swap3A_998 = arith.index_cast %swap3A_997 : i32 to index
    %swap3A_999 = arith.constant 112 : index
    %swap3A_1000 = tpu.vector_load %arg9[%swap3A_998, %swap3A_999] {strides = array<i32>} : memref<16x128xf32, #tpu.memory_space<vmem>>, vector<1x16xf32>,
    %swap3A_1001 = vector.shape_cast %swap3A_1000 : vector<1x16xf32> to vector<16xf32>
    %swap3A_1002 = vector.shape_cast %broadcast_in_dim3A_996 : vector<16xf32> to vector<1x16xf32>
    tpu.vector_store %arg9[%swap3A_998, %swap3A_999], %swap3A_1002 {strides = array<i32>} : memref<16x128xf32, #tpu.memory_space<vmem>>, vector<1x16xf32>,
    %broadcast_in_dim3A_1003 = arith.constant 0.000000e+00 : f32
    %broadcast_in_dim3A_1004 = vector.broadcast %broadcast_in_dim3A_1003 : f32 to vector<16xf32>
    %swap3A_1005 = arith.constant 15 : i32
    %swap3A_1006 = arith.index_cast %swap3A_1005 : i32 to index
    %swap3A_1007 = arith.constant 0 : index
    %swap3A_1008 = tpu.vector_load %arg9[%swap3A_1006, %swap3A_1007] {strides = array<i32>} : memref<16x128xf32, #tpu.memory_space<vmem>>, vector<1x16xf32>,
    %swap3A_1009 = vector.shape_cast %swap3A_1008 : vector<1x16xf32> to vector<16xf32>
    %swap3A_1010 = vector.shape_cast %broadcast_in_dim3A_1004 : vector<16xf32> to vector<1x16xf32>
    tpu.vector_store %arg9[%swap3A_1006, %swap3A_1007], %swap3A_1010 {strides = array<i32>} : memref<16x128xf32, #tpu.memory_space<vmem>>, vector<1x16xf32>,
    %broadcast_in_dim3A_1011 = arith.constant 0.000000e+00 : f32
    %broadcast_in_dim3A_1012 = vector.broadcast %broadcast_in_dim3A_1011 : f32 to vector<16xf32>
    %swap3A_1013 = arith.constant 15 : i32
    %swap3A_1014 = arith.index_cast %swap3A_1013 : i32 to index
    %swap3A_1015 = arith.constant 16 : index
    %swap3A_1016 = tpu.vector_load %arg9[%swap3A_1014, %swap3A_1015] {strides = array<i32>} : memref<16x128xf32, #tpu.memory_space<vmem>>, vector<1x16xf32>,
    %swap3A_1017 = vector.shape_cast %swap3A_1016 : vector<1x16xf32> to vector<16xf32>
    %swap3A_1018 = vector.shape_cast %broadcast_in_dim3A_1012 : vector<16xf32> to vector<1x16xf32>
    tpu.vector_store %arg9[%swap3A_1014, %swap3A_1015], %swap3A_1018 {strides = array<i32>} : memref<16x128xf32, #tpu.memory_space<vmem>>, vector<1x16xf32>,
    %broadcast_in_dim3A_1019 = arith.constant 0.000000e+00 : f32
    %broadcast_in_dim3A_1020 = vector.broadcast %broadcast_in_dim3A_1019 : f32 to vector<16xf32>
    %swap3A_1021 = arith.constant 15 : i32
    %swap3A_1022 = arith.index_cast %swap3A_1021 : i32 to index
    %swap3A_1023 = arith.constant 32 : index
    %swap3A_1024 = tpu.vector_load %arg9[%swap3A_1022, %swap3A_1023] {strides = array<i32>} : memref<16x128xf32, #tpu.memory_space<vmem>>, vector<1x16xf32>,
    %swap3A_1025 = vector.shape_cast %swap3A_1024 : vector<1x16xf32> to vector<16xf32>
    %swap3A_1026 = vector.shape_cast %broadcast_in_dim3A_1020 : vector<16xf32> to vector<1x16xf32>
    tpu.vector_store %arg9[%swap3A_1022, %swap3A_1023], %swap3A_1026 {strides = array<i32>} : memref<16x128xf32, #tpu.memory_space<vmem>>, vector<1x16xf32>,
    %broadcast_in_dim3A_1027 = arith.constant 0.000000e+00 : f32
    %broadcast_in_dim3A_1028 = vector.broadcast %broadcast_in_dim3A_1027 : f32 to vector<16xf32>
    %swap3A_1029 = arith.constant 15 : i32
    %swap3A_1030 = arith.index_cast %swap3A_1029 : i32 to index
    %swap3A_1031 = arith.constant 48 : index
    %swap3A_1032 = tpu.vector_load %arg9[%swap3A_1030, %swap3A_1031] {strides = array<i32>} : memref<16x128xf32, #tpu.memory_space<vmem>>, vector<1x16xf32>,
    %swap3A_1033 = vector.shape_cast %swap3A_1032 : vector<1x16xf32> to vector<16xf32>
    %swap3A_1034 = vector.shape_cast %broadcast_in_dim3A_1028 : vector<16xf32> to vector<1x16xf32>
    tpu.vector_store %arg9[%swap3A_1030, %swap3A_1031], %swap3A_1034 {strides = array<i32>} : memref<16x128xf32, #tpu.memory_space<vmem>>, vector<1x16xf32>,
    %broadcast_in_dim3A_1035 = arith.constant 0.000000e+00 : f32
    %broadcast_in_dim3A_1036 = vector.broadcast %broadcast_in_dim3A_1035 : f32 to vector<16xf32>
    %swap3A_1037 = arith.constant 15 : i32
    %swap3A_1038 = arith.index_cast %swap3A_1037 : i32 to index
    %swap3A_1039 = arith.constant 64 : index
    %swap3A_1040 = tpu.vector_load %arg9[%swap3A_1038, %swap3A_1039] {strides = array<i32>} : memref<16x128xf32, #tpu.memory_space<vmem>>, vector<1x16xf32>,
    %swap3A_1041 = vector.shape_cast %swap3A_1040 : vector<1x16xf32> to vector<16xf32>
    %swap3A_1042 = vector.shape_cast %broadcast_in_dim3A_1036 : vector<16xf32> to vector<1x16xf32>
    tpu.vector_store %arg9[%swap3A_1038, %swap3A_1039], %swap3A_1042 {strides = array<i32>} : memref<16x128xf32, #tpu.memory_space<vmem>>, vector<1x16xf32>,
    %broadcast_in_dim3A_1043 = arith.constant 0.000000e+00 : f32
    %broadcast_in_dim3A_1044 = vector.broadcast %broadcast_in_dim3A_1043 : f32 to vector<16xf32>
    %swap3A_1045 = arith.constant 15 : i32
    %swap3A_1046 = arith.index_cast %swap3A_1045 : i32 to index
    %swap3A_1047 = arith.constant 80 : index
    %swap3A_1048 = tpu.vector_load %arg9[%swap3A_1046, %swap3A_1047] {strides = array<i32>} : memref<16x128xf32, #tpu.memory_space<vmem>>, vector<1x16xf32>,
    %swap3A_1049 = vector.shape_cast %swap3A_1048 : vector<1x16xf32> to vector<16xf32>
    %swap3A_1050 = vector.shape_cast %broadcast_in_dim3A_1044 : vector<16xf32> to vector<1x16xf32>
    tpu.vector_store %arg9[%swap3A_1046, %swap3A_1047], %swap3A_1050 {strides = array<i32>} : memref<16x128xf32, #tpu.memory_space<vmem>>, vector<1x16xf32>,
    %broadcast_in_dim3A_1051 = arith.constant 0.000000e+00 : f32
    %broadcast_in_dim3A_1052 = vector.broadcast %broadcast_in_dim3A_1051 : f32 to vector<16xf32>
    %swap3A_1053 = arith.constant 15 : i32
    %swap3A_1054 = arith.index_cast %swap3A_1053 : i32 to index
    %swap3A_1055 = arith.constant 96 : index
    %swap3A_1056 = tpu.vector_load %arg9[%swap3A_1054, %swap3A_1055] {strides = array<i32>} : memref<16x128xf32, #tpu.memory_space<vmem>>, vector<1x16xf32>,
    %swap3A_1057 = vector.shape_cast %swap3A_1056 : vector<1x16xf32> to vector<16xf32>
    %swap3A_1058 = vector.shape_cast %broadcast_in_dim3A_1052 : vector<16xf32> to vector<1x16xf32>
    tpu.vector_store %arg9[%swap3A_1054, %swap3A_1055], %swap3A_1058 {strides = array<i32>} : memref<16x128xf32, #tpu.memory_space<vmem>>, vector<1x16xf32>,
    %broadcast_in_dim3A_1059 = arith.constant 0.000000e+00 : f32
    %broadcast_in_dim3A_1060 = vector.broadcast %broadcast_in_dim3A_1059 : f32 to vector<16xf32>
    %swap3A_1061 = arith.constant 15 : i32
    %swap3A_1062 = arith.index_cast %swap3A_1061 : i32 to index
    %swap3A_1063 = arith.constant 112 : index
    %swap3A_1064 = tpu.vector_load %arg9[%swap3A_1062, %swap3A_1063] {strides = array<i32>} : memref<16x128xf32, #tpu.memory_space<vmem>>, vector<1x16xf32>,
    %swap3A_1065 = vector.shape_cast %swap3A_1064 : vector<1x16xf32> to vector<16xf32>
    %swap3A_1066 = vector.shape_cast %broadcast_in_dim3A_1060 : vector<16xf32> to vector<1x16xf32>
    tpu.vector_store %arg9[%swap3A_1062, %swap3A_1063], %swap3A_1066 {strides = array<i32>} : memref<16x128xf32, #tpu.memory_space<vmem>>, vector<1x16xf32>,
    %scan3A = arith.constant 0 : i32
    %scan3A_1067 = arith.constant 0 : i32
    %scan3A_1068 = arith.constant 5 : i32
    %scan3A_1069 = arith.addi %scan3A_1067, %scan3A_1068 : i32
    %scan3A_1070 = arith.constant 1 : i32
    scf.for %scan3A_1083 = %scan3A_1067 to %scan3A_1069 step %scan3A_1070  : i32 {
      %mul3A_1084 = arith.constant 640 : i32
      %mul3A_1085 = arith.muli %arg1, %mul3A_1084 : i32
      %mul3A_1086 = arith.constant 8 : i32
      %mul3A_1087 = arith.muli %scan3A_1083, %mul3A_1086 : i32
      %add3A_1088 = arith.constant 0 : i32
      %add3A_1089 = arith.addi %mul3A_1087, %add3A_1088 : i32
      %mul3A_1090 = arith.constant 16 : i32
      %mul3A_1091 = arith.muli %add3A_1089, %mul3A_1090 : i32
      %add3A_1092 = arith.addi %mul3A_1085, %mul3A_1091 : i32
      %dma_start3A_1093 = arith.constant 0 : i32
      %dma_start3A_1094 = tpu.memref_slice %arg10[%add3A_1092, %dma_start3A_1093] : memref<10240x128xf32, #tpu.memory_space<vmem_shared>> -> memref<16x128xf32, #tpu.memory_space<vmem_shared>>
      %dma_start3A_1095 = arith.constant 0 : i32
      %dma_start3A_1096 = tpu.memref_slice %arg10[%add3A_1092, %dma_start3A_1095] : memref<10240x128xf32, #tpu.memory_space<vmem_shared>> -> memref<16x128xf32, #tpu.memory_space<vmem_shared>>
      tpu.enqueue_dma source(%arg9 : memref<16x128xf32, #tpu.memory_space<vmem>>) target(%dma_start3A_1096 : memref<16x128xf32, #tpu.memory_space<vmem_shared>>) target_semaphore(%arg14 : memref<!tpu.dma_semaphore, #tpu.memory_space<semaphore_mem>>)
      %mul3A_1097 = arith.constant 640 : i32
      %mul3A_1098 = arith.muli %arg1, %mul3A_1097 : i32
      %mul3A_1099 = arith.constant 8 : i32
      %mul3A_1100 = arith.muli %scan3A_1083, %mul3A_1099 : i32
      %add3A_1101 = arith.constant 1 : i32
      %add3A_1102 = arith.addi %mul3A_1100, %add3A_1101 : i32
      %mul3A_1103 = arith.constant 16 : i32
      %mul3A_1104 = arith.muli %add3A_1102, %mul3A_1103 : i32
      %add3A_1105 = arith.addi %mul3A_1098, %mul3A_1104 : i32
      %dma_start3A_1106 = arith.constant 0 : i32
      %dma_start3A_1107 = tpu.memref_slice %arg10[%add3A_1105, %dma_start3A_1106] : memref<10240x128xf32, #tpu.memory_space<vmem_shared>> -> memref<16x128xf32, #tpu.memory_space<vmem_shared>>
      %dma_start3A_1108 = arith.constant 0 : i32
      %dma_start3A_1109 = tpu.memref_slice %arg10[%add3A_1105, %dma_start3A_1108] : memref<10240x128xf32, #tpu.memory_space<vmem_shared>> -> memref<16x128xf32, #tpu.memory_space<vmem_shared>>
      tpu.enqueue_dma source(%arg9 : memref<16x128xf32, #tpu.memory_space<vmem>>) target(%dma_start3A_1109 : memref<16x128xf32, #tpu.memory_space<vmem_shared>>) target_semaphore(%arg14 : memref<!tpu.dma_semaphore, #tpu.memory_space<semaphore_mem>>)
      %mul3A_1110 = arith.constant 640 : i32
      %mul3A_1111 = arith.muli %arg1, %mul3A_1110 : i32
      %mul3A_1112 = arith.constant 8 : i32
      %mul3A_1113 = arith.muli %scan3A_1083, %mul3A_1112 : i32
      %add3A_1114 = arith.constant 2 : i32
      %add3A_1115 = arith.addi %mul3A_1113, %add3A_1114 : i32
      %mul3A_1116 = arith.constant 16 : i32
      %mul3A_1117 = arith.muli %add3A_1115, %mul3A_1116 : i32
      %add3A_1118 = arith.addi %mul3A_1111, %mul3A_1117 : i32
      %dma_start3A_1119 = arith.constant 0 : i32
      %dma_start3A_1120 = tpu.memref_slice %arg10[%add3A_1118, %dma_start3A_1119] : memref<10240x128xf32, #tpu.memory_space<vmem_shared>> -> memref<16x128xf32, #tpu.memory_space<vmem_shared>>
      %dma_start3A_1121 = arith.constant 0 : i32
      %dma_start3A_1122 = tpu.memref_slice %arg10[%add3A_1118, %dma_start3A_1121] : memref<10240x128xf32, #tpu.memory_space<vmem_shared>> -> memref<16x128xf32, #tpu.memory_space<vmem_shared>>
      tpu.enqueue_dma source(%arg9 : memref<16x128xf32, #tpu.memory_space<vmem>>) target(%dma_start3A_1122 : memref<16x128xf32, #tpu.memory_space<vmem_shared>>) target_semaphore(%arg14 : memref<!tpu.dma_semaphore, #tpu.memory_space<semaphore_mem>>)
      %mul3A_1123 = arith.constant 640 : i32
      %mul3A_1124 = arith.muli %arg1, %mul3A_1123 : i32
      %mul3A_1125 = arith.constant 8 : i32
      %mul3A_1126 = arith.muli %scan3A_1083, %mul3A_1125 : i32
      %add3A_1127 = arith.constant 3 : i32
      %add3A_1128 = arith.addi %mul3A_1126, %add3A_1127 : i32
      %mul3A_1129 = arith.constant 16 : i32
      %mul3A_1130 = arith.muli %add3A_1128, %mul3A_1129 : i32
      %add3A_1131 = arith.addi %mul3A_1124, %mul3A_1130 : i32
      %dma_start3A_1132 = arith.constant 0 : i32
      %dma_start3A_1133 = tpu.memref_slice %arg10[%add3A_1131, %dma_start3A_1132] : memref<10240x128xf32, #tpu.memory_space<vmem_shared>> -> memref<16x128xf32, #tpu.memory_space<vmem_shared>>
      %dma_start3A_1134 = arith.constant 0 : i32
      %dma_start3A_1135 = tpu.memref_slice %arg10[%add3A_1131, %dma_start3A_1134] : memref<10240x128xf32, #tpu.memory_space<vmem_shared>> -> memref<16x128xf32, #tpu.memory_space<vmem_shared>>
      tpu.enqueue_dma source(%arg9 : memref<16x128xf32, #tpu.memory_space<vmem>>) target(%dma_start3A_1135 : memref<16x128xf32, #tpu.memory_space<vmem_shared>>) target_semaphore(%arg14 : memref<!tpu.dma_semaphore, #tpu.memory_space<semaphore_mem>>)
      %mul3A_1136 = arith.constant 640 : i32
      %mul3A_1137 = arith.muli %arg1, %mul3A_1136 : i32
      %mul3A_1138 = arith.constant 8 : i32
      %mul3A_1139 = arith.muli %scan3A_1083, %mul3A_1138 : i32
      %add3A_1140 = arith.constant 4 : i32
      %add3A_1141 = arith.addi %mul3A_1139, %add3A_1140 : i32
      %mul3A_1142 = arith.constant 16 : i32
      %mul3A_1143 = arith.muli %add3A_1141, %mul3A_1142 : i32
      %add3A_1144 = arith.addi %mul3A_1137, %mul3A_1143 : i32
      %dma_start3A_1145 = arith.constant 0 : i32
      %dma_start3A_1146 = tpu.memref_slice %arg10[%add3A_1144, %dma_start3A_1145] : memref<10240x128xf32, #tpu.memory_space<vmem_shared>> -> memref<16x128xf32, #tpu.memory_space<vmem_shared>>
      %dma_start3A_1147 = arith.constant 0 : i32
      %dma_start3A_1148 = tpu.memref_slice %arg10[%add3A_1144, %dma_start3A_1147] : memref<10240x128xf32, #tpu.memory_space<vmem_shared>> -> memref<16x128xf32, #tpu.memory_space<vmem_shared>>
      tpu.enqueue_dma source(%arg9 : memref<16x128xf32, #tpu.memory_space<vmem>>) target(%dma_start3A_1148 : memref<16x128xf32, #tpu.memory_space<vmem_shared>>) target_semaphore(%arg14 : memref<!tpu.dma_semaphore, #tpu.memory_space<semaphore_mem>>)
      %mul3A_1149 = arith.constant 640 : i32
      %mul3A_1150 = arith.muli %arg1, %mul3A_1149 : i32
      %mul3A_1151 = arith.constant 8 : i32
      %mul3A_1152 = arith.muli %scan3A_1083, %mul3A_1151 : i32
      %add3A_1153 = arith.constant 5 : i32
      %add3A_1154 = arith.addi %mul3A_1152, %add3A_1153 : i32
      %mul3A_1155 = arith.constant 16 : i32
      %mul3A_1156 = arith.muli %add3A_1154, %mul3A_1155 : i32
      %add3A_1157 = arith.addi %mul3A_1150, %mul3A_1156 : i32
      %dma_start3A_1158 = arith.constant 0 : i32
      %dma_start3A_1159 = tpu.memref_slice %arg10[%add3A_1157, %dma_start3A_1158] : memref<10240x128xf32, #tpu.memory_space<vmem_shared>> -> memref<16x128xf32, #tpu.memory_space<vmem_shared>>
      %dma_start3A_1160 = arith.constant 0 : i32
      %dma_start3A_1161 = tpu.memref_slice %arg10[%add3A_1157, %dma_start3A_1160] : memref<10240x128xf32, #tpu.memory_space<vmem_shared>> -> memref<16x128xf32, #tpu.memory_space<vmem_shared>>
      tpu.enqueue_dma source(%arg9 : memref<16x128xf32, #tpu.memory_space<vmem>>) target(%dma_start3A_1161 : memref<16x128xf32, #tpu.memory_space<vmem_shared>>) target_semaphore(%arg14 : memref<!tpu.dma_semaphore, #tpu.memory_space<semaphore_mem>>)
      %mul3A_1162 = arith.constant 640 : i32
      %mul3A_1163 = arith.muli %arg1, %mul3A_1162 : i32
      %mul3A_1164 = arith.constant 8 : i32
      %mul3A_1165 = arith.muli %scan3A_1083, %mul3A_1164 : i32
      %add3A_1166 = arith.constant 6 : i32
      %add3A_1167 = arith.addi %mul3A_1165, %add3A_1166 : i32
      %mul3A_1168 = arith.constant 16 : i32
      %mul3A_1169 = arith.muli %add3A_1167, %mul3A_1168 : i32
      %add3A_1170 = arith.addi %mul3A_1163, %mul3A_1169 : i32
      %dma_start3A_1171 = arith.constant 0 : i32
      %dma_start3A_1172 = tpu.memref_slice %arg10[%add3A_1170, %dma_start3A_1171] : memref<10240x128xf32, #tpu.memory_space<vmem_shared>> -> memref<16x128xf32, #tpu.memory_space<vmem_shared>>
      %dma_start3A_1173 = arith.constant 0 : i32
      %dma_start3A_1174 = tpu.memref_slice %arg10[%add3A_1170, %dma_start3A_1173] : memref<10240x128xf32, #tpu.memory_space<vmem_shared>> -> memref<16x128xf32, #tpu.memory_space<vmem_shared>>
      tpu.enqueue_dma source(%arg9 : memref<16x128xf32, #tpu.memory_space<vmem>>) target(%dma_start3A_1174 : memref<16x128xf32, #tpu.memory_space<vmem_shared>>) target_semaphore(%arg14 : memref<!tpu.dma_semaphore, #tpu.memory_space<semaphore_mem>>)
      %mul3A_1175 = arith.constant 640 : i32
      %mul3A_1176 = arith.muli %arg1, %mul3A_1175 : i32
      %mul3A_1177 = arith.constant 8 : i32
      %mul3A_1178 = arith.muli %scan3A_1083, %mul3A_1177 : i32
      %add3A_1179 = arith.constant 7 : i32
      %add3A_1180 = arith.addi %mul3A_1178, %add3A_1179 : i32
      %mul3A_1181 = arith.constant 16 : i32
      %mul3A_1182 = arith.muli %add3A_1180, %mul3A_1181 : i32
      %add3A_1183 = arith.addi %mul3A_1176, %mul3A_1182 : i32
      %dma_start3A_1184 = arith.constant 0 : i32
      %dma_start3A_1185 = tpu.memref_slice %arg10[%add3A_1183, %dma_start3A_1184] : memref<10240x128xf32, #tpu.memory_space<vmem_shared>> -> memref<16x128xf32, #tpu.memory_space<vmem_shared>>
      %dma_start3A_1186 = arith.constant 0 : i32
      %dma_start3A_1187 = tpu.memref_slice %arg10[%add3A_1183, %dma_start3A_1186] : memref<10240x128xf32, #tpu.memory_space<vmem_shared>> -> memref<16x128xf32, #tpu.memory_space<vmem_shared>>
      tpu.enqueue_dma source(%arg9 : memref<16x128xf32, #tpu.memory_space<vmem>>) target(%dma_start3A_1187 : memref<16x128xf32, #tpu.memory_space<vmem_shared>>) target_semaphore(%arg14 : memref<!tpu.dma_semaphore, #tpu.memory_space<semaphore_mem>>)
      %mul3A_1188 = arith.constant 640 : i32
      %mul3A_1189 = arith.muli %arg1, %mul3A_1188 : i32
      %mul3A_1190 = arith.constant 8 : i32
      %mul3A_1191 = arith.muli %scan3A_1083, %mul3A_1190 : i32
      %add3A_1192 = arith.constant 0 : i32
      %add3A_1193 = arith.addi %mul3A_1191, %add3A_1192 : i32
      %mul3A_1194 = arith.constant 16 : i32
      %mul3A_1195 = arith.muli %add3A_1193, %mul3A_1194 : i32
      %add3A_1196 = arith.addi %mul3A_1189, %mul3A_1195 : i32
      %dma_wait3A = arith.constant 0 : i32
      %dma_wait3A_1197 = tpu.memref_slice %arg10[%add3A_1196, %dma_wait3A] : memref<10240x128xf32, #tpu.memory_space<vmem_shared>> -> memref<16x128xf32, #tpu.memory_space<vmem_shared>>
      %dma_wait3A_1198 = arith.constant 0 : i32
      %dma_wait3A_1199 = tpu.memref_slice %arg10[%add3A_1196, %dma_wait3A_1198] : memref<10240x128xf32, #tpu.memory_space<vmem_shared>> -> memref<16x128xf32, #tpu.memory_space<vmem_shared>>
      tpu.wait_dma2 semaphore(%arg14 : memref<!tpu.dma_semaphore, #tpu.memory_space<semaphore_mem>>) src(%arg9 : memref<16x128xf32, #tpu.memory_space<vmem>>) dst(%dma_wait3A_1199 : memref<16x128xf32, #tpu.memory_space<vmem_shared>>)
      %mul3A_1200 = arith.constant 640 : i32
      %mul3A_1201 = arith.muli %arg1, %mul3A_1200 : i32
      %mul3A_1202 = arith.constant 8 : i32
      %mul3A_1203 = arith.muli %scan3A_1083, %mul3A_1202 : i32
      %add3A_1204 = arith.constant 1 : i32
      %add3A_1205 = arith.addi %mul3A_1203, %add3A_1204 : i32
      %mul3A_1206 = arith.constant 16 : i32
      %mul3A_1207 = arith.muli %add3A_1205, %mul3A_1206 : i32
      %add3A_1208 = arith.addi %mul3A_1201, %mul3A_1207 : i32
      %dma_wait3A_1209 = arith.constant 0 : i32
      %dma_wait3A_1210 = tpu.memref_slice %arg10[%add3A_1208, %dma_wait3A_1209] : memref<10240x128xf32, #tpu.memory_space<vmem_shared>> -> memref<16x128xf32, #tpu.memory_space<vmem_shared>>
      %dma_wait3A_1211 = arith.constant 0 : i32
      %dma_wait3A_1212 = tpu.memref_slice %arg10[%add3A_1208, %dma_wait3A_1211] : memref<10240x128xf32, #tpu.memory_space<vmem_shared>> -> memref<16x128xf32, #tpu.memory_space<vmem_shared>>
      tpu.wait_dma2 semaphore(%arg14 : memref<!tpu.dma_semaphore, #tpu.memory_space<semaphore_mem>>) src(%arg9 : memref<16x128xf32, #tpu.memory_space<vmem>>) dst(%dma_wait3A_1212 : memref<16x128xf32, #tpu.memory_space<vmem_shared>>)
      %mul3A_1213 = arith.constant 640 : i32
      %mul3A_1214 = arith.muli %arg1, %mul3A_1213 : i32
      %mul3A_1215 = arith.constant 8 : i32
      %mul3A_1216 = arith.muli %scan3A_1083, %mul3A_1215 : i32
      %add3A_1217 = arith.constant 2 : i32
      %add3A_1218 = arith.addi %mul3A_1216, %add3A_1217 : i32
      %mul3A_1219 = arith.constant 16 : i32
      %mul3A_1220 = arith.muli %add3A_1218, %mul3A_1219 : i32
      %add3A_1221 = arith.addi %mul3A_1214, %mul3A_1220 : i32
      %dma_wait3A_1222 = arith.constant 0 : i32
      %dma_wait3A_1223 = tpu.memref_slice %arg10[%add3A_1221, %dma_wait3A_1222] : memref<10240x128xf32, #tpu.memory_space<vmem_shared>> -> memref<16x128xf32, #tpu.memory_space<vmem_shared>>
      %dma_wait3A_1224 = arith.constant 0 : i32
      %dma_wait3A_1225 = tpu.memref_slice %arg10[%add3A_1221, %dma_wait3A_1224] : memref<10240x128xf32, #tpu.memory_space<vmem_shared>> -> memref<16x128xf32, #tpu.memory_space<vmem_shared>>
      tpu.wait_dma2 semaphore(%arg14 : memref<!tpu.dma_semaphore, #tpu.memory_space<semaphore_mem>>) src(%arg9 : memref<16x128xf32, #tpu.memory_space<vmem>>) dst(%dma_wait3A_1225 : memref<16x128xf32, #tpu.memory_space<vmem_shared>>)
      %mul3A_1226 = arith.constant 640 : i32
      %mul3A_1227 = arith.muli %arg1, %mul3A_1226 : i32
      %mul3A_1228 = arith.constant 8 : i32
      %mul3A_1229 = arith.muli %scan3A_1083, %mul3A_1228 : i32
      %add3A_1230 = arith.constant 3 : i32
      %add3A_1231 = arith.addi %mul3A_1229, %add3A_1230 : i32
      %mul3A_1232 = arith.constant 16 : i32
      %mul3A_1233 = arith.muli %add3A_1231, %mul3A_1232 : i32
      %add3A_1234 = arith.addi %mul3A_1227, %mul3A_1233 : i32
      %dma_wait3A_1235 = arith.constant 0 : i32
      %dma_wait3A_1236 = tpu.memref_slice %arg10[%add3A_1234, %dma_wait3A_1235] : memref<10240x128xf32, #tpu.memory_space<vmem_shared>> -> memref<16x128xf32, #tpu.memory_space<vmem_shared>>
      %dma_wait3A_1237 = arith.constant 0 : i32
      %dma_wait3A_1238 = tpu.memref_slice %arg10[%add3A_1234, %dma_wait3A_1237] : memref<10240x128xf32, #tpu.memory_space<vmem_shared>> -> memref<16x128xf32, #tpu.memory_space<vmem_shared>>
      tpu.wait_dma2 semaphore(%arg14 : memref<!tpu.dma_semaphore, #tpu.memory_space<semaphore_mem>>) src(%arg9 : memref<16x128xf32, #tpu.memory_space<vmem>>) dst(%dma_wait3A_1238 : memref<16x128xf32, #tpu.memory_space<vmem_shared>>)
      %mul3A_1239 = arith.constant 640 : i32
      %mul3A_1240 = arith.muli %arg1, %mul3A_1239 : i32
      %mul3A_1241 = arith.constant 8 : i32
      %mul3A_1242 = arith.muli %scan3A_1083, %mul3A_1241 : i32
      %add3A_1243 = arith.constant 4 : i32
      %add3A_1244 = arith.addi %mul3A_1242, %add3A_1243 : i32
      %mul3A_1245 = arith.constant 16 : i32
      %mul3A_1246 = arith.muli %add3A_1244, %mul3A_1245 : i32
      %add3A_1247 = arith.addi %mul3A_1240, %mul3A_1246 : i32
      %dma_wait3A_1248 = arith.constant 0 : i32
      %dma_wait3A_1249 = tpu.memref_slice %arg10[%add3A_1247, %dma_wait3A_1248] : memref<10240x128xf32, #tpu.memory_space<vmem_shared>> -> memref<16x128xf32, #tpu.memory_space<vmem_shared>>
      %dma_wait3A_1250 = arith.constant 0 : i32
      %dma_wait3A_1251 = tpu.memref_slice %arg10[%add3A_1247, %dma_wait3A_1250] : memref<10240x128xf32, #tpu.memory_space<vmem_shared>> -> memref<16x128xf32, #tpu.memory_space<vmem_shared>>
      tpu.wait_dma2 semaphore(%arg14 : memref<!tpu.dma_semaphore, #tpu.memory_space<semaphore_mem>>) src(%arg9 : memref<16x128xf32, #tpu.memory_space<vmem>>) dst(%dma_wait3A_1251 : memref<16x128xf32, #tpu.memory_space<vmem_shared>>)
      %mul3A_1252 = arith.constant 640 : i32
      %mul3A_1253 = arith.muli %arg1, %mul3A_1252 : i32
      %mul3A_1254 = arith.constant 8 : i32
      %mul3A_1255 = arith.muli %scan3A_1083, %mul3A_1254 : i32
      %add3A_1256 = arith.constant 5 : i32
      %add3A_1257 = arith.addi %mul3A_1255, %add3A_1256 : i32
      %mul3A_1258 = arith.constant 16 : i32
      %mul3A_1259 = arith.muli %add3A_1257, %mul3A_1258 : i32
      %add3A_1260 = arith.addi %mul3A_1253, %mul3A_1259 : i32
      %dma_wait3A_1261 = arith.constant 0 : i32
      %dma_wait3A_1262 = tpu.memref_slice %arg10[%add3A_1260, %dma_wait3A_1261] : memref<10240x128xf32, #tpu.memory_space<vmem_shared>> -> memref<16x128xf32, #tpu.memory_space<vmem_shared>>
      %dma_wait3A_1263 = arith.constant 0 : i32
      %dma_wait3A_1264 = tpu.memref_slice %arg10[%add3A_1260, %dma_wait3A_1263] : memref<10240x128xf32, #tpu.memory_space<vmem_shared>> -> memref<16x128xf32, #tpu.memory_space<vmem_shared>>
      tpu.wait_dma2 semaphore(%arg14 : memref<!tpu.dma_semaphore, #tpu.memory_space<semaphore_mem>>) src(%arg9 : memref<16x128xf32, #tpu.memory_space<vmem>>) dst(%dma_wait3A_1264 : memref<16x128xf32, #tpu.memory_space<vmem_shared>>)
      %mul3A_1265 = arith.constant 640 : i32
      %mul3A_1266 = arith.muli %arg1, %mul3A_1265 : i32
      %mul3A_1267 = arith.constant 8 : i32
      %mul3A_1268 = arith.muli %scan3A_1083, %mul3A_1267 : i32
      %add3A_1269 = arith.constant 6 : i32
      %add3A_1270 = arith.addi %mul3A_1268, %add3A_1269 : i32
      %mul3A_1271 = arith.constant 16 : i32
      %mul3A_1272 = arith.muli %add3A_1270, %mul3A_1271 : i32
      %add3A_1273 = arith.addi %mul3A_1266, %mul3A_1272 : i32
      %dma_wait3A_1274 = arith.constant 0 : i32
      %dma_wait3A_1275 = tpu.memref_slice %arg10[%add3A_1273, %dma_wait3A_1274] : memref<10240x128xf32, #tpu.memory_space<vmem_shared>> -> memref<16x128xf32, #tpu.memory_space<vmem_shared>>
      %dma_wait3A_1276 = arith.constant 0 : i32
      %dma_wait3A_1277 = tpu.memref_slice %arg10[%add3A_1273, %dma_wait3A_1276] : memref<10240x128xf32, #tpu.memory_space<vmem_shared>> -> memref<16x128xf32, #tpu.memory_space<vmem_shared>>
      tpu.wait_dma2 semaphore(%arg14 : memref<!tpu.dma_semaphore, #tpu.memory_space<semaphore_mem>>) src(%arg9 : memref<16x128xf32, #tpu.memory_space<vmem>>) dst(%dma_wait3A_1277 : memref<16x128xf32, #tpu.memory_space<vmem_shared>>)
      %mul3A_1278 = arith.constant 640 : i32
      %mul3A_1279 = arith.muli %arg1, %mul3A_1278 : i32
      %mul3A_1280 = arith.constant 8 : i32
      %mul3A_1281 = arith.muli %scan3A_1083, %mul3A_1280 : i32
      %add3A_1282 = arith.constant 7 : i32
      %add3A_1283 = arith.addi %mul3A_1281, %add3A_1282 : i32
      %mul3A_1284 = arith.constant 16 : i32
      %mul3A_1285 = arith.muli %add3A_1283, %mul3A_1284 : i32
      %add3A_1286 = arith.addi %mul3A_1279, %mul3A_1285 : i32
      %dma_wait3A_1287 = arith.constant 0 : i32
      %dma_wait3A_1288 = tpu.memref_slice %arg10[%add3A_1286, %dma_wait3A_1287] : memref<10240x128xf32, #tpu.memory_space<vmem_shared>> -> memref<16x128xf32, #tpu.memory_space<vmem_shared>>
      %dma_wait3A_1289 = arith.constant 0 : i32
      %dma_wait3A_1290 = tpu.memref_slice %arg10[%add3A_1286, %dma_wait3A_1289] : memref<10240x128xf32, #tpu.memory_space<vmem_shared>> -> memref<16x128xf32, #tpu.memory_space<vmem_shared>>
      tpu.wait_dma2 semaphore(%arg14 : memref<!tpu.dma_semaphore, #tpu.memory_space<semaphore_mem>>) src(%arg9 : memref<16x128xf32, #tpu.memory_space<vmem>>) dst(%dma_wait3A_1290 : memref<16x128xf32, #tpu.memory_space<vmem_shared>>)
    }
    %scan3A_1071 = arith.constant 5 : i32
    %barrier3A = arith.constant 0 : index
    tpu.barrier barrier_id(%barrier3A)
    %scan3A_1072 = arith.constant 0 : i32
    %scan3A_1073 = arith.constant 0 : i32
    %scan3A_1074 = arith.constant 10 : i32
    %scan3A_1075 = arith.addi %scan3A_1073, %scan3A_1074 : i32
    %scan3A_1076 = arith.constant 1 : i32
    scf.for %scan3A_1083 = %scan3A_1073 to %scan3A_1075 step %scan3A_1076  : i32 {
      %mul3A_1084 = arith.constant 8 : i32
      %mul3A_1085 = arith.muli %scan3A_1083, %mul3A_1084 : i32
      %add3A_1086 = arith.constant 0 : i32
      %add3A_1087 = arith.addi %mul3A_1085, %add3A_1086 : i32
      %jit3A = arith.constant 2 : i32
      %eq3A = arith.constant 0 : i32
      %eq3A_1088 = arith.cmpi eq, %jit3A, %eq3A : i32
      %jit3A_1089 = arith.constant 1 : i32
      %select_n3A = arith.select %eq3A_1088, %jit3A_1089, %jit3A : i32
      %rem3A = arith.remsi %scan3A_1083, %select_n3A : i32
      %ne3A = arith.constant 0 : i32
      %ne3A_1090 = arith.cmpi ne, %rem3A, %ne3A : i32
      %lt3A = arith.constant 0 : i32
      %lt3A_1091 = arith.cmpi slt, %rem3A, %lt3A : i32
      %lt3A_1092 = arith.constant 0 : i32
      %lt3A_1093 = arith.cmpi slt, %select_n3A, %lt3A_1092 : i32
      %ne3A_1094 = arith.xori %lt3A_1091, %lt3A_1093 : i1
      %and3A = arith.andi %ne3A_1094, %ne3A_1090 : i1
      %add3A_1095 = arith.addi %rem3A, %select_n3A : i32
      %select_n3A_1096 = arith.select %and3A, %add3A_1095, %rem3A : i32
      %add3A_1097 = arith.constant 0 : i32
      %add3A_1098 = arith.addi %scan3A_1083, %add3A_1097 : i32
      %jit3A_1099 = arith.constant 2 : i32
      %eq3A_1100 = arith.constant 0 : i32
      %eq3A_1101 = arith.cmpi eq, %jit3A_1099, %eq3A_1100 : i32
      %jit3A_1102 = arith.constant 1 : i32
      %select_n3A_1103 = arith.select %eq3A_1101, %jit3A_1102, %jit3A_1099 : i32
      %rem3A_1104 = arith.remsi %add3A_1098, %select_n3A_1103 : i32
      %ne3A_1105 = arith.constant 0 : i32
      %ne3A_1106 = arith.cmpi ne, %rem3A_1104, %ne3A_1105 : i32
      %lt3A_1107 = arith.constant 0 : i32
      %lt3A_1108 = arith.cmpi slt, %rem3A_1104, %lt3A_1107 : i32
      %lt3A_1109 = arith.constant 0 : i32
      %lt3A_1110 = arith.cmpi slt, %select_n3A_1103, %lt3A_1109 : i32
      %ne3A_1111 = arith.xori %lt3A_1108, %lt3A_1110 : i1
      %and3A_1112 = arith.andi %ne3A_1111, %ne3A_1106 : i1
      %add3A_1113 = arith.addi %rem3A_1104, %select_n3A_1103 : i32
      %select_n3A_1114 = arith.select %and3A_1112, %add3A_1113, %rem3A_1104 : i32
      %dma_wait3A = arith.constant 0 : i32
      %dma_wait3A_1115 = arith.constant 0 : i32
      %dma_wait3A_1116 = arith.constant 0 : i32
      %dma_wait3A_1117 = arith.constant 0 : i32
      %dma_wait3A_1118 = tpu.memref_slice %arg8[%dma_wait3A_1115, %dma_wait3A_1116, %dma_wait3A_1117] : memref<2x128x128xf32, #tpu.memory_space<vmem>> -> memref<1x128x128xf32, #tpu.memory_space<vmem>>
      %dma_wait3A_1119 = tpu.memref_squeeze %dma_wait3A_1118 : memref<1x128x128xf32, #tpu.memory_space<vmem>> -> memref<128x128xf32, #tpu.memory_space<vmem>>
      %dma_wait3A_1120 = arith.constant 0 : i32
      %dma_wait3A_1121 = tpu.memref_slice %arg6[%select_n3A_1096, %dma_wait3A, %dma_wait3A_1120] : memref<2x8x128xi32, #tpu.memory_space<vmem>> -> memref<1x1x128xi32, #tpu.memory_space<vmem>>
      %dma_wait3A_1122 = tpu.memref_squeeze %dma_wait3A_1121 : memref<1x1x128xi32, #tpu.memory_space<vmem>> -> memref<128xi32, #tpu.memory_space<vmem>>
      %dma_wait3A_1123 = arith.constant 0 : i32
      %dma_wait3A_1124 = arith.constant 0 : i32
      %dma_wait3A_1125 = tpu.memref_slice %arg4[%dma_wait3A_1123, %dma_wait3A_1124] : memref<10000x128xf32, #tpu.memory_space<hbm>> -> memref<10000x128xf32, #tpu.memory_space<hbm>>
      tpu.wait_indirect_dma semaphore(%arg11 : memref<!tpu.dma_semaphore, #tpu.memory_space<semaphore_mem>>) src(%dma_wait3A_1125 : memref<10000x128xf32, #tpu.memory_space<hbm>>) dst(%dma_wait3A_1119 : memref<128x128xf32, #tpu.memory_space<vmem>>)
      %run_scoped3A_1126 = arith.constant 0 : i32
      "tpu.region"() ({
        %run_scoped3A_1548 = tpu.sem_alloc : memref<!tpu.dma_semaphore, #tpu.memory_space<semaphore_mem>>
        %dma_start3A_1549 = arith.constant 0 : i32
        %dma_start3A_1550 = arith.constant 0 : i32
        %dma_start3A_1551 = tpu.memref_slice %arg8[%run_scoped3A_1126, %dma_start3A_1549, %dma_start3A_1550] : memref<2x128x128xf32, #tpu.memory_space<vmem>> -> memref<1x128x128xf32, #tpu.memory_space<vmem>>
        %dma_start3A_1552 = tpu.memref_squeeze %dma_start3A_1551 : memref<1x128x128xf32, #tpu.memory_space<vmem>> -> memref<128x128xf32, #tpu.memory_space<vmem>>
        %dma_start3A_1553 = arith.constant 0 : i32
        %dma_start3A_1554 = tpu.memref_slice %arg7[%add3A_1087, %dma_start3A_1553] : memref<80x128xi32, #tpu.memory_space<vmem>> -> memref<1x128xi32, #tpu.memory_space<vmem>>
        %dma_start3A_1555 = tpu.memref_squeeze %dma_start3A_1554 : memref<1x128xi32, #tpu.memory_space<vmem>> -> memref<128xi32, #tpu.memory_space<vmem>>
        %dma_start3A_1556 = arith.constant 0 : i32
        %dma_start3A_1557 = arith.constant 0 : i32
        %dma_start3A_1558 = tpu.memref_slice %arg10[%dma_start3A_1556, %dma_start3A_1557] : memref<10240x128xf32, #tpu.memory_space<vmem_shared>> -> memref<10240x128xf32, #tpu.memory_space<vmem_shared>>
        tpu.enqueue_indirect_dma source(%dma_start3A_1552 : memref<128x128xf32, #tpu.memory_space<vmem>>) target(%dma_start3A_1558 : memref<10240x128xf32, #tpu.memory_space<vmem_shared>>) offsets(%dma_start3A_1555 : memref<128xi32, #tpu.memory_space<vmem>>) semaphore(%run_scoped3A_1548 : memref<!tpu.dma_semaphore, #tpu.memory_space<semaphore_mem>>) {add = true}
        %dma_wait3A_1559 = arith.constant 0 : i32
        %dma_wait3A_1560 = arith.constant 0 : i32
        %dma_wait3A_1561 = tpu.memref_slice %arg8[%run_scoped3A_1126, %dma_wait3A_1559, %dma_wait3A_1560] : memref<2x128x128xf32, #tpu.memory_space<vmem>> -> memref<1x128x128xf32, #tpu.memory_space<vmem>>
        %dma_wait3A_1562 = tpu.memref_squeeze %dma_wait3A_1561 : memref<1x128x128xf32, #tpu.memory_space<vmem>> -> memref<128x128xf32, #tpu.memory_space<vmem>>
        %dma_wait3A_1563 = arith.constant 0 : i32
        %dma_wait3A_1564 = tpu.memref_slice %arg7[%add3A_1087, %dma_wait3A_1563] : memref<80x128xi32, #tpu.memory_space<vmem>> -> memref<1x128xi32, #tpu.memory_space<vmem>>
        %dma_wait3A_1565 = tpu.memref_squeeze %dma_wait3A_1564 : memref<1x128xi32, #tpu.memory_space<vmem>> -> memref<128xi32, #tpu.memory_space<vmem>>
        %dma_wait3A_1566 = arith.constant 0 : i32
        %dma_wait3A_1567 = arith.constant 0 : i32
        %dma_wait3A_1568 = tpu.memref_slice %arg10[%dma_wait3A_1566, %dma_wait3A_1567] : memref<10240x128xf32, #tpu.memory_space<vmem_shared>> -> memref<10240x128xf32, #tpu.memory_space<vmem_shared>>
        tpu.wait_indirect_dma semaphore(%run_scoped3A_1548 : memref<!tpu.dma_semaphore, #tpu.memory_space<semaphore_mem>>) src(%dma_wait3A_1562 : memref<128x128xf32, #tpu.memory_space<vmem>>) dst(%dma_wait3A_1568 : memref<10240x128xf32, #tpu.memory_space<vmem_shared>>)
        tpu.yield
      }) : () -> ()
      %add3A_1127 = arith.constant 2 : i32
      %add3A_1128 = arith.addi %add3A_1087, %add3A_1127 : i32
      %lt3A_1129 = arith.constant 80 : i32
      %lt3A_1130 = arith.cmpi slt, %add3A_1128, %lt3A_1129 : i32
      %convert_element_type3A = arith.extui %lt3A_1130 : i1 to i32
      %cond3A = arith.constant 0 : i32
      %cond3A_1131 = arith.cmpi ne, %convert_element_type3A, %cond3A : i32
      scf.if %cond3A_1131 {
        %dma_start3A_1548 = arith.constant 2 : i32
        %dma_start3A_1549 = arith.constant 0 : i32
        %dma_start3A_1550 = arith.constant 0 : i32
        %dma_start3A_1551 = arith.constant 0 : i32
        %dma_start3A_1552 = tpu.memref_slice %arg8[%dma_start3A_1549, %dma_start3A_1550, %dma_start3A_1551] : memref<2x128x128xf32, #tpu.memory_space<vmem>> -> memref<1x128x128xf32, #tpu.memory_space<vmem>>
        %dma_start3A_1553 = tpu.memref_squeeze %dma_start3A_1552 : memref<1x128x128xf32, #tpu.memory_space<vmem>> -> memref<128x128xf32, #tpu.memory_space<vmem>>
        %dma_start3A_1554 = arith.constant 0 : i32
        %dma_start3A_1555 = tpu.memref_slice %arg6[%select_n3A_1114, %dma_start3A_1548, %dma_start3A_1554] : memref<2x8x128xi32, #tpu.memory_space<vmem>> -> memref<1x1x128xi32, #tpu.memory_space<vmem>>
        %dma_start3A_1556 = tpu.memref_squeeze %dma_start3A_1555 : memref<1x1x128xi32, #tpu.memory_space<vmem>> -> memref<128xi32, #tpu.memory_space<vmem>>
        %dma_start3A_1557 = arith.constant 0 : i32
        %dma_start3A_1558 = arith.constant 0 : i32
        %dma_start3A_1559 = tpu.memref_slice %arg4[%dma_start3A_1557, %dma_start3A_1558] : memref<10000x128xf32, #tpu.memory_space<hbm>> -> memref<10000x128xf32, #tpu.memory_space<hbm>>
        tpu.enqueue_indirect_dma source(%dma_start3A_1559 : memref<10000x128xf32, #tpu.memory_space<hbm>>) target(%dma_start3A_1553 : memref<128x128xf32, #tpu.memory_space<vmem>>) offsets(%dma_start3A_1556 : memref<128xi32, #tpu.memory_space<vmem>>) semaphore(%arg11 : memref<!tpu.dma_semaphore, #tpu.memory_space<semaphore_mem>>)
      } else {
      }
      %mul3A_1132 = arith.constant 8 : i32
      %mul3A_1133 = arith.muli %scan3A_1083, %mul3A_1132 : i32
      %add3A_1134 = arith.constant 1 : i32
      %add3A_1135 = arith.addi %mul3A_1133, %add3A_1134 : i32
      %jit3A_1136 = arith.constant 2 : i32
      %eq3A_1137 = arith.constant 0 : i32
      %eq3A_1138 = arith.cmpi eq, %jit3A_1136, %eq3A_1137 : i32
      %jit3A_1139 = arith.constant 1 : i32
      %select_n3A_1140 = arith.select %eq3A_1138, %jit3A_1139, %jit3A_1136 : i32
      %rem3A_1141 = arith.remsi %scan3A_1083, %select_n3A_1140 : i32
      %ne3A_1142 = arith.constant 0 : i32
      %ne3A_1143 = arith.cmpi ne, %rem3A_1141, %ne3A_1142 : i32
      %lt3A_1144 = arith.constant 0 : i32
      %lt3A_1145 = arith.cmpi slt, %rem3A_1141, %lt3A_1144 : i32
      %lt3A_1146 = arith.constant 0 : i32
      %lt3A_1147 = arith.cmpi slt, %select_n3A_1140, %lt3A_1146 : i32
      %ne3A_1148 = arith.xori %lt3A_1145, %lt3A_1147 : i1
      %and3A_1149 = arith.andi %ne3A_1148, %ne3A_1143 : i1
      %add3A_1150 = arith.addi %rem3A_1141, %select_n3A_1140 : i32
      %select_n3A_1151 = arith.select %and3A_1149, %add3A_1150, %rem3A_1141 : i32
      %add3A_1152 = arith.constant 0 : i32
      %add3A_1153 = arith.addi %scan3A_1083, %add3A_1152 : i32
      %jit3A_1154 = arith.constant 2 : i32
      %eq3A_1155 = arith.constant 0 : i32
      %eq3A_1156 = arith.cmpi eq, %jit3A_1154, %eq3A_1155 : i32
      %jit3A_1157 = arith.constant 1 : i32
      %select_n3A_1158 = arith.select %eq3A_1156, %jit3A_1157, %jit3A_1154 : i32
      %rem3A_1159 = arith.remsi %add3A_1153, %select_n3A_1158 : i32
      %ne3A_1160 = arith.constant 0 : i32
      %ne3A_1161 = arith.cmpi ne, %rem3A_1159, %ne3A_1160 : i32
      %lt3A_1162 = arith.constant 0 : i32
      %lt3A_1163 = arith.cmpi slt, %rem3A_1159, %lt3A_1162 : i32
      %lt3A_1164 = arith.constant 0 : i32
      %lt3A_1165 = arith.cmpi slt, %select_n3A_1158, %lt3A_1164 : i32
      %ne3A_1166 = arith.xori %lt3A_1163, %lt3A_1165 : i1
      %and3A_1167 = arith.andi %ne3A_1166, %ne3A_1161 : i1
      %add3A_1168 = arith.addi %rem3A_1159, %select_n3A_1158 : i32
      %select_n3A_1169 = arith.select %and3A_1167, %add3A_1168, %rem3A_1159 : i32
      %dma_wait3A_1170 = arith.constant 1 : i32
      %dma_wait3A_1171 = arith.constant 1 : i32
      %dma_wait3A_1172 = arith.constant 0 : i32
      %dma_wait3A_1173 = arith.constant 0 : i32
      %dma_wait3A_1174 = tpu.memref_slice %arg8[%dma_wait3A_1171, %dma_wait3A_1172, %dma_wait3A_1173] : memref<2x128x128xf32, #tpu.memory_space<vmem>> -> memref<1x128x128xf32, #tpu.memory_space<vmem>>
      %dma_wait3A_1175 = tpu.memref_squeeze %dma_wait3A_1174 : memref<1x128x128xf32, #tpu.memory_space<vmem>> -> memref<128x128xf32, #tpu.memory_space<vmem>>
      %dma_wait3A_1176 = arith.constant 0 : i32
      %dma_wait3A_1177 = tpu.memref_slice %arg6[%select_n3A_1151, %dma_wait3A_1170, %dma_wait3A_1176] : memref<2x8x128xi32, #tpu.memory_space<vmem>> -> memref<1x1x128xi32, #tpu.memory_space<vmem>>
      %dma_wait3A_1178 = tpu.memref_squeeze %dma_wait3A_1177 : memref<1x1x128xi32, #tpu.memory_space<vmem>> -> memref<128xi32, #tpu.memory_space<vmem>>
      %dma_wait3A_1179 = arith.constant 0 : i32
      %dma_wait3A_1180 = arith.constant 0 : i32
      %dma_wait3A_1181 = tpu.memref_slice %arg4[%dma_wait3A_1179, %dma_wait3A_1180] : memref<10000x128xf32, #tpu.memory_space<hbm>> -> memref<10000x128xf32, #tpu.memory_space<hbm>>
      tpu.wait_indirect_dma semaphore(%arg12 : memref<!tpu.dma_semaphore, #tpu.memory_space<semaphore_mem>>) src(%dma_wait3A_1181 : memref<10000x128xf32, #tpu.memory_space<hbm>>) dst(%dma_wait3A_1175 : memref<128x128xf32, #tpu.memory_space<vmem>>)
      %run_scoped3A_1182 = arith.constant 1 : i32
      "tpu.region"() ({
        %run_scoped3A_1548 = tpu.sem_alloc : memref<!tpu.dma_semaphore, #tpu.memory_space<semaphore_mem>>
        %dma_start3A_1549 = arith.constant 0 : i32
        %dma_start3A_1550 = arith.constant 0 : i32
        %dma_start3A_1551 = tpu.memref_slice %arg8[%run_scoped3A_1182, %dma_start3A_1549, %dma_start3A_1550] : memref<2x128x128xf32, #tpu.memory_space<vmem>> -> memref<1x128x128xf32, #tpu.memory_space<vmem>>
        %dma_start3A_1552 = tpu.memref_squeeze %dma_start3A_1551 : memref<1x128x128xf32, #tpu.memory_space<vmem>> -> memref<128x128xf32, #tpu.memory_space<vmem>>
        %dma_start3A_1553 = arith.constant 0 : i32
        %dma_start3A_1554 = tpu.memref_slice %arg7[%add3A_1135, %dma_start3A_1553] : memref<80x128xi32, #tpu.memory_space<vmem>> -> memref<1x128xi32, #tpu.memory_space<vmem>>
        %dma_start3A_1555 = tpu.memref_squeeze %dma_start3A_1554 : memref<1x128xi32, #tpu.memory_space<vmem>> -> memref<128xi32, #tpu.memory_space<vmem>>
        %dma_start3A_1556 = arith.constant 0 : i32
        %dma_start3A_1557 = arith.constant 0 : i32
        %dma_start3A_1558 = tpu.memref_slice %arg10[%dma_start3A_1556, %dma_start3A_1557] : memref<10240x128xf32, #tpu.memory_space<vmem_shared>> -> memref<10240x128xf32, #tpu.memory_space<vmem_shared>>
        tpu.enqueue_indirect_dma source(%dma_start3A_1552 : memref<128x128xf32, #tpu.memory_space<vmem>>) target(%dma_start3A_1558 : memref<10240x128xf32, #tpu.memory_space<vmem_shared>>) offsets(%dma_start3A_1555 : memref<128xi32, #tpu.memory_space<vmem>>) semaphore(%run_scoped3A_1548 : memref<!tpu.dma_semaphore, #tpu.memory_space<semaphore_mem>>) {add = true}
        %dma_wait3A_1559 = arith.constant 0 : i32
        %dma_wait3A_1560 = arith.constant 0 : i32
        %dma_wait3A_1561 = tpu.memref_slice %arg8[%run_scoped3A_1182, %dma_wait3A_1559, %dma_wait3A_1560] : memref<2x128x128xf32, #tpu.memory_space<vmem>> -> memref<1x128x128xf32, #tpu.memory_space<vmem>>
        %dma_wait3A_1562 = tpu.memref_squeeze %dma_wait3A_1561 : memref<1x128x128xf32, #tpu.memory_space<vmem>> -> memref<128x128xf32, #tpu.memory_space<vmem>>
        %dma_wait3A_1563 = arith.constant 0 : i32
        %dma_wait3A_1564 = tpu.memref_slice %arg7[%add3A_1135, %dma_wait3A_1563] : memref<80x128xi32, #tpu.memory_space<vmem>> -> memref<1x128xi32, #tpu.memory_space<vmem>>
        %dma_wait3A_1565 = tpu.memref_squeeze %dma_wait3A_1564 : memref<1x128xi32, #tpu.memory_space<vmem>> -> memref<128xi32, #tpu.memory_space<vmem>>
        %dma_wait3A_1566 = arith.constant 0 : i32
        %dma_wait3A_1567 = arith.constant 0 : i32
        %dma_wait3A_1568 = tpu.memref_slice %arg10[%dma_wait3A_1566, %dma_wait3A_1567] : memref<10240x128xf32, #tpu.memory_space<vmem_shared>> -> memref<10240x128xf32, #tpu.memory_space<vmem_shared>>
        tpu.wait_indirect_dma semaphore(%run_scoped3A_1548 : memref<!tpu.dma_semaphore, #tpu.memory_space<semaphore_mem>>) src(%dma_wait3A_1562 : memref<128x128xf32, #tpu.memory_space<vmem>>) dst(%dma_wait3A_1568 : memref<10240x128xf32, #tpu.memory_space<vmem_shared>>)
        tpu.yield
      }) : () -> ()
      %add3A_1183 = arith.constant 2 : i32
      %add3A_1184 = arith.addi %add3A_1135, %add3A_1183 : i32
      %lt3A_1185 = arith.constant 80 : i32
      %lt3A_1186 = arith.cmpi slt, %add3A_1184, %lt3A_1185 : i32
      %convert_element_type3A_1187 = arith.extui %lt3A_1186 : i1 to i32
      %cond3A_1188 = arith.constant 0 : i32
      %cond3A_1189 = arith.cmpi ne, %convert_element_type3A_1187, %cond3A_1188 : i32
      scf.if %cond3A_1189 {
        %dma_start3A_1548 = arith.constant 3 : i32
        %dma_start3A_1549 = arith.constant 1 : i32
        %dma_start3A_1550 = arith.constant 0 : i32
        %dma_start3A_1551 = arith.constant 0 : i32
        %dma_start3A_1552 = tpu.memref_slice %arg8[%dma_start3A_1549, %dma_start3A_1550, %dma_start3A_1551] : memref<2x128x128xf32, #tpu.memory_space<vmem>> -> memref<1x128x128xf32, #tpu.memory_space<vmem>>
        %dma_start3A_1553 = tpu.memref_squeeze %dma_start3A_1552 : memref<1x128x128xf32, #tpu.memory_space<vmem>> -> memref<128x128xf32, #tpu.memory_space<vmem>>
        %dma_start3A_1554 = arith.constant 0 : i32
        %dma_start3A_1555 = tpu.memref_slice %arg6[%select_n3A_1169, %dma_start3A_1548, %dma_start3A_1554] : memref<2x8x128xi32, #tpu.memory_space<vmem>> -> memref<1x1x128xi32, #tpu.memory_space<vmem>>
        %dma_start3A_1556 = tpu.memref_squeeze %dma_start3A_1555 : memref<1x1x128xi32, #tpu.memory_space<vmem>> -> memref<128xi32, #tpu.memory_space<vmem>>
        %dma_start3A_1557 = arith.constant 0 : i32
        %dma_start3A_1558 = arith.constant 0 : i32
        %dma_start3A_1559 = tpu.memref_slice %arg4[%dma_start3A_1557, %dma_start3A_1558] : memref<10000x128xf32, #tpu.memory_space<hbm>> -> memref<10000x128xf32, #tpu.memory_space<hbm>>
        tpu.enqueue_indirect_dma source(%dma_start3A_1559 : memref<10000x128xf32, #tpu.memory_space<hbm>>) target(%dma_start3A_1553 : memref<128x128xf32, #tpu.memory_space<vmem>>) offsets(%dma_start3A_1556 : memref<128xi32, #tpu.memory_space<vmem>>) semaphore(%arg12 : memref<!tpu.dma_semaphore, #tpu.memory_space<semaphore_mem>>)
      } else {
      }
      %mul3A_1190 = arith.constant 8 : i32
      %mul3A_1191 = arith.muli %scan3A_1083, %mul3A_1190 : i32
      %add3A_1192 = arith.constant 2 : i32
      %add3A_1193 = arith.addi %mul3A_1191, %add3A_1192 : i32
      %jit3A_1194 = arith.constant 2 : i32
      %eq3A_1195 = arith.constant 0 : i32
      %eq3A_1196 = arith.cmpi eq, %jit3A_1194, %eq3A_1195 : i32
      %jit3A_1197 = arith.constant 1 : i32
      %select_n3A_1198 = arith.select %eq3A_1196, %jit3A_1197, %jit3A_1194 : i32
      %rem3A_1199 = arith.remsi %scan3A_1083, %select_n3A_1198 : i32
      %ne3A_1200 = arith.constant 0 : i32
      %ne3A_1201 = arith.cmpi ne, %rem3A_1199, %ne3A_1200 : i32
      %lt3A_1202 = arith.constant 0 : i32
      %lt3A_1203 = arith.cmpi slt, %rem3A_1199, %lt3A_1202 : i32
      %lt3A_1204 = arith.constant 0 : i32
      %lt3A_1205 = arith.cmpi slt, %select_n3A_1198, %lt3A_1204 : i32
      %ne3A_1206 = arith.xori %lt3A_1203, %lt3A_1205 : i1
      %and3A_1207 = arith.andi %ne3A_1206, %ne3A_1201 : i1
      %add3A_1208 = arith.addi %rem3A_1199, %select_n3A_1198 : i32
      %select_n3A_1209 = arith.select %and3A_1207, %add3A_1208, %rem3A_1199 : i32
      %add3A_1210 = arith.constant 0 : i32
      %add3A_1211 = arith.addi %scan3A_1083, %add3A_1210 : i32
      %jit3A_1212 = arith.constant 2 : i32
      %eq3A_1213 = arith.constant 0 : i32
      %eq3A_1214 = arith.cmpi eq, %jit3A_1212, %eq3A_1213 : i32
      %jit3A_1215 = arith.constant 1 : i32
      %select_n3A_1216 = arith.select %eq3A_1214, %jit3A_1215, %jit3A_1212 : i32
      %rem3A_1217 = arith.remsi %add3A_1211, %select_n3A_1216 : i32
      %ne3A_1218 = arith.constant 0 : i32
      %ne3A_1219 = arith.cmpi ne, %rem3A_1217, %ne3A_1218 : i32
      %lt3A_1220 = arith.constant 0 : i32
      %lt3A_1221 = arith.cmpi slt, %rem3A_1217, %lt3A_1220 : i32
      %lt3A_1222 = arith.constant 0 : i32
      %lt3A_1223 = arith.cmpi slt, %select_n3A_1216, %lt3A_1222 : i32
      %ne3A_1224 = arith.xori %lt3A_1221, %lt3A_1223 : i1
      %and3A_1225 = arith.andi %ne3A_1224, %ne3A_1219 : i1
      %add3A_1226 = arith.addi %rem3A_1217, %select_n3A_1216 : i32
      %select_n3A_1227 = arith.select %and3A_1225, %add3A_1226, %rem3A_1217 : i32
      %dma_wait3A_1228 = arith.constant 2 : i32
      %dma_wait3A_1229 = arith.constant 0 : i32
      %dma_wait3A_1230 = arith.constant 0 : i32
      %dma_wait3A_1231 = arith.constant 0 : i32
      %dma_wait3A_1232 = tpu.memref_slice %arg8[%dma_wait3A_1229, %dma_wait3A_1230, %dma_wait3A_1231] : memref<2x128x128xf32, #tpu.memory_space<vmem>> -> memref<1x128x128xf32, #tpu.memory_space<vmem>>
      %dma_wait3A_1233 = tpu.memref_squeeze %dma_wait3A_1232 : memref<1x128x128xf32, #tpu.memory_space<vmem>> -> memref<128x128xf32, #tpu.memory_space<vmem>>
      %dma_wait3A_1234 = arith.constant 0 : i32
      %dma_wait3A_1235 = tpu.memref_slice %arg6[%select_n3A_1209, %dma_wait3A_1228, %dma_wait3A_1234] : memref<2x8x128xi32, #tpu.memory_space<vmem>> -> memref<1x1x128xi32, #tpu.memory_space<vmem>>
      %dma_wait3A_1236 = tpu.memref_squeeze %dma_wait3A_1235 : memref<1x1x128xi32, #tpu.memory_space<vmem>> -> memref<128xi32, #tpu.memory_space<vmem>>
      %dma_wait3A_1237 = arith.constant 0 : i32
      %dma_wait3A_1238 = arith.constant 0 : i32
      %dma_wait3A_1239 = tpu.memref_slice %arg4[%dma_wait3A_1237, %dma_wait3A_1238] : memref<10000x128xf32, #tpu.memory_space<hbm>> -> memref<10000x128xf32, #tpu.memory_space<hbm>>
      tpu.wait_indirect_dma semaphore(%arg11 : memref<!tpu.dma_semaphore, #tpu.memory_space<semaphore_mem>>) src(%dma_wait3A_1239 : memref<10000x128xf32, #tpu.memory_space<hbm>>) dst(%dma_wait3A_1233 : memref<128x128xf32, #tpu.memory_space<vmem>>)
      %run_scoped3A_1240 = arith.constant 0 : i32
      "tpu.region"() ({
        %run_scoped3A_1548 = tpu.sem_alloc : memref<!tpu.dma_semaphore, #tpu.memory_space<semaphore_mem>>
        %dma_start3A_1549 = arith.constant 0 : i32
        %dma_start3A_1550 = arith.constant 0 : i32
        %dma_start3A_1551 = tpu.memref_slice %arg8[%run_scoped3A_1240, %dma_start3A_1549, %dma_start3A_1550] : memref<2x128x128xf32, #tpu.memory_space<vmem>> -> memref<1x128x128xf32, #tpu.memory_space<vmem>>
        %dma_start3A_1552 = tpu.memref_squeeze %dma_start3A_1551 : memref<1x128x128xf32, #tpu.memory_space<vmem>> -> memref<128x128xf32, #tpu.memory_space<vmem>>
        %dma_start3A_1553 = arith.constant 0 : i32
        %dma_start3A_1554 = tpu.memref_slice %arg7[%add3A_1193, %dma_start3A_1553] : memref<80x128xi32, #tpu.memory_space<vmem>> -> memref<1x128xi32, #tpu.memory_space<vmem>>
        %dma_start3A_1555 = tpu.memref_squeeze %dma_start3A_1554 : memref<1x128xi32, #tpu.memory_space<vmem>> -> memref<128xi32, #tpu.memory_space<vmem>>
        %dma_start3A_1556 = arith.constant 0 : i32
        %dma_start3A_1557 = arith.constant 0 : i32
        %dma_start3A_1558 = tpu.memref_slice %arg10[%dma_start3A_1556, %dma_start3A_1557] : memref<10240x128xf32, #tpu.memory_space<vmem_shared>> -> memref<10240x128xf32, #tpu.memory_space<vmem_shared>>
        tpu.enqueue_indirect_dma source(%dma_start3A_1552 : memref<128x128xf32, #tpu.memory_space<vmem>>) target(%dma_start3A_1558 : memref<10240x128xf32, #tpu.memory_space<vmem_shared>>) offsets(%dma_start3A_1555 : memref<128xi32, #tpu.memory_space<vmem>>) semaphore(%run_scoped3A_1548 : memref<!tpu.dma_semaphore, #tpu.memory_space<semaphore_mem>>) {add = true}
        %dma_wait3A_1559 = arith.constant 0 : i32
        %dma_wait3A_1560 = arith.constant 0 : i32
        %dma_wait3A_1561 = tpu.memref_slice %arg8[%run_scoped3A_1240, %dma_wait3A_1559, %dma_wait3A_1560] : memref<2x128x128xf32, #tpu.memory_space<vmem>> -> memref<1x128x128xf32, #tpu.memory_space<vmem>>
        %dma_wait3A_1562 = tpu.memref_squeeze %dma_wait3A_1561 : memref<1x128x128xf32, #tpu.memory_space<vmem>> -> memref<128x128xf32, #tpu.memory_space<vmem>>
        %dma_wait3A_1563 = arith.constant 0 : i32
        %dma_wait3A_1564 = tpu.memref_slice %arg7[%add3A_1193, %dma_wait3A_1563] : memref<80x128xi32, #tpu.memory_space<vmem>> -> memref<1x128xi32, #tpu.memory_space<vmem>>
        %dma_wait3A_1565 = tpu.memref_squeeze %dma_wait3A_1564 : memref<1x128xi32, #tpu.memory_space<vmem>> -> memref<128xi32, #tpu.memory_space<vmem>>
        %dma_wait3A_1566 = arith.constant 0 : i32
        %dma_wait3A_1567 = arith.constant 0 : i32
        %dma_wait3A_1568 = tpu.memref_slice %arg10[%dma_wait3A_1566, %dma_wait3A_1567] : memref<10240x128xf32, #tpu.memory_space<vmem_shared>> -> memref<10240x128xf32, #tpu.memory_space<vmem_shared>>
        tpu.wait_indirect_dma semaphore(%run_scoped3A_1548 : memref<!tpu.dma_semaphore, #tpu.memory_space<semaphore_mem>>) src(%dma_wait3A_1562 : memref<128x128xf32, #tpu.memory_space<vmem>>) dst(%dma_wait3A_1568 : memref<10240x128xf32, #tpu.memory_space<vmem_shared>>)
        tpu.yield
      }) : () -> ()
      %add3A_1241 = arith.constant 2 : i32
      %add3A_1242 = arith.addi %add3A_1193, %add3A_1241 : i32
      %lt3A_1243 = arith.constant 80 : i32
      %lt3A_1244 = arith.cmpi slt, %add3A_1242, %lt3A_1243 : i32
      %convert_element_type3A_1245 = arith.extui %lt3A_1244 : i1 to i32
      %cond3A_1246 = arith.constant 0 : i32
      %cond3A_1247 = arith.cmpi ne, %convert_element_type3A_1245, %cond3A_1246 : i32
      scf.if %cond3A_1247 {
        %dma_start3A_1548 = arith.constant 4 : i32
        %dma_start3A_1549 = arith.constant 0 : i32
        %dma_start3A_1550 = arith.constant 0 : i32
        %dma_start3A_1551 = arith.constant 0 : i32
        %dma_start3A_1552 = tpu.memref_slice %arg8[%dma_start3A_1549, %dma_start3A_1550, %dma_start3A_1551] : memref<2x128x128xf32, #tpu.memory_space<vmem>> -> memref<1x128x128xf32, #tpu.memory_space<vmem>>
        %dma_start3A_1553 = tpu.memref_squeeze %dma_start3A_1552 : memref<1x128x128xf32, #tpu.memory_space<vmem>> -> memref<128x128xf32, #tpu.memory_space<vmem>>
        %dma_start3A_1554 = arith.constant 0 : i32
        %dma_start3A_1555 = tpu.memref_slice %arg6[%select_n3A_1227, %dma_start3A_1548, %dma_start3A_1554] : memref<2x8x128xi32, #tpu.memory_space<vmem>> -> memref<1x1x128xi32, #tpu.memory_space<vmem>>
        %dma_start3A_1556 = tpu.memref_squeeze %dma_start3A_1555 : memref<1x1x128xi32, #tpu.memory_space<vmem>> -> memref<128xi32, #tpu.memory_space<vmem>>
        %dma_start3A_1557 = arith.constant 0 : i32
        %dma_start3A_1558 = arith.constant 0 : i32
        %dma_start3A_1559 = tpu.memref_slice %arg4[%dma_start3A_1557, %dma_start3A_1558] : memref<10000x128xf32, #tpu.memory_space<hbm>> -> memref<10000x128xf32, #tpu.memory_space<hbm>>
        tpu.enqueue_indirect_dma source(%dma_start3A_1559 : memref<10000x128xf32, #tpu.memory_space<hbm>>) target(%dma_start3A_1553 : memref<128x128xf32, #tpu.memory_space<vmem>>) offsets(%dma_start3A_1556 : memref<128xi32, #tpu.memory_space<vmem>>) semaphore(%arg11 : memref<!tpu.dma_semaphore, #tpu.memory_space<semaphore_mem>>)
      } else {
      }
      %mul3A_1248 = arith.constant 8 : i32
      %mul3A_1249 = arith.muli %scan3A_1083, %mul3A_1248 : i32
      %add3A_1250 = arith.constant 3 : i32
      %add3A_1251 = arith.addi %mul3A_1249, %add3A_1250 : i32
      %jit3A_1252 = arith.constant 2 : i32
      %eq3A_1253 = arith.constant 0 : i32
      %eq3A_1254 = arith.cmpi eq, %jit3A_1252, %eq3A_1253 : i32
      %jit3A_1255 = arith.constant 1 : i32
      %select_n3A_1256 = arith.select %eq3A_1254, %jit3A_1255, %jit3A_1252 : i32
      %rem3A_1257 = arith.remsi %scan3A_1083, %select_n3A_1256 : i32
      %ne3A_1258 = arith.constant 0 : i32
      %ne3A_1259 = arith.cmpi ne, %rem3A_1257, %ne3A_1258 : i32
      %lt3A_1260 = arith.constant 0 : i32
      %lt3A_1261 = arith.cmpi slt, %rem3A_1257, %lt3A_1260 : i32
      %lt3A_1262 = arith.constant 0 : i32
      %lt3A_1263 = arith.cmpi slt, %select_n3A_1256, %lt3A_1262 : i32
      %ne3A_1264 = arith.xori %lt3A_1261, %lt3A_1263 : i1
      %and3A_1265 = arith.andi %ne3A_1264, %ne3A_1259 : i1
      %add3A_1266 = arith.addi %rem3A_1257, %select_n3A_1256 : i32
      %select_n3A_1267 = arith.select %and3A_1265, %add3A_1266, %rem3A_1257 : i32
      %add3A_1268 = arith.constant 0 : i32
      %add3A_1269 = arith.addi %scan3A_1083, %add3A_1268 : i32
      %jit3A_1270 = arith.constant 2 : i32
      %eq3A_1271 = arith.constant 0 : i32
      %eq3A_1272 = arith.cmpi eq, %jit3A_1270, %eq3A_1271 : i32
      %jit3A_1273 = arith.constant 1 : i32
      %select_n3A_1274 = arith.select %eq3A_1272, %jit3A_1273, %jit3A_1270 : i32
      %rem3A_1275 = arith.remsi %add3A_1269, %select_n3A_1274 : i32
      %ne3A_1276 = arith.constant 0 : i32
      %ne3A_1277 = arith.cmpi ne, %rem3A_1275, %ne3A_1276 : i32
      %lt3A_1278 = arith.constant 0 : i32
      %lt3A_1279 = arith.cmpi slt, %rem3A_1275, %lt3A_1278 : i32
      %lt3A_1280 = arith.constant 0 : i32
      %lt3A_1281 = arith.cmpi slt, %select_n3A_1274, %lt3A_1280 : i32
      %ne3A_1282 = arith.xori %lt3A_1279, %lt3A_1281 : i1
      %and3A_1283 = arith.andi %ne3A_1282, %ne3A_1277 : i1
      %add3A_1284 = arith.addi %rem3A_1275, %select_n3A_1274 : i32
      %select_n3A_1285 = arith.select %and3A_1283, %add3A_1284, %rem3A_1275 : i32
      %dma_wait3A_1286 = arith.constant 3 : i32
      %dma_wait3A_1287 = arith.constant 1 : i32
      %dma_wait3A_1288 = arith.constant 0 : i32
      %dma_wait3A_1289 = arith.constant 0 : i32
      %dma_wait3A_1290 = tpu.memref_slice %arg8[%dma_wait3A_1287, %dma_wait3A_1288, %dma_wait3A_1289] : memref<2x128x128xf32, #tpu.memory_space<vmem>> -> memref<1x128x128xf32, #tpu.memory_space<vmem>>
      %dma_wait3A_1291 = tpu.memref_squeeze %dma_wait3A_1290 : memref<1x128x128xf32, #tpu.memory_space<vmem>> -> memref<128x128xf32, #tpu.memory_space<vmem>>
      %dma_wait3A_1292 = arith.constant 0 : i32
      %dma_wait3A_1293 = tpu.memref_slice %arg6[%select_n3A_1267, %dma_wait3A_1286, %dma_wait3A_1292] : memref<2x8x128xi32, #tpu.memory_space<vmem>> -> memref<1x1x128xi32, #tpu.memory_space<vmem>>
      %dma_wait3A_1294 = tpu.memref_squeeze %dma_wait3A_1293 : memref<1x1x128xi32, #tpu.memory_space<vmem>> -> memref<128xi32, #tpu.memory_space<vmem>>
      %dma_wait3A_1295 = arith.constant 0 : i32
      %dma_wait3A_1296 = arith.constant 0 : i32
      %dma_wait3A_1297 = tpu.memref_slice %arg4[%dma_wait3A_1295, %dma_wait3A_1296] : memref<10000x128xf32, #tpu.memory_space<hbm>> -> memref<10000x128xf32, #tpu.memory_space<hbm>>
      tpu.wait_indirect_dma semaphore(%arg12 : memref<!tpu.dma_semaphore, #tpu.memory_space<semaphore_mem>>) src(%dma_wait3A_1297 : memref<10000x128xf32, #tpu.memory_space<hbm>>) dst(%dma_wait3A_1291 : memref<128x128xf32, #tpu.memory_space<vmem>>)
      %run_scoped3A_1298 = arith.constant 1 : i32
      "tpu.region"() ({
        %run_scoped3A_1548 = tpu.sem_alloc : memref<!tpu.dma_semaphore, #tpu.memory_space<semaphore_mem>>
        %dma_start3A_1549 = arith.constant 0 : i32
        %dma_start3A_1550 = arith.constant 0 : i32
        %dma_start3A_1551 = tpu.memref_slice %arg8[%run_scoped3A_1298, %dma_start3A_1549, %dma_start3A_1550] : memref<2x128x128xf32, #tpu.memory_space<vmem>> -> memref<1x128x128xf32, #tpu.memory_space<vmem>>
        %dma_start3A_1552 = tpu.memref_squeeze %dma_start3A_1551 : memref<1x128x128xf32, #tpu.memory_space<vmem>> -> memref<128x128xf32, #tpu.memory_space<vmem>>
        %dma_start3A_1553 = arith.constant 0 : i32
        %dma_start3A_1554 = tpu.memref_slice %arg7[%add3A_1251, %dma_start3A_1553] : memref<80x128xi32, #tpu.memory_space<vmem>> -> memref<1x128xi32, #tpu.memory_space<vmem>>
        %dma_start3A_1555 = tpu.memref_squeeze %dma_start3A_1554 : memref<1x128xi32, #tpu.memory_space<vmem>> -> memref<128xi32, #tpu.memory_space<vmem>>
        %dma_start3A_1556 = arith.constant 0 : i32
        %dma_start3A_1557 = arith.constant 0 : i32
        %dma_start3A_1558 = tpu.memref_slice %arg10[%dma_start3A_1556, %dma_start3A_1557] : memref<10240x128xf32, #tpu.memory_space<vmem_shared>> -> memref<10240x128xf32, #tpu.memory_space<vmem_shared>>
        tpu.enqueue_indirect_dma source(%dma_start3A_1552 : memref<128x128xf32, #tpu.memory_space<vmem>>) target(%dma_start3A_1558 : memref<10240x128xf32, #tpu.memory_space<vmem_shared>>) offsets(%dma_start3A_1555 : memref<128xi32, #tpu.memory_space<vmem>>) semaphore(%run_scoped3A_1548 : memref<!tpu.dma_semaphore, #tpu.memory_space<semaphore_mem>>) {add = true}
        %dma_wait3A_1559 = arith.constant 0 : i32
        %dma_wait3A_1560 = arith.constant 0 : i32
        %dma_wait3A_1561 = tpu.memref_slice %arg8[%run_scoped3A_1298, %dma_wait3A_1559, %dma_wait3A_1560] : memref<2x128x128xf32, #tpu.memory_space<vmem>> -> memref<1x128x128xf32, #tpu.memory_space<vmem>>
        %dma_wait3A_1562 = tpu.memref_squeeze %dma_wait3A_1561 : memref<1x128x128xf32, #tpu.memory_space<vmem>> -> memref<128x128xf32, #tpu.memory_space<vmem>>
        %dma_wait3A_1563 = arith.constant 0 : i32
        %dma_wait3A_1564 = tpu.memref_slice %arg7[%add3A_1251, %dma_wait3A_1563] : memref<80x128xi32, #tpu.memory_space<vmem>> -> memref<1x128xi32, #tpu.memory_space<vmem>>
        %dma_wait3A_1565 = tpu.memref_squeeze %dma_wait3A_1564 : memref<1x128xi32, #tpu.memory_space<vmem>> -> memref<128xi32, #tpu.memory_space<vmem>>
        %dma_wait3A_1566 = arith.constant 0 : i32
        %dma_wait3A_1567 = arith.constant 0 : i32
        %dma_wait3A_1568 = tpu.memref_slice %arg10[%dma_wait3A_1566, %dma_wait3A_1567] : memref<10240x128xf32, #tpu.memory_space<vmem_shared>> -> memref<10240x128xf32, #tpu.memory_space<vmem_shared>>
        tpu.wait_indirect_dma semaphore(%run_scoped3A_1548 : memref<!tpu.dma_semaphore, #tpu.memory_space<semaphore_mem>>) src(%dma_wait3A_1562 : memref<128x128xf32, #tpu.memory_space<vmem>>) dst(%dma_wait3A_1568 : memref<10240x128xf32, #tpu.memory_space<vmem_shared>>)
        tpu.yield
      }) : () -> ()
      %add3A_1299 = arith.constant 2 : i32
      %add3A_1300 = arith.addi %add3A_1251, %add3A_1299 : i32
      %lt3A_1301 = arith.constant 80 : i32
      %lt3A_1302 = arith.cmpi slt, %add3A_1300, %lt3A_1301 : i32
      %convert_element_type3A_1303 = arith.extui %lt3A_1302 : i1 to i32
      %cond3A_1304 = arith.constant 0 : i32
      %cond3A_1305 = arith.cmpi ne, %convert_element_type3A_1303, %cond3A_1304 : i32
      scf.if %cond3A_1305 {
        %dma_start3A_1548 = arith.constant 5 : i32
        %dma_start3A_1549 = arith.constant 1 : i32
        %dma_start3A_1550 = arith.constant 0 : i32
        %dma_start3A_1551 = arith.constant 0 : i32
        %dma_start3A_1552 = tpu.memref_slice %arg8[%dma_start3A_1549, %dma_start3A_1550, %dma_start3A_1551] : memref<2x128x128xf32, #tpu.memory_space<vmem>> -> memref<1x128x128xf32, #tpu.memory_space<vmem>>
        %dma_start3A_1553 = tpu.memref_squeeze %dma_start3A_1552 : memref<1x128x128xf32, #tpu.memory_space<vmem>> -> memref<128x128xf32, #tpu.memory_space<vmem>>
        %dma_start3A_1554 = arith.constant 0 : i32
        %dma_start3A_1555 = tpu.memref_slice %arg6[%select_n3A_1285, %dma_start3A_1548, %dma_start3A_1554] : memref<2x8x128xi32, #tpu.memory_space<vmem>> -> memref<1x1x128xi32, #tpu.memory_space<vmem>>
        %dma_start3A_1556 = tpu.memref_squeeze %dma_start3A_1555 : memref<1x1x128xi32, #tpu.memory_space<vmem>> -> memref<128xi32, #tpu.memory_space<vmem>>
        %dma_start3A_1557 = arith.constant 0 : i32
        %dma_start3A_1558 = arith.constant 0 : i32
        %dma_start3A_1559 = tpu.memref_slice %arg4[%dma_start3A_1557, %dma_start3A_1558] : memref<10000x128xf32, #tpu.memory_space<hbm>> -> memref<10000x128xf32, #tpu.memory_space<hbm>>
        tpu.enqueue_indirect_dma source(%dma_start3A_1559 : memref<10000x128xf32, #tpu.memory_space<hbm>>) target(%dma_start3A_1553 : memref<128x128xf32, #tpu.memory_space<vmem>>) offsets(%dma_start3A_1556 : memref<128xi32, #tpu.memory_space<vmem>>) semaphore(%arg12 : memref<!tpu.dma_semaphore, #tpu.memory_space<semaphore_mem>>)
      } else {
      }
      %mul3A_1306 = arith.constant 8 : i32
      %mul3A_1307 = arith.muli %scan3A_1083, %mul3A_1306 : i32
      %add3A_1308 = arith.constant 4 : i32
      %add3A_1309 = arith.addi %mul3A_1307, %add3A_1308 : i32
      %jit3A_1310 = arith.constant 2 : i32
      %eq3A_1311 = arith.constant 0 : i32
      %eq3A_1312 = arith.cmpi eq, %jit3A_1310, %eq3A_1311 : i32
      %jit3A_1313 = arith.constant 1 : i32
      %select_n3A_1314 = arith.select %eq3A_1312, %jit3A_1313, %jit3A_1310 : i32
      %rem3A_1315 = arith.remsi %scan3A_1083, %select_n3A_1314 : i32
      %ne3A_1316 = arith.constant 0 : i32
      %ne3A_1317 = arith.cmpi ne, %rem3A_1315, %ne3A_1316 : i32
      %lt3A_1318 = arith.constant 0 : i32
      %lt3A_1319 = arith.cmpi slt, %rem3A_1315, %lt3A_1318 : i32
      %lt3A_1320 = arith.constant 0 : i32
      %lt3A_1321 = arith.cmpi slt, %select_n3A_1314, %lt3A_1320 : i32
      %ne3A_1322 = arith.xori %lt3A_1319, %lt3A_1321 : i1
      %and3A_1323 = arith.andi %ne3A_1322, %ne3A_1317 : i1
      %add3A_1324 = arith.addi %rem3A_1315, %select_n3A_1314 : i32
      %select_n3A_1325 = arith.select %and3A_1323, %add3A_1324, %rem3A_1315 : i32
      %add3A_1326 = arith.constant 0 : i32
      %add3A_1327 = arith.addi %scan3A_1083, %add3A_1326 : i32
      %jit3A_1328 = arith.constant 2 : i32
      %eq3A_1329 = arith.constant 0 : i32
      %eq3A_1330 = arith.cmpi eq, %jit3A_1328, %eq3A_1329 : i32
      %jit3A_1331 = arith.constant 1 : i32
      %select_n3A_1332 = arith.select %eq3A_1330, %jit3A_1331, %jit3A_1328 : i32
      %rem3A_1333 = arith.remsi %add3A_1327, %select_n3A_1332 : i32
      %ne3A_1334 = arith.constant 0 : i32
      %ne3A_1335 = arith.cmpi ne, %rem3A_1333, %ne3A_1334 : i32
      %lt3A_1336 = arith.constant 0 : i32
      %lt3A_1337 = arith.cmpi slt, %rem3A_1333, %lt3A_1336 : i32
      %lt3A_1338 = arith.constant 0 : i32
      %lt3A_1339 = arith.cmpi slt, %select_n3A_1332, %lt3A_1338 : i32
      %ne3A_1340 = arith.xori %lt3A_1337, %lt3A_1339 : i1
      %and3A_1341 = arith.andi %ne3A_1340, %ne3A_1335 : i1
      %add3A_1342 = arith.addi %rem3A_1333, %select_n3A_1332 : i32
      %select_n3A_1343 = arith.select %and3A_1341, %add3A_1342, %rem3A_1333 : i32
      %dma_wait3A_1344 = arith.constant 4 : i32
      %dma_wait3A_1345 = arith.constant 0 : i32
      %dma_wait3A_1346 = arith.constant 0 : i32
      %dma_wait3A_1347 = arith.constant 0 : i32
      %dma_wait3A_1348 = tpu.memref_slice %arg8[%dma_wait3A_1345, %dma_wait3A_1346, %dma_wait3A_1347] : memref<2x128x128xf32, #tpu.memory_space<vmem>> -> memref<1x128x128xf32, #tpu.memory_space<vmem>>
      %dma_wait3A_1349 = tpu.memref_squeeze %dma_wait3A_1348 : memref<1x128x128xf32, #tpu.memory_space<vmem>> -> memref<128x128xf32, #tpu.memory_space<vmem>>
      %dma_wait3A_1350 = arith.constant 0 : i32
      %dma_wait3A_1351 = tpu.memref_slice %arg6[%select_n3A_1325, %dma_wait3A_1344, %dma_wait3A_1350] : memref<2x8x128xi32, #tpu.memory_space<vmem>> -> memref<1x1x128xi32, #tpu.memory_space<vmem>>
      %dma_wait3A_1352 = tpu.memref_squeeze %dma_wait3A_1351 : memref<1x1x128xi32, #tpu.memory_space<vmem>> -> memref<128xi32, #tpu.memory_space<vmem>>
      %dma_wait3A_1353 = arith.constant 0 : i32
      %dma_wait3A_1354 = arith.constant 0 : i32
      %dma_wait3A_1355 = tpu.memref_slice %arg4[%dma_wait3A_1353, %dma_wait3A_1354] : memref<10000x128xf32, #tpu.memory_space<hbm>> -> memref<10000x128xf32, #tpu.memory_space<hbm>>
      tpu.wait_indirect_dma semaphore(%arg11 : memref<!tpu.dma_semaphore, #tpu.memory_space<semaphore_mem>>) src(%dma_wait3A_1355 : memref<10000x128xf32, #tpu.memory_space<hbm>>) dst(%dma_wait3A_1349 : memref<128x128xf32, #tpu.memory_space<vmem>>)
      %run_scoped3A_1356 = arith.constant 0 : i32
      "tpu.region"() ({
        %run_scoped3A_1548 = tpu.sem_alloc : memref<!tpu.dma_semaphore, #tpu.memory_space<semaphore_mem>>
        %dma_start3A_1549 = arith.constant 0 : i32
        %dma_start3A_1550 = arith.constant 0 : i32
        %dma_start3A_1551 = tpu.memref_slice %arg8[%run_scoped3A_1356, %dma_start3A_1549, %dma_start3A_1550] : memref<2x128x128xf32, #tpu.memory_space<vmem>> -> memref<1x128x128xf32, #tpu.memory_space<vmem>>
        %dma_start3A_1552 = tpu.memref_squeeze %dma_start3A_1551 : memref<1x128x128xf32, #tpu.memory_space<vmem>> -> memref<128x128xf32, #tpu.memory_space<vmem>>
        %dma_start3A_1553 = arith.constant 0 : i32
        %dma_start3A_1554 = tpu.memref_slice %arg7[%add3A_1309, %dma_start3A_1553] : memref<80x128xi32, #tpu.memory_space<vmem>> -> memref<1x128xi32, #tpu.memory_space<vmem>>
        %dma_start3A_1555 = tpu.memref_squeeze %dma_start3A_1554 : memref<1x128xi32, #tpu.memory_space<vmem>> -> memref<128xi32, #tpu.memory_space<vmem>>
        %dma_start3A_1556 = arith.constant 0 : i32
        %dma_start3A_1557 = arith.constant 0 : i32
        %dma_start3A_1558 = tpu.memref_slice %arg10[%dma_start3A_1556, %dma_start3A_1557] : memref<10240x128xf32, #tpu.memory_space<vmem_shared>> -> memref<10240x128xf32, #tpu.memory_space<vmem_shared>>
        tpu.enqueue_indirect_dma source(%dma_start3A_1552 : memref<128x128xf32, #tpu.memory_space<vmem>>) target(%dma_start3A_1558 : memref<10240x128xf32, #tpu.memory_space<vmem_shared>>) offsets(%dma_start3A_1555 : memref<128xi32, #tpu.memory_space<vmem>>) semaphore(%run_scoped3A_1548 : memref<!tpu.dma_semaphore, #tpu.memory_space<semaphore_mem>>) {add = true}
        %dma_wait3A_1559 = arith.constant 0 : i32
        %dma_wait3A_1560 = arith.constant 0 : i32
        %dma_wait3A_1561 = tpu.memref_slice %arg8[%run_scoped3A_1356, %dma_wait3A_1559, %dma_wait3A_1560] : memref<2x128x128xf32, #tpu.memory_space<vmem>> -> memref<1x128x128xf32, #tpu.memory_space<vmem>>
        %dma_wait3A_1562 = tpu.memref_squeeze %dma_wait3A_1561 : memref<1x128x128xf32, #tpu.memory_space<vmem>> -> memref<128x128xf32, #tpu.memory_space<vmem>>
        %dma_wait3A_1563 = arith.constant 0 : i32
        %dma_wait3A_1564 = tpu.memref_slice %arg7[%add3A_1309, %dma_wait3A_1563] : memref<80x128xi32, #tpu.memory_space<vmem>> -> memref<1x128xi32, #tpu.memory_space<vmem>>
        %dma_wait3A_1565 = tpu.memref_squeeze %dma_wait3A_1564 : memref<1x128xi32, #tpu.memory_space<vmem>> -> memref<128xi32, #tpu.memory_space<vmem>>
        %dma_wait3A_1566 = arith.constant 0 : i32
        %dma_wait3A_1567 = arith.constant 0 : i32
        %dma_wait3A_1568 = tpu.memref_slice %arg10[%dma_wait3A_1566, %dma_wait3A_1567] : memref<10240x128xf32, #tpu.memory_space<vmem_shared>> -> memref<10240x128xf32, #tpu.memory_space<vmem_shared>>
        tpu.wait_indirect_dma semaphore(%run_scoped3A_1548 : memref<!tpu.dma_semaphore, #tpu.memory_space<semaphore_mem>>) src(%dma_wait3A_1562 : memref<128x128xf32, #tpu.memory_space<vmem>>) dst(%dma_wait3A_1568 : memref<10240x128xf32, #tpu.memory_space<vmem_shared>>)
        tpu.yield
      }) : () -> ()
      %add3A_1357 = arith.constant 2 : i32
      %add3A_1358 = arith.addi %add3A_1309, %add3A_1357 : i32
      %lt3A_1359 = arith.constant 80 : i32
      %lt3A_1360 = arith.cmpi slt, %add3A_1358, %lt3A_1359 : i32
      %convert_element_type3A_1361 = arith.extui %lt3A_1360 : i1 to i32
      %cond3A_1362 = arith.constant 0 : i32
      %cond3A_1363 = arith.cmpi ne, %convert_element_type3A_1361, %cond3A_1362 : i32
      scf.if %cond3A_1363 {
        %dma_start3A_1548 = arith.constant 6 : i32
        %dma_start3A_1549 = arith.constant 0 : i32
        %dma_start3A_1550 = arith.constant 0 : i32
        %dma_start3A_1551 = arith.constant 0 : i32
        %dma_start3A_1552 = tpu.memref_slice %arg8[%dma_start3A_1549, %dma_start3A_1550, %dma_start3A_1551] : memref<2x128x128xf32, #tpu.memory_space<vmem>> -> memref<1x128x128xf32, #tpu.memory_space<vmem>>
        %dma_start3A_1553 = tpu.memref_squeeze %dma_start3A_1552 : memref<1x128x128xf32, #tpu.memory_space<vmem>> -> memref<128x128xf32, #tpu.memory_space<vmem>>
        %dma_start3A_1554 = arith.constant 0 : i32
        %dma_start3A_1555 = tpu.memref_slice %arg6[%select_n3A_1343, %dma_start3A_1548, %dma_start3A_1554] : memref<2x8x128xi32, #tpu.memory_space<vmem>> -> memref<1x1x128xi32, #tpu.memory_space<vmem>>
        %dma_start3A_1556 = tpu.memref_squeeze %dma_start3A_1555 : memref<1x1x128xi32, #tpu.memory_space<vmem>> -> memref<128xi32, #tpu.memory_space<vmem>>
        %dma_start3A_1557 = arith.constant 0 : i32
        %dma_start3A_1558 = arith.constant 0 : i32
        %dma_start3A_1559 = tpu.memref_slice %arg4[%dma_start3A_1557, %dma_start3A_1558] : memref<10000x128xf32, #tpu.memory_space<hbm>> -> memref<10000x128xf32, #tpu.memory_space<hbm>>
        tpu.enqueue_indirect_dma source(%dma_start3A_1559 : memref<10000x128xf32, #tpu.memory_space<hbm>>) target(%dma_start3A_1553 : memref<128x128xf32, #tpu.memory_space<vmem>>) offsets(%dma_start3A_1556 : memref<128xi32, #tpu.memory_space<vmem>>) semaphore(%arg11 : memref<!tpu.dma_semaphore, #tpu.memory_space<semaphore_mem>>)
      } else {
      }
      %mul3A_1364 = arith.constant 8 : i32
      %mul3A_1365 = arith.muli %scan3A_1083, %mul3A_1364 : i32
      %add3A_1366 = arith.constant 5 : i32
      %add3A_1367 = arith.addi %mul3A_1365, %add3A_1366 : i32
      %jit3A_1368 = arith.constant 2 : i32
      %eq3A_1369 = arith.constant 0 : i32
      %eq3A_1370 = arith.cmpi eq, %jit3A_1368, %eq3A_1369 : i32
      %jit3A_1371 = arith.constant 1 : i32
      %select_n3A_1372 = arith.select %eq3A_1370, %jit3A_1371, %jit3A_1368 : i32
      %rem3A_1373 = arith.remsi %scan3A_1083, %select_n3A_1372 : i32
      %ne3A_1374 = arith.constant 0 : i32
      %ne3A_1375 = arith.cmpi ne, %rem3A_1373, %ne3A_1374 : i32
      %lt3A_1376 = arith.constant 0 : i32
      %lt3A_1377 = arith.cmpi slt, %rem3A_1373, %lt3A_1376 : i32
      %lt3A_1378 = arith.constant 0 : i32
      %lt3A_1379 = arith.cmpi slt, %select_n3A_1372, %lt3A_1378 : i32
      %ne3A_1380 = arith.xori %lt3A_1377, %lt3A_1379 : i1
      %and3A_1381 = arith.andi %ne3A_1380, %ne3A_1375 : i1
      %add3A_1382 = arith.addi %rem3A_1373, %select_n3A_1372 : i32
      %select_n3A_1383 = arith.select %and3A_1381, %add3A_1382, %rem3A_1373 : i32
      %add3A_1384 = arith.constant 0 : i32
      %add3A_1385 = arith.addi %scan3A_1083, %add3A_1384 : i32
      %jit3A_1386 = arith.constant 2 : i32
      %eq3A_1387 = arith.constant 0 : i32
      %eq3A_1388 = arith.cmpi eq, %jit3A_1386, %eq3A_1387 : i32
      %jit3A_1389 = arith.constant 1 : i32
      %select_n3A_1390 = arith.select %eq3A_1388, %jit3A_1389, %jit3A_1386 : i32
      %rem3A_1391 = arith.remsi %add3A_1385, %select_n3A_1390 : i32
      %ne3A_1392 = arith.constant 0 : i32
      %ne3A_1393 = arith.cmpi ne, %rem3A_1391, %ne3A_1392 : i32
      %lt3A_1394 = arith.constant 0 : i32
      %lt3A_1395 = arith.cmpi slt, %rem3A_1391, %lt3A_1394 : i32
      %lt3A_1396 = arith.constant 0 : i32
      %lt3A_1397 = arith.cmpi slt, %select_n3A_1390, %lt3A_1396 : i32
      %ne3A_1398 = arith.xori %lt3A_1395, %lt3A_1397 : i1
      %and3A_1399 = arith.andi %ne3A_1398, %ne3A_1393 : i1
      %add3A_1400 = arith.addi %rem3A_1391, %select_n3A_1390 : i32
      %select_n3A_1401 = arith.select %and3A_1399, %add3A_1400, %rem3A_1391 : i32
      %dma_wait3A_1402 = arith.constant 5 : i32
      %dma_wait3A_1403 = arith.constant 1 : i32
      %dma_wait3A_1404 = arith.constant 0 : i32
      %dma_wait3A_1405 = arith.constant 0 : i32
      %dma_wait3A_1406 = tpu.memref_slice %arg8[%dma_wait3A_1403, %dma_wait3A_1404, %dma_wait3A_1405] : memref<2x128x128xf32, #tpu.memory_space<vmem>> -> memref<1x128x128xf32, #tpu.memory_space<vmem>>
      %dma_wait3A_1407 = tpu.memref_squeeze %dma_wait3A_1406 : memref<1x128x128xf32, #tpu.memory_space<vmem>> -> memref<128x128xf32, #tpu.memory_space<vmem>>
      %dma_wait3A_1408 = arith.constant 0 : i32
      %dma_wait3A_1409 = tpu.memref_slice %arg6[%select_n3A_1383, %dma_wait3A_1402, %dma_wait3A_1408] : memref<2x8x128xi32, #tpu.memory_space<vmem>> -> memref<1x1x128xi32, #tpu.memory_space<vmem>>
      %dma_wait3A_1410 = tpu.memref_squeeze %dma_wait3A_1409 : memref<1x1x128xi32, #tpu.memory_space<vmem>> -> memref<128xi32, #tpu.memory_space<vmem>>
      %dma_wait3A_1411 = arith.constant 0 : i32
      %dma_wait3A_1412 = arith.constant 0 : i32
      %dma_wait3A_1413 = tpu.memref_slice %arg4[%dma_wait3A_1411, %dma_wait3A_1412] : memref<10000x128xf32, #tpu.memory_space<hbm>> -> memref<10000x128xf32, #tpu.memory_space<hbm>>
      tpu.wait_indirect_dma semaphore(%arg12 : memref<!tpu.dma_semaphore, #tpu.memory_space<semaphore_mem>>) src(%dma_wait3A_1413 : memref<10000x128xf32, #tpu.memory_space<hbm>>) dst(%dma_wait3A_1407 : memref<128x128xf32, #tpu.memory_space<vmem>>)
      %run_scoped3A_1414 = arith.constant 1 : i32
      "tpu.region"() ({
        %run_scoped3A_1548 = tpu.sem_alloc : memref<!tpu.dma_semaphore, #tpu.memory_space<semaphore_mem>>
        %dma_start3A_1549 = arith.constant 0 : i32
        %dma_start3A_1550 = arith.constant 0 : i32
        %dma_start3A_1551 = tpu.memref_slice %arg8[%run_scoped3A_1414, %dma_start3A_1549, %dma_start3A_1550] : memref<2x128x128xf32, #tpu.memory_space<vmem>> -> memref<1x128x128xf32, #tpu.memory_space<vmem>>
        %dma_start3A_1552 = tpu.memref_squeeze %dma_start3A_1551 : memref<1x128x128xf32, #tpu.memory_space<vmem>> -> memref<128x128xf32, #tpu.memory_space<vmem>>
        %dma_start3A_1553 = arith.constant 0 : i32
        %dma_start3A_1554 = tpu.memref_slice %arg7[%add3A_1367, %dma_start3A_1553] : memref<80x128xi32, #tpu.memory_space<vmem>> -> memref<1x128xi32, #tpu.memory_space<vmem>>
        %dma_start3A_1555 = tpu.memref_squeeze %dma_start3A_1554 : memref<1x128xi32, #tpu.memory_space<vmem>> -> memref<128xi32, #tpu.memory_space<vmem>>
        %dma_start3A_1556 = arith.constant 0 : i32
        %dma_start3A_1557 = arith.constant 0 : i32
        %dma_start3A_1558 = tpu.memref_slice %arg10[%dma_start3A_1556, %dma_start3A_1557] : memref<10240x128xf32, #tpu.memory_space<vmem_shared>> -> memref<10240x128xf32, #tpu.memory_space<vmem_shared>>
        tpu.enqueue_indirect_dma source(%dma_start3A_1552 : memref<128x128xf32, #tpu.memory_space<vmem>>) target(%dma_start3A_1558 : memref<10240x128xf32, #tpu.memory_space<vmem_shared>>) offsets(%dma_start3A_1555 : memref<128xi32, #tpu.memory_space<vmem>>) semaphore(%run_scoped3A_1548 : memref<!tpu.dma_semaphore, #tpu.memory_space<semaphore_mem>>) {add = true}
        %dma_wait3A_1559 = arith.constant 0 : i32
        %dma_wait3A_1560 = arith.constant 0 : i32
        %dma_wait3A_1561 = tpu.memref_slice %arg8[%run_scoped3A_1414, %dma_wait3A_1559, %dma_wait3A_1560] : memref<2x128x128xf32, #tpu.memory_space<vmem>> -> memref<1x128x128xf32, #tpu.memory_space<vmem>>
        %dma_wait3A_1562 = tpu.memref_squeeze %dma_wait3A_1561 : memref<1x128x128xf32, #tpu.memory_space<vmem>> -> memref<128x128xf32, #tpu.memory_space<vmem>>
        %dma_wait3A_1563 = arith.constant 0 : i32
        %dma_wait3A_1564 = tpu.memref_slice %arg7[%add3A_1367, %dma_wait3A_1563] : memref<80x128xi32, #tpu.memory_space<vmem>> -> memref<1x128xi32, #tpu.memory_space<vmem>>
        %dma_wait3A_1565 = tpu.memref_squeeze %dma_wait3A_1564 : memref<1x128xi32, #tpu.memory_space<vmem>> -> memref<128xi32, #tpu.memory_space<vmem>>
        %dma_wait3A_1566 = arith.constant 0 : i32
        %dma_wait3A_1567 = arith.constant 0 : i32
        %dma_wait3A_1568 = tpu.memref_slice %arg10[%dma_wait3A_1566, %dma_wait3A_1567] : memref<10240x128xf32, #tpu.memory_space<vmem_shared>> -> memref<10240x128xf32, #tpu.memory_space<vmem_shared>>
        tpu.wait_indirect_dma semaphore(%run_scoped3A_1548 : memref<!tpu.dma_semaphore, #tpu.memory_space<semaphore_mem>>) src(%dma_wait3A_1562 : memref<128x128xf32, #tpu.memory_space<vmem>>) dst(%dma_wait3A_1568 : memref<10240x128xf32, #tpu.memory_space<vmem_shared>>)
        tpu.yield
      }) : () -> ()
      %add3A_1415 = arith.constant 2 : i32
      %add3A_1416 = arith.addi %add3A_1367, %add3A_1415 : i32
      %lt3A_1417 = arith.constant 80 : i32
      %lt3A_1418 = arith.cmpi slt, %add3A_1416, %lt3A_1417 : i32
      %convert_element_type3A_1419 = arith.extui %lt3A_1418 : i1 to i32
      %cond3A_1420 = arith.constant 0 : i32
      %cond3A_1421 = arith.cmpi ne, %convert_element_type3A_1419, %cond3A_1420 : i32
      scf.if %cond3A_1421 {
        %dma_start3A_1548 = arith.constant 7 : i32
        %dma_start3A_1549 = arith.constant 1 : i32
        %dma_start3A_1550 = arith.constant 0 : i32
        %dma_start3A_1551 = arith.constant 0 : i32
        %dma_start3A_1552 = tpu.memref_slice %arg8[%dma_start3A_1549, %dma_start3A_1550, %dma_start3A_1551] : memref<2x128x128xf32, #tpu.memory_space<vmem>> -> memref<1x128x128xf32, #tpu.memory_space<vmem>>
        %dma_start3A_1553 = tpu.memref_squeeze %dma_start3A_1552 : memref<1x128x128xf32, #tpu.memory_space<vmem>> -> memref<128x128xf32, #tpu.memory_space<vmem>>
        %dma_start3A_1554 = arith.constant 0 : i32
        %dma_start3A_1555 = tpu.memref_slice %arg6[%select_n3A_1401, %dma_start3A_1548, %dma_start3A_1554] : memref<2x8x128xi32, #tpu.memory_space<vmem>> -> memref<1x1x128xi32, #tpu.memory_space<vmem>>
        %dma_start3A_1556 = tpu.memref_squeeze %dma_start3A_1555 : memref<1x1x128xi32, #tpu.memory_space<vmem>> -> memref<128xi32, #tpu.memory_space<vmem>>
        %dma_start3A_1557 = arith.constant 0 : i32
        %dma_start3A_1558 = arith.constant 0 : i32
        %dma_start3A_1559 = tpu.memref_slice %arg4[%dma_start3A_1557, %dma_start3A_1558] : memref<10000x128xf32, #tpu.memory_space<hbm>> -> memref<10000x128xf32, #tpu.memory_space<hbm>>
        tpu.enqueue_indirect_dma source(%dma_start3A_1559 : memref<10000x128xf32, #tpu.memory_space<hbm>>) target(%dma_start3A_1553 : memref<128x128xf32, #tpu.memory_space<vmem>>) offsets(%dma_start3A_1556 : memref<128xi32, #tpu.memory_space<vmem>>) semaphore(%arg12 : memref<!tpu.dma_semaphore, #tpu.memory_space<semaphore_mem>>)
      } else {
      }
      %mul3A_1422 = arith.constant 8 : i32
      %mul3A_1423 = arith.muli %scan3A_1083, %mul3A_1422 : i32
      %add3A_1424 = arith.constant 6 : i32
      %add3A_1425 = arith.addi %mul3A_1423, %add3A_1424 : i32
      %jit3A_1426 = arith.constant 2 : i32
      %eq3A_1427 = arith.constant 0 : i32
      %eq3A_1428 = arith.cmpi eq, %jit3A_1426, %eq3A_1427 : i32
      %jit3A_1429 = arith.constant 1 : i32
      %select_n3A_1430 = arith.select %eq3A_1428, %jit3A_1429, %jit3A_1426 : i32
      %rem3A_1431 = arith.remsi %scan3A_1083, %select_n3A_1430 : i32
      %ne3A_1432 = arith.constant 0 : i32
      %ne3A_1433 = arith.cmpi ne, %rem3A_1431, %ne3A_1432 : i32
      %lt3A_1434 = arith.constant 0 : i32
      %lt3A_1435 = arith.cmpi slt, %rem3A_1431, %lt3A_1434 : i32
      %lt3A_1436 = arith.constant 0 : i32
      %lt3A_1437 = arith.cmpi slt, %select_n3A_1430, %lt3A_1436 : i32
      %ne3A_1438 = arith.xori %lt3A_1435, %lt3A_1437 : i1
      %and3A_1439 = arith.andi %ne3A_1438, %ne3A_1433 : i1
      %add3A_1440 = arith.addi %rem3A_1431, %select_n3A_1430 : i32
      %select_n3A_1441 = arith.select %and3A_1439, %add3A_1440, %rem3A_1431 : i32
      %add3A_1442 = arith.constant 1 : i32
      %add3A_1443 = arith.addi %scan3A_1083, %add3A_1442 : i32
      %jit3A_1444 = arith.constant 2 : i32
      %eq3A_1445 = arith.constant 0 : i32
      %eq3A_1446 = arith.cmpi eq, %jit3A_1444, %eq3A_1445 : i32
      %jit3A_1447 = arith.constant 1 : i32
      %select_n3A_1448 = arith.select %eq3A_1446, %jit3A_1447, %jit3A_1444 : i32
      %rem3A_1449 = arith.remsi %add3A_1443, %select_n3A_1448 : i32
      %ne3A_1450 = arith.constant 0 : i32
      %ne3A_1451 = arith.cmpi ne, %rem3A_1449, %ne3A_1450 : i32
      %lt3A_1452 = arith.constant 0 : i32
      %lt3A_1453 = arith.cmpi slt, %rem3A_1449, %lt3A_1452 : i32
      %lt3A_1454 = arith.constant 0 : i32
      %lt3A_1455 = arith.cmpi slt, %select_n3A_1448, %lt3A_1454 : i32
      %ne3A_1456 = arith.xori %lt3A_1453, %lt3A_1455 : i1
      %and3A_1457 = arith.andi %ne3A_1456, %ne3A_1451 : i1
      %add3A_1458 = arith.addi %rem3A_1449, %select_n3A_1448 : i32
      %select_n3A_1459 = arith.select %and3A_1457, %add3A_1458, %rem3A_1449 : i32
      %dma_wait3A_1460 = arith.constant 6 : i32
      %dma_wait3A_1461 = arith.constant 0 : i32
      %dma_wait3A_1462 = arith.constant 0 : i32
      %dma_wait3A_1463 = arith.constant 0 : i32
      %dma_wait3A_1464 = tpu.memref_slice %arg8[%dma_wait3A_1461, %dma_wait3A_1462, %dma_wait3A_1463] : memref<2x128x128xf32, #tpu.memory_space<vmem>> -> memref<1x128x128xf32, #tpu.memory_space<vmem>>
      %dma_wait3A_1465 = tpu.memref_squeeze %dma_wait3A_1464 : memref<1x128x128xf32, #tpu.memory_space<vmem>> -> memref<128x128xf32, #tpu.memory_space<vmem>>
      %dma_wait3A_1466 = arith.constant 0 : i32
      %dma_wait3A_1467 = tpu.memref_slice %arg6[%select_n3A_1441, %dma_wait3A_1460, %dma_wait3A_1466] : memref<2x8x128xi32, #tpu.memory_space<vmem>> -> memref<1x1x128xi32, #tpu.memory_space<vmem>>
      %dma_wait3A_1468 = tpu.memref_squeeze %dma_wait3A_1467 : memref<1x1x128xi32, #tpu.memory_space<vmem>> -> memref<128xi32, #tpu.memory_space<vmem>>
      %dma_wait3A_1469 = arith.constant 0 : i32
      %dma_wait3A_1470 = arith.constant 0 : i32
      %dma_wait3A_1471 = tpu.memref_slice %arg4[%dma_wait3A_1469, %dma_wait3A_1470] : memref<10000x128xf32, #tpu.memory_space<hbm>> -> memref<10000x128xf32, #tpu.memory_space<hbm>>
      tpu.wait_indirect_dma semaphore(%arg11 : memref<!tpu.dma_semaphore, #tpu.memory_space<semaphore_mem>>) src(%dma_wait3A_1471 : memref<10000x128xf32, #tpu.memory_space<hbm>>) dst(%dma_wait3A_1465 : memref<128x128xf32, #tpu.memory_space<vmem>>)
      %run_scoped3A_1472 = arith.constant 0 : i32
      "tpu.region"() ({
        %run_scoped3A_1548 = tpu.sem_alloc : memref<!tpu.dma_semaphore, #tpu.memory_space<semaphore_mem>>
        %dma_start3A_1549 = arith.constant 0 : i32
        %dma_start3A_1550 = arith.constant 0 : i32
        %dma_start3A_1551 = tpu.memref_slice %arg8[%run_scoped3A_1472, %dma_start3A_1549, %dma_start3A_1550] : memref<2x128x128xf32, #tpu.memory_space<vmem>> -> memref<1x128x128xf32, #tpu.memory_space<vmem>>
        %dma_start3A_1552 = tpu.memref_squeeze %dma_start3A_1551 : memref<1x128x128xf32, #tpu.memory_space<vmem>> -> memref<128x128xf32, #tpu.memory_space<vmem>>
        %dma_start3A_1553 = arith.constant 0 : i32
        %dma_start3A_1554 = tpu.memref_slice %arg7[%add3A_1425, %dma_start3A_1553] : memref<80x128xi32, #tpu.memory_space<vmem>> -> memref<1x128xi32, #tpu.memory_space<vmem>>
        %dma_start3A_1555 = tpu.memref_squeeze %dma_start3A_1554 : memref<1x128xi32, #tpu.memory_space<vmem>> -> memref<128xi32, #tpu.memory_space<vmem>>
        %dma_start3A_1556 = arith.constant 0 : i32
        %dma_start3A_1557 = arith.constant 0 : i32
        %dma_start3A_1558 = tpu.memref_slice %arg10[%dma_start3A_1556, %dma_start3A_1557] : memref<10240x128xf32, #tpu.memory_space<vmem_shared>> -> memref<10240x128xf32, #tpu.memory_space<vmem_shared>>
        tpu.enqueue_indirect_dma source(%dma_start3A_1552 : memref<128x128xf32, #tpu.memory_space<vmem>>) target(%dma_start3A_1558 : memref<10240x128xf32, #tpu.memory_space<vmem_shared>>) offsets(%dma_start3A_1555 : memref<128xi32, #tpu.memory_space<vmem>>) semaphore(%run_scoped3A_1548 : memref<!tpu.dma_semaphore, #tpu.memory_space<semaphore_mem>>) {add = true}
        %dma_wait3A_1559 = arith.constant 0 : i32
        %dma_wait3A_1560 = arith.constant 0 : i32
        %dma_wait3A_1561 = tpu.memref_slice %arg8[%run_scoped3A_1472, %dma_wait3A_1559, %dma_wait3A_1560] : memref<2x128x128xf32, #tpu.memory_space<vmem>> -> memref<1x128x128xf32, #tpu.memory_space<vmem>>
        %dma_wait3A_1562 = tpu.memref_squeeze %dma_wait3A_1561 : memref<1x128x128xf32, #tpu.memory_space<vmem>> -> memref<128x128xf32, #tpu.memory_space<vmem>>
        %dma_wait3A_1563 = arith.constant 0 : i32
        %dma_wait3A_1564 = tpu.memref_slice %arg7[%add3A_1425, %dma_wait3A_1563] : memref<80x128xi32, #tpu.memory_space<vmem>> -> memref<1x128xi32, #tpu.memory_space<vmem>>
        %dma_wait3A_1565 = tpu.memref_squeeze %dma_wait3A_1564 : memref<1x128xi32, #tpu.memory_space<vmem>> -> memref<128xi32, #tpu.memory_space<vmem>>
        %dma_wait3A_1566 = arith.constant 0 : i32
        %dma_wait3A_1567 = arith.constant 0 : i32
        %dma_wait3A_1568 = tpu.memref_slice %arg10[%dma_wait3A_1566, %dma_wait3A_1567] : memref<10240x128xf32, #tpu.memory_space<vmem_shared>> -> memref<10240x128xf32, #tpu.memory_space<vmem_shared>>
        tpu.wait_indirect_dma semaphore(%run_scoped3A_1548 : memref<!tpu.dma_semaphore, #tpu.memory_space<semaphore_mem>>) src(%dma_wait3A_1562 : memref<128x128xf32, #tpu.memory_space<vmem>>) dst(%dma_wait3A_1568 : memref<10240x128xf32, #tpu.memory_space<vmem_shared>>)
        tpu.yield
      }) : () -> ()
      %lt3A_1473 = arith.constant 9 : i32
      %lt3A_1474 = arith.cmpi slt, %scan3A_1083, %lt3A_1473 : i32
      %convert_element_type3A_1475 = arith.extui %lt3A_1474 : i1 to i32
      %cond3A_1476 = arith.constant 0 : i32
      %cond3A_1477 = arith.cmpi ne, %convert_element_type3A_1475, %cond3A_1476 : i32
      scf.if %cond3A_1477 {
        %add3A_1548 = arith.constant 1 : i32
        %add3A_1549 = arith.addi %scan3A_1083, %add3A_1548 : i32
        %add3A_1550 = arith.constant 1 : i32
        %add3A_1551 = arith.addi %scan3A_1083, %add3A_1550 : i32
        %jit3A_1552 = arith.constant 2 : i32
        %eq3A_1553 = arith.constant 0 : i32
        %eq3A_1554 = arith.cmpi eq, %jit3A_1552, %eq3A_1553 : i32
        %jit3A_1555 = arith.constant 1 : i32
        %select_n3A_1556 = arith.select %eq3A_1554, %jit3A_1555, %jit3A_1552 : i32
        %rem3A_1557 = arith.remsi %add3A_1551, %select_n3A_1556 : i32
        %ne3A_1558 = arith.constant 0 : i32
        %ne3A_1559 = arith.cmpi ne, %rem3A_1557, %ne3A_1558 : i32
        %lt3A_1560 = arith.constant 0 : i32
        %lt3A_1561 = arith.cmpi slt, %rem3A_1557, %lt3A_1560 : i32
        %lt3A_1562 = arith.constant 0 : i32
        %lt3A_1563 = arith.cmpi slt, %select_n3A_1556, %lt3A_1562 : i32
        %ne3A_1564 = arith.xori %lt3A_1561, %lt3A_1563 : i1
        %and3A_1565 = arith.andi %ne3A_1564, %ne3A_1559 : i1
        %add3A_1566 = arith.addi %rem3A_1557, %select_n3A_1556 : i32
        %select_n3A_1567 = arith.select %and3A_1565, %add3A_1566, %rem3A_1557 : i32
        %dma_wait3A_1568 = arith.constant 0 : i32
        %dma_wait3A_1569 = arith.constant 0 : i32
        %dma_wait3A_1570 = tpu.memref_slice %arg6[%select_n3A_1567, %dma_wait3A_1568, %dma_wait3A_1569] : memref<2x8x128xi32, #tpu.memory_space<vmem>> -> memref<1x8x128xi32, #tpu.memory_space<vmem>>
        %dma_wait3A_1571 = tpu.memref_squeeze %dma_wait3A_1570 : memref<1x8x128xi32, #tpu.memory_space<vmem>> -> memref<8x128xi32, #tpu.memory_space<vmem>>
        %dma_wait3A_1572 = arith.constant 0 : i32
        %dma_wait3A_1573 = arith.constant 0 : i32
        %dma_wait3A_1574 = tpu.memref_slice %arg2[%add3A, %add3A_1549, %dma_wait3A_1572, %dma_wait3A_1573] : memref<32x10x8x128xi32, #tpu.memory_space<hbm>> -> memref<1x1x8x128xi32, #tpu.memory_space<hbm>>
        %dma_wait3A_1575 = tpu.memref_squeeze %dma_wait3A_1574 : memref<1x1x8x128xi32, #tpu.memory_space<hbm>> -> memref<8x128xi32, #tpu.memory_space<hbm>>
        %dma_wait3A_1576 = arith.constant 0 : i32
        %dma_wait3A_1577 = arith.constant 0 : i32
        %dma_wait3A_1578 = tpu.memref_slice %arg6[%select_n3A_1567, %dma_wait3A_1576, %dma_wait3A_1577] : memref<2x8x128xi32, #tpu.memory_space<vmem>> -> memref<1x8x128xi32, #tpu.memory_space<vmem>>
        %dma_wait3A_1579 = tpu.memref_squeeze %dma_wait3A_1578 : memref<1x8x128xi32, #tpu.memory_space<vmem>> -> memref<8x128xi32, #tpu.memory_space<vmem>>
        %dma_wait3A_1580 = arith.constant 0 : i32
        %dma_wait3A_1581 = arith.constant 0 : i32
        %dma_wait3A_1582 = tpu.memref_slice %arg2[%add3A, %add3A_1549, %dma_wait3A_1580, %dma_wait3A_1581] : memref<32x10x8x128xi32, #tpu.memory_space<hbm>> -> memref<1x1x8x128xi32, #tpu.memory_space<hbm>>
        %dma_wait3A_1583 = tpu.memref_squeeze %dma_wait3A_1582 : memref<1x1x8x128xi32, #tpu.memory_space<hbm>> -> memref<8x128xi32, #tpu.memory_space<hbm>>
        tpu.wait_dma2 semaphore(%arg13 : memref<!tpu.dma_semaphore, #tpu.memory_space<semaphore_mem>>) src(%dma_wait3A_1583 : memref<8x128xi32, #tpu.memory_space<hbm>>) dst(%dma_wait3A_1579 : memref<8x128xi32, #tpu.memory_space<vmem>>)
      } else {
      }
      %add3A_1478 = arith.constant 2 : i32
      %add3A_1479 = arith.addi %add3A_1425, %add3A_1478 : i32
      %lt3A_1480 = arith.constant 80 : i32
      %lt3A_1481 = arith.cmpi slt, %add3A_1479, %lt3A_1480 : i32
      %convert_element_type3A_1482 = arith.extui %lt3A_1481 : i1 to i32
      %cond3A_1483 = arith.constant 0 : i32
      %cond3A_1484 = arith.cmpi ne, %convert_element_type3A_1482, %cond3A_1483 : i32
      scf.if %cond3A_1484 {
        %dma_start3A_1548 = arith.constant 0 : i32
        %dma_start3A_1549 = arith.constant 0 : i32
        %dma_start3A_1550 = arith.constant 0 : i32
        %dma_start3A_1551 = arith.constant 0 : i32
        %dma_start3A_1552 = tpu.memref_slice %arg8[%dma_start3A_1549, %dma_start3A_1550, %dma_start3A_1551] : memref<2x128x128xf32, #tpu.memory_space<vmem>> -> memref<1x128x128xf32, #tpu.memory_space<vmem>>
        %dma_start3A_1553 = tpu.memref_squeeze %dma_start3A_1552 : memref<1x128x128xf32, #tpu.memory_space<vmem>> -> memref<128x128xf32, #tpu.memory_space<vmem>>
        %dma_start3A_1554 = arith.constant 0 : i32
        %dma_start3A_1555 = tpu.memref_slice %arg6[%select_n3A_1459, %dma_start3A_1548, %dma_start3A_1554] : memref<2x8x128xi32, #tpu.memory_space<vmem>> -> memref<1x1x128xi32, #tpu.memory_space<vmem>>
        %dma_start3A_1556 = tpu.memref_squeeze %dma_start3A_1555 : memref<1x1x128xi32, #tpu.memory_space<vmem>> -> memref<128xi32, #tpu.memory_space<vmem>>
        %dma_start3A_1557 = arith.constant 0 : i32
        %dma_start3A_1558 = arith.constant 0 : i32
        %dma_start3A_1559 = tpu.memref_slice %arg4[%dma_start3A_1557, %dma_start3A_1558] : memref<10000x128xf32, #tpu.memory_space<hbm>> -> memref<10000x128xf32, #tpu.memory_space<hbm>>
        tpu.enqueue_indirect_dma source(%dma_start3A_1559 : memref<10000x128xf32, #tpu.memory_space<hbm>>) target(%dma_start3A_1553 : memref<128x128xf32, #tpu.memory_space<vmem>>) offsets(%dma_start3A_1556 : memref<128xi32, #tpu.memory_space<vmem>>) semaphore(%arg11 : memref<!tpu.dma_semaphore, #tpu.memory_space<semaphore_mem>>)
      } else {
      }
      %mul3A_1485 = arith.constant 8 : i32
      %mul3A_1486 = arith.muli %scan3A_1083, %mul3A_1485 : i32
      %add3A_1487 = arith.constant 7 : i32
      %add3A_1488 = arith.addi %mul3A_1486, %add3A_1487 : i32
      %jit3A_1489 = arith.constant 2 : i32
      %eq3A_1490 = arith.constant 0 : i32
      %eq3A_1491 = arith.cmpi eq, %jit3A_1489, %eq3A_1490 : i32
      %jit3A_1492 = arith.constant 1 : i32
      %select_n3A_1493 = arith.select %eq3A_1491, %jit3A_1492, %jit3A_1489 : i32
      %rem3A_1494 = arith.remsi %scan3A_1083, %select_n3A_1493 : i32
      %ne3A_1495 = arith.constant 0 : i32
      %ne3A_1496 = arith.cmpi ne, %rem3A_1494, %ne3A_1495 : i32
      %lt3A_1497 = arith.constant 0 : i32
      %lt3A_1498 = arith.cmpi slt, %rem3A_1494, %lt3A_1497 : i32
      %lt3A_1499 = arith.constant 0 : i32
      %lt3A_1500 = arith.cmpi slt, %select_n3A_1493, %lt3A_1499 : i32
      %ne3A_1501 = arith.xori %lt3A_1498, %lt3A_1500 : i1
      %and3A_1502 = arith.andi %ne3A_1501, %ne3A_1496 : i1
      %add3A_1503 = arith.addi %rem3A_1494, %select_n3A_1493 : i32
      %select_n3A_1504 = arith.select %and3A_1502, %add3A_1503, %rem3A_1494 : i32
      %add3A_1505 = arith.constant 1 : i32
      %add3A_1506 = arith.addi %scan3A_1083, %add3A_1505 : i32
      %jit3A_1507 = arith.constant 2 : i32
      %eq3A_1508 = arith.constant 0 : i32
      %eq3A_1509 = arith.cmpi eq, %jit3A_1507, %eq3A_1508 : i32
      %jit3A_1510 = arith.constant 1 : i32
      %select_n3A_1511 = arith.select %eq3A_1509, %jit3A_1510, %jit3A_1507 : i32
      %rem3A_1512 = arith.remsi %add3A_1506, %select_n3A_1511 : i32
      %ne3A_1513 = arith.constant 0 : i32
      %ne3A_1514 = arith.cmpi ne, %rem3A_1512, %ne3A_1513 : i32
      %lt3A_1515 = arith.constant 0 : i32
      %lt3A_1516 = arith.cmpi slt, %rem3A_1512, %lt3A_1515 : i32
      %lt3A_1517 = arith.constant 0 : i32
      %lt3A_1518 = arith.cmpi slt, %select_n3A_1511, %lt3A_1517 : i32
      %ne3A_1519 = arith.xori %lt3A_1516, %lt3A_1518 : i1
      %and3A_1520 = arith.andi %ne3A_1519, %ne3A_1514 : i1
      %add3A_1521 = arith.addi %rem3A_1512, %select_n3A_1511 : i32
      %select_n3A_1522 = arith.select %and3A_1520, %add3A_1521, %rem3A_1512 : i32
      %dma_wait3A_1523 = arith.constant 7 : i32
      %dma_wait3A_1524 = arith.constant 1 : i32
      %dma_wait3A_1525 = arith.constant 0 : i32
      %dma_wait3A_1526 = arith.constant 0 : i32
      %dma_wait3A_1527 = tpu.memref_slice %arg8[%dma_wait3A_1524, %dma_wait3A_1525, %dma_wait3A_1526] : memref<2x128x128xf32, #tpu.memory_space<vmem>> -> memref<1x128x128xf32, #tpu.memory_space<vmem>>
      %dma_wait3A_1528 = tpu.memref_squeeze %dma_wait3A_1527 : memref<1x128x128xf32, #tpu.memory_space<vmem>> -> memref<128x128xf32, #tpu.memory_space<vmem>>
      %dma_wait3A_1529 = arith.constant 0 : i32
      %dma_wait3A_1530 = tpu.memref_slice %arg6[%select_n3A_1504, %dma_wait3A_1523, %dma_wait3A_1529] : memref<2x8x128xi32, #tpu.memory_space<vmem>> -> memref<1x1x128xi32, #tpu.memory_space<vmem>>
      %dma_wait3A_1531 = tpu.memref_squeeze %dma_wait3A_1530 : memref<1x1x128xi32, #tpu.memory_space<vmem>> -> memref<128xi32, #tpu.memory_space<vmem>>
      %dma_wait3A_1532 = arith.constant 0 : i32
      %dma_wait3A_1533 = arith.constant 0 : i32
      %dma_wait3A_1534 = tpu.memref_slice %arg4[%dma_wait3A_1532, %dma_wait3A_1533] : memref<10000x128xf32, #tpu.memory_space<hbm>> -> memref<10000x128xf32, #tpu.memory_space<hbm>>
      tpu.wait_indirect_dma semaphore(%arg12 : memref<!tpu.dma_semaphore, #tpu.memory_space<semaphore_mem>>) src(%dma_wait3A_1534 : memref<10000x128xf32, #tpu.memory_space<hbm>>) dst(%dma_wait3A_1528 : memref<128x128xf32, #tpu.memory_space<vmem>>)
      %run_scoped3A_1535 = arith.constant 1 : i32
      "tpu.region"() ({
        %run_scoped3A_1548 = tpu.sem_alloc : memref<!tpu.dma_semaphore, #tpu.memory_space<semaphore_mem>>
        %dma_start3A_1549 = arith.constant 0 : i32
        %dma_start3A_1550 = arith.constant 0 : i32
        %dma_start3A_1551 = tpu.memref_slice %arg8[%run_scoped3A_1535, %dma_start3A_1549, %dma_start3A_1550] : memref<2x128x128xf32, #tpu.memory_space<vmem>> -> memref<1x128x128xf32, #tpu.memory_space<vmem>>
        %dma_start3A_1552 = tpu.memref_squeeze %dma_start3A_1551 : memref<1x128x128xf32, #tpu.memory_space<vmem>> -> memref<128x128xf32, #tpu.memory_space<vmem>>
        %dma_start3A_1553 = arith.constant 0 : i32
        %dma_start3A_1554 = tpu.memref_slice %arg7[%add3A_1488, %dma_start3A_1553] : memref<80x128xi32, #tpu.memory_space<vmem>> -> memref<1x128xi32, #tpu.memory_space<vmem>>
        %dma_start3A_1555 = tpu.memref_squeeze %dma_start3A_1554 : memref<1x128xi32, #tpu.memory_space<vmem>> -> memref<128xi32, #tpu.memory_space<vmem>>
        %dma_start3A_1556 = arith.constant 0 : i32
        %dma_start3A_1557 = arith.constant 0 : i32
        %dma_start3A_1558 = tpu.memref_slice %arg10[%dma_start3A_1556, %dma_start3A_1557] : memref<10240x128xf32, #tpu.memory_space<vmem_shared>> -> memref<10240x128xf32, #tpu.memory_space<vmem_shared>>
        tpu.enqueue_indirect_dma source(%dma_start3A_1552 : memref<128x128xf32, #tpu.memory_space<vmem>>) target(%dma_start3A_1558 : memref<10240x128xf32, #tpu.memory_space<vmem_shared>>) offsets(%dma_start3A_1555 : memref<128xi32, #tpu.memory_space<vmem>>) semaphore(%run_scoped3A_1548 : memref<!tpu.dma_semaphore, #tpu.memory_space<semaphore_mem>>) {add = true}
        %dma_wait3A_1559 = arith.constant 0 : i32
        %dma_wait3A_1560 = arith.constant 0 : i32
        %dma_wait3A_1561 = tpu.memref_slice %arg8[%run_scoped3A_1535, %dma_wait3A_1559, %dma_wait3A_1560] : memref<2x128x128xf32, #tpu.memory_space<vmem>> -> memref<1x128x128xf32, #tpu.memory_space<vmem>>
        %dma_wait3A_1562 = tpu.memref_squeeze %dma_wait3A_1561 : memref<1x128x128xf32, #tpu.memory_space<vmem>> -> memref<128x128xf32, #tpu.memory_space<vmem>>
        %dma_wait3A_1563 = arith.constant 0 : i32
        %dma_wait3A_1564 = tpu.memref_slice %arg7[%add3A_1488, %dma_wait3A_1563] : memref<80x128xi32, #tpu.memory_space<vmem>> -> memref<1x128xi32, #tpu.memory_space<vmem>>
        %dma_wait3A_1565 = tpu.memref_squeeze %dma_wait3A_1564 : memref<1x128xi32, #tpu.memory_space<vmem>> -> memref<128xi32, #tpu.memory_space<vmem>>
        %dma_wait3A_1566 = arith.constant 0 : i32
        %dma_wait3A_1567 = arith.constant 0 : i32
        %dma_wait3A_1568 = tpu.memref_slice %arg10[%dma_wait3A_1566, %dma_wait3A_1567] : memref<10240x128xf32, #tpu.memory_space<vmem_shared>> -> memref<10240x128xf32, #tpu.memory_space<vmem_shared>>
        tpu.wait_indirect_dma semaphore(%run_scoped3A_1548 : memref<!tpu.dma_semaphore, #tpu.memory_space<semaphore_mem>>) src(%dma_wait3A_1562 : memref<128x128xf32, #tpu.memory_space<vmem>>) dst(%dma_wait3A_1568 : memref<10240x128xf32, #tpu.memory_space<vmem_shared>>)
        tpu.yield
      }) : () -> ()
      %add3A_1536 = arith.constant 2 : i32
      %add3A_1537 = arith.addi %add3A_1488, %add3A_1536 : i32
      %lt3A_1538 = arith.constant 80 : i32
      %lt3A_1539 = arith.cmpi slt, %add3A_1537, %lt3A_1538 : i32
      %convert_element_type3A_1540 = arith.extui %lt3A_1539 : i1 to i32
      %cond3A_1541 = arith.constant 0 : i32
      %cond3A_1542 = arith.cmpi ne, %convert_element_type3A_1540, %cond3A_1541 : i32
      scf.if %cond3A_1542 {
        %dma_start3A_1548 = arith.constant 1 : i32
        %dma_start3A_1549 = arith.constant 1 : i32
        %dma_start3A_1550 = arith.constant 0 : i32
        %dma_start3A_1551 = arith.constant 0 : i32
        %dma_start3A_1552 = tpu.memref_slice %arg8[%dma_start3A_1549, %dma_start3A_1550, %dma_start3A_1551] : memref<2x128x128xf32, #tpu.memory_space<vmem>> -> memref<1x128x128xf32, #tpu.memory_space<vmem>>
        %dma_start3A_1553 = tpu.memref_squeeze %dma_start3A_1552 : memref<1x128x128xf32, #tpu.memory_space<vmem>> -> memref<128x128xf32, #tpu.memory_space<vmem>>
        %dma_start3A_1554 = arith.constant 0 : i32
        %dma_start3A_1555 = tpu.memref_slice %arg6[%select_n3A_1522, %dma_start3A_1548, %dma_start3A_1554] : memref<2x8x128xi32, #tpu.memory_space<vmem>> -> memref<1x1x128xi32, #tpu.memory_space<vmem>>
        %dma_start3A_1556 = tpu.memref_squeeze %dma_start3A_1555 : memref<1x1x128xi32, #tpu.memory_space<vmem>> -> memref<128xi32, #tpu.memory_space<vmem>>
        %dma_start3A_1557 = arith.constant 0 : i32
        %dma_start3A_1558 = arith.constant 0 : i32
        %dma_start3A_1559 = tpu.memref_slice %arg4[%dma_start3A_1557, %dma_start3A_1558] : memref<10000x128xf32, #tpu.memory_space<hbm>> -> memref<10000x128xf32, #tpu.memory_space<hbm>>
        tpu.enqueue_indirect_dma source(%dma_start3A_1559 : memref<10000x128xf32, #tpu.memory_space<hbm>>) target(%dma_start3A_1553 : memref<128x128xf32, #tpu.memory_space<vmem>>) offsets(%dma_start3A_1556 : memref<128xi32, #tpu.memory_space<vmem>>) semaphore(%arg12 : memref<!tpu.dma_semaphore, #tpu.memory_space<semaphore_mem>>)
      } else {
      }
      %lt3A_1543 = arith.constant 8 : i32
      %lt3A_1544 = arith.cmpi slt, %scan3A_1083, %lt3A_1543 : i32
      %convert_element_type3A_1545 = arith.extui %lt3A_1544 : i1 to i32
      %cond3A_1546 = arith.constant 0 : i32
      %cond3A_1547 = arith.cmpi ne, %convert_element_type3A_1545, %cond3A_1546 : i32
      scf.if %cond3A_1547 {
        %add3A_1548 = arith.constant 2 : i32
        %add3A_1549 = arith.addi %scan3A_1083, %add3A_1548 : i32
        %jit3A_1550 = arith.constant 2 : i32
        %eq3A_1551 = arith.constant 0 : i32
        %eq3A_1552 = arith.cmpi eq, %jit3A_1550, %eq3A_1551 : i32
        %jit3A_1553 = arith.constant 1 : i32
        %select_n3A_1554 = arith.select %eq3A_1552, %jit3A_1553, %jit3A_1550 : i32
        %rem3A_1555 = arith.remsi %scan3A_1083, %select_n3A_1554 : i32
        %ne3A_1556 = arith.constant 0 : i32
        %ne3A_1557 = arith.cmpi ne, %rem3A_1555, %ne3A_1556 : i32
        %lt3A_1558 = arith.constant 0 : i32
        %lt3A_1559 = arith.cmpi slt, %rem3A_1555, %lt3A_1558 : i32
        %lt3A_1560 = arith.constant 0 : i32
        %lt3A_1561 = arith.cmpi slt, %select_n3A_1554, %lt3A_1560 : i32
        %ne3A_1562 = arith.xori %lt3A_1559, %lt3A_1561 : i1
        %and3A_1563 = arith.andi %ne3A_1562, %ne3A_1557 : i1
        %add3A_1564 = arith.addi %rem3A_1555, %select_n3A_1554 : i32
        %select_n3A_1565 = arith.select %and3A_1563, %add3A_1564, %rem3A_1555 : i32
        %dma_start3A_1566 = arith.constant 0 : i32
        %dma_start3A_1567 = arith.constant 0 : i32
        %dma_start3A_1568 = tpu.memref_slice %arg6[%select_n3A_1565, %dma_start3A_1566, %dma_start3A_1567] : memref<2x8x128xi32, #tpu.memory_space<vmem>> -> memref<1x8x128xi32, #tpu.memory_space<vmem>>
        %dma_start3A_1569 = tpu.memref_squeeze %dma_start3A_1568 : memref<1x8x128xi32, #tpu.memory_space<vmem>> -> memref<8x128xi32, #tpu.memory_space<vmem>>
        %dma_start3A_1570 = arith.constant 0 : i32
        %dma_start3A_1571 = arith.constant 0 : i32
        %dma_start3A_1572 = tpu.memref_slice %arg2[%add3A, %add3A_1549, %dma_start3A_1570, %dma_start3A_1571] : memref<32x10x8x128xi32, #tpu.memory_space<hbm>> -> memref<1x1x8x128xi32, #tpu.memory_space<hbm>>
        %dma_start3A_1573 = tpu.memref_squeeze %dma_start3A_1572 : memref<1x1x8x128xi32, #tpu.memory_space<hbm>> -> memref<8x128xi32, #tpu.memory_space<hbm>>
        %dma_start3A_1574 = arith.constant 0 : i32
        %dma_start3A_1575 = arith.constant 0 : i32
        %dma_start3A_1576 = tpu.memref_slice %arg6[%select_n3A_1565, %dma_start3A_1574, %dma_start3A_1575] : memref<2x8x128xi32, #tpu.memory_space<vmem>> -> memref<1x8x128xi32, #tpu.memory_space<vmem>>
        %dma_start3A_1577 = tpu.memref_squeeze %dma_start3A_1576 : memref<1x8x128xi32, #tpu.memory_space<vmem>> -> memref<8x128xi32, #tpu.memory_space<vmem>>
        %dma_start3A_1578 = arith.constant 0 : i32
        %dma_start3A_1579 = arith.constant 0 : i32
        %dma_start3A_1580 = tpu.memref_slice %arg2[%add3A, %add3A_1549, %dma_start3A_1578, %dma_start3A_1579] : memref<32x10x8x128xi32, #tpu.memory_space<hbm>> -> memref<1x1x8x128xi32, #tpu.memory_space<hbm>>
        %dma_start3A_1581 = tpu.memref_squeeze %dma_start3A_1580 : memref<1x1x8x128xi32, #tpu.memory_space<hbm>> -> memref<8x128xi32, #tpu.memory_space<hbm>>
        tpu.enqueue_dma source(%dma_start3A_1581 : memref<8x128xi32, #tpu.memory_space<hbm>>) target(%dma_start3A_1577 : memref<8x128xi32, #tpu.memory_space<vmem>>) target_semaphore(%arg13 : memref<!tpu.dma_semaphore, #tpu.memory_space<semaphore_mem>>)
      } else {
      }
    }
    %scan3A_1077 = arith.constant 10 : i32
    %barrier3A_1078 = arith.constant 0 : index
    tpu.barrier barrier_id(%barrier3A_1078)
    %mul3A_1079 = arith.constant 640 : i32
    %mul3A_1080 = arith.muli %arg1, %mul3A_1079 : i32
    %mul3A_1081 = arith.constant 640 : i32
    %mul3A_1082 = arith.muli %arg1, %mul3A_1081 : i32
    "tpu.region"() ({
      %run_scoped3A_1083 = tpu.sem_alloc : memref<!tpu.dma_semaphore, #tpu.memory_space<semaphore_mem>>
      %dma_start3A_1084 = arith.constant 0 : i32
      %dma_start3A_1085 = tpu.memref_slice %arg5[%arg0, %mul3A_1082, %dma_start3A_1084] : memref<2x10240x128xf32, #tpu.memory_space<hbm>> -> memref<1x640x128xf32, #tpu.memory_space<hbm>>
      %dma_start3A_1086 = tpu.memref_squeeze %dma_start3A_1085 : memref<1x640x128xf32, #tpu.memory_space<hbm>> -> memref<640x128xf32, #tpu.memory_space<hbm>>
      %dma_start3A_1087 = arith.constant 0 : i32
      %dma_start3A_1088 = tpu.memref_slice %arg10[%mul3A_1080, %dma_start3A_1087] : memref<10240x128xf32, #tpu.memory_space<vmem_shared>> -> memref<640x128xf32, #tpu.memory_space<vmem_shared>>
      tpu.enqueue_dma source(%dma_start3A_1088 : memref<640x128xf32, #tpu.memory_space<vmem_shared>>) target(%dma_start3A_1086 : memref<640x128xf32, #tpu.memory_space<hbm>>) target_semaphore(%run_scoped3A_1083 : memref<!tpu.dma_semaphore, #tpu.memory_space<semaphore_mem>>)
      %dma_wait3A = arith.constant 0 : i32
      %dma_wait3A_1089 = tpu.memref_slice %arg5[%arg0, %mul3A_1082, %dma_wait3A] : memref<2x10240x128xf32, #tpu.memory_space<hbm>> -> memref<1x640x128xf32, #tpu.memory_space<hbm>>
      %dma_wait3A_1090 = tpu.memref_squeeze %dma_wait3A_1089 : memref<1x640x128xf32, #tpu.memory_space<hbm>> -> memref<640x128xf32, #tpu.memory_space<hbm>>
      %dma_wait3A_1091 = arith.constant 0 : i32
      %dma_wait3A_1092 = tpu.memref_slice %arg10[%mul3A_1080, %dma_wait3A_1091] : memref<10240x128xf32, #tpu.memory_space<vmem_shared>> -> memref<640x128xf32, #tpu.memory_space<vmem_shared>>
      tpu.wait_dma2 semaphore(%run_scoped3A_1083 : memref<!tpu.dma_semaphore, #tpu.memory_space<semaphore_mem>>) src(%dma_wait3A_1092 : memref<640x128xf32, #tpu.memory_space<vmem_shared>>) dst(%dma_wait3A_1090 : memref<640x128xf32, #tpu.memory_space<hbm>>)
      tpu.yield
    }) : () -> ()
    return
  }
}

module attributes {stable_mosaic.version = 14 : i64} {
  func.func @_h2_body(%arg0: i32, %arg1: memref<1000x128xf32, #tpu.memory_space<vmem>>, %arg2: memref<128x128xf32, #tpu.memory_space<vmem>>, %arg3: memref<1000x2xf32, #tpu.memory_space<vmem>>, %arg4: memref<1000x128xf32, #tpu.memory_space<vmem>>) attributes {dimension_semantics = [#tpu.dimension_semantics<arbitrary>], iteration_bounds = array<i64: 10>, scalar_prefetch = 0 : i64, scratch_operands = 0 : i64, tpu.core_type = #tpu.core_type<tc>, window_params = [{transform_indices = @transform_0, window_bounds = array<i64: 1000, 128>}, {pipeline_mode = #tpu.pipeline_mode<synchronous>, transform_indices = @transform_1, window_bounds = array<i64: 128, 128>}, {transform_indices = @transform_2, window_bounds = array<i64: 1000, 2>}, {transform_indices = @transform_3, window_bounds = array<i64: 1000, 128>}]} {
    %get3A = arith.constant 0 : index
    %get3A_0 = arith.constant 0 : index
    %get3A_1 = vector.load %arg3[%get3A, %get3A_0] : memref<1000x2xf32, #tpu.memory_space<vmem>>, vector<1000x2xf32>
    %slice3A = vector.extract_strided_slice %get3A_1 {offsets = [0, 0], sizes = [1000, 1], strides = [1, 1]} : vector<1000x2xf32> to vector<1000x1xf32>
    %slice3A_2 = vector.extract_strided_slice %get3A_1 {offsets = [0, 1], sizes = [1000, 1], strides = [1, 1]} : vector<1000x2xf32> to vector<1000x1xf32>
    %add3A = arith.addf %slice3A, %slice3A_2 : vector<1000x1xf32>
    %add3A_3 = arith.constant 1.000000e+00 : f32
    %add3A_4 = vector.broadcast %add3A_3 : f32 to vector<1000x1xf32>
    %add3A_5 = arith.addf %add3A, %add3A_4 : vector<1000x1xf32>
    %rsqrt3A = math.rsqrt %add3A_5 : vector<1000x1xf32>
    %get3A_6 = arith.constant 0 : index
    %get3A_7 = arith.constant 0 : index
    %get3A_8 = vector.load %arg1[%get3A_6, %get3A_7] : memref<1000x128xf32, #tpu.memory_space<vmem>>, vector<1000x128xf32>
    %get3A_9 = arith.constant 0 : index
    %get3A_10 = arith.constant 0 : index
    %get3A_11 = vector.load %arg2[%get3A_9, %get3A_10] : memref<128x128xf32, #tpu.memory_space<vmem>>, vector<128x128xf32>
    %dot_general3A = arith.constant dense<0.000000e+00> : vector<1000x128xf32>
    %dot_general3A_12 = tpu.matmul %get3A_8, %get3A_11, %dot_general3A {dimension_numbers = #tpu.dot_dimension_numbers<[1], [0], [0], [1], [0, 0, 1, 1], [], []>, transpose_lhs_hint = false} : vector<1000x128xf32>, vector<128x128xf32>, vector<1000x128xf32> -> vector<1000x128xf32>
    %mul3A = vector.broadcast %rsqrt3A : vector<1000x1xf32> to vector<1000x128xf32>
    %mul3A_13 = arith.mulf %dot_general3A_12, %mul3A : vector<1000x128xf32>
    %swap3A = arith.constant 0 : index
    %swap3A_14 = arith.constant 0 : index
    %swap3A_15 = vector.load %arg4[%swap3A, %swap3A_14] : memref<1000x128xf32, #tpu.memory_space<vmem>>, vector<1000x128xf32>
    tpu.vector_store %arg4[%swap3A, %swap3A_14], %mul3A_13 {strides = array<i32>} : memref<1000x128xf32, #tpu.memory_space<vmem>>, vector<1000x128xf32>,
    return
  }
  func.func @transform_0(%arg0: i32) -> (i32, i32) {
    %c0_i32 = arith.constant 0 : i32
    %c0_i32_0 = arith.constant 0 : i32
    return %arg0, %c0_i32 : i32, i32
  }
  func.func @transform_1(%arg0: i32) -> (i32, i32) {
    %c0_i32 = arith.constant 0 : i32
    %c0_i32_0 = arith.constant 0 : i32
    %c0_i32_1 = arith.constant 0 : i32
    return %c0_i32, %c0_i32_0 : i32, i32
  }
  func.func @transform_2(%arg0: i32) -> (i32, i32) {
    %c0_i32 = arith.constant 0 : i32
    %c0_i32_0 = arith.constant 0 : i32
    return %arg0, %c0_i32 : i32, i32
  }
  func.func @transform_3(%arg0: i32) -> (i32, i32) {
    %c0_i32 = arith.constant 0 : i32
    %c0_i32_0 = arith.constant 0 : i32
    return %arg0, %c0_i32 : i32, i32
  }
}

module attributes {stable_mosaic.version = 14 : i64} {
  func.func @_comb_body(%arg0: i32, %arg1: memref<2x1000x128xf32, #tpu.memory_space<vmem>>, %arg2: memref<1000x128xf32, #tpu.memory_space<vmem>>, %arg3: memref<1000x2xf32, #tpu.memory_space<vmem>>, %arg4: memref<1x128xf32, #tpu.memory_space<vmem>>, %arg5: memref<1000x128xf32, #tpu.memory_space<vmem>>) attributes {dimension_semantics = [#tpu.dimension_semantics<arbitrary>], iteration_bounds = array<i64: 10>, scalar_prefetch = 0 : i64, scratch_operands = 0 : i64, tpu.core_type = #tpu.core_type<tc>, window_params = [{transform_indices = @transform_0, window_bounds = array<i64: 2, 1000, 128>}, {transform_indices = @transform_1, window_bounds = array<i64: 1000, 128>}, {transform_indices = @transform_2, window_bounds = array<i64: 1000, 2>}, {pipeline_mode = #tpu.pipeline_mode<synchronous>, transform_indices = @transform_3, window_bounds = array<i64: 1, 128>}, {transform_indices = @transform_4, window_bounds = array<i64: 1000, 128>}]} {
    %get3A = arith.constant 0 : index
    %get3A_0 = arith.constant 0 : index
    %get3A_1 = vector.load %arg3[%get3A, %get3A_0] : memref<1000x2xf32, #tpu.memory_space<vmem>>, vector<1000x2xf32>
    %slice3A = vector.extract_strided_slice %get3A_1 {offsets = [0, 0], sizes = [1000, 1], strides = [1, 1]} : vector<1000x2xf32> to vector<1000x1xf32>
    %slice3A_2 = vector.extract_strided_slice %get3A_1 {offsets = [0, 1], sizes = [1000, 1], strides = [1, 1]} : vector<1000x2xf32> to vector<1000x1xf32>
    %add3A = arith.addf %slice3A, %slice3A_2 : vector<1000x1xf32>
    %add3A_3 = arith.constant 1.000000e+00 : f32
    %add3A_4 = vector.broadcast %add3A_3 : f32 to vector<1000x1xf32>
    %add3A_5 = arith.addf %add3A, %add3A_4 : vector<1000x1xf32>
    %rsqrt3A = math.rsqrt %add3A_5 : vector<1000x1xf32>
    %get3A_6 = arith.constant 0 : index
    %get3A_7 = arith.constant 0 : index
    %get3A_8 = arith.constant 0 : index
    %get3A_9 = vector.load %arg1[%get3A_6, %get3A_7, %get3A_8] : memref<2x1000x128xf32, #tpu.memory_space<vmem>>, vector<1x1000x128xf32>
    %get3A_10 = vector.shape_cast %get3A_9 : vector<1x1000x128xf32> to vector<1000x128xf32>
    %get3A_11 = arith.constant 1 : index
    %get3A_12 = arith.constant 0 : index
    %get3A_13 = arith.constant 0 : index
    %get3A_14 = vector.load %arg1[%get3A_11, %get3A_12, %get3A_13] : memref<2x1000x128xf32, #tpu.memory_space<vmem>>, vector<1x1000x128xf32>
    %get3A_15 = vector.shape_cast %get3A_14 : vector<1x1000x128xf32> to vector<1000x128xf32>
    %add3A_16 = arith.addf %get3A_10, %get3A_15 : vector<1000x128xf32>
    %get3A_17 = arith.constant 0 : index
    %get3A_18 = arith.constant 0 : index
    %get3A_19 = vector.load %arg2[%get3A_17, %get3A_18] : memref<1000x128xf32, #tpu.memory_space<vmem>>, vector<1000x128xf32>
    %add3A_20 = arith.addf %add3A_16, %get3A_19 : vector<1000x128xf32>
    %mul3A = vector.broadcast %rsqrt3A : vector<1000x1xf32> to vector<1000x128xf32>
    %mul3A_21 = arith.mulf %mul3A, %add3A_20 : vector<1000x128xf32>
    %get3A_22 = arith.constant 0 : index
    %get3A_23 = arith.constant 0 : index
    %get3A_24 = vector.load %arg4[%get3A_22, %get3A_23] : memref<1x128xf32, #tpu.memory_space<vmem>>, vector<1x128xf32>
    %add3A_25 = vector.broadcast %get3A_24 : vector<1x128xf32> to vector<1000x128xf32>
    %add3A_26 = arith.addf %mul3A_21, %add3A_25 : vector<1000x128xf32>
    %swap3A = arith.constant 0 : index
    %swap3A_27 = arith.constant 0 : index
    %swap3A_28 = vector.load %arg5[%swap3A, %swap3A_27] : memref<1000x128xf32, #tpu.memory_space<vmem>>, vector<1000x128xf32>
    tpu.vector_store %arg5[%swap3A, %swap3A_27], %add3A_26 {strides = array<i32>} : memref<1000x128xf32, #tpu.memory_space<vmem>>, vector<1000x128xf32>,
    return
  }
  func.func @transform_0(%arg0: i32) -> (i32, i32, i32) {
    %c0_i32 = arith.constant 0 : i32
    %c0_i32_0 = arith.constant 0 : i32
    %c0_i32_1 = arith.constant 0 : i32
    return %c0_i32, %arg0, %c0_i32_0 : i32, i32, i32
  }
  func.func @transform_1(%arg0: i32) -> (i32, i32) {
    %c0_i32 = arith.constant 0 : i32
    %c0_i32_0 = arith.constant 0 : i32
    return %arg0, %c0_i32 : i32, i32
  }
  func.func @transform_2(%arg0: i32) -> (i32, i32) {
    %c0_i32 = arith.constant 0 : i32
    %c0_i32_0 = arith.constant 0 : i32
    return %arg0, %c0_i32 : i32, i32
  }
  func.func @transform_3(%arg0: i32) -> (i32, i32) {
    %c0_i32 = arith.constant 0 : i32
    %c0_i32_0 = arith.constant 0 : i32
    %c0_i32_1 = arith.constant 0 : i32
    return %c0_i32, %c0_i32_0 : i32, i32
  }
  func.func @transform_4(%arg0: i32) -> (i32, i32) {
    %c0_i32 = arith.constant 0 : i32
    %c0_i32_0 = arith.constant 0 : i32
    return %arg0, %c0_i32 : i32, i32
  }
}

</mosaic_0001>

<sc_bundles>
// kernel: kernel.6.cloned.1.call-start
scs
__scs_entry_jumppad:
0x0: {  	(pc) =	sbr.rel $0x88, $3  }
0x1: {  	(tag) =	ssettag $0x0;
	lr =	simm.s32 $0x1  }
0x2: {  	[smem:$0x3F9D] =	sst lr;
	_ =	strace $0xD0000000  }
0x3: {  	_ = 	snop  }
0x4: {  	_ = 	snop  }
0x5: {  	_ = 	snop  }
0x6: {  	_ = 	snop  }
0x7: {  	_ = 	snop  }
__scs_overlays_trampoline_lowered:
0x8: {  	[smem:$0x3FAC] =	sst s0  }
0x9: {  	[smem:$0x3FAD] =	sst s1  }
0xa: {  	[smem:$0x3FAE] =	sst s2  }
0xb: {  	[smem:$0x3FAF] =	sst s3  }
0xc: {  	[smem:$0x3FB0] =	sst s4  }
0xd: {  	[smem:$0x3FB1] =	sst s5  }
0xe: {  	[smem:$0x3FB2] =	sst s6  }
0xf: {  	[smem:$0x3FB3] =	sst s7  }
0x10: {  	[smem:$0x3FB4] =	sst s8  }
0x11: {  	[smem:$0x3FB5] =	sst s9;
	s0 =	simm.s32 @!p0 $0x0  }
0x12: {  	s1 =	sld [smem:$0x3F9B];
	s0 =	simm.s32 @p0 $0x1  }
0x13: {  	[smem:$0x3FB6] =	sst s0;
	s0 =	simm.s32 @!p1 $0x0  }
0x14: {  	s2 =	sld [smem:$0x3F9A];
	s0 =	simm.s32 @p1 $0x1  }
0x15: {  	[smem:$0x3FB7] =	sst s0;
	s0 =	simm.s32 @!p2 $0x0  }
0x16: {  	s3 =	sld [smem:$0x3FDB];
	s0 =	simm.s32 @p2 $0x1  }
0x17: {  	s4 =	simm.s32 $0x1BF5;
	[smem:$0x3FB9] =	sst s0  }
0x18: {  	s0 =	sld [smem:$0x3F9C];
	_ =	swait.ge [sflag:s4], $0x0  }
0x19: {  	s7 =	sld [smem:$0x3F9D]  }
0x1a: {  	s8 =	sadd.s32 $0xFFFFE003, lr  }
0x1b: {  	s9 =	sadd.s32 $0xFFFFFEF7, lr;
	s5 =	simm.s32 $0xFFFFFFFF;
	p2 =	slt.u32 s8, $0xFFFFF086  }
0x1c: {  	p1 =	slt.u32 s9, $0xF7A;
	s5 =	simm.s32 @!p2 $0x0  }
0x1d: {  	s5 =	simm.s32 @p1 $0x1;
	p0 =	seq.s32 s7, s2  }
0x1e: {  	s7 =	smul.u32 @!p0 $0xF7A, s2;
	p2 =	seq.s32 @!p0 s5, $0x0  }
0x1f: {  	s9 =	smul.u32 $0xF7A, s1;
	s8 =	simm.s32 @!p0 $0x1BF5;
	p2 =	por !p2, p0  }
0x20: {  	[sflag:s8] =	ssyncset.s32 @!p0 $0xFFFFF086;
	s6 =	sadd.s32 @!p0 s3, s7;
	s7 =	simm.s32 @!p0 $0x108  }
0x21: {  	s3 =	sadd.s32 s3, s9;
	s6 =	sadd.s32 @!p0 $0x88, s6;
	s7 =	simm.s32 @p2 $0x1082  }
0x22: {  	[simem:s7], [sflag:s8] =	dma.local @!p0 [hbm:s6], $0xF7A  }
0x23: {  	s9 =	sor.u32 $0xD0000000, s2;
	s6 =	simm.s32 $0x108;
	_ =	swait.ge @!p0 [sflag:s8], $0x0  }
0x24: {  	s3 =	sadd.s32 $0x88, s3;
	s6 =	simm.s32 @!p1 $0x1082;
	[sflag:s4] =	ssyncset.s32 $0xFFFFF086  }
0x25: {  	[simem:s6], [sflag:s4] =	dma.local [hbm:s3], $0xF7A  }
0x26: {  	[smem:$0x3F9D] =	sst s1;
	(tag) =	ssettag s2;
	_ =	strace s9  }
0x27: {  	s1 =	sld [smem:$0x3FAD]  }
0x28: {  	s2 =	sld [smem:$0x3FAE]  }
0x29: {  	s4 =	sld [smem:$0x3FB0]  }
0x2a: {  	p0 =	seq.s32 s5, $0x0;
	s5 =	sld [smem:$0x3FB1]  }
0x2b: {  	s6 =	sld [smem:$0x3FB2]  }
0x2c: {  	s7 =	sld [smem:$0x3FB3]  }
0x2d: {  	s3 =	simm.s32 $0x108;
	s8 =	sld [smem:$0x3FB4]  }
0x2e: {  	s3 =	simm.s32 @!p0 $0x1082;
	s9 =	sld [smem:$0x3FB5]  }
0x2f: {  	lr =	sadd.s32 s0, s3;
	s0 =	sld [smem:$0x3FAC]  }
0x30: {  	s3 =	sld [smem:$0x3FAF]  }
0x31: {  	[smem:$0x3FB8] =	sst s10  }
0x32: {  	s10 =	sld [smem:$0x3FB6];
	_ =	sdelay $0x3  }
0x33: {  	p0 =	seq.s32 s10, $0x1;
	s10 =	sld [smem:$0x3FB8];
	_ =	sdelay $0x3  }
0x34: {  	[smem:$0x3FB8] =	sst s10  }
0x35: {  	s10 =	sld [smem:$0x3FB7];
	_ =	sdelay $0x3  }
0x36: {  	p1 =	seq.s32 s10, $0x1;
	s10 =	sld [smem:$0x3FB8];
	_ =	sdelay $0x3  }
0x37: {  	[smem:$0x3FB8] =	sst s10  }
0x38: {  	s10 =	sld [smem:$0x3FB9]  }
0x39: {  	_ = 	snop;
	(pc) =	sbr.ind lr, $3  }
0x3a: {  	_ = 	snop  }
0x3b: {  	_ = 	snop  }
0x3c: {  	p2 =	seq.s32 s10, $0x1;
	s10 =	sld [smem:$0x3FB8]  }
0x3d: {  	_ =	shalt  }
0x3e: {  	_ =	shalt  }
0x3f: {  	_ =	shalt  }
0x40: {  	_ =	shalt  }
0x41: {  	_ =	shalt  }
0x42: {  	_ =	shalt  }
0x43: {  	_ =	shalt  }
0x44: {  	_ =	shalt  }
0x45: {  	_ =	shalt  }
0x46: {  	_ =	shalt  }
0x47: {  	_ =	shalt  }
0x48: {  	_ =	shalt  }
0x49: {  	_ =	shalt  }
0x4a: {  	_ =	shalt  }
0x4b: {  	_ =	shalt  }
0x4c: {  	_ =	shalt  }
0x4d: {  	_ =	shalt  }
0x4e: {  	_ =	shalt  }
0x4f: {  	_ =	shalt  }
0x50: {  	_ =	shalt  }
0x51: {  	_ =	shalt  }
0x52: {  	_ =	shalt  }
0x53: {  	_ =	shalt  }
0x54: {  	_ =	shalt  }
0x55: {  	_ =	shalt  }
0x56: {  	_ =	shalt  }
0x57: {  	_ =	shalt  }
0x58: {  	_ =	shalt  }
0x59: {  	_ =	shalt  }
0x5a: {  	_ =	shalt  }
0x5b: {  	_ =	shalt  }
0x5c: {  	_ =	shalt  }
0x5d: {  	_ =	shalt  }
0x5e: {  	_ =	shalt  }
0x5f: {  	_ =	shalt  }
0x60: {  	_ =	shalt  }
0x61: {  	_ =	shalt  }
0x62: {  	_ =	shalt  }
0x63: {  	_ =	shalt  }
0x64: {  	_ =	shalt  }
0x65: {  	_ =	shalt  }
0x66: {  	_ =	shalt  }
0x67: {  	_ =	shalt  }
0x68: {  	_ =	shalt  }
0x69: {  	_ =	shalt  }
0x6a: {  	_ =	shalt  }
0x6b: {  	_ =	shalt  }
0x6c: {  	_ =	shalt  }
0x6d: {  	_ =	shalt  }
0x6e: {  	_ =	shalt  }
0x6f: {  	_ =	shalt  }
0x70: {  	_ =	shalt  }
0x71: {  	_ =	shalt  }
0x72: {  	_ =	shalt  }
0x73: {  	_ =	shalt  }
0x74: {  	_ =	shalt  }
0x75: {  	_ =	shalt  }
0x76: {  	_ =	shalt  }
0x77: {  	_ =	shalt  }
0x78: {  	_ =	shalt  }
0x79: {  	_ =	shalt  }
0x7a: {  	_ =	shalt  }
0x7b: {  	_ =	shalt  }
0x7c: {  	_ =	shalt  }
0x7d: {  	_ =	shalt  }
0x7e: {  	_ =	shalt  }
0x7f: {  	_ =	shalt  }
0x80: {  	_ =	shalt  }
0x81: {  	_ =	shalt  }
0x82: {  	_ =	shalt  }
0x83: {  	_ =	shalt  }
0x84: {  	_ =	shalt  }
0x85: {  	_ =	shalt  }
0x86: {  	_ =	shalt  }
0x87: {  	_ =	shalt  }
.Lfunc_end0:
.L_simem_size_0:
called_computation_lowered:
.L_overlay_start_0:
0x88: {  	s2 =	sld [smem:$0x3FD9]  }
0x89: {  	s3 =	sld [smem:$0x3FFE];
	_ =	sdelay $0x1  }
0x8a: {  	s1 =	srdreg.scid  }
0x8b: {  	s0 =	sand.u32 $0x1, s1  }
0x8c: {  	s17 =	sshll.u32 s0, $0xA;
	s2 =	sadd.s32 s3, s2  }
0x8d: {  	s2 =	sadd.s32 s2, s17  }
0x8e: {  	[smem:$0x3FC4] =	sst s2  }
0x8f: {  	_ = 	snop  }
0x90: {  	s2 =	sld [smem:$0x3FD0];
	(tm) =	ssettm $0x1  }
0x91: {  	s18 =	sld [smem:$0x3FFB];
	_ =	sdelay $0x3  }
0x92: {  	_ =	strace s18  }
0x93: {  	s3 =	sld [smem:$0x3FFC];
	_ =	sdelay $0x3  }
0x94: {  	_ =	strace s3  }
0x95: {  	s3 =	sld [smem:$0x3FFD];
	_ =	sdelay $0x3  }
0x96: {  	_ =	strace s3  }
0x97: {  	_ =	strace $0x8FFFFFFF  }
0x98: {  	s19 =	sld [smem:$0x3FDB];
	_ =	sdelay $0x1  }
0x99: {  	s4 =	simm.s32 $_scs_section_size  }
0x9a: {  	s5 =	simm.s32 $_size__tile_overlayer_lowered;
	s6 =	simm.s32 $_tile_overlayer_lowered  }
0x9b: {  	s22 =	simm.s32 $0x1BFF;
	s21 =	sshll.u32 s6, $0x1;
	s3 =	sadd.s32 s4, s19  }
0x9c: {  	s7 =	simm.s32 $0x0;
	s20 =	sshll.u32 s5, $0x1;
	s5 =	sadd.s32 s21, s3  }
0x9d: {  	[timem:s7], [sflag:s22] =	dma.local [hbm:s5], s20  }
0x9e: {  	_ =	swait.ge [sflag:s22], s20  }
0x9f: {  	s4 =	ssub.s32 $0x0, s20;
	[sflag:s22] =	ssyncset.done $0x0  }
0xa0: {  	[sflag:s22] =	ssyncadd.s32 s4;
	_ =	sdelay $0x1  }
0xa1: {  	s23 =	simm.s32 $0x1B8B  }
0xa2: {  	_ =	swait.ge [sflag:s23], $0x1  }
0xa3: {  	[sflag:s23] =	ssyncset.done $0x0  }
0xa4: {  	s25 =	simm.s32 $0x1B8E;
	s24 =	sld [smem:$0x3FFE];
	[sflag:s23] =	ssyncadd.s32 $0xFFFFFFFF  }
0xa5: {  	s26 =	simm.s32 $execute0_lowered;
	[smem:$0x3FD2] =	sst s25  }
0xa6: {  	s5 =	sshll.u32 s26, $0x1;
	_ =	strace $0x80000046;
	[dreg:$0x1] =	wrdreg $0xFFFFFFFF  }
0xa7: {  	s28 =	simm.s32 $_size_execute0_lowered;
	s3 =	sadd.s32 s3, s5;
	[dreg:$0x0] =	wrdreg $0x0  }
0xa8: {  	s5 =	sshll.u32 s28, $0x1;
	[dreg:$0x2] =	wrdreg s3  }
0xa9: {  	[dreg:$0x3] =	wrdreg s5  }
0xaa: {  	[dreg:$0x4] =	wrdreg $0xC0  }
0xab: {  	_ =	task [dreg:s7], $0x5FFFF  }
0xac: {  	[dreg:$0x1] =	wrdreg $0xFFFFFFFF  }
0xad: {  	[dreg:$0x0] =	wrdreg $0x60  }
0xae: {  	[dreg:$0x2] =	wrdreg s24  }
0xaf: {  	[dreg:$0x3] =	wrdreg s2  }
0xb0: {  	[dreg:$0x4] =	wrdreg $0x2B000  }
0xb1: {  	[dreg:$0x5] =	wrdreg $0x9  }
0xb2: {  	_ =	task.clear_ibuf [dreg:s7], $0x6FFFF;
	_ =	strace $0x90000046  }
0xb3: {  	s29 =	simm.s32 $0x9;
	_ =	strace $0x80000048  }
0xb4: {  	_ =	swait.ge [sflag:s29], $0x1  }
0xb5: {  	[sflag:s29] =	ssyncadd.s32 $0xFFFFFFFF  }
0xb6: {  	_ =	strace $0x90000048  }
0xb7: {  	_ =	sfence  }
0xb8: {  	s30 =	sld [smem:$0x0];
	_ =	sdelay $0x2  }
0xb9: {  	s31 =	sshll.u32 s1, $0xD;
	s1 =	sshrl.u32 s1, $0x2  }
0xba: {  	s3 =	sand.u32 $0x4000, s31;
	s1 =	sadd.s32 s1, s30  }
0xbb: {  	s0 =	sor.u32 s3, s0;
	s1 =	sshll.u32 s1, $0x11  }
0xbc: {  	s0 =	sor.u32 s1, s0  }
0xbd: {  	s0 =	sadd.s32 $0x8F2B, s0  }
0xbe: {  	[sflag:s0] =	ssyncadd.remote.s32 $0x1  }
0xbf: {  	_ =	sfence.sel $0xFFFF  }
0xc0: {  	[dreg:$0x0] =	wrdreg $0xFFFFFFFF;
	(pc) =	sbr.abs _section_cstart, $3  }
0xc1: {  	[dreg:$0x1] =	wrdreg $0xFFFFFFFF  }
0xc2: {  	_ =	task.clear_ibuf [dreg:s7], $0x2FFFF;
	_ =	strace $0x9FFFFFFF  }
0xc3: {  	(tm) =	ssettm $0x7FFFFFFF  }
tec
execute0_lowered:
.L_overlay_start_1:
0x0: {  	(tag) =	ssettag $0x1  }
0x1: {  	s4 =	rddreg [dreg:$0x0]  }
0x2: {  	s6 =	rddreg [dreg:$0x1];
	s1 =	srdreg.scid  }
0x3: {  	s0 =	stileid.u32;
	s2 =	rddreg [dreg:$0x2]  }
0x4: {  	s3 =	simm.s32 $0x0;
	s11 =	simm.s32 $0x2800;
	s12 =	simm.s32 $0x1  }
0x5: {  	s15 =	simm.s32 $0x20;
	s16 =	simm.s32 $0x10;
	s17 =	simm.s32 $0x0  }
0x6: {  	s5 =	sand.u32 $0x1, s1;
	s1 =	rddreg [dreg:$0x3];
	s8 =	smul.u32 $0x500, s0  }
0x7: {  	s7 =	sshll.u32 s0, $0x1;
	[smem:$0x7FF] =	sst s3;
	s10 =	smul.u32 $0xA00, s0  }
0x8: {  	s13 =	sshll.u32 s0, $0x6;
	s7 =	sor.u32 s5, s7;
	_ =	strace $0x80000047  }
0x9: {  	s9 =	ssub.s32 $0x2, s5;
	s5 =	sshll.u32 s5, $0x7;
	s13 =	sor.u32 $0x1C02, s13  }
0xa: {  	s7 =	smul.u32 $0x500, s7;
	s28 =	sshrl.u32 s9, $0x1;
	s5 =	sor.u32 s5, s8  }
0xb: {  	s30 =	sshrl.u32 s10, $0x2;
	s8 =	simm.s32 $0x2880;
	s10 =	simm.s32 $0x80  }
0xc: {  	s29 =	ssub.s32 s9, s28;
	s31 =	sshrl.u32 s5, $0x3;
	s9 =	simm.s32 $0x2  }
0xd: {  	s7 =	sadd.s32 s7, s4;
	s4 =	sadd.s32 s30, s2;
	s6 =	sadd.s32 s6, s31  }
0xe: {  	v0 =	vimm.f32 $1.000000000e+00;
	v1 =	vimm.f32 $0.0e+00;
	s5 =	sadd.s32 $0xBA00, s7;
	s7 =	smax.u32 s29, $0x1;
	s14 =	sshrl.u32 s4, $0x3  }
.LBB2_1:
0xf: {  	[tilespmem:$0x2800] =	vst v0  }
0x10: {  	[tilespmem:$0x2810] =	vst v0  }
0x11: {  	[tilespmem:$0x2820] =	vst v0  }
0x12: {  	[tilespmem:$0x2830] =	vst v0  }
0x13: {  	[tilespmem:$0x2840] =	vst v0  }
0x14: {  	[tilespmem:$0x2850] =	vst v0  }
0x15: {  	[tilespmem:$0x2860] =	vst v0  }
0x16: {  	[tilespmem:$0x2870] =	vst v0  }
0x17: {  	[tilespmem:$0x2880] =	vst v1  }
0x18: {  	[tilespmem:$0x2890] =	vst v1  }
0x19: {  	[tilespmem:$0x28A0] =	vst v1  }
0x1a: {  	[tilespmem:$0x28B0] =	vst v1  }
0x1b: {  	[tilespmem:$0x28C0] =	vst v1  }
0x1c: {  	[tilespmem:$0x28D0] =	vst v1  }
0x1d: {  	[tilespmem:$0x28E0] =	vst v1  }
0x1e: {  	[tilespmem:$0x28F0] =	vst v1  }
0x1f: {  	[tilespmem:$0x2900] =	vst v1  }
0x20: {  	[tilespmem:$0x2910] =	vst v1  }
0x21: {  	[tilespmem:$0x2920] =	vst v1  }
0x22: {  	[tilespmem:$0x2930] =	vst v1  }
0x23: {  	[tilespmem:$0x2940] =	vst v1  }
0x24: {  	[tilespmem:$0x2950] =	vst v1  }
0x25: {  	[tilespmem:$0x2960] =	vst v1  }
0x26: {  	[tilespmem:$0x2970] =	vst v1  }
0x27: {  	[tilespmem:$0x2980] =	vst v1  }
0x28: {  	[tilespmem:$0x2990] =	vst v1  }
0x29: {  	[tilespmem:$0x29A0] =	vst v1  }
0x2a: {  	[tilespmem:$0x29B0] =	vst v1  }
0x2b: {  	[tilespmem:$0x29C0] =	vst v1  }
0x2c: {  	[tilespmem:$0x29D0] =	vst v1  }
0x2d: {  	[tilespmem:$0x29E0] =	vst v1  }
0x2e: {  	[tilespmem:$0x29F0] =	vst v1  }
0x2f: {  	[tilespmem:$0x2A00] =	vst v1  }
0x30: {  	[tilespmem:$0x2A10] =	vst v1  }
0x31: {  	[tilespmem:$0x2A20] =	vst v1  }
0x32: {  	[tilespmem:$0x2A30] =	vst v1  }
0x33: {  	[tilespmem:$0x2A40] =	vst v1  }
0x34: {  	[tilespmem:$0x2A50] =	vst v1  }
0x35: {  	[tilespmem:$0x2A60] =	vst v1  }
0x36: {  	[tilespmem:$0x2A70] =	vst v1  }
0x37: {  	[tilespmem:$0x2A80] =	vst v1  }
0x38: {  	[tilespmem:$0x2A90] =	vst v1  }
0x39: {  	[tilespmem:$0x2AA0] =	vst v1  }
0x3a: {  	[tilespmem:$0x2AB0] =	vst v1  }
0x3b: {  	[tilespmem:$0x2AC0] =	vst v1  }
0x3c: {  	[tilespmem:$0x2AD0] =	vst v1  }
0x3d: {  	[tilespmem:$0x2AE0] =	vst v1  }
0x3e: {  	[tilespmem:$0x2AF0] =	vst v1  }
0x3f: {  	[spmem:s4] =	stream.linear.scatter [tilespmem:s8], [sflag:$0x2], $0x280, $0x38;
	[tilespmem:$0x2D80] =	vst v63  }
0x40: {  	_ =	swait.ge [sflag:s9], $0x280  }
0x41: {  	[sflag:s9] =	ssyncset.done $0x0  }
0x42: {  	[sflag:s9] =	ssyncadd.s32 $0xFFFFFD80  }
0x43: {  	[tilespmem:s3], [sflag:$0x2] =	stream.linear.gather [hbm4b:s5+s3], $0x2800, $0x38;
	[tilespmem:$0x2D80] =	vst v63  }
0x44: {  	_ =	swait.ge [sflag:s9], $0x2800  }
0x45: {  	[sflag:s9] =	ssyncset.done $0x0  }
0x46: {  	[sflag:s9] =	ssyncadd.s32 $0xFFFFD800  }
0x47: {  	s18 =	simm.s32 $0x0;
	[bflag:$0x0] =	sbarrier.arrive $0xFFFF  }
0x48: {  	[spmem:s2] =	stream.indirect.scatter.add.f32 [tilespmem:s11], [sflag:$0x1], $0x1, s18, s10, $0xb8;
	[tilespmem:$0x2D80] =	vst v63  }
0x49: {  	s24 =	simm.s32 $0x80  }
0x4a: {  	[spmem:s2] =	stream.indirect.scatter.add.f32 [tilespmem:s11], [sflag:$0x1], $0x1, s24, s10, $0xb8;
	[tilespmem:$0x2D80] =	vst v63  }
0x4b: {  	s25 =	simm.s32 $0x100  }
0x4c: {  	[spmem:s2] =	stream.indirect.scatter.add.f32 [tilespmem:s11], [sflag:$0x1], $0x1, s25, s10, $0xb8;
	[tilespmem:$0x2D80] =	vst v63  }
0x4d: {  	s26 =	simm.s32 $0x180  }
0x4e: {  	[spmem:s2] =	stream.indirect.scatter.add.f32 [tilespmem:s11], [sflag:$0x1], $0x1, s26, s10, $0xb8;
	[tilespmem:$0x2D80] =	vst v63  }
0x4f: {  	s28 =	simm.s32 $0x200  }
0x50: {  	[spmem:s2] =	stream.indirect.scatter.add.f32 [tilespmem:s11], [sflag:$0x1], $0x1, s28, s10, $0xb8;
	[tilespmem:$0x2D80] =	vst v63  }
0x51: {  	s29 =	simm.s32 $0x280  }
0x52: {  	[spmem:s2] =	stream.indirect.scatter.add.f32 [tilespmem:s11], [sflag:$0x1], $0x1, s29, s10, $0xb8;
	[tilespmem:$0x2D80] =	vst v63  }
0x53: {  	s30 =	simm.s32 $0x300  }
0x54: {  	[spmem:s2] =	stream.indirect.scatter.add.f32 [tilespmem:s11], [sflag:$0x1], $0x1, s30, s10, $0xb8;
	[tilespmem:$0x2D80] =	vst v63  }
0x55: {  	s31 =	simm.s32 $0x380  }
0x56: {  	[spmem:s2] =	stream.indirect.scatter.add.f32 [tilespmem:s11], [sflag:$0x1], $0x1, s31, s10, $0xb8;
	[tilespmem:$0x2D80] =	vst v63  }
0x57: {  	_ =	swait.ge [sflag:s12], $0x80  }
0x58: {  	[sflag:s12] =	ssyncset.done $0x0  }
0x59: {  	[sflag:s12] =	ssyncadd.s32 $0xFFFFFF80  }
0x5a: {  	_ =	swait.ge [sflag:s12], $0x80  }
0x5b: {  	[sflag:s12] =	ssyncset.done $0x0  }
0x5c: {  	[sflag:s12] =	ssyncadd.s32 $0xFFFFFF80  }
0x5d: {  	_ =	swait.ge [sflag:s12], $0x80  }
0x5e: {  	[sflag:s12] =	ssyncset.done $0x0  }
0x5f: {  	[sflag:s12] =	ssyncadd.s32 $0xFFFFFF80  }
0x60: {  	_ =	swait.ge [sflag:s12], $0x80  }
0x61: {  	[sflag:s12] =	ssyncset.done $0x0  }
0x62: {  	[sflag:s12] =	ssyncadd.s32 $0xFFFFFF80  }
0x63: {  	_ =	swait.ge [sflag:s12], $0x80  }
0x64: {  	[sflag:s12] =	ssyncset.done $0x0  }
0x65: {  	[sflag:s12] =	ssyncadd.s32 $0xFFFFFF80  }
0x66: {  	_ =	swait.ge [sflag:s12], $0x80  }
0x67: {  	[sflag:s12] =	ssyncset.done $0x0  }
0x68: {  	[sflag:s12] =	ssyncadd.s32 $0xFFFFFF80  }
0x69: {  	_ =	swait.ge [sflag:s12], $0x80  }
0x6a: {  	[sflag:s12] =	ssyncset.done $0x0  }
0x6b: {  	[sflag:s12] =	ssyncadd.s32 $0xFFFFFF80  }
0x6c: {  	_ =	swait.ge [sflag:s12], $0x80  }
0x6d: {  	s20 =	simm.s32 $0x2000;
	s18 =	simm.s32 $0x1000;
	[sflag:s12] =	ssyncset.done $0x0  }
.LBB2_2:
0x6e: {  	s21 =	sshra.s32 s18, $0x2  }
0x6f: {  	[sflag:s12] =	ssyncadd.s32 $0xFFFFFF80;
	s18 =	smov.u32 s20;
	s19 =	sadd.s32 $0x1000, s20  }
0x70: {  	[spmem:s2] =	stream.indirect.scatter.add.f32 [tilespmem:s11], [sflag:$0x1], $0x1, s21, s10, $0xb8;
	[tilespmem:$0x2D80] =	vst v63  }
0x71: {  	p0 =	sne.s32 s20, $0x9000;
	s20 =	sadd.s32 $0x80, s21  }
0x72: {  	[spmem:s2] =	stream.indirect.scatter.add.f32 [tilespmem:s11], [sflag:$0x1], $0x1, s20, s10, $0xb8;
	[tilespmem:$0x2D80] =	vst v63  }
0x73: {  	s20 =	sadd.s32 $0x100, s21  }
0x74: {  	[spmem:s2] =	stream.indirect.scatter.add.f32 [tilespmem:s11], [sflag:$0x1], $0x1, s20, s10, $0xb8;
	[tilespmem:$0x2D80] =	vst v63  }
0x75: {  	s20 =	sadd.s32 $0x180, s21  }
0x76: {  	[spmem:s2] =	stream.indirect.scatter.add.f32 [tilespmem:s11], [sflag:$0x1], $0x1, s20, s10, $0xb8;
	[tilespmem:$0x2D80] =	vst v63  }
0x77: {  	s20 =	sadd.s32 $0x200, s21  }
0x78: {  	[spmem:s2] =	stream.indirect.scatter.add.f32 [tilespmem:s11], [sflag:$0x1], $0x1, s20, s10, $0xb8;
	[tilespmem:$0x2D80] =	vst v63  }
0x79: {  	s20 =	sadd.s32 $0x280, s21  }
0x7a: {  	[spmem:s2] =	stream.indirect.scatter.add.f32 [tilespmem:s11], [sflag:$0x1], $0x1, s20, s10, $0xb8;
	[tilespmem:$0x2D80] =	vst v63  }
0x7b: {  	s20 =	sadd.s32 $0x300, s21  }
0x7c: {  	[spmem:s2] =	stream.indirect.scatter.add.f32 [tilespmem:s11], [sflag:$0x1], $0x1, s20, s10, $0xb8;
	[tilespmem:$0x2D80] =	vst v63  }
0x7d: {  	s20 =	sadd.s32 $0x380, s21  }
0x7e: {  	[spmem:s2] =	stream.indirect.scatter.add.f32 [tilespmem:s11], [sflag:$0x1], $0x1, s20, s10, $0xb8;
	[tilespmem:$0x2D80] =	vst v63  }
0x7f: {  	_ =	swait.ge [sflag:s12], $0x80  }
0x80: {  	[sflag:s12] =	ssyncset.done $0x0  }
0x81: {  	[sflag:s12] =	ssyncadd.s32 $0xFFFFFF80  }
0x82: {  	_ =	swait.ge [sflag:s12], $0x80  }
0x83: {  	[sflag:s12] =	ssyncset.done $0x0  }
0x84: {  	[sflag:s12] =	ssyncadd.s32 $0xFFFFFF80  }
0x85: {  	_ =	swait.ge [sflag:s12], $0x80  }
0x86: {  	[sflag:s12] =	ssyncset.done $0x0  }
0x87: {  	[sflag:s12] =	ssyncadd.s32 $0xFFFFFF80  }
0x88: {  	_ =	swait.ge [sflag:s12], $0x80  }
0x89: {  	[sflag:s12] =	ssyncset.done $0x0  }
0x8a: {  	[sflag:s12] =	ssyncadd.s32 $0xFFFFFF80  }
0x8b: {  	_ =	swait.ge [sflag:s12], $0x80  }
0x8c: {  	[sflag:s12] =	ssyncset.done $0x0  }
0x8d: {  	[sflag:s12] =	ssyncadd.s32 $0xFFFFFF80  }
0x8e: {  	_ =	swait.ge [sflag:s12], $0x80  }
0x8f: {  	[sflag:s12] =	ssyncset.done $0x0  }
0x90: {  	[sflag:s12] =	ssyncadd.s32 $0xFFFFFF80  }
.Ltmp0:
0x91: {  	_ =	swait.ge [sflag:s12], $0x80;
	(pc) =	sbr.rel @p0 .LBB2_2-.Ltmp0, $4  }
0x92: {  	[sflag:s12] =	ssyncset.done $0x0  }
0x93: {  	[sflag:s12] =	ssyncadd.s32 $0xFFFFFF80  }
0x94: {  	_ =	swait.ge [sflag:s12], $0x80  }
0x95: {  	s20 =	smov.u32 s19;
	[sflag:s12] =	ssyncset.done $0x0  }
0x96: {  	s18 =	sshra.s32 s18, $0x2;
	[sflag:s12] =	ssyncadd.s32 $0xFFFFFF80  }
0x97: {  	[spmem:s2] =	stream.indirect.scatter.add.f32 [tilespmem:s11], [sflag:$0x1], $0x1, s18, s10, $0xb8;
	[tilespmem:$0x2D80] =	vst v63  }
0x98: {  	s19 =	sadd.s32 $0x80, s18  }
0x99: {  	[spmem:s2] =	stream.indirect.scatter.add.f32 [tilespmem:s11], [sflag:$0x1], $0x1, s19, s10, $0xb8;
	[tilespmem:$0x2D80] =	vst v63  }
0x9a: {  	s26 =	sadd.s32 $0x100, s18  }
0x9b: {  	[spmem:s2] =	stream.indirect.scatter.add.f32 [tilespmem:s11], [sflag:$0x1], $0x1, s26, s10, $0xb8;
	[tilespmem:$0x2D80] =	vst v63  }
0x9c: {  	s28 =	sadd.s32 $0x180, s18  }
0x9d: {  	[spmem:s2] =	stream.indirect.scatter.add.f32 [tilespmem:s11], [sflag:$0x1], $0x1, s28, s10, $0xb8;
	[tilespmem:$0x2D80] =	vst v63  }
0x9e: {  	s29 =	sadd.s32 $0x200, s18  }
0x9f: {  	[spmem:s2] =	stream.indirect.scatter.add.f32 [tilespmem:s11], [sflag:$0x1], $0x1, s29, s10, $0xb8;
	[tilespmem:$0x2D80] =	vst v63  }
0xa0: {  	s30 =	sadd.s32 $0x280, s18  }
0xa1: {  	[spmem:s2] =	stream.indirect.scatter.add.f32 [tilespmem:s11], [sflag:$0x1], $0x1, s30, s10, $0xb8;
	[tilespmem:$0x2D80] =	vst v63  }
0xa2: {  	s31 =	sadd.s32 $0x300, s18  }
0xa3: {  	[spmem:s2] =	stream.indirect.scatter.add.f32 [tilespmem:s11], [sflag:$0x1], $0x1, s31, s10, $0xb8;
	[tilespmem:$0x2D80] =	vst v63  }
0xa4: {  	s18 =	sadd.s32 $0x380, s18  }
0xa5: {  	[spmem:s2] =	stream.indirect.scatter.add.f32 [tilespmem:s11], [sflag:$0x1], $0x1, s18, s10, $0xb8;
	[tilespmem:$0x2D80] =	vst v63  }
0xa6: {  	_ =	swait.ge [sflag:s12], $0x80  }
0xa7: {  	[sflag:s12] =	ssyncset.done $0x0  }
0xa8: {  	[sflag:s12] =	ssyncadd.s32 $0xFFFFFF80  }
0xa9: {  	_ =	swait.ge [sflag:s12], $0x80  }
0xaa: {  	[sflag:s12] =	ssyncset.done $0x0  }
0xab: {  	[sflag:s12] =	ssyncadd.s32 $0xFFFFFF80  }
0xac: {  	_ =	swait.ge [sflag:s12], $0x80  }
0xad: {  	[sflag:s12] =	ssyncset.done $0x0  }
0xae: {  	[sflag:s12] =	ssyncadd.s32 $0xFFFFFF80  }
0xaf: {  	_ =	swait.ge [sflag:s12], $0x80  }
0xb0: {  	[sflag:s12] =	ssyncset.done $0x0  }
0xb1: {  	[sflag:s12] =	ssyncadd.s32 $0xFFFFFF80  }
0xb2: {  	_ =	swait.ge [sflag:s12], $0x80  }
0xb3: {  	[sflag:s12] =	ssyncset.done $0x0  }
0xb4: {  	[sflag:s12] =	ssyncadd.s32 $0xFFFFFF80  }
0xb5: {  	_ =	swait.ge [sflag:s12], $0x80  }
0xb6: {  	[sflag:s12] =	ssyncset.done $0x0  }
0xb7: {  	[sflag:s12] =	ssyncadd.s32 $0xFFFFFF80  }
0xb8: {  	_ =	swait.ge [sflag:s12], $0x80  }
0xb9: {  	[sflag:s12] =	ssyncset.done $0x0  }
0xba: {  	[sflag:s12] =	ssyncadd.s32 $0xFFFFFF80  }
0xbb: {  	_ =	swait.ge [sflag:s12], $0x80  }
0xbc: {  	s17 =	sadd.s32 $0x1, s17;
	[sflag:s12] =	ssyncset.done $0x0  }
0xbd: {  	p0 =	sne.s32 s17, s7;
	[sflag:s12] =	ssyncadd.s32 $0xFFFFFF80  }
.Ltmp1:
0xbe: {  	[bflag:$0x0] =	sbarrier.arrive $0xFFFF;
	(pc) =	sbr.rel @p0 .LBB2_1-.Ltmp1, $4  }
0xbf: {  	[hbm:s6@s15], [sflag:s13] =	dma.strided [spmem:s14@s16], $0x50, s12, $0x10   }
0xc0: {  	_ =	swait.ge [sflag:s9], $0x50  }
0xc1: {  	[sflag:s9] =	ssyncset.done $0x0  }
0xc2: {  	[sflag:s9] =	ssyncadd.s32 $0xFFFFFFB0  }
0xc3: {  	_ =	sfence.sel $0x180000  }
0xc4: {  	[bflag:$0x0] =	sbarrier.arrive $0xFFFF  }
0xc5: {  	p0 =	sne.s32 s0, $0x0;
	_ =	strace $0x90000047  }
0xc6: {  	s0 =	sadd.s32 @!p0 $0x100000, s1;
	[bflag:$0x2] =	sbarrier.arrive $0xFFFF  }
0xc7: {  	[sflag:s0] =	ssyncadd.tile.s32 @!p0 $0x1;
	_ =	shalt  }
.Lfunc_end2:
_tile_overlayer_lowered:
.L_overlay_start_2:
0xc8: {  	(tag) =	ssettag $0x2  }
0xc9: {  	s0 =	rddreg [dreg:$0x0];
	s2 =	stileid.u32  }
0xca: {  	s1 =	rddreg [dreg:$0x1];
	p0 =	sne.s32 s2, $0x0  }
0xcb: {  	s3 =	rddreg [dreg:$0x2];
	[bflag:$0x3] =	sbarrier.arrive $0xFFFF;
	s2 =	simm.s32 @!p0 $0x1C02  }
0xcc: {  	[timem:s3], [sflag:s2] =	dma.local @!p0 [hbm:s0], s1  }
0xcd: {  	s0 =	simm.s32 @!p0 $0x2  }
0xce: {  	_ =	swait.ge @!p0 [sflag:s0], s1  }
0xcf: {  	s1 =	ssub.s32 @!p0 $0x0, s1;
	[sflag:s0] =	ssyncset.done @!p0 $0x0  }
0xd0: {  	[sflag:s0] =	ssyncadd.s32 @!p0 s1  }
0xd1: {  	[bflag:$0x3] =	sbarrier.arrive $0xFFFF  }
0xd2: {  	_ =	shalt  }

// kernel: kernel.9.cloned.1.call-start
scs
__scs_entry_jumppad:
0x0: {  	(pc) =	sbr.rel $0x88, $3  }
0x1: {  	(tag) =	ssettag $0x0;
	lr =	simm.s32 $0x1  }
0x2: {  	[smem:$0x3F9D] =	sst lr;
	_ =	strace $0xD0000000  }
0x3: {  	_ = 	snop  }
0x4: {  	_ = 	snop  }
0x5: {  	_ = 	snop  }
0x6: {  	_ = 	snop  }
0x7: {  	_ = 	snop  }
__scs_overlays_trampoline_lowered:
0x8: {  	[smem:$0x3FAC] =	sst s0  }
0x9: {  	[smem:$0x3FAD] =	sst s1  }
0xa: {  	[smem:$0x3FAE] =	sst s2  }
0xb: {  	[smem:$0x3FAF] =	sst s3  }
0xc: {  	[smem:$0x3FB0] =	sst s4  }
0xd: {  	[smem:$0x3FB1] =	sst s5  }
0xe: {  	[smem:$0x3FB2] =	sst s6  }
0xf: {  	[smem:$0x3FB3] =	sst s7  }
0x10: {  	[smem:$0x3FB4] =	sst s8  }
0x11: {  	[smem:$0x3FB5] =	sst s9;
	s0 =	simm.s32 @!p0 $0x0  }
0x12: {  	s1 =	sld [smem:$0x3F9B];
	s0 =	simm.s32 @p0 $0x1  }
0x13: {  	[smem:$0x3FB6] =	sst s0;
	s0 =	simm.s32 @!p1 $0x0  }
0x14: {  	s2 =	sld [smem:$0x3F9A];
	s0 =	simm.s32 @p1 $0x1  }
0x15: {  	[smem:$0x3FB7] =	sst s0;
	s0 =	simm.s32 @!p2 $0x0  }
0x16: {  	s3 =	sld [smem:$0x3FDB];
	s0 =	simm.s32 @p2 $0x1  }
0x17: {  	s4 =	simm.s32 $0x1BF5;
	[smem:$0x3FB9] =	sst s0  }
0x18: {  	s0 =	sld [smem:$0x3F9C];
	_ =	swait.ge [sflag:s4], $0x0  }
0x19: {  	s7 =	sld [smem:$0x3F9D]  }
0x1a: {  	s8 =	sadd.s32 $0xFFFFE003, lr  }
0x1b: {  	s9 =	sadd.s32 $0xFFFFFEF7, lr;
	s5 =	simm.s32 $0xFFFFFFFF;
	p2 =	slt.u32 s8, $0xFFFFF086  }
0x1c: {  	p1 =	slt.u32 s9, $0xF7A;
	s5 =	simm.s32 @!p2 $0x0  }
0x1d: {  	s5 =	simm.s32 @p1 $0x1;
	p0 =	seq.s32 s7, s2  }
0x1e: {  	s7 =	smul.u32 @!p0 $0xF7A, s2;
	p2 =	seq.s32 @!p0 s5, $0x0  }
0x1f: {  	s9 =	smul.u32 $0xF7A, s1;
	s8 =	simm.s32 @!p0 $0x1BF5;
	p2 =	por !p2, p0  }
0x20: {  	[sflag:s8] =	ssyncset.s32 @!p0 $0xFFFFF086;
	s6 =	sadd.s32 @!p0 s3, s7;
	s7 =	simm.s32 @!p0 $0x108  }
0x21: {  	s3 =	sadd.s32 s3, s9;
	s6 =	sadd.s32 @!p0 $0x88, s6;
	s7 =	simm.s32 @p2 $0x1082  }
0x22: {  	[simem:s7], [sflag:s8] =	dma.local @!p0 [hbm:s6], $0xF7A  }
0x23: {  	s9 =	sor.u32 $0xD0000000, s2;
	s6 =	simm.s32 $0x108;
	_ =	swait.ge @!p0 [sflag:s8], $0x0  }
0x24: {  	s3 =	sadd.s32 $0x88, s3;
	s6 =	simm.s32 @!p1 $0x1082;
	[sflag:s4] =	ssyncset.s32 $0xFFFFF086  }
0x25: {  	[simem:s6], [sflag:s4] =	dma.local [hbm:s3], $0xF7A  }
0x26: {  	[smem:$0x3F9D] =	sst s1;
	(tag) =	ssettag s2;
	_ =	strace s9  }
0x27: {  	s1 =	sld [smem:$0x3FAD]  }
0x28: {  	s2 =	sld [smem:$0x3FAE]  }
0x29: {  	s4 =	sld [smem:$0x3FB0]  }
0x2a: {  	p0 =	seq.s32 s5, $0x0;
	s5 =	sld [smem:$0x3FB1]  }
0x2b: {  	s6 =	sld [smem:$0x3FB2]  }
0x2c: {  	s7 =	sld [smem:$0x3FB3]  }
0x2d: {  	s3 =	simm.s32 $0x108;
	s8 =	sld [smem:$0x3FB4]  }
0x2e: {  	s3 =	simm.s32 @!p0 $0x1082;
	s9 =	sld [smem:$0x3FB5]  }
0x2f: {  	lr =	sadd.s32 s0, s3;
	s0 =	sld [smem:$0x3FAC]  }
0x30: {  	s3 =	sld [smem:$0x3FAF]  }
0x31: {  	[smem:$0x3FB8] =	sst s10  }
0x32: {  	s10 =	sld [smem:$0x3FB6];
	_ =	sdelay $0x3  }
0x33: {  	p0 =	seq.s32 s10, $0x1;
	s10 =	sld [smem:$0x3FB8];
	_ =	sdelay $0x3  }
0x34: {  	[smem:$0x3FB8] =	sst s10  }
0x35: {  	s10 =	sld [smem:$0x3FB7];
	_ =	sdelay $0x3  }
0x36: {  	p1 =	seq.s32 s10, $0x1;
	s10 =	sld [smem:$0x3FB8];
	_ =	sdelay $0x3  }
0x37: {  	[smem:$0x3FB8] =	sst s10  }
0x38: {  	s10 =	sld [smem:$0x3FB9]  }
0x39: {  	_ = 	snop;
	(pc) =	sbr.ind lr, $3  }
0x3a: {  	_ = 	snop  }
0x3b: {  	_ = 	snop  }
0x3c: {  	p2 =	seq.s32 s10, $0x1;
	s10 =	sld [smem:$0x3FB8]  }
0x3d: {  	_ =	shalt  }
0x3e: {  	_ =	shalt  }
0x3f: {  	_ =	shalt  }
0x40: {  	_ =	shalt  }
0x41: {  	_ =	shalt  }
0x42: {  	_ =	shalt  }
0x43: {  	_ =	shalt  }
0x44: {  	_ =	shalt  }
0x45: {  	_ =	shalt  }
0x46: {  	_ =	shalt  }
0x47: {  	_ =	shalt  }
0x48: {  	_ =	shalt  }
0x49: {  	_ =	shalt  }
0x4a: {  	_ =	shalt  }
0x4b: {  	_ =	shalt  }
0x4c: {  	_ =	shalt  }
0x4d: {  	_ =	shalt  }
0x4e: {  	_ =	shalt  }
0x4f: {  	_ =	shalt  }
0x50: {  	_ =	shalt  }
0x51: {  	_ =	shalt  }
0x52: {  	_ =	shalt  }
0x53: {  	_ =	shalt  }
0x54: {  	_ =	shalt  }
0x55: {  	_ =	shalt  }
0x56: {  	_ =	shalt  }
0x57: {  	_ =	shalt  }
0x58: {  	_ =	shalt  }
0x59: {  	_ =	shalt  }
0x5a: {  	_ =	shalt  }
0x5b: {  	_ =	shalt  }
0x5c: {  	_ =	shalt  }
0x5d: {  	_ =	shalt  }
0x5e: {  	_ =	shalt  }
0x5f: {  	_ =	shalt  }
0x60: {  	_ =	shalt  }
0x61: {  	_ =	shalt  }
0x62: {  	_ =	shalt  }
0x63: {  	_ =	shalt  }
0x64: {  	_ =	shalt  }
0x65: {  	_ =	shalt  }
0x66: {  	_ =	shalt  }
0x67: {  	_ =	shalt  }
0x68: {  	_ =	shalt  }
0x69: {  	_ =	shalt  }
0x6a: {  	_ =	shalt  }
0x6b: {  	_ =	shalt  }
0x6c: {  	_ =	shalt  }
0x6d: {  	_ =	shalt  }
0x6e: {  	_ =	shalt  }
0x6f: {  	_ =	shalt  }
0x70: {  	_ =	shalt  }
0x71: {  	_ =	shalt  }
0x72: {  	_ =	shalt  }
0x73: {  	_ =	shalt  }
0x74: {  	_ =	shalt  }
0x75: {  	_ =	shalt  }
0x76: {  	_ =	shalt  }
0x77: {  	_ =	shalt  }
0x78: {  	_ =	shalt  }
0x79: {  	_ =	shalt  }
0x7a: {  	_ =	shalt  }
0x7b: {  	_ =	shalt  }
0x7c: {  	_ =	shalt  }
0x7d: {  	_ =	shalt  }
0x7e: {  	_ =	shalt  }
0x7f: {  	_ =	shalt  }
0x80: {  	_ =	shalt  }
0x81: {  	_ =	shalt  }
0x82: {  	_ =	shalt  }
0x83: {  	_ =	shalt  }
0x84: {  	_ =	shalt  }
0x85: {  	_ =	shalt  }
0x86: {  	_ =	shalt  }
0x87: {  	_ =	shalt  }
.Lfunc_end0:
.L_simem_size_0:
called_computation.1_lowered:
.L_overlay_start_0:
0x88: {  	s2 =	sld [smem:$0x3FD9]  }
0x89: {  	s3 =	sld [smem:$0x3FFE];
	_ =	sdelay $0x1  }
0x8a: {  	s1 =	srdreg.scid  }
0x8b: {  	s0 =	sand.u32 $0x1, s1  }
0x8c: {  	s17 =	sshll.u32 s0, $0xA;
	s2 =	sadd.s32 s3, s2  }
0x8d: {  	s2 =	sadd.s32 s2, s17  }
0x8e: {  	[smem:$0x3FC4] =	sst s2  }
0x8f: {  	_ = 	snop  }
0x90: {  	s2 =	sld [smem:$0x3FD0];
	(tm) =	ssettm $0x1  }
0x91: {  	s18 =	sld [smem:$0x3FFB];
	_ =	sdelay $0x3  }
0x92: {  	_ =	strace s18  }
0x93: {  	s3 =	sld [smem:$0x3FFC];
	_ =	sdelay $0x3  }
0x94: {  	_ =	strace s3  }
0x95: {  	s3 =	sld [smem:$0x3FFD];
	_ =	sdelay $0x3  }
0x96: {  	_ =	strace s3  }
0x97: {  	_ =	strace $0x8FFFFFFF  }
0x98: {  	s19 =	sld [smem:$0x3FDB];
	_ =	sdelay $0x1  }
0x99: {  	s4 =	simm.s32 $_scs_section_size  }
0x9a: {  	s5 =	simm.s32 $_size__tile_overlayer_lowered;
	s6 =	simm.s32 $_tile_overlayer_lowered  }
0x9b: {  	s22 =	simm.s32 $0x1BFF;
	s21 =	sshll.u32 s6, $0x1;
	s3 =	sadd.s32 s4, s19  }
0x9c: {  	s7 =	simm.s32 $0x0;
	s20 =	sshll.u32 s5, $0x1;
	s5 =	sadd.s32 s21, s3  }
0x9d: {  	[timem:s7], [sflag:s22] =	dma.local [hbm:s5], s20  }
0x9e: {  	_ =	swait.ge [sflag:s22], s20  }
0x9f: {  	s4 =	ssub.s32 $0x0, s20;
	[sflag:s22] =	ssyncset.done $0x0  }
0xa0: {  	[sflag:s22] =	ssyncadd.s32 s4;
	_ =	sdelay $0x1  }
0xa1: {  	s23 =	simm.s32 $0x1B8B  }
0xa2: {  	_ =	swait.ge [sflag:s23], $0x1  }
0xa3: {  	[sflag:s23] =	ssyncset.done $0x0  }
0xa4: {  	s25 =	simm.s32 $0x1B8E;
	s24 =	sld [smem:$0x3FFE];
	[sflag:s23] =	ssyncadd.s32 $0xFFFFFFFF  }
0xa5: {  	s26 =	simm.s32 $execute0_lowered;
	[smem:$0x3FD2] =	sst s25  }
0xa6: {  	s5 =	sshll.u32 s26, $0x1;
	_ =	strace $0x80000049;
	[dreg:$0x1] =	wrdreg $0xFFFFFFFF  }
0xa7: {  	s28 =	simm.s32 $_size_execute0_lowered;
	s3 =	sadd.s32 s3, s5;
	[dreg:$0x0] =	wrdreg $0x0  }
0xa8: {  	s5 =	sshll.u32 s28, $0x1;
	[dreg:$0x2] =	wrdreg s3  }
0xa9: {  	[dreg:$0x3] =	wrdreg s5  }
0xaa: {  	[dreg:$0x4] =	wrdreg $0xC0  }
0xab: {  	_ =	task [dreg:s7], $0x5FFFF  }
0xac: {  	[dreg:$0x1] =	wrdreg $0xFFFFFFFF  }
0xad: {  	[dreg:$0x0] =	wrdreg $0x60  }
0xae: {  	[dreg:$0x2] =	wrdreg s24  }
0xaf: {  	[dreg:$0x3] =	wrdreg s2  }
0xb0: {  	[dreg:$0x4] =	wrdreg $0xB8000  }
0xb1: {  	[dreg:$0x5] =	wrdreg $0x9  }
0xb2: {  	_ =	task.clear_ibuf [dreg:s7], $0x6FFFF;
	_ =	strace $0x90000049  }
0xb3: {  	s29 =	simm.s32 $0x9;
	_ =	strace $0x8000004B  }
0xb4: {  	_ =	swait.ge [sflag:s29], $0x1  }
0xb5: {  	[sflag:s29] =	ssyncadd.s32 $0xFFFFFFFF  }
0xb6: {  	_ =	strace $0x9000004B  }
0xb7: {  	_ =	sfence  }
0xb8: {  	s30 =	sld [smem:$0x0];
	_ =	sdelay $0x2  }
0xb9: {  	s31 =	sshll.u32 s1, $0xD;
	s1 =	sshrl.u32 s1, $0x2  }
0xba: {  	s3 =	sand.u32 $0x4000, s31;
	s1 =	sadd.s32 s1, s30  }
0xbb: {  	s0 =	sor.u32 s3, s0;
	s1 =	sshll.u32 s1, $0x11  }
0xbc: {  	s0 =	sor.u32 s1, s0  }
0xbd: {  	s0 =	sadd.s32 $0x8F2B, s0  }
0xbe: {  	[sflag:s0] =	ssyncadd.remote.s32 $0x1  }
0xbf: {  	_ =	sfence.sel $0xFFFF  }
0xc0: {  	[dreg:$0x0] =	wrdreg $0xFFFFFFFF;
	(pc) =	sbr.abs _section_cstart, $3  }
0xc1: {  	[dreg:$0x1] =	wrdreg $0xFFFFFFFF  }
0xc2: {  	_ =	task.clear_ibuf [dreg:s7], $0x2FFFF;
	_ =	strace $0x9FFFFFFF  }
0xc3: {  	(tm) =	ssettm $0x7FFFFFFF  }
tec
execute0_lowered:
.L_overlay_start_1:
0x0: {  	(tag) =	ssettag $0x1  }
0x1: {  	s5 =	rddreg [dreg:$0x0]  }
0x2: {  	s1 =	srdreg.scid;
	s2 =	rddreg [dreg:$0x1]  }
0x3: {  	s0 =	stileid.u32;
	s3 =	rddreg [dreg:$0x2];
	s4 =	simm.s32 $0x0  }
0x4: {  	s15 =	simm.s32 $0x80;
	s16 =	simm.s32 $0x3000;
	s17 =	simm.s32 $0x7000  }
0x5: {  	s18 =	simm.s32 $0xB000;
	s19 =	simm.s32 $0x4;
	s9 =	smul.u32 $0x14000, s0  }
0x6: {  	s20 =	simm.s32 $0x1;
	s21 =	simm.s32 $0x2;
	s29 =	smul.u32 $0x5000, s0  }
0x7: {  	s22 =	simm.s32 $0x3;
	s6 =	sand.u32 $0x1, s1;
	s31 =	smul.u32 $0x50000, s0  }
0x8: {  	s23 =	simm.s32 $0x0;
	s28 =	sshll.u32 s0, $0x1;
	s8 =	smul.u32 $0x140000, s6  }
0x9: {  	s1 =	sor.u32 s6, s28;
	s12 =	ssub.s32 $0x2, s6;
	s6 =	smul.u32 $0x2800, s6  }
0xa: {  	[smem:$0x7FF] =	sst s4;
	s11 =	sadd.s32 $0x1A00, s5;
	s7 =	smul.u32 $0x2800, s1  }
0xb: {  	s1 =	rddreg [dreg:$0x3];
	_ =	strace $0x8000004A;
	s30 =	sshrl.u32 s12, $0x1  }
0xc: {  	s8 =	sadd.s32 s9, s8;
	s12 =	ssub.s32 s12, s30;
	s9 =	sadd.s32 s6, s29  }
0xd: {  	s7 =	sshrl.u32 s7, $0x3;
	s8 =	sshrl.u32 s8, $0x3;
	s9 =	sadd.s32 $0x800, s9  }
.Ltmp0:
0xe: {  	s10 =	sadd.s32 s7, s5;
	s13 =	sadd.s32 s8, s5;
	(pc) =	sbr.rel .LBB2_1-.Ltmp0, $4  }
0xf: {  	s6 =	sadd.s32 s11, s7;
	s8 =	sshrl.u32 s31, $0x2;
	s14 =	sshrl.u32 s9, $0x3  }
0x10: {  	s5 =	sadd.s32 $0xBA00, s10;
	s7 =	sadd.s32 $0x80, s6;
	s8 =	sadd.s32 s8, s3  }
0x11: {  	s9 =	sadd.s32 $0x15A00, s13;
	s10 =	smax.u32 s12, $0x1;
	s11 =	sadd.s32 s14, s11  }
0x12: {  	v0 =	vimm.f32 $0.0e+00;
	s12 =	simm.s32 $0x800;
	s13 =	simm.s32 $0x5;
	s14 =	simm.s32 $0x400  }
.LBB2_8:
0x13: {  	_ =	swait.ge [sflag:s21], $0x4000  }
0x14: {  	[sflag:s21] =	ssyncset.done $0x0  }
0x15: {  	s24 =	sadd.s32 $0x780, s28;
	[sflag:s21] =	ssyncadd.s32 $0xFFFFC000  }
0x16: {  	[spmem:s3] =	stream.indirect.scatter.add.f32 [tilespmem:s17], [sflag:$0x5], $0x80, s24, s15, $0xb8;
	[tilespmem:$0x1F800] =	vst v63  }
0x17: {  	_ =	swait.ge [sflag:s13], $0x4000  }
0x18: {  	[sflag:s13] =	ssyncset.done $0x0  }
0x19: {  	[sflag:s13] =	ssyncadd.s32 $0xFFFFC000  }
.LBB2_6:
0x1a: {  	s23 =	sadd.s32 $0x1, s23  }
0x1b: {  	s24 =	sshll.u32 s0, $0x6;
	[bflag:$0x0] =	sbarrier.arrive $0xFFFF;
	p0 =	sne.s32 s23, s10  }
.Ltmp1:
0x1c: {  	s25 =	sshrl.u32 s8, $0x3;
	s24 =	sor.u32 $0x1C05, s24;
	(pc) =	sbr.rel @!p0 .LBB2_7-.Ltmp1, $4  }
0x1d: {  	[hbm:s9], [sflag:s24] =	dma.local [spmem:s25], $0x2800  }
0x1e: {  	_ =	swait.ge [sflag:s13], $0x2800  }
0x1f: {  	[sflag:s13] =	ssyncset.done $0x0  }
0x20: {  	[sflag:s13] =	ssyncadd.s32 $0xFFFFD800  }
.LBB2_1:
0x21: {  	[tilespmem:s12], [sflag:$0x5] =	stream.linear.gather [hbm4b:s5+s4], $0x2800, $0x38;
	[tilespmem:$0x1F800] =	vst v63  }
0x22: {  	_ =	swait.ge [sflag:s13], $0x2800  }
0x23: {  	[sflag:s13] =	ssyncset.done $0x0  }
0x24: {  	[sflag:s13] =	ssyncadd.s32 $0xFFFFD800  }
0x25: {  	[tilespmem:s4], [sflag:$0x5] =	stream.linear.gather [hbm4b:s6+s4], $0x400, $0x38;
	[tilespmem:$0x1F800] =	vst v63  }
0x26: {  	_ =	swait.ge [sflag:s13], $0x400  }
0x27: {  	[sflag:s13] =	ssyncset.done $0x0  }
0x28: {  	[sflag:s13] =	ssyncadd.s32 $0xFFFFFC00  }
0x29: {  	[tilespmem:s14], [sflag:$0x3] =	stream.linear.gather [hbm4b:s7+s4], $0x400, $0x38;
	[tilespmem:$0x1F800] =	vst v63  }
0x2a: {  	_ = 	snop  }
0x2b: {  	[tilespmem:s16], [sflag:$0x1] =	stream.indirect.gather [hbm4b:s2+s15], $0x80, s4, s15, $0xb8;
	[tilespmem:$0x1F800] =	vst v63  }
0x2c: {  	_ = 	snop  }
0x2d: {  	[tilespmem:s17], [sflag:$0x2] =	stream.indirect.gather [hbm4b:s2+s15], $0x80, s15, s15, $0xb8;
	[tilespmem:$0x1F800] =	vst v63  }
0x2e: {  	[tilespmem:$0xB000] =	vst v0  }
0x2f: {  	[tilespmem:$0xB010] =	vst v0  }
0x30: {  	[tilespmem:$0xB020] =	vst v0  }
0x31: {  	[tilespmem:$0xB030] =	vst v0  }
0x32: {  	[tilespmem:$0xB040] =	vst v0  }
0x33: {  	[tilespmem:$0xB050] =	vst v0  }
0x34: {  	[tilespmem:$0xB060] =	vst v0  }
0x35: {  	[tilespmem:$0xB070] =	vst v0  }
0x36: {  	[tilespmem:$0xB080] =	vst v0  }
0x37: {  	[tilespmem:$0xB090] =	vst v0  }
0x38: {  	[tilespmem:$0xB0A0] =	vst v0  }
0x39: {  	[tilespmem:$0xB0B0] =	vst v0  }
0x3a: {  	[tilespmem:$0xB0C0] =	vst v0  }
0x3b: {  	[tilespmem:$0xB0D0] =	vst v0  }
0x3c: {  	[tilespmem:$0xB0E0] =	vst v0  }
0x3d: {  	[tilespmem:$0xB0F0] =	vst v0  }
0x3e: {  	[tilespmem:$0xB100] =	vst v0  }
0x3f: {  	[tilespmem:$0xB110] =	vst v0  }
0x40: {  	[tilespmem:$0xB120] =	vst v0  }
0x41: {  	[tilespmem:$0xB130] =	vst v0  }
0x42: {  	[tilespmem:$0xB140] =	vst v0  }
0x43: {  	[tilespmem:$0xB150] =	vst v0  }
0x44: {  	[tilespmem:$0xB160] =	vst v0  }
0x45: {  	[tilespmem:$0xB170] =	vst v0  }
0x46: {  	[tilespmem:$0xB180] =	vst v0  }
0x47: {  	[tilespmem:$0xB190] =	vst v0  }
0x48: {  	[tilespmem:$0xB1A0] =	vst v0  }
0x49: {  	[tilespmem:$0xB1B0] =	vst v0  }
0x4a: {  	[tilespmem:$0xB1C0] =	vst v0  }
0x4b: {  	[tilespmem:$0xB1D0] =	vst v0  }
0x4c: {  	[tilespmem:$0xB1E0] =	vst v0  }
0x4d: {  	[tilespmem:$0xB1F0] =	vst v0  }
0x4e: {  	[tilespmem:$0xB200] =	vst v0  }
0x4f: {  	[tilespmem:$0xB210] =	vst v0  }
0x50: {  	[tilespmem:$0xB220] =	vst v0  }
0x51: {  	[tilespmem:$0xB230] =	vst v0  }
0x52: {  	[tilespmem:$0xB240] =	vst v0  }
0x53: {  	[tilespmem:$0xB250] =	vst v0  }
0x54: {  	[tilespmem:$0xB260] =	vst v0  }
0x55: {  	[tilespmem:$0xB270] =	vst v0  }
0x56: {  	[tilespmem:$0xB280] =	vst v0  }
0x57: {  	[tilespmem:$0xB290] =	vst v0  }
0x58: {  	[tilespmem:$0xB2A0] =	vst v0  }
0x59: {  	[tilespmem:$0xB2B0] =	vst v0  }
0x5a: {  	[tilespmem:$0xB2C0] =	vst v0  }
0x5b: {  	[tilespmem:$0xB2D0] =	vst v0  }
0x5c: {  	[tilespmem:$0xB2E0] =	vst v0  }
0x5d: {  	[tilespmem:$0xB2F0] =	vst v0  }
0x5e: {  	[tilespmem:$0xB300] =	vst v0  }
0x5f: {  	[tilespmem:$0xB310] =	vst v0  }
0x60: {  	[tilespmem:$0xB320] =	vst v0  }
0x61: {  	[tilespmem:$0xB330] =	vst v0  }
0x62: {  	[tilespmem:$0xB340] =	vst v0  }
0x63: {  	[tilespmem:$0xB350] =	vst v0  }
0x64: {  	[tilespmem:$0xB360] =	vst v0  }
0x65: {  	[tilespmem:$0xB370] =	vst v0  }
0x66: {  	[tilespmem:$0xB380] =	vst v0  }
0x67: {  	[tilespmem:$0xB390] =	vst v0  }
0x68: {  	[tilespmem:$0xB3A0] =	vst v0  }
0x69: {  	[tilespmem:$0xB3B0] =	vst v0  }
0x6a: {  	[tilespmem:$0xB3C0] =	vst v0  }
0x6b: {  	[tilespmem:$0xB3D0] =	vst v0  }
0x6c: {  	[tilespmem:$0xB3E0] =	vst v0  }
0x6d: {  	[tilespmem:$0xB3F0] =	vst v0  }
0x6e: {  	[tilespmem:$0xB400] =	vst v0  }
0x6f: {  	[tilespmem:$0xB410] =	vst v0  }
0x70: {  	[tilespmem:$0xB420] =	vst v0  }
0x71: {  	[tilespmem:$0xB430] =	vst v0  }
0x72: {  	[tilespmem:$0xB440] =	vst v0  }
0x73: {  	[tilespmem:$0xB450] =	vst v0  }
0x74: {  	[tilespmem:$0xB460] =	vst v0  }
0x75: {  	[tilespmem:$0xB470] =	vst v0  }
0x76: {  	[tilespmem:$0xB480] =	vst v0  }
0x77: {  	[tilespmem:$0xB490] =	vst v0  }
0x78: {  	[tilespmem:$0xB4A0] =	vst v0  }
0x79: {  	[tilespmem:$0xB4B0] =	vst v0  }
0x7a: {  	[tilespmem:$0xB4C0] =	vst v0  }
0x7b: {  	[tilespmem:$0xB4D0] =	vst v0  }
0x7c: {  	[tilespmem:$0xB4E0] =	vst v0  }
0x7d: {  	[tilespmem:$0xB4F0] =	vst v0  }
0x7e: {  	[tilespmem:$0xB500] =	vst v0  }
0x7f: {  	[tilespmem:$0xB510] =	vst v0  }
0x80: {  	[tilespmem:$0xB520] =	vst v0  }
0x81: {  	[tilespmem:$0xB530] =	vst v0  }
0x82: {  	[tilespmem:$0xB540] =	vst v0  }
0x83: {  	[tilespmem:$0xB550] =	vst v0  }
0x84: {  	[tilespmem:$0xB560] =	vst v0  }
0x85: {  	[tilespmem:$0xB570] =	vst v0  }
0x86: {  	[tilespmem:$0xB580] =	vst v0  }
0x87: {  	[tilespmem:$0xB590] =	vst v0  }
0x88: {  	[tilespmem:$0xB5A0] =	vst v0  }
0x89: {  	[tilespmem:$0xB5B0] =	vst v0  }
0x8a: {  	[tilespmem:$0xB5C0] =	vst v0  }
0x8b: {  	[tilespmem:$0xB5D0] =	vst v0  }
0x8c: {  	[tilespmem:$0xB5E0] =	vst v0  }
0x8d: {  	[tilespmem:$0xB5F0] =	vst v0  }
0x8e: {  	[tilespmem:$0xB600] =	vst v0  }
0x8f: {  	[tilespmem:$0xB610] =	vst v0  }
0x90: {  	[tilespmem:$0xB620] =	vst v0  }
0x91: {  	[tilespmem:$0xB630] =	vst v0  }
0x92: {  	[tilespmem:$0xB640] =	vst v0  }
0x93: {  	[tilespmem:$0xB650] =	vst v0  }
0x94: {  	[tilespmem:$0xB660] =	vst v0  }
0x95: {  	[tilespmem:$0xB670] =	vst v0  }
0x96: {  	[tilespmem:$0xB680] =	vst v0  }
0x97: {  	[tilespmem:$0xB690] =	vst v0  }
0x98: {  	[tilespmem:$0xB6A0] =	vst v0  }
0x99: {  	[tilespmem:$0xB6B0] =	vst v0  }
0x9a: {  	[tilespmem:$0xB6C0] =	vst v0  }
0x9b: {  	[tilespmem:$0xB6D0] =	vst v0  }
0x9c: {  	[tilespmem:$0xB6E0] =	vst v0  }
0x9d: {  	[tilespmem:$0xB6F0] =	vst v0  }
0x9e: {  	[tilespmem:$0xB700] =	vst v0  }
0x9f: {  	[tilespmem:$0xB710] =	vst v0  }
0xa0: {  	[tilespmem:$0xB720] =	vst v0  }
0xa1: {  	[tilespmem:$0xB730] =	vst v0  }
0xa2: {  	[tilespmem:$0xB740] =	vst v0  }
0xa3: {  	[tilespmem:$0xB750] =	vst v0  }
0xa4: {  	[tilespmem:$0xB760] =	vst v0  }
0xa5: {  	[tilespmem:$0xB770] =	vst v0  }
0xa6: {  	[tilespmem:$0xB780] =	vst v0  }
0xa7: {  	[tilespmem:$0xB790] =	vst v0  }
0xa8: {  	[tilespmem:$0xB7A0] =	vst v0  }
0xa9: {  	[tilespmem:$0xB7B0] =	vst v0  }
0xaa: {  	[tilespmem:$0xB7C0] =	vst v0  }
0xab: {  	[tilespmem:$0xB7D0] =	vst v0  }
0xac: {  	[tilespmem:$0xB7E0] =	vst v0  }
0xad: {  	s24 =	sadd.s32 $0x0, s8;
	[tilespmem:$0xB7F0] =	vst v0  }
0xae: {  	[spmem:s24] =	stream.linear.scatter [tilespmem:s18], [sflag:$0x4], $0x800, $0x38;
	[tilespmem:$0x1F800] =	vst v63  }
0xaf: {  	s25 =	sadd.s32 $0x800, s24  }
0xb0: {  	[spmem:s25] =	stream.linear.scatter [tilespmem:s18], [sflag:$0x4], $0x800, $0x38;
	[tilespmem:$0x1F800] =	vst v63  }
0xb1: {  	s26 =	sadd.s32 $0x1000, s24  }
0xb2: {  	[spmem:s26] =	stream.linear.scatter [tilespmem:s18], [sflag:$0x4], $0x800, $0x38;
	[tilespmem:$0x1F800] =	vst v63  }
0xb3: {  	s28 =	sadd.s32 $0x1800, s24  }
0xb4: {  	[spmem:s28] =	stream.linear.scatter [tilespmem:s18], [sflag:$0x4], $0x800, $0x38;
	[tilespmem:$0x1F800] =	vst v63  }
0xb5: {  	s29 =	sadd.s32 $0x2000, s24  }
0xb6: {  	[spmem:s29] =	stream.linear.scatter [tilespmem:s18], [sflag:$0x4], $0x800, $0x38;
	[tilespmem:$0x1F800] =	vst v63  }
0xb7: {  	s30 =	sadd.s32 $0x2800, s24  }
0xb8: {  	[spmem:s30] =	stream.linear.scatter [tilespmem:s18], [sflag:$0x4], $0x800, $0x38;
	[tilespmem:$0x1F800] =	vst v63  }
0xb9: {  	s31 =	sadd.s32 $0x3000, s24  }
0xba: {  	[spmem:s31] =	stream.linear.scatter [tilespmem:s18], [sflag:$0x4], $0x800, $0x38;
	[tilespmem:$0x1F800] =	vst v63  }
0xbb: {  	s24 =	sadd.s32 $0x3800, s24  }
0xbc: {  	[spmem:s24] =	stream.linear.scatter [tilespmem:s18], [sflag:$0x4], $0x800, $0x38;
	[tilespmem:$0x1F800] =	vst v63  }
0xbd: {  	_ =	swait.ge [sflag:s19], $0x800  }
0xbe: {  	[sflag:s19] =	ssyncset.done $0x0  }
0xbf: {  	[sflag:s19] =	ssyncadd.s32 $0xFFFFF800  }
0xc0: {  	_ =	swait.ge [sflag:s19], $0x800  }
0xc1: {  	[sflag:s19] =	ssyncset.done $0x0  }
0xc2: {  	[sflag:s19] =	ssyncadd.s32 $0xFFFFF800  }
0xc3: {  	_ =	swait.ge [sflag:s19], $0x800  }
0xc4: {  	[sflag:s19] =	ssyncset.done $0x0  }
0xc5: {  	[sflag:s19] =	ssyncadd.s32 $0xFFFFF800  }
0xc6: {  	_ =	swait.ge [sflag:s19], $0x800  }
0xc7: {  	[sflag:s19] =	ssyncset.done $0x0  }
0xc8: {  	[sflag:s19] =	ssyncadd.s32 $0xFFFFF800  }
0xc9: {  	_ =	swait.ge [sflag:s19], $0x800  }
0xca: {  	[sflag:s19] =	ssyncset.done $0x0  }
0xcb: {  	[sflag:s19] =	ssyncadd.s32 $0xFFFFF800  }
0xcc: {  	_ =	swait.ge [sflag:s19], $0x800  }
0xcd: {  	[sflag:s19] =	ssyncset.done $0x0  }
0xce: {  	[sflag:s19] =	ssyncadd.s32 $0xFFFFF800  }
0xcf: {  	_ =	swait.ge [sflag:s19], $0x800  }
0xd0: {  	[sflag:s19] =	ssyncset.done $0x0  }
0xd1: {  	[sflag:s19] =	ssyncadd.s32 $0xFFFFF800  }
0xd2: {  	_ =	swait.ge [sflag:s19], $0x800  }
0xd3: {  	s25 =	simm.s32 $0x4000;
	s26 =	simm.s32 $0x20000;
	[sflag:s19] =	ssyncset.done $0x0  }
.LBB2_2:
0xd4: {  	s28 =	sadd.s32 s25, s8  }
0xd5: {  	[sflag:s19] =	ssyncadd.s32 $0xFFFFF800;
	s25 =	smov.u32 s26;
	s24 =	sadd.s32 $0x10000, s26  }
0xd6: {  	[spmem:s28] =	stream.linear.scatter [tilespmem:s18], [sflag:$0x4], $0x800, $0x38;
	[tilespmem:$0x1F800] =	vst v63  }
0xd7: {  	p0 =	sne.s32 s26, $0x40000;
	s26 =	sadd.s32 $0x800, s28  }
0xd8: {  	[spmem:s26] =	stream.linear.scatter [tilespmem:s18], [sflag:$0x4], $0x800, $0x38;
	[tilespmem:$0x1F800] =	vst v63  }
0xd9: {  	s26 =	sadd.s32 $0x1000, s28  }
0xda: {  	[spmem:s26] =	stream.linear.scatter [tilespmem:s18], [sflag:$0x4], $0x800, $0x38;
	[tilespmem:$0x1F800] =	vst v63  }
0xdb: {  	s26 =	sadd.s32 $0x1800, s28  }
0xdc: {  	[spmem:s26] =	stream.linear.scatter [tilespmem:s18], [sflag:$0x4], $0x800, $0x38;
	[tilespmem:$0x1F800] =	vst v63  }
0xdd: {  	s26 =	sadd.s32 $0x2000, s28  }
0xde: {  	[spmem:s26] =	stream.linear.scatter [tilespmem:s18], [sflag:$0x4], $0x800, $0x38;
	[tilespmem:$0x1F800] =	vst v63  }
0xdf: {  	s26 =	sadd.s32 $0x2800, s28  }
0xe0: {  	[spmem:s26] =	stream.linear.scatter [tilespmem:s18], [sflag:$0x4], $0x800, $0x38;
	[tilespmem:$0x1F800] =	vst v63  }
0xe1: {  	s26 =	sadd.s32 $0x3000, s28  }
0xe2: {  	[spmem:s26] =	stream.linear.scatter [tilespmem:s18], [sflag:$0x4], $0x800, $0x38;
	[tilespmem:$0x1F800] =	vst v63  }
0xe3: {  	s26 =	sadd.s32 $0x3800, s28  }
0xe4: {  	[spmem:s26] =	stream.linear.scatter [tilespmem:s18], [sflag:$0x4], $0x800, $0x38;
	[tilespmem:$0x1F800] =	vst v63  }
0xe5: {  	_ =	swait.ge [sflag:s19], $0x800  }
0xe6: {  	[sflag:s19] =	ssyncset.done $0x0  }
0xe7: {  	[sflag:s19] =	ssyncadd.s32 $0xFFFFF800  }
0xe8: {  	_ =	swait.ge [sflag:s19], $0x800  }
0xe9: {  	[sflag:s19] =	ssyncset.done $0x0  }
0xea: {  	[sflag:s19] =	ssyncadd.s32 $0xFFFFF800  }
0xeb: {  	_ =	swait.ge [sflag:s19], $0x800  }
0xec: {  	[sflag:s19] =	ssyncset.done $0x0  }
0xed: {  	[sflag:s19] =	ssyncadd.s32 $0xFFFFF800  }
0xee: {  	_ =	swait.ge [sflag:s19], $0x800  }
0xef: {  	[sflag:s19] =	ssyncset.done $0x0  }
0xf0: {  	[sflag:s19] =	ssyncadd.s32 $0xFFFFF800  }
0xf1: {  	_ =	swait.ge [sflag:s19], $0x800  }
0xf2: {  	[sflag:s19] =	ssyncset.done $0x0  }
0xf3: {  	[sflag:s19] =	ssyncadd.s32 $0xFFFFF800  }
0xf4: {  	_ =	swait.ge [sflag:s19], $0x800  }
0xf5: {  	[sflag:s19] =	ssyncset.done $0x0  }
0xf6: {  	[sflag:s19] =	ssyncadd.s32 $0xFFFFF800  }
.Ltmp2:
0xf7: {  	_ =	swait.ge [sflag:s19], $0x800;
	(pc) =	sbr.rel @p0 .LBB2_2-.Ltmp2, $4  }
0xf8: {  	[sflag:s19] =	ssyncset.done $0x0  }
0xf9: {  	[sflag:s19] =	ssyncadd.s32 $0xFFFFF800  }
0xfa: {  	_ =	swait.ge [sflag:s19], $0x800  }
0xfb: {  	s25 =	sshra.s32 s25, $0x2;
	s26 =	smov.u32 s24;
	[sflag:s19] =	ssyncset.done $0x0  }
0xfc: {  	s24 =	sadd.s32 s25, s8;
	[sflag:s19] =	ssyncadd.s32 $0xFFFFF800  }
0xfd: {  	[spmem:s24] =	stream.linear.scatter [tilespmem:s18], [sflag:$0x4], $0x800, $0x38;
	[tilespmem:$0x1F800] =	vst v63  }
0xfe: {  	s25 =	sadd.s32 $0x800, s24  }
0xff: {  	[spmem:s25] =	stream.linear.scatter [tilespmem:s18], [sflag:$0x4], $0x800, $0x38;
	[tilespmem:$0x1F800] =	vst v63  }
0x100: {  	s26 =	sadd.s32 $0x1000, s24  }
0x101: {  	[spmem:s26] =	stream.linear.scatter [tilespmem:s18], [sflag:$0x4], $0x800, $0x38;
	[tilespmem:$0x1F800] =	vst v63  }
0x102: {  	s28 =	sadd.s32 $0x1800, s24  }
0x103: {  	[spmem:s28] =	stream.linear.scatter [tilespmem:s18], [sflag:$0x4], $0x800, $0x38;
	[tilespmem:$0x1F800] =	vst v63  }
0x104: {  	s29 =	sadd.s32 $0x2000, s24  }
0x105: {  	[spmem:s29] =	stream.linear.scatter [tilespmem:s18], [sflag:$0x4], $0x800, $0x38;
	[tilespmem:$0x1F800] =	vst v63  }
0x106: {  	s30 =	sadd.s32 $0x2800, s24  }
0x107: {  	[spmem:s30] =	stream.linear.scatter [tilespmem:s18], [sflag:$0x4], $0x800, $0x38;
	[tilespmem:$0x1F800] =	vst v63  }
0x108: {  	s31 =	sadd.s32 $0x3000, s24  }
0x109: {  	[spmem:s31] =	stream.linear.scatter [tilespmem:s18], [sflag:$0x4], $0x800, $0x38;
	[tilespmem:$0x1F800] =	vst v63  }
0x10a: {  	s24 =	sadd.s32 $0x3800, s24  }
0x10b: {  	[spmem:s24] =	stream.linear.scatter [tilespmem:s18], [sflag:$0x4], $0x800, $0x38;
	[tilespmem:$0x1F800] =	vst v63  }
0x10c: {  	_ =	swait.ge [sflag:s19], $0x800  }
0x10d: {  	[sflag:s19] =	ssyncset.done $0x0  }
0x10e: {  	[sflag:s19] =	ssyncadd.s32 $0xFFFFF800  }
0x10f: {  	_ =	swait.ge [sflag:s19], $0x800  }
0x110: {  	[sflag:s19] =	ssyncset.done $0x0  }
0x111: {  	[sflag:s19] =	ssyncadd.s32 $0xFFFFF800  }
0x112: {  	_ =	swait.ge [sflag:s19], $0x800  }
0x113: {  	[sflag:s19] =	ssyncset.done $0x0  }
0x114: {  	[sflag:s19] =	ssyncadd.s32 $0xFFFFF800  }
0x115: {  	_ =	swait.ge [sflag:s19], $0x800  }
0x116: {  	[sflag:s19] =	ssyncset.done $0x0  }
0x117: {  	[sflag:s19] =	ssyncadd.s32 $0xFFFFF800  }
0x118: {  	_ =	swait.ge [sflag:s19], $0x800  }
0x119: {  	[sflag:s19] =	ssyncset.done $0x0  }
0x11a: {  	[sflag:s19] =	ssyncadd.s32 $0xFFFFF800  }
0x11b: {  	_ =	swait.ge [sflag:s19], $0x800  }
0x11c: {  	[sflag:s19] =	ssyncset.done $0x0  }
0x11d: {  	[sflag:s19] =	ssyncadd.s32 $0xFFFFF800  }
0x11e: {  	_ =	swait.ge [sflag:s19], $0x800  }
0x11f: {  	[sflag:s19] =	ssyncset.done $0x0  }
0x120: {  	[sflag:s19] =	ssyncadd.s32 $0xFFFFF800  }
0x121: {  	_ =	swait.ge [sflag:s19], $0x800  }
0x122: {  	[sflag:s19] =	ssyncset.done $0x0  }
0x123: {  	s25 =	simm.s32 $0x1000;
	[sflag:s19] =	ssyncadd.s32 $0xFFFFF800  }
0x124: {  	s26 =	smov.u32 s11;
	s24 =	simm.s32 $0x0;
	[bflag:$0x0] =	sbarrier.arrive $0xFFFF  }
.LBB2_4:
0x125: {  	_ =	swait.ge [sflag:s20], $0x4000  }
0x126: {  	s28 =	sshra.s32 s25, $0x2;
	[sflag:s20] =	ssyncset.done $0x0  }
0x127: {  	s29 =	sadd.s32 $0xFFFFF000, s25;
	s30 =	sadd.s32 $0x400, s28;
	[sflag:s20] =	ssyncadd.s32 $0xFFFFC000  }
0x128: {  	[spmem:s3] =	stream.indirect.scatter.add.f32 [tilespmem:s16], [sflag:$0x5], $0x80, s30, s15, $0xb8;
	[tilespmem:$0x1F800] =	vst v63  }
0x129: {  	s29 =	sand.u32 $0x1000, s29;
	_ =	swait.ge [sflag:s13], $0x4000  }
0x12a: {  	s29 =	sshrl.u32 s29, $0x2;
	[sflag:s13] =	ssyncset.done $0x0  }
0x12b: {  	s31 =	sor.u32 $0x100, s29;
	[sflag:s13] =	ssyncadd.s32 $0xFFFFC000  }
0x12c: {  	[tilespmem:s16], [sflag:$0x1] =	stream.indirect.gather [hbm4b:s2+s15], $0x80, s31, s15, $0xb8;
	[tilespmem:$0x1F800] =	vst v63  }
0x12d: {  	_ =	swait.ge [sflag:s21], $0x4000  }
0x12e: {  	[sflag:s21] =	ssyncset.done $0x0  }
0x12f: {  	s31 =	sadd.s32 $0x480, s28;
	[sflag:s21] =	ssyncadd.s32 $0xFFFFC000  }
0x130: {  	[spmem:s3] =	stream.indirect.scatter.add.f32 [tilespmem:s17], [sflag:$0x5], $0x80, s31, s15, $0xb8;
	[tilespmem:$0x1F800] =	vst v63  }
0x131: {  	_ =	swait.ge [sflag:s13], $0x4000  }
0x132: {  	[sflag:s13] =	ssyncset.done $0x0  }
0x133: {  	s31 =	sor.u32 $0x180, s29;
	[sflag:s13] =	ssyncadd.s32 $0xFFFFC000  }
0x134: {  	[tilespmem:s17], [sflag:$0x2] =	stream.indirect.gather [hbm4b:s2+s15], $0x80, s31, s15, $0xb8;
	[tilespmem:$0x1F800] =	vst v63  }
0x135: {  	_ =	swait.ge [sflag:s20], $0x4000  }
0x136: {  	[sflag:s20] =	ssyncset.done $0x0  }
0x137: {  	s31 =	sadd.s32 $0x500, s28;
	[sflag:s20] =	ssyncadd.s32 $0xFFFFC000  }
0x138: {  	[spmem:s3] =	stream.indirect.scatter.add.f32 [tilespmem:s16], [sflag:$0x5], $0x80, s31, s15, $0xb8;
	[tilespmem:$0x1F800] =	vst v63  }
0x139: {  	_ =	swait.ge [sflag:s13], $0x4000  }
0x13a: {  	[sflag:s13] =	ssyncset.done $0x0  }
0x13b: {  	s31 =	sor.u32 $0x200, s29;
	[sflag:s13] =	ssyncadd.s32 $0xFFFFC000  }
0x13c: {  	[tilespmem:s16], [sflag:$0x1] =	stream.indirect.gather [hbm4b:s2+s15], $0x80, s31, s15, $0xb8;
	[tilespmem:$0x1F800] =	vst v63  }
0x13d: {  	_ =	swait.ge [sflag:s21], $0x4000  }
0x13e: {  	[sflag:s21] =	ssyncset.done $0x0  }
0x13f: {  	s31 =	sadd.s32 $0x580, s28;
	[sflag:s21] =	ssyncadd.s32 $0xFFFFC000  }
0x140: {  	[spmem:s3] =	stream.indirect.scatter.add.f32 [tilespmem:s17], [sflag:$0x5], $0x80, s31, s15, $0xb8;
	[tilespmem:$0x1F800] =	vst v63  }
0x141: {  	_ =	swait.ge [sflag:s13], $0x4000  }
0x142: {  	[sflag:s13] =	ssyncset.done $0x0  }
0x143: {  	s31 =	sor.u32 $0x280, s29;
	[sflag:s13] =	ssyncadd.s32 $0xFFFFC000  }
0x144: {  	[tilespmem:s17], [sflag:$0x2] =	stream.indirect.gather [hbm4b:s2+s15], $0x80, s31, s15, $0xb8;
	[tilespmem:$0x1F800] =	vst v63  }
0x145: {  	_ =	swait.ge [sflag:s20], $0x4000  }
0x146: {  	[sflag:s20] =	ssyncset.done $0x0  }
0x147: {  	s31 =	sadd.s32 $0x600, s28;
	[sflag:s20] =	ssyncadd.s32 $0xFFFFC000  }
0x148: {  	[spmem:s3] =	stream.indirect.scatter.add.f32 [tilespmem:s16], [sflag:$0x5], $0x80, s31, s15, $0xb8;
	[tilespmem:$0x1F800] =	vst v63  }
0x149: {  	_ =	swait.ge [sflag:s13], $0x4000  }
0x14a: {  	[sflag:s13] =	ssyncset.done $0x0  }
0x14b: {  	s31 =	sor.u32 $0x300, s29;
	[sflag:s13] =	ssyncadd.s32 $0xFFFFC000  }
0x14c: {  	[tilespmem:s16], [sflag:$0x1] =	stream.indirect.gather [hbm4b:s2+s15], $0x80, s31, s15, $0xb8;
	[tilespmem:$0x1F800] =	vst v63  }
0x14d: {  	_ =	swait.ge [sflag:s21], $0x4000  }
0x14e: {  	[sflag:s21] =	ssyncset.done $0x0  }
0x14f: {  	s31 =	sadd.s32 $0x680, s28;
	[sflag:s21] =	ssyncadd.s32 $0xFFFFC000  }
0x150: {  	[spmem:s3] =	stream.indirect.scatter.add.f32 [tilespmem:s17], [sflag:$0x5], $0x80, s31, s15, $0xb8;
	[tilespmem:$0x1F800] =	vst v63  }
0x151: {  	_ =	swait.ge [sflag:s13], $0x4000  }
0x152: {  	[sflag:s13] =	ssyncset.done $0x0  }
0x153: {  	s31 =	sor.u32 $0x380, s29;
	[sflag:s13] =	ssyncadd.s32 $0xFFFFC000  }
0x154: {  	[tilespmem:s17], [sflag:$0x2] =	stream.indirect.gather [hbm4b:s2+s15], $0x80, s31, s15, $0xb8;
	[tilespmem:$0x1F800] =	vst v63  }
0x155: {  	_ =	swait.ge [sflag:s20], $0x4000  }
0x156: {  	p0 =	seq.s32 s25, $0xA000;
	[sflag:s20] =	ssyncset.done $0x0  }
.Ltmp3:
0x157: {  	s31 =	sadd.s32 $0x700, s28;
	[sflag:s20] =	ssyncadd.s32 $0xFFFFC000;
	(pc) =	sbr.rel @p0 .LBB2_8-.Ltmp3, $4  }
0x158: {  	[spmem:s3] =	stream.indirect.scatter.add.f32 [tilespmem:s16], [sflag:$0x5], $0x80, s31, s15, $0xb8;
	[tilespmem:$0x1F800] =	vst v63  }
0x159: {  	_ =	swait.ge [sflag:s13], $0x4000  }
0x15a: {  	[sflag:s13] =	ssyncset.done $0x0  }
0x15b: {  	[sflag:s13] =	ssyncadd.s32 $0xFFFFC000  }
0x15c: {  	_ =	swait.ge [sflag:s22], $0x400  }
0x15d: {  	s30 =	sshrl.u32 s25, $0x2;
	[sflag:s22] =	ssyncset.done $0x0  }
0x15e: {  	s30 =	sand.u32 $0x400, s30;
	[sflag:s22] =	ssyncadd.s32 $0xFFFFFC00  }
0x15f: {  	[tilespmem:s16], [sflag:$0x1] =	stream.indirect.gather [hbm4b:s2+s15], $0x80, s30, s15, $0xb8;
	[tilespmem:$0x1F800] =	vst v63  }
0x160: {  	_ =	swait.ge [sflag:s21], $0x4000  }
0x161: {  	[sflag:s21] =	ssyncset.done $0x0  }
0x162: {  	s28 =	sadd.s32 $0x780, s28;
	[sflag:s21] =	ssyncadd.s32 $0xFFFFC000  }
0x163: {  	[spmem:s3] =	stream.indirect.scatter.add.f32 [tilespmem:s17], [sflag:$0x5], $0x80, s28, s15, $0xb8;
	[tilespmem:$0x1F800] =	vst v63  }
0x164: {  	_ =	swait.ge [sflag:s13], $0x4000  }
0x165: {  	[sflag:s13] =	ssyncset.done $0x0  }
0x166: {  	p0 =	sgt.u32 s24, $0x7;
	s31 =	sor.u32 $0x80, s30;
	[sflag:s13] =	ssyncadd.s32 $0xFFFFC000  }
0x167: {  	[tilespmem:s17], [sflag:$0x2] =	stream.indirect.gather [hbm4b:s2+s15], $0x80, s31, s15, $0xb8;
	[tilespmem:$0x1F800] =	vst v63  }
0x168: {  	s25 =	sadd.s32 $0x1000, s25;
	s28 =	simm.s32 @!p0 $0x0  }
0x169: {  	[tilespmem:s29], [sflag:$0x3] =	stream.linear.gather @!p0 [hbm4b:s26+s28], $0x400, $0x38;
	[tilespmem:$0x1F800] =	vst v63  }
0x16a: {  	p0 =	sne.s32 s25, $0xB000  }
.Ltmp4:
0x16b: {  	_ = 	snop;
	(pc) =	sbr.rel @p0 .LBB2_4-.Ltmp4, $4  }
.Ltmp5:
0x16c: {  	_ = 	snop;
	(pc) =	sbr.rel @!p0 .LBB2_6-.Ltmp5, $4  }
0x16d: {  	_ = 	snop  }
0x16e: {  	_ = 	snop  }
0x16f: {  	s24 =	sadd.s32 $0x1, s24;
	s26 =	sadd.s32 $0x80, s26  }
0x170: {  	_ = 	snop  }
.LBB2_7:
0x171: {  	_ =	sfence.sel $0x180000  }
0x172: {  	[bflag:$0x0] =	sbarrier.arrive $0xFFFF  }
0x173: {  	p0 =	sne.s32 s0, $0x0;
	_ =	strace $0x9000004A  }
0x174: {  	s0 =	sadd.s32 @!p0 $0x100000, s1;
	[bflag:$0x2] =	sbarrier.arrive $0xFFFF  }
0x175: {  	[sflag:s0] =	ssyncadd.tile.s32 @!p0 $0x1;
	_ =	shalt  }
.Lfunc_end2:
_tile_overlayer_lowered:
.L_overlay_start_2:
0x176: {  	(tag) =	ssettag $0x2  }
0x177: {  	s0 =	rddreg [dreg:$0x0];
	s2 =	stileid.u32  }
0x178: {  	s1 =	rddreg [dreg:$0x1];
	p0 =	sne.s32 s2, $0x0  }
0x179: {  	s3 =	rddreg [dreg:$0x2];
	[bflag:$0x3] =	sbarrier.arrive $0xFFFF;
	s2 =	simm.s32 @!p0 $0x1C05  }
0x17a: {  	[timem:s3], [sflag:s2] =	dma.local @!p0 [hbm:s0], s1  }
0x17b: {  	s0 =	simm.s32 @!p0 $0x5  }
0x17c: {  	_ =	swait.ge @!p0 [sflag:s0], s1  }
0x17d: {  	s1 =	ssub.s32 @!p0 $0x0, s1;
	[sflag:s0] =	ssyncset.done @!p0 $0x0  }
0x17e: {  	[sflag:s0] =	ssyncadd.s32 @!p0 s1  }
0x17f: {  	[bflag:$0x3] =	sbarrier.arrive $0xFFFF  }
0x180: {  	_ =	shalt  }

</sc_bundles>
